<compile_context>
chip_gen: v7x
topology: tpu7x:2x2x1
jax: 0.10.2.dev20260603
libtpu: 0.0.44.dev20260713+nightly
codegen_flags: <defaults>
</compile_context>

<pallas_src>
import functools

import jax
import jax.numpy as jnp
from jax import lax
from jax.experimental import pallas as pl
from jax.experimental.pallas import tpu as pltpu
from jax.experimental.pallas import tpu_sc as plsc

_NC = 2
_NS = 16
_L = 16

_EC = 80
_CB = 25
_NB = 5


@functools.lru_cache(maxsize=None)
def _make_aggregate(N, NP, E, Dh):
    n_per_tile = NP // _NS
    e_per_tile = E // _NS
    n_chunks_init = n_per_tile // _EC
    assert n_per_tile % _EC == 0
    assert e_per_tile == _NB * _CB * _EC and _CB % 2 == 1

    mesh = plsc.VectorSubcoreMesh(core_axis_name="c", subcore_axis_name="s")

    def body(xpk_hbm, ea2_hbm, sd_hbm, out_hbm,
             haggr, bufb0, bufb1, bufe0, bufe1,
             idxx0, idxx1, idxe0, idxe1, dstb0, dstb1,
             sd_b,
             semx0, semx1, seme0, seme1):
        k = lax.axis_index("c")
        t = lax.axis_index("s")
        lanes = jnp.arange(_L, dtype=jnp.int32)

        def zrows(i, _):
            for rr in range(4):
                r = i * 4 + rr
                for j in range(Dh // _L):
                    bufe0[r, pl.ds(j * _L, _L)] = jnp.zeros((_L,), jnp.float32)
            return 0

        lax.fori_loop(0, _EC // 4, zrows, 0)

        def init_chunk(c, _):
            base = t * n_per_tile + c * _EC
            pltpu.sync_copy(bufe0, haggr.at[pl.ds(base, _EC)])
            return 0

        lax.fori_loop(0, n_chunks_init, init_chunk, 0)
        plsc.subcore_barrier()

        def build_idx(lc, idxx, dstb):
            for i in range(_EC // _L):
                sl = pl.ds(i * _L, _L)
                idxx[sl] = sd_b[0, pl.ds(lc * _EC + i * _L, _L)] * 2 + k
                dstb[sl] = sd_b[1, pl.ds(lc * _EC + i * _L, _L)]

        def issue_gather(e0, idxx, idxe, bufb, bufe, semx, seme):
            pltpu.async_copy(xpk_hbm.at[idxx], bufb, semx)
            for i in range(_EC // _L):
                idxe[pl.ds(i * _L, _L)] = (e0 + i * _L + lanes) * 2 + k
            pltpu.async_copy(ea2_hbm.at[idxe], bufe, seme)

        def wait_gather(idxx, idxe, bufb, bufe, semx, seme):
            pltpu.make_async_copy(xpk_hbm.at[idxx], bufb, semx).wait()
            pltpu.make_async_copy(ea2_hbm.at[idxe], bufe, seme).wait()

        def compute(bufb, bufe):
            def rows(i, _):
                for rr in range(4):
                    r = i * 4 + rr
                    for j in range(Dh // _L):
                        sl = pl.ds(j * _L, _L)
                        bufe[r, sl] = jnp.maximum(bufb[r, sl] + bufe[r, sl], 0.0)
                return 0

            lax.fori_loop(0, _EC // 4, rows, 0)

        def scatter(bufe, dstb):
            pltpu.sync_copy(bufe, haggr.at[dstb], add=True)

        def batch(b, _):
            pltpu.sync_copy(sd_hbm.at[t, b], sd_b)
            e_base = (t * _NB + b) * _CB * _EC

            build_idx(0, idxx0, dstb0)
            issue_gather(e_base, idxx0, idxe0, bufb0, bufe0, semx0, seme0)

            def pair(j, _):
                c0 = j * 2
                e1 = e_base + (c0 + 1) * _EC
                e2 = e_base + (c0 + 2) * _EC
                build_idx(c0 + 1, idxx1, dstb1)
                issue_gather(e1, idxx1, idxe1, bufb1, bufe1, semx1, seme1)
                wait_gather(idxx0, idxe0, bufb0, bufe0, semx0, seme0)
                compute(bufb0, bufe0)
                scatter(bufe0, dstb0)
                build_idx(c0 + 2, idxx0, dstb0)
                issue_gather(e2, idxx0, idxe0, bufb0, bufe0, semx0, seme0)
                wait_gather(idxx1, idxe1, bufb1, bufe1, semx1, seme1)
                compute(bufb1, bufe1)
                scatter(bufe1, dstb1)
                return 0

            lax.fori_loop(0, (_CB - 1) // 2, pair, 0)

            wait_gather(idxx0, idxe0, bufb0, bufe0, semx0, seme0)
            compute(bufb0, bufe0)
            scatter(bufe0, dstb0)
            return 0

        lax.fori_loop(0, _NB, batch, 0)
        plsc.subcore_barrier()

        base = t * n_per_tile
        pltpu.sync_copy(haggr.at[pl.ds(base, n_per_tile)],
                        out_hbm.at[k, pl.ds(base, n_per_tile)])

    return pl.kernel(
        body,
        out_type=jax.ShapeDtypeStruct((_NC, NP, Dh), jnp.float32),
        mesh=mesh,
        scratch_types=[
            pltpu.VMEM_SHARED((NP, Dh), jnp.float32),
            pltpu.VMEM((_EC, Dh), jnp.float32),
            pltpu.VMEM((_EC, Dh), jnp.float32),
            pltpu.VMEM((_EC, Dh), jnp.float32),
            pltpu.VMEM((_EC, Dh), jnp.float32),
            pltpu.VMEM((_EC,), jnp.int32),
            pltpu.VMEM((_EC,), jnp.int32),
            pltpu.VMEM((_EC,), jnp.int32),
            pltpu.VMEM((_EC,), jnp.int32),
            pltpu.VMEM((_EC,), jnp.int32),
            pltpu.VMEM((_EC,), jnp.int32),
            pltpu.VMEM((2, _CB * _EC), jnp.int32),
            pltpu.SemaphoreType.DMA,
            pltpu.SemaphoreType.DMA,
            pltpu.SemaphoreType.DMA,
            pltpu.SemaphoreType.DMA,
        ],
    )


def _mlp_body(x0_ref, x1_ref, h0_ref, h1_ref, w1a_ref, w1b_ref, b1_ref,
              w2_ref, b2_ref, out_ref):
    a0 = x0_ref[...] + h0_ref[0]
    a1 = x1_ref[...] + h1_ref[0]
    tm = jnp.dot(a0, w1a_ref[...], preferred_element_type=jnp.float32)
    tm = tm + jnp.dot(a1, w1b_ref[...], preferred_element_type=jnp.float32)
    tm = jnp.maximum(tm + b1_ref[...], 0.0)
    out_ref[...] = jnp.dot(tm, w2_ref[...], preferred_element_type=jnp.float32) + b2_ref[...]


@functools.lru_cache(maxsize=None)
def _make_mlp(N, NP, D, R=1000):
    Dh = D // 2
    grid = (N // R,)
    return pl.pallas_call(
        _mlp_body,
        grid=grid,
        in_specs=[
            pl.BlockSpec((R, Dh), lambda i: (i, 0)),
            pl.BlockSpec((R, Dh), lambda i: (i, 1)),
            pl.BlockSpec((1, R, Dh), lambda i: (0, i, 0)),
            pl.BlockSpec((1, R, Dh), lambda i: (1, i, 0)),
            pl.BlockSpec((Dh, D), lambda i: (0, 0)),
            pl.BlockSpec((Dh, D), lambda i: (1, 0)),
            pl.BlockSpec((1, D), lambda i: (0, 0)),
            pl.BlockSpec((D, D), lambda i: (0, 0)),
            pl.BlockSpec((1, D), lambda i: (0, 0)),
        ],
        out_specs=pl.BlockSpec((R, D), lambda i: (i, 0)),
        out_shape=jax.ShapeDtypeStruct((N, D), jnp.float32),
    )


def kernel(x, edge_index, edge_attr, W1, b1, W2, b2):
    N, D = x.shape
    E = edge_attr.shape[0]
    Dh = D // 2
    NP = ((N + _NS * _EC - 1) // (_NS * _EC)) * (_NS * _EC)
    x2 = x.reshape(N * 2, Dh)
    ea2 = edge_attr.reshape(E * 2, Dh)
    sd = edge_index.reshape(2, _NS, _NB, _CB * _EC).transpose(1, 2, 0, 3)
    h2 = _make_aggregate(N, NP, E, Dh)(x2, ea2, sd)
    out = _make_mlp(N, NP, D)(x, x, h2, h2, W1, W1, b1.reshape(1, D), W2,
                              b2.reshape(1, D))
    return out

# --- scband reference (transcript-rebuilt; emitter-appended) ---
"""Pipeline reference for scband-rw-mpnn-layer-10453950398922 (READ-ONLY COPY).

The authoritative reference and input builder live on the scoring server;
editing this copy changes nothing except your own understanding.
"""

import jax, jax.numpy as jnp
import numpy as np

N = 10000
E = 160000
D = 256


def _mlp(h, W1, b1, W2, b2):
    return jax.nn.relu(h @ W1 + b1) @ W2 + b2


def _gine_conv(x, edge_index, edge_attr, W1, b1, W2, b2, eps=0.0):
    src = edge_index[0]
    dst = edge_index[1]
    msg = jax.nn.relu(x[src] + edge_attr)
    aggr = jnp.zeros_like(x).at[dst].add(msg)
    return _mlp((1.0 + eps) * x + aggr, W1, b1, W2, b2)


def setup_inputs(seed: int = 0):
    key = jax.random.key(seed)
    ks = jax.random.split(key, 6)
    x = jax.random.normal(ks[0], (N, D), dtype=jnp.float32)
    edge_index = jax.random.randint(ks[1], (2, E), 0, N, dtype=jnp.int32)
    edge_attr = jax.random.normal(ks[2], (E, D), dtype=jnp.float32)
    s = 1.0 / np.sqrt(D)
    W1 = jax.random.normal(ks[3], (D, D), dtype=jnp.float32) * s
    b1 = jnp.zeros((D,), dtype=jnp.float32)
    W2 = jax.random.normal(ks[4], (D, D), dtype=jnp.float32) * s
    b2 = jnp.zeros((D,), dtype=jnp.float32)
    return {"x": x, "edge_index": edge_index, "edge_attr": edge_attr, "W1": W1, "b1": b1, "W2": W2, "b2": b2}


def reference(x, edge_index, edge_attr, W1, b1, W2, b2):
    # num_layer_MPNN = 1, similarity_type='cos', inference_mode='original'
    x_src = x[edge_index[0]]
    x_dst = x[edge_index[1]]
    eps = 1e-8
    num = jnp.sum(x_src * x_dst, axis=-1)
    den = jnp.maximum(jnp.linalg.norm(x_src, axis=-1), eps) * jnp.maximum(jnp.linalg.norm(x_dst, axis=-1), eps)
    similarity = num / den
    # inference_mode == 'original': edge_mask is all ones
    edge_mask = np.ones(similarity.shape[0], dtype=bool)
    ei = edge_index[:, edge_mask]
    ea = edge_attr[edge_mask]
    x = _gine_conv(x, ei, ea, W1, b1, W2, b2)
    return x

if __name__ == "__main__":
    import jax
    _d = setup_inputs()
    print(jax.jit(kernel)(*tuple(_d.values())))

</pallas_src>

<mosaic_0001>
#map = affine_map<(d0, d1) -> (0, 0)>
#map1 = affine_map<(d0, d1) -> (0, 0, 0, 0)>
#map2 = affine_map<(d0, d1) -> (0, 0, 0)>
module attributes {stable_mosaic.version = 14 : i64} {
  func.func @body(%arg0: i32, %arg1: i32, %arg2: memref<20000x128xf32, #tpu.memory_space<hbm>>, %arg3: memref<320000x128xf32, #tpu.memory_space<hbm>>, %arg4: memref<16x5x2x2000xi32, #tpu.memory_space<hbm>>, %arg5: memref<2x10240x128xf32, #tpu.memory_space<hbm>>, %arg6: memref<10240x128xf32, #tpu.memory_space<vmem_shared>>, %arg7: memref<80x128xf32, #tpu.memory_space<vmem>>, %arg8: memref<80x128xf32, #tpu.memory_space<vmem>>, %arg9: memref<80x128xf32, #tpu.memory_space<vmem>>, %arg10: memref<80x128xf32, #tpu.memory_space<vmem>>, %arg11: memref<80xi32, #tpu.memory_space<vmem>>, %arg12: memref<80xi32, #tpu.memory_space<vmem>>, %arg13: memref<80xi32, #tpu.memory_space<vmem>>, %arg14: memref<80xi32, #tpu.memory_space<vmem>>, %arg15: memref<80xi32, #tpu.memory_space<vmem>>, %arg16: memref<80xi32, #tpu.memory_space<vmem>>, %arg17: memref<2x2000xi32, #tpu.memory_space<vmem>>, %arg18: memref<!tpu.dma_semaphore, #tpu.memory_space<semaphore_mem>>, %arg19: memref<!tpu.dma_semaphore, #tpu.memory_space<semaphore_mem>>, %arg20: memref<!tpu.dma_semaphore, #tpu.memory_space<semaphore_mem>>, %arg21: memref<!tpu.dma_semaphore, #tpu.memory_space<semaphore_mem>>) attributes {dimension_semantics = [#tpu.dimension_semantics<core_parallel>, #tpu.dimension_semantics<subcore_parallel>], iteration_bounds = array<i64: 2, 16>, scalar_prefetch = 0 : i64, scratch_operands = 16 : i64, tpu.core_type = #tpu.core_type<sc_vector_subcore>, window_params = [{transform_indices = #map}, {transform_indices = #map}, {transform_indices = #map1}, {transform_indices = #map2}]} {
    %iota3A = tpu.iota {dimensions = array<i32: 0>} : vector<16xi32>
    %scan3A = arith.constant 0 : i32
    %scan3A_0 = arith.constant 0 : i32
    %scan3A_1 = arith.constant 20 : i32
    %scan3A_2 = arith.addi %scan3A_0, %scan3A_1 : i32
    %scan3A_3 = arith.constant 1 : i32
    %scan3A_4 = scf.for %scan3A_22 = %scan3A_0 to %scan3A_2 step %scan3A_3 iter_args(%scan3A_23 = %scan3A) -> (i32)  : i32 {
      %mul3A_24 = arith.constant 4 : i32
      %mul3A_25 = arith.muli %scan3A_22, %mul3A_24 : i32
      %add3A = arith.constant 0 : i32
      %add3A_26 = arith.addi %mul3A_25, %add3A : i32
      %broadcast_in_dim3A = arith.constant 0.000000e+00 : f32
      %broadcast_in_dim3A_27 = vector.broadcast %broadcast_in_dim3A : f32 to vector<16xf32>
      %swap3A = arith.index_cast %add3A_26 : i32 to index
      %swap3A_28 = arith.constant 0 : index
      %swap3A_29 = tpu.vector_load %arg9[%swap3A, %swap3A_28] {strides = array<i32>} : memref<80x128xf32, #tpu.memory_space<vmem>>, vector<1x16xf32>,
      %swap3A_30 = vector.shape_cast %swap3A_29 : vector<1x16xf32> to vector<16xf32>
      %swap3A_31 = vector.shape_cast %broadcast_in_dim3A_27 : vector<16xf32> to vector<1x16xf32>
      tpu.vector_store %arg9[%swap3A, %swap3A_28], %swap3A_31 {strides = array<i32>} : memref<80x128xf32, #tpu.memory_space<vmem>>, vector<1x16xf32>,
      %broadcast_in_dim3A_32 = arith.constant 0.000000e+00 : f32
      %broadcast_in_dim3A_33 = vector.broadcast %broadcast_in_dim3A_32 : f32 to vector<16xf32>
      %swap3A_34 = arith.index_cast %add3A_26 : i32 to index
      %swap3A_35 = arith.constant 16 : index
      %swap3A_36 = tpu.vector_load %arg9[%swap3A_34, %swap3A_35] {strides = array<i32>} : memref<80x128xf32, #tpu.memory_space<vmem>>, vector<1x16xf32>,
      %swap3A_37 = vector.shape_cast %swap3A_36 : vector<1x16xf32> to vector<16xf32>
      %swap3A_38 = vector.shape_cast %broadcast_in_dim3A_33 : vector<16xf32> to vector<1x16xf32>
      tpu.vector_store %arg9[%swap3A_34, %swap3A_35], %swap3A_38 {strides = array<i32>} : memref<80x128xf32, #tpu.memory_space<vmem>>, vector<1x16xf32>,
      %broadcast_in_dim3A_39 = arith.constant 0.000000e+00 : f32
      %broadcast_in_dim3A_40 = vector.broadcast %broadcast_in_dim3A_39 : f32 to vector<16xf32>
      %swap3A_41 = arith.index_cast %add3A_26 : i32 to index
      %swap3A_42 = arith.constant 32 : index
      %swap3A_43 = tpu.vector_load %arg9[%swap3A_41, %swap3A_42] {strides = array<i32>} : memref<80x128xf32, #tpu.memory_space<vmem>>, vector<1x16xf32>,
      %swap3A_44 = vector.shape_cast %swap3A_43 : vector<1x16xf32> to vector<16xf32>
      %swap3A_45 = vector.shape_cast %broadcast_in_dim3A_40 : vector<16xf32> to vector<1x16xf32>
      tpu.vector_store %arg9[%swap3A_41, %swap3A_42], %swap3A_45 {strides = array<i32>} : memref<80x128xf32, #tpu.memory_space<vmem>>, vector<1x16xf32>,
      %broadcast_in_dim3A_46 = arith.constant 0.000000e+00 : f32
      %broadcast_in_dim3A_47 = vector.broadcast %broadcast_in_dim3A_46 : f32 to vector<16xf32>
      %swap3A_48 = arith.index_cast %add3A_26 : i32 to index
      %swap3A_49 = arith.constant 48 : index
      %swap3A_50 = tpu.vector_load %arg9[%swap3A_48, %swap3A_49] {strides = array<i32>} : memref<80x128xf32, #tpu.memory_space<vmem>>, vector<1x16xf32>,
      %swap3A_51 = vector.shape_cast %swap3A_50 : vector<1x16xf32> to vector<16xf32>
      %swap3A_52 = vector.shape_cast %broadcast_in_dim3A_47 : vector<16xf32> to vector<1x16xf32>
      tpu.vector_store %arg9[%swap3A_48, %swap3A_49], %swap3A_52 {strides = array<i32>} : memref<80x128xf32, #tpu.memory_space<vmem>>, vector<1x16xf32>,
      %broadcast_in_dim3A_53 = arith.constant 0.000000e+00 : f32
      %broadcast_in_dim3A_54 = vector.broadcast %broadcast_in_dim3A_53 : f32 to vector<16xf32>
      %swap3A_55 = arith.index_cast %add3A_26 : i32 to index
      %swap3A_56 = arith.constant 64 : index
      %swap3A_57 = tpu.vector_load %arg9[%swap3A_55, %swap3A_56] {strides = array<i32>} : memref<80x128xf32, #tpu.memory_space<vmem>>, vector<1x16xf32>,
      %swap3A_58 = vector.shape_cast %swap3A_57 : vector<1x16xf32> to vector<16xf32>
      %swap3A_59 = vector.shape_cast %broadcast_in_dim3A_54 : vector<16xf32> to vector<1x16xf32>
      tpu.vector_store %arg9[%swap3A_55, %swap3A_56], %swap3A_59 {strides = array<i32>} : memref<80x128xf32, #tpu.memory_space<vmem>>, vector<1x16xf32>,
      %broadcast_in_dim3A_60 = arith.constant 0.000000e+00 : f32
      %broadcast_in_dim3A_61 = vector.broadcast %broadcast_in_dim3A_60 : f32 to vector<16xf32>
      %swap3A_62 = arith.index_cast %add3A_26 : i32 to index
      %swap3A_63 = arith.constant 80 : index
      %swap3A_64 = tpu.vector_load %arg9[%swap3A_62, %swap3A_63] {strides = array<i32>} : memref<80x128xf32, #tpu.memory_space<vmem>>, vector<1x16xf32>,
      %swap3A_65 = vector.shape_cast %swap3A_64 : vector<1x16xf32> to vector<16xf32>
      %swap3A_66 = vector.shape_cast %broadcast_in_dim3A_61 : vector<16xf32> to vector<1x16xf32>
      tpu.vector_store %arg9[%swap3A_62, %swap3A_63], %swap3A_66 {strides = array<i32>} : memref<80x128xf32, #tpu.memory_space<vmem>>, vector<1x16xf32>,
      %broadcast_in_dim3A_67 = arith.constant 0.000000e+00 : f32
      %broadcast_in_dim3A_68 = vector.broadcast %broadcast_in_dim3A_67 : f32 to vector<16xf32>
      %swap3A_69 = arith.index_cast %add3A_26 : i32 to index
      %swap3A_70 = arith.constant 96 : index
      %swap3A_71 = tpu.vector_load %arg9[%swap3A_69, %swap3A_70] {strides = array<i32>} : memref<80x128xf32, #tpu.memory_space<vmem>>, vector<1x16xf32>,
      %swap3A_72 = vector.shape_cast %swap3A_71 : vector<1x16xf32> to vector<16xf32>
      %swap3A_73 = vector.shape_cast %broadcast_in_dim3A_68 : vector<16xf32> to vector<1x16xf32>
      tpu.vector_store %arg9[%swap3A_69, %swap3A_70], %swap3A_73 {strides = array<i32>} : memref<80x128xf32, #tpu.memory_space<vmem>>, vector<1x16xf32>,
      %broadcast_in_dim3A_74 = arith.constant 0.000000e+00 : f32
      %broadcast_in_dim3A_75 = vector.broadcast %broadcast_in_dim3A_74 : f32 to vector<16xf32>
      %swap3A_76 = arith.index_cast %add3A_26 : i32 to index
      %swap3A_77 = arith.constant 112 : index
      %swap3A_78 = tpu.vector_load %arg9[%swap3A_76, %swap3A_77] {strides = array<i32>} : memref<80x128xf32, #tpu.memory_space<vmem>>, vector<1x16xf32>,
      %swap3A_79 = vector.shape_cast %swap3A_78 : vector<1x16xf32> to vector<16xf32>
      %swap3A_80 = vector.shape_cast %broadcast_in_dim3A_75 : vector<16xf32> to vector<1x16xf32>
      tpu.vector_store %arg9[%swap3A_76, %swap3A_77], %swap3A_80 {strides = array<i32>} : memref<80x128xf32, #tpu.memory_space<vmem>>, vector<1x16xf32>,
      %mul3A_81 = arith.constant 4 : i32
      %mul3A_82 = arith.muli %scan3A_22, %mul3A_81 : i32
      %add3A_83 = arith.constant 1 : i32
      %add3A_84 = arith.addi %mul3A_82, %add3A_83 : i32
      %broadcast_in_dim3A_85 = arith.constant 0.000000e+00 : f32
      %broadcast_in_dim3A_86 = vector.broadcast %broadcast_in_dim3A_85 : f32 to vector<16xf32>
      %swap3A_87 = arith.index_cast %add3A_84 : i32 to index
      %swap3A_88 = arith.constant 0 : index
      %swap3A_89 = tpu.vector_load %arg9[%swap3A_87, %swap3A_88] {strides = array<i32>} : memref<80x128xf32, #tpu.memory_space<vmem>>, vector<1x16xf32>,
      %swap3A_90 = vector.shape_cast %swap3A_89 : vector<1x16xf32> to vector<16xf32>
      %swap3A_91 = vector.shape_cast %broadcast_in_dim3A_86 : vector<16xf32> to vector<1x16xf32>
      tpu.vector_store %arg9[%swap3A_87, %swap3A_88], %swap3A_91 {strides = array<i32>} : memref<80x128xf32, #tpu.memory_space<vmem>>, vector<1x16xf32>,
      %broadcast_in_dim3A_92 = arith.constant 0.000000e+00 : f32
      %broadcast_in_dim3A_93 = vector.broadcast %broadcast_in_dim3A_92 : f32 to vector<16xf32>
      %swap3A_94 = arith.index_cast %add3A_84 : i32 to index
      %swap3A_95 = arith.constant 16 : index
      %swap3A_96 = tpu.vector_load %arg9[%swap3A_94, %swap3A_95] {strides = array<i32>} : memref<80x128xf32, #tpu.memory_space<vmem>>, vector<1x16xf32>,
      %swap3A_97 = vector.shape_cast %swap3A_96 : vector<1x16xf32> to vector<16xf32>
      %swap3A_98 = vector.shape_cast %broadcast_in_dim3A_93 : vector<16xf32> to vector<1x16xf32>
      tpu.vector_store %arg9[%swap3A_94, %swap3A_95], %swap3A_98 {strides = array<i32>} : memref<80x128xf32, #tpu.memory_space<vmem>>, vector<1x16xf32>,
      %broadcast_in_dim3A_99 = arith.constant 0.000000e+00 : f32
      %broadcast_in_dim3A_100 = vector.broadcast %broadcast_in_dim3A_99 : f32 to vector<16xf32>
      %swap3A_101 = arith.index_cast %add3A_84 : i32 to index
      %swap3A_102 = arith.constant 32 : index
      %swap3A_103 = tpu.vector_load %arg9[%swap3A_101, %swap3A_102] {strides = array<i32>} : memref<80x128xf32, #tpu.memory_space<vmem>>, vector<1x16xf32>,
      %swap3A_104 = vector.shape_cast %swap3A_103 : vector<1x16xf32> to vector<16xf32>
      %swap3A_105 = vector.shape_cast %broadcast_in_dim3A_100 : vector<16xf32> to vector<1x16xf32>
      tpu.vector_store %arg9[%swap3A_101, %swap3A_102], %swap3A_105 {strides = array<i32>} : memref<80x128xf32, #tpu.memory_space<vmem>>, vector<1x16xf32>,
      %broadcast_in_dim3A_106 = arith.constant 0.000000e+00 : f32
      %broadcast_in_dim3A_107 = vector.broadcast %broadcast_in_dim3A_106 : f32 to vector<16xf32>
      %swap3A_108 = arith.index_cast %add3A_84 : i32 to index
      %swap3A_109 = arith.constant 48 : index
      %swap3A_110 = tpu.vector_load %arg9[%swap3A_108, %swap3A_109] {strides = array<i32>} : memref<80x128xf32, #tpu.memory_space<vmem>>, vector<1x16xf32>,
      %swap3A_111 = vector.shape_cast %swap3A_110 : vector<1x16xf32> to vector<16xf32>
      %swap3A_112 = vector.shape_cast %broadcast_in_dim3A_107 : vector<16xf32> to vector<1x16xf32>
      tpu.vector_store %arg9[%swap3A_108, %swap3A_109], %swap3A_112 {strides = array<i32>} : memref<80x128xf32, #tpu.memory_space<vmem>>, vector<1x16xf32>,
      %broadcast_in_dim3A_113 = arith.constant 0.000000e+00 : f32
      %broadcast_in_dim3A_114 = vector.broadcast %broadcast_in_dim3A_113 : f32 to vector<16xf32>
      %swap3A_115 = arith.index_cast %add3A_84 : i32 to index
      %swap3A_116 = arith.constant 64 : index
      %swap3A_117 = tpu.vector_load %arg9[%swap3A_115, %swap3A_116] {strides = array<i32>} : memref<80x128xf32, #tpu.memory_space<vmem>>, vector<1x16xf32>,
      %swap3A_118 = vector.shape_cast %swap3A_117 : vector<1x16xf32> to vector<16xf32>
      %swap3A_119 = vector.shape_cast %broadcast_in_dim3A_114 : vector<16xf32> to vector<1x16xf32>
      tpu.vector_store %arg9[%swap3A_115, %swap3A_116], %swap3A_119 {strides = array<i32>} : memref<80x128xf32, #tpu.memory_space<vmem>>, vector<1x16xf32>,
      %broadcast_in_dim3A_120 = arith.constant 0.000000e+00 : f32
      %broadcast_in_dim3A_121 = vector.broadcast %broadcast_in_dim3A_120 : f32 to vector<16xf32>
      %swap3A_122 = arith.index_cast %add3A_84 : i32 to index
      %swap3A_123 = arith.constant 80 : index
      %swap3A_124 = tpu.vector_load %arg9[%swap3A_122, %swap3A_123] {strides = array<i32>} : memref<80x128xf32, #tpu.memory_space<vmem>>, vector<1x16xf32>,
      %swap3A_125 = vector.shape_cast %swap3A_124 : vector<1x16xf32> to vector<16xf32>
      %swap3A_126 = vector.shape_cast %broadcast_in_dim3A_121 : vector<16xf32> to vector<1x16xf32>
      tpu.vector_store %arg9[%swap3A_122, %swap3A_123], %swap3A_126 {strides = array<i32>} : memref<80x128xf32, #tpu.memory_space<vmem>>, vector<1x16xf32>,
      %broadcast_in_dim3A_127 = arith.constant 0.000000e+00 : f32
      %broadcast_in_dim3A_128 = vector.broadcast %broadcast_in_dim3A_127 : f32 to vector<16xf32>
      %swap3A_129 = arith.index_cast %add3A_84 : i32 to index
      %swap3A_130 = arith.constant 96 : index
      %swap3A_131 = tpu.vector_load %arg9[%swap3A_129, %swap3A_130] {strides = array<i32>} : memref<80x128xf32, #tpu.memory_space<vmem>>, vector<1x16xf32>,
      %swap3A_132 = vector.shape_cast %swap3A_131 : vector<1x16xf32> to vector<16xf32>
      %swap3A_133 = vector.shape_cast %broadcast_in_dim3A_128 : vector<16xf32> to vector<1x16xf32>
      tpu.vector_store %arg9[%swap3A_129, %swap3A_130], %swap3A_133 {strides = array<i32>} : memref<80x128xf32, #tpu.memory_space<vmem>>, vector<1x16xf32>,
      %broadcast_in_dim3A_134 = arith.constant 0.000000e+00 : f32
      %broadcast_in_dim3A_135 = vector.broadcast %broadcast_in_dim3A_134 : f32 to vector<16xf32>
      %swap3A_136 = arith.index_cast %add3A_84 : i32 to index
      %swap3A_137 = arith.constant 112 : index
      %swap3A_138 = tpu.vector_load %arg9[%swap3A_136, %swap3A_137] {strides = array<i32>} : memref<80x128xf32, #tpu.memory_space<vmem>>, vector<1x16xf32>,
      %swap3A_139 = vector.shape_cast %swap3A_138 : vector<1x16xf32> to vector<16xf32>
      %swap3A_140 = vector.shape_cast %broadcast_in_dim3A_135 : vector<16xf32> to vector<1x16xf32>
      tpu.vector_store %arg9[%swap3A_136, %swap3A_137], %swap3A_140 {strides = array<i32>} : memref<80x128xf32, #tpu.memory_space<vmem>>, vector<1x16xf32>,
      %mul3A_141 = arith.constant 4 : i32
      %mul3A_142 = arith.muli %scan3A_22, %mul3A_141 : i32
      %add3A_143 = arith.constant 2 : i32
      %add3A_144 = arith.addi %mul3A_142, %add3A_143 : i32
      %broadcast_in_dim3A_145 = arith.constant 0.000000e+00 : f32
      %broadcast_in_dim3A_146 = vector.broadcast %broadcast_in_dim3A_145 : f32 to vector<16xf32>
      %swap3A_147 = arith.index_cast %add3A_144 : i32 to index
      %swap3A_148 = arith.constant 0 : index
      %swap3A_149 = tpu.vector_load %arg9[%swap3A_147, %swap3A_148] {strides = array<i32>} : memref<80x128xf32, #tpu.memory_space<vmem>>, vector<1x16xf32>,
      %swap3A_150 = vector.shape_cast %swap3A_149 : vector<1x16xf32> to vector<16xf32>
      %swap3A_151 = vector.shape_cast %broadcast_in_dim3A_146 : vector<16xf32> to vector<1x16xf32>
      tpu.vector_store %arg9[%swap3A_147, %swap3A_148], %swap3A_151 {strides = array<i32>} : memref<80x128xf32, #tpu.memory_space<vmem>>, vector<1x16xf32>,
      %broadcast_in_dim3A_152 = arith.constant 0.000000e+00 : f32
      %broadcast_in_dim3A_153 = vector.broadcast %broadcast_in_dim3A_152 : f32 to vector<16xf32>
      %swap3A_154 = arith.index_cast %add3A_144 : i32 to index
      %swap3A_155 = arith.constant 16 : index
      %swap3A_156 = tpu.vector_load %arg9[%swap3A_154, %swap3A_155] {strides = array<i32>} : memref<80x128xf32, #tpu.memory_space<vmem>>, vector<1x16xf32>,
      %swap3A_157 = vector.shape_cast %swap3A_156 : vector<1x16xf32> to vector<16xf32>
      %swap3A_158 = vector.shape_cast %broadcast_in_dim3A_153 : vector<16xf32> to vector<1x16xf32>
      tpu.vector_store %arg9[%swap3A_154, %swap3A_155], %swap3A_158 {strides = array<i32>} : memref<80x128xf32, #tpu.memory_space<vmem>>, vector<1x16xf32>,
      %broadcast_in_dim3A_159 = arith.constant 0.000000e+00 : f32
      %broadcast_in_dim3A_160 = vector.broadcast %broadcast_in_dim3A_159 : f32 to vector<16xf32>
      %swap3A_161 = arith.index_cast %add3A_144 : i32 to index
      %swap3A_162 = arith.constant 32 : index
      %swap3A_163 = tpu.vector_load %arg9[%swap3A_161, %swap3A_162] {strides = array<i32>} : memref<80x128xf32, #tpu.memory_space<vmem>>, vector<1x16xf32>,
      %swap3A_164 = vector.shape_cast %swap3A_163 : vector<1x16xf32> to vector<16xf32>
      %swap3A_165 = vector.shape_cast %broadcast_in_dim3A_160 : vector<16xf32> to vector<1x16xf32>
      tpu.vector_store %arg9[%swap3A_161, %swap3A_162], %swap3A_165 {strides = array<i32>} : memref<80x128xf32, #tpu.memory_space<vmem>>, vector<1x16xf32>,
      %broadcast_in_dim3A_166 = arith.constant 0.000000e+00 : f32
      %broadcast_in_dim3A_167 = vector.broadcast %broadcast_in_dim3A_166 : f32 to vector<16xf32>
      %swap3A_168 = arith.index_cast %add3A_144 : i32 to index
      %swap3A_169 = arith.constant 48 : index
      %swap3A_170 = tpu.vector_load %arg9[%swap3A_168, %swap3A_169] {strides = array<i32>} : memref<80x128xf32, #tpu.memory_space<vmem>>, vector<1x16xf32>,
      %swap3A_171 = vector.shape_cast %swap3A_170 : vector<1x16xf32> to vector<16xf32>
      %swap3A_172 = vector.shape_cast %broadcast_in_dim3A_167 : vector<16xf32> to vector<1x16xf32>
      tpu.vector_store %arg9[%swap3A_168, %swap3A_169], %swap3A_172 {strides = array<i32>} : memref<80x128xf32, #tpu.memory_space<vmem>>, vector<1x16xf32>,
      %broadcast_in_dim3A_173 = arith.constant 0.000000e+00 : f32
      %broadcast_in_dim3A_174 = vector.broadcast %broadcast_in_dim3A_173 : f32 to vector<16xf32>
      %swap3A_175 = arith.index_cast %add3A_144 : i32 to index
      %swap3A_176 = arith.constant 64 : index
      %swap3A_177 = tpu.vector_load %arg9[%swap3A_175, %swap3A_176] {strides = array<i32>} : memref<80x128xf32, #tpu.memory_space<vmem>>, vector<1x16xf32>,
      %swap3A_178 = vector.shape_cast %swap3A_177 : vector<1x16xf32> to vector<16xf32>
      %swap3A_179 = vector.shape_cast %broadcast_in_dim3A_174 : vector<16xf32> to vector<1x16xf32>
      tpu.vector_store %arg9[%swap3A_175, %swap3A_176], %swap3A_179 {strides = array<i32>} : memref<80x128xf32, #tpu.memory_space<vmem>>, vector<1x16xf32>,
      %broadcast_in_dim3A_180 = arith.constant 0.000000e+00 : f32
      %broadcast_in_dim3A_181 = vector.broadcast %broadcast_in_dim3A_180 : f32 to vector<16xf32>
      %swap3A_182 = arith.index_cast %add3A_144 : i32 to index
      %swap3A_183 = arith.constant 80 : index
      %swap3A_184 = tpu.vector_load %arg9[%swap3A_182, %swap3A_183] {strides = array<i32>} : memref<80x128xf32, #tpu.memory_space<vmem>>, vector<1x16xf32>,
      %swap3A_185 = vector.shape_cast %swap3A_184 : vector<1x16xf32> to vector<16xf32>
      %swap3A_186 = vector.shape_cast %broadcast_in_dim3A_181 : vector<16xf32> to vector<1x16xf32>
      tpu.vector_store %arg9[%swap3A_182, %swap3A_183], %swap3A_186 {strides = array<i32>} : memref<80x128xf32, #tpu.memory_space<vmem>>, vector<1x16xf32>,
      %broadcast_in_dim3A_187 = arith.constant 0.000000e+00 : f32
      %broadcast_in_dim3A_188 = vector.broadcast %broadcast_in_dim3A_187 : f32 to vector<16xf32>
      %swap3A_189 = arith.index_cast %add3A_144 : i32 to index
      %swap3A_190 = arith.constant 96 : index
      %swap3A_191 = tpu.vector_load %arg9[%swap3A_189, %swap3A_190] {strides = array<i32>} : memref<80x128xf32, #tpu.memory_space<vmem>>, vector<1x16xf32>,
      %swap3A_192 = vector.shape_cast %swap3A_191 : vector<1x16xf32> to vector<16xf32>
      %swap3A_193 = vector.shape_cast %broadcast_in_dim3A_188 : vector<16xf32> to vector<1x16xf32>
      tpu.vector_store %arg9[%swap3A_189, %swap3A_190], %swap3A_193 {strides = array<i32>} : memref<80x128xf32, #tpu.memory_space<vmem>>, vector<1x16xf32>,
      %broadcast_in_dim3A_194 = arith.constant 0.000000e+00 : f32
      %broadcast_in_dim3A_195 = vector.broadcast %broadcast_in_dim3A_194 : f32 to vector<16xf32>
      %swap3A_196 = arith.index_cast %add3A_144 : i32 to index
      %swap3A_197 = arith.constant 112 : index
      %swap3A_198 = tpu.vector_load %arg9[%swap3A_196, %swap3A_197] {strides = array<i32>} : memref<80x128xf32, #tpu.memory_space<vmem>>, vector<1x16xf32>,
      %swap3A_199 = vector.shape_cast %swap3A_198 : vector<1x16xf32> to vector<16xf32>
      %swap3A_200 = vector.shape_cast %broadcast_in_dim3A_195 : vector<16xf32> to vector<1x16xf32>
      tpu.vector_store %arg9[%swap3A_196, %swap3A_197], %swap3A_200 {strides = array<i32>} : memref<80x128xf32, #tpu.memory_space<vmem>>, vector<1x16xf32>,
      %mul3A_201 = arith.constant 4 : i32
      %mul3A_202 = arith.muli %scan3A_22, %mul3A_201 : i32
      %add3A_203 = arith.constant 3 : i32
      %add3A_204 = arith.addi %mul3A_202, %add3A_203 : i32
      %broadcast_in_dim3A_205 = arith.constant 0.000000e+00 : f32
      %broadcast_in_dim3A_206 = vector.broadcast %broadcast_in_dim3A_205 : f32 to vector<16xf32>
      %swap3A_207 = arith.index_cast %add3A_204 : i32 to index
      %swap3A_208 = arith.constant 0 : index
      %swap3A_209 = tpu.vector_load %arg9[%swap3A_207, %swap3A_208] {strides = array<i32>} : memref<80x128xf32, #tpu.memory_space<vmem>>, vector<1x16xf32>,
      %swap3A_210 = vector.shape_cast %swap3A_209 : vector<1x16xf32> to vector<16xf32>
      %swap3A_211 = vector.shape_cast %broadcast_in_dim3A_206 : vector<16xf32> to vector<1x16xf32>
      tpu.vector_store %arg9[%swap3A_207, %swap3A_208], %swap3A_211 {strides = array<i32>} : memref<80x128xf32, #tpu.memory_space<vmem>>, vector<1x16xf32>,
      %broadcast_in_dim3A_212 = arith.constant 0.000000e+00 : f32
      %broadcast_in_dim3A_213 = vector.broadcast %broadcast_in_dim3A_212 : f32 to vector<16xf32>
      %swap3A_214 = arith.index_cast %add3A_204 : i32 to index
      %swap3A_215 = arith.constant 16 : index
      %swap3A_216 = tpu.vector_load %arg9[%swap3A_214, %swap3A_215] {strides = array<i32>} : memref<80x128xf32, #tpu.memory_space<vmem>>, vector<1x16xf32>,
      %swap3A_217 = vector.shape_cast %swap3A_216 : vector<1x16xf32> to vector<16xf32>
      %swap3A_218 = vector.shape_cast %broadcast_in_dim3A_213 : vector<16xf32> to vector<1x16xf32>
      tpu.vector_store %arg9[%swap3A_214, %swap3A_215], %swap3A_218 {strides = array<i32>} : memref<80x128xf32, #tpu.memory_space<vmem>>, vector<1x16xf32>,
      %broadcast_in_dim3A_219 = arith.constant 0.000000e+00 : f32
      %broadcast_in_dim3A_220 = vector.broadcast %broadcast_in_dim3A_219 : f32 to vector<16xf32>
      %swap3A_221 = arith.index_cast %add3A_204 : i32 to index
      %swap3A_222 = arith.constant 32 : index
      %swap3A_223 = tpu.vector_load %arg9[%swap3A_221, %swap3A_222] {strides = array<i32>} : memref<80x128xf32, #tpu.memory_space<vmem>>, vector<1x16xf32>,
      %swap3A_224 = vector.shape_cast %swap3A_223 : vector<1x16xf32> to vector<16xf32>
      %swap3A_225 = vector.shape_cast %broadcast_in_dim3A_220 : vector<16xf32> to vector<1x16xf32>
      tpu.vector_store %arg9[%swap3A_221, %swap3A_222], %swap3A_225 {strides = array<i32>} : memref<80x128xf32, #tpu.memory_space<vmem>>, vector<1x16xf32>,
      %broadcast_in_dim3A_226 = arith.constant 0.000000e+00 : f32
      %broadcast_in_dim3A_227 = vector.broadcast %broadcast_in_dim3A_226 : f32 to vector<16xf32>
      %swap3A_228 = arith.index_cast %add3A_204 : i32 to index
      %swap3A_229 = arith.constant 48 : index
      %swap3A_230 = tpu.vector_load %arg9[%swap3A_228, %swap3A_229] {strides = array<i32>} : memref<80x128xf32, #tpu.memory_space<vmem>>, vector<1x16xf32>,
      %swap3A_231 = vector.shape_cast %swap3A_230 : vector<1x16xf32> to vector<16xf32>
      %swap3A_232 = vector.shape_cast %broadcast_in_dim3A_227 : vector<16xf32> to vector<1x16xf32>
      tpu.vector_store %arg9[%swap3A_228, %swap3A_229], %swap3A_232 {strides = array<i32>} : memref<80x128xf32, #tpu.memory_space<vmem>>, vector<1x16xf32>,
      %broadcast_in_dim3A_233 = arith.constant 0.000000e+00 : f32
      %broadcast_in_dim3A_234 = vector.broadcast %broadcast_in_dim3A_233 : f32 to vector<16xf32>
      %swap3A_235 = arith.index_cast %add3A_204 : i32 to index
      %swap3A_236 = arith.constant 64 : index
      %swap3A_237 = tpu.vector_load %arg9[%swap3A_235, %swap3A_236] {strides = array<i32>} : memref<80x128xf32, #tpu.memory_space<vmem>>, vector<1x16xf32>,
      %swap3A_238 = vector.shape_cast %swap3A_237 : vector<1x16xf32> to vector<16xf32>
      %swap3A_239 = vector.shape_cast %broadcast_in_dim3A_234 : vector<16xf32> to vector<1x16xf32>
      tpu.vector_store %arg9[%swap3A_235, %swap3A_236], %swap3A_239 {strides = array<i32>} : memref<80x128xf32, #tpu.memory_space<vmem>>, vector<1x16xf32>,
      %broadcast_in_dim3A_240 = arith.constant 0.000000e+00 : f32
      %broadcast_in_dim3A_241 = vector.broadcast %broadcast_in_dim3A_240 : f32 to vector<16xf32>
      %swap3A_242 = arith.index_cast %add3A_204 : i32 to index
      %swap3A_243 = arith.constant 80 : index
      %swap3A_244 = tpu.vector_load %arg9[%swap3A_242, %swap3A_243] {strides = array<i32>} : memref<80x128xf32, #tpu.memory_space<vmem>>, vector<1x16xf32>,
      %swap3A_245 = vector.shape_cast %swap3A_244 : vector<1x16xf32> to vector<16xf32>
      %swap3A_246 = vector.shape_cast %broadcast_in_dim3A_241 : vector<16xf32> to vector<1x16xf32>
      tpu.vector_store %arg9[%swap3A_242, %swap3A_243], %swap3A_246 {strides = array<i32>} : memref<80x128xf32, #tpu.memory_space<vmem>>, vector<1x16xf32>,
      %broadcast_in_dim3A_247 = arith.constant 0.000000e+00 : f32
      %broadcast_in_dim3A_248 = vector.broadcast %broadcast_in_dim3A_247 : f32 to vector<16xf32>
      %swap3A_249 = arith.index_cast %add3A_204 : i32 to index
      %swap3A_250 = arith.constant 96 : index
      %swap3A_251 = tpu.vector_load %arg9[%swap3A_249, %swap3A_250] {strides = array<i32>} : memref<80x128xf32, #tpu.memory_space<vmem>>, vector<1x16xf32>,
      %swap3A_252 = vector.shape_cast %swap3A_251 : vector<1x16xf32> to vector<16xf32>
      %swap3A_253 = vector.shape_cast %broadcast_in_dim3A_248 : vector<16xf32> to vector<1x16xf32>
      tpu.vector_store %arg9[%swap3A_249, %swap3A_250], %swap3A_253 {strides = array<i32>} : memref<80x128xf32, #tpu.memory_space<vmem>>, vector<1x16xf32>,
      %broadcast_in_dim3A_254 = arith.constant 0.000000e+00 : f32
      %broadcast_in_dim3A_255 = vector.broadcast %broadcast_in_dim3A_254 : f32 to vector<16xf32>
      %swap3A_256 = arith.index_cast %add3A_204 : i32 to index
      %swap3A_257 = arith.constant 112 : index
      %swap3A_258 = tpu.vector_load %arg9[%swap3A_256, %swap3A_257] {strides = array<i32>} : memref<80x128xf32, #tpu.memory_space<vmem>>, vector<1x16xf32>,
      %swap3A_259 = vector.shape_cast %swap3A_258 : vector<1x16xf32> to vector<16xf32>
      %swap3A_260 = vector.shape_cast %broadcast_in_dim3A_255 : vector<16xf32> to vector<1x16xf32>
      tpu.vector_store %arg9[%swap3A_256, %swap3A_257], %swap3A_260 {strides = array<i32>} : memref<80x128xf32, #tpu.memory_space<vmem>>, vector<1x16xf32>,
      %scan3A_261 = arith.constant 0 : i32
      scf.yield %scan3A_261 : i32
    }
    %scan3A_5 = arith.constant 20 : i32
    %scan3A_6 = arith.constant 0 : i32
    %scan3A_7 = arith.constant 0 : i32
    %scan3A_8 = arith.constant 8 : i32
    %scan3A_9 = arith.addi %scan3A_7, %scan3A_8 : i32
    %scan3A_10 = arith.constant 1 : i32
    %scan3A_11 = scf.for %scan3A_22 = %scan3A_7 to %scan3A_9 step %scan3A_10 iter_args(%scan3A_23 = %scan3A_6) -> (i32)  : i32 {
      %mul3A_24 = arith.constant 640 : i32
      %mul3A_25 = arith.muli %arg1, %mul3A_24 : i32
      %mul3A_26 = arith.constant 80 : i32
      %mul3A_27 = arith.muli %scan3A_22, %mul3A_26 : i32
      %add3A = arith.addi %mul3A_25, %mul3A_27 : i32
      "tpu.region"() ({
        %run_scoped3A = tpu.sem_alloc : memref<!tpu.dma_semaphore, #tpu.memory_space<semaphore_mem>>
        %dma_start3A = arith.constant 0 : i32
        %dma_start3A_29 = tpu.memref_slice %arg6[%add3A, %dma_start3A] : memref<10240x128xf32, #tpu.memory_space<vmem_shared>> -> memref<80x128xf32, #tpu.memory_space<vmem_shared>>
        %dma_start3A_30 = arith.constant 0 : i32
        %dma_start3A_31 = tpu.memref_slice %arg6[%add3A, %dma_start3A_30] : memref<10240x128xf32, #tpu.memory_space<vmem_shared>> -> memref<80x128xf32, #tpu.memory_space<vmem_shared>>
        tpu.enqueue_dma source(%arg9 : memref<80x128xf32, #tpu.memory_space<vmem>>) target(%dma_start3A_31 : memref<80x128xf32, #tpu.memory_space<vmem_shared>>) target_semaphore(%run_scoped3A : memref<!tpu.dma_semaphore, #tpu.memory_space<semaphore_mem>>)
        %dma_wait3A = arith.constant 0 : i32
        %dma_wait3A_32 = tpu.memref_slice %arg6[%add3A, %dma_wait3A] : memref<10240x128xf32, #tpu.memory_space<vmem_shared>> -> memref<80x128xf32, #tpu.memory_space<vmem_shared>>
        %dma_wait3A_33 = arith.constant 0 : i32
        %dma_wait3A_34 = tpu.memref_slice %arg6[%add3A, %dma_wait3A_33] : memref<10240x128xf32, #tpu.memory_space<vmem_shared>> -> memref<80x128xf32, #tpu.memory_space<vmem_shared>>
        tpu.wait_dma2 semaphore(%run_scoped3A : memref<!tpu.dma_semaphore, #tpu.memory_space<semaphore_mem>>) src(%arg9 : memref<80x128xf32, #tpu.memory_space<vmem>>) dst(%dma_wait3A_34 : memref<80x128xf32, #tpu.memory_space<vmem_shared>>)
        tpu.yield
      }) : () -> ()
      %scan3A_28 = arith.constant 0 : i32
      scf.yield %scan3A_28 : i32
    }
    %scan3A_12 = arith.constant 8 : i32
    %barrier3A = arith.constant 0 : index
    tpu.barrier barrier_id(%barrier3A)
    %scan3A_13 = arith.constant 0 : i32
    %scan3A_14 = arith.constant 0 : i32
    %scan3A_15 = arith.constant 5 : i32
    %scan3A_16 = arith.addi %scan3A_14, %scan3A_15 : i32
    %scan3A_17 = arith.constant 1 : i32
    %scan3A_18 = scf.for %scan3A_22 = %scan3A_14 to %scan3A_16 step %scan3A_17 iter_args(%scan3A_23 = %scan3A_13) -> (i32)  : i32 {
      "tpu.region"() ({
        %run_scoped3A = tpu.sem_alloc : memref<!tpu.dma_semaphore, #tpu.memory_space<semaphore_mem>>
        %dma_start3A_233 = arith.constant 0 : i32
        %dma_start3A_234 = arith.constant 0 : i32
        %dma_start3A_235 = tpu.memref_slice %arg4[%arg1, %scan3A_22, %dma_start3A_233, %dma_start3A_234] : memref<16x5x2x2000xi32, #tpu.memory_space<hbm>> -> memref<1x1x2x2000xi32, #tpu.memory_space<hbm>>
        %dma_start3A_236 = tpu.memref_squeeze %dma_start3A_235 : memref<1x1x2x2000xi32, #tpu.memory_space<hbm>> -> memref<2x2000xi32, #tpu.memory_space<hbm>>
        %dma_start3A_237 = arith.constant 0 : i32
        %dma_start3A_238 = arith.constant 0 : i32
        %dma_start3A_239 = tpu.memref_slice %arg4[%arg1, %scan3A_22, %dma_start3A_237, %dma_start3A_238] : memref<16x5x2x2000xi32, #tpu.memory_space<hbm>> -> memref<1x1x2x2000xi32, #tpu.memory_space<hbm>>
        %dma_start3A_240 = tpu.memref_squeeze %dma_start3A_239 : memref<1x1x2x2000xi32, #tpu.memory_space<hbm>> -> memref<2x2000xi32, #tpu.memory_space<hbm>>
        tpu.enqueue_dma source(%dma_start3A_240 : memref<2x2000xi32, #tpu.memory_space<hbm>>) target(%arg17 : memref<2x2000xi32, #tpu.memory_space<vmem>>) target_semaphore(%run_scoped3A : memref<!tpu.dma_semaphore, #tpu.memory_space<semaphore_mem>>)
        %dma_wait3A_241 = arith.constant 0 : i32
        %dma_wait3A_242 = arith.constant 0 : i32
        %dma_wait3A_243 = tpu.memref_slice %arg4[%arg1, %scan3A_22, %dma_wait3A_241, %dma_wait3A_242] : memref<16x5x2x2000xi32, #tpu.memory_space<hbm>> -> memref<1x1x2x2000xi32, #tpu.memory_space<hbm>>
        %dma_wait3A_244 = tpu.memref_squeeze %dma_wait3A_243 : memref<1x1x2x2000xi32, #tpu.memory_space<hbm>> -> memref<2x2000xi32, #tpu.memory_space<hbm>>
        %dma_wait3A_245 = arith.constant 0 : i32
        %dma_wait3A_246 = arith.constant 0 : i32
        %dma_wait3A_247 = tpu.memref_slice %arg4[%arg1, %scan3A_22, %dma_wait3A_245, %dma_wait3A_246] : memref<16x5x2x2000xi32, #tpu.memory_space<hbm>> -> memref<1x1x2x2000xi32, #tpu.memory_space<hbm>>
        %dma_wait3A_248 = tpu.memref_squeeze %dma_wait3A_247 : memref<1x1x2x2000xi32, #tpu.memory_space<hbm>> -> memref<2x2000xi32, #tpu.memory_space<hbm>>
        tpu.wait_dma2 semaphore(%run_scoped3A : memref<!tpu.dma_semaphore, #tpu.memory_space<semaphore_mem>>) src(%dma_wait3A_248 : memref<2x2000xi32, #tpu.memory_space<hbm>>) dst(%arg17 : memref<2x2000xi32, #tpu.memory_space<vmem>>)
        tpu.yield
      }) : () -> ()
      %mul3A_24 = arith.constant 5 : i32
      %mul3A_25 = arith.muli %arg1, %mul3A_24 : i32
      %add3A = arith.addi %mul3A_25, %scan3A_22 : i32
      %mul3A_26 = arith.constant 25 : i32
      %mul3A_27 = arith.muli %add3A, %mul3A_26 : i32
      %mul3A_28 = arith.constant 80 : i32
      %mul3A_29 = arith.muli %mul3A_27, %mul3A_28 : i32
      %get3A = arith.constant 0 : i32
      %get3A_30 = arith.index_cast %get3A : i32 to index
      %get3A_31 = arith.constant 0 : index
      %get3A_32 = tpu.vector_load %arg17[%get3A_30, %get3A_31] {strides = array<i32>} : memref<2x2000xi32, #tpu.memory_space<vmem>>, vector<1x16xi32>,
      %get3A_33 = vector.shape_cast %get3A_32 : vector<1x16xi32> to vector<16xi32>
      %mul3A_34 = arith.constant 2 : i32
      %mul3A_35 = vector.broadcast %mul3A_34 : i32 to vector<16xi32>
      %mul3A_36 = arith.muli %get3A_33, %mul3A_35 : vector<16xi32>
      %add3A_37 = vector.broadcast %arg0 : i32 to vector<16xi32>
      %add3A_38 = arith.addi %mul3A_36, %add3A_37 : vector<16xi32>
      %swap3A = arith.constant 0 : index
      %swap3A_39 = tpu.vector_load %arg11[%swap3A] {strides = array<i32>} : memref<80xi32, #tpu.memory_space<vmem>>, vector<16xi32>,
      %swap3A_40 = vector.shape_cast %swap3A_39 : vector<16xi32> to vector<16xi32>
      %swap3A_41 = vector.shape_cast %add3A_38 : vector<16xi32> to vector<16xi32>
      tpu.vector_store %arg11[%swap3A], %swap3A_41 {strides = array<i32>} : memref<80xi32, #tpu.memory_space<vmem>>, vector<16xi32>,
      %get3A_42 = arith.constant 1 : i32
      %get3A_43 = arith.index_cast %get3A_42 : i32 to index
      %get3A_44 = arith.constant 0 : index
      %get3A_45 = tpu.vector_load %arg17[%get3A_43, %get3A_44] {strides = array<i32>} : memref<2x2000xi32, #tpu.memory_space<vmem>>, vector<1x16xi32>,
      %get3A_46 = vector.shape_cast %get3A_45 : vector<1x16xi32> to vector<16xi32>
      %swap3A_47 = arith.constant 0 : index
      %swap3A_48 = tpu.vector_load %arg15[%swap3A_47] {strides = array<i32>} : memref<80xi32, #tpu.memory_space<vmem>>, vector<16xi32>,
      %swap3A_49 = vector.shape_cast %swap3A_48 : vector<16xi32> to vector<16xi32>
      %swap3A_50 = vector.shape_cast %get3A_46 : vector<16xi32> to vector<16xi32>
      tpu.vector_store %arg15[%swap3A_47], %swap3A_50 {strides = array<i32>} : memref<80xi32, #tpu.memory_space<vmem>>, vector<16xi32>,
      %get3A_51 = arith.constant 0 : i32
      %get3A_52 = arith.index_cast %get3A_51 : i32 to index
      %get3A_53 = arith.constant 16 : index
      %get3A_54 = tpu.vector_load %arg17[%get3A_52, %get3A_53] {strides = array<i32>} : memref<2x2000xi32, #tpu.memory_space<vmem>>, vector<1x16xi32>,
      %get3A_55 = vector.shape_cast %get3A_54 : vector<1x16xi32> to vector<16xi32>
      %mul3A_56 = arith.constant 2 : i32
      %mul3A_57 = vector.broadcast %mul3A_56 : i32 to vector<16xi32>
      %mul3A_58 = arith.muli %get3A_55, %mul3A_57 : vector<16xi32>
      %add3A_59 = vector.broadcast %arg0 : i32 to vector<16xi32>
      %add3A_60 = arith.addi %mul3A_58, %add3A_59 : vector<16xi32>
      %swap3A_61 = arith.constant 16 : index
      %swap3A_62 = tpu.vector_load %arg11[%swap3A_61] {strides = array<i32>} : memref<80xi32, #tpu.memory_space<vmem>>, vector<16xi32>,
      %swap3A_63 = vector.shape_cast %swap3A_62 : vector<16xi32> to vector<16xi32>
      %swap3A_64 = vector.shape_cast %add3A_60 : vector<16xi32> to vector<16xi32>
      tpu.vector_store %arg11[%swap3A_61], %swap3A_64 {strides = array<i32>} : memref<80xi32, #tpu.memory_space<vmem>>, vector<16xi32>,
      %get3A_65 = arith.constant 1 : i32
      %get3A_66 = arith.index_cast %get3A_65 : i32 to index
      %get3A_67 = arith.constant 16 : index
      %get3A_68 = tpu.vector_load %arg17[%get3A_66, %get3A_67] {strides = array<i32>} : memref<2x2000xi32, #tpu.memory_space<vmem>>, vector<1x16xi32>,
      %get3A_69 = vector.shape_cast %get3A_68 : vector<1x16xi32> to vector<16xi32>
      %swap3A_70 = arith.constant 16 : index
      %swap3A_71 = tpu.vector_load %arg15[%swap3A_70] {strides = array<i32>} : memref<80xi32, #tpu.memory_space<vmem>>, vector<16xi32>,
      %swap3A_72 = vector.shape_cast %swap3A_71 : vector<16xi32> to vector<16xi32>
      %swap3A_73 = vector.shape_cast %get3A_69 : vector<16xi32> to vector<16xi32>
      tpu.vector_store %arg15[%swap3A_70], %swap3A_73 {strides = array<i32>} : memref<80xi32, #tpu.memory_space<vmem>>, vector<16xi32>,
      %get3A_74 = arith.constant 0 : i32
      %get3A_75 = arith.index_cast %get3A_74 : i32 to index
      %get3A_76 = arith.constant 32 : index
      %get3A_77 = tpu.vector_load %arg17[%get3A_75, %get3A_76] {strides = array<i32>} : memref<2x2000xi32, #tpu.memory_space<vmem>>, vector<1x16xi32>,
      %get3A_78 = vector.shape_cast %get3A_77 : vector<1x16xi32> to vector<16xi32>
      %mul3A_79 = arith.constant 2 : i32
      %mul3A_80 = vector.broadcast %mul3A_79 : i32 to vector<16xi32>
      %mul3A_81 = arith.muli %get3A_78, %mul3A_80 : vector<16xi32>
      %add3A_82 = vector.broadcast %arg0 : i32 to vector<16xi32>
      %add3A_83 = arith.addi %mul3A_81, %add3A_82 : vector<16xi32>
      %swap3A_84 = arith.constant 32 : index
      %swap3A_85 = tpu.vector_load %arg11[%swap3A_84] {strides = array<i32>} : memref<80xi32, #tpu.memory_space<vmem>>, vector<16xi32>,
      %swap3A_86 = vector.shape_cast %swap3A_85 : vector<16xi32> to vector<16xi32>
      %swap3A_87 = vector.shape_cast %add3A_83 : vector<16xi32> to vector<16xi32>
      tpu.vector_store %arg11[%swap3A_84], %swap3A_87 {strides = array<i32>} : memref<80xi32, #tpu.memory_space<vmem>>, vector<16xi32>,
      %get3A_88 = arith.constant 1 : i32
      %get3A_89 = arith.index_cast %get3A_88 : i32 to index
      %get3A_90 = arith.constant 32 : index
      %get3A_91 = tpu.vector_load %arg17[%get3A_89, %get3A_90] {strides = array<i32>} : memref<2x2000xi32, #tpu.memory_space<vmem>>, vector<1x16xi32>,
      %get3A_92 = vector.shape_cast %get3A_91 : vector<1x16xi32> to vector<16xi32>
      %swap3A_93 = arith.constant 32 : index
      %swap3A_94 = tpu.vector_load %arg15[%swap3A_93] {strides = array<i32>} : memref<80xi32, #tpu.memory_space<vmem>>, vector<16xi32>,
      %swap3A_95 = vector.shape_cast %swap3A_94 : vector<16xi32> to vector<16xi32>
      %swap3A_96 = vector.shape_cast %get3A_92 : vector<16xi32> to vector<16xi32>
      tpu.vector_store %arg15[%swap3A_93], %swap3A_96 {strides = array<i32>} : memref<80xi32, #tpu.memory_space<vmem>>, vector<16xi32>,
      %get3A_97 = arith.constant 0 : i32
      %get3A_98 = arith.index_cast %get3A_97 : i32 to index
      %get3A_99 = arith.constant 48 : index
      %get3A_100 = tpu.vector_load %arg17[%get3A_98, %get3A_99] {strides = array<i32>} : memref<2x2000xi32, #tpu.memory_space<vmem>>, vector<1x16xi32>,
      %get3A_101 = vector.shape_cast %get3A_100 : vector<1x16xi32> to vector<16xi32>
      %mul3A_102 = arith.constant 2 : i32
      %mul3A_103 = vector.broadcast %mul3A_102 : i32 to vector<16xi32>
      %mul3A_104 = arith.muli %get3A_101, %mul3A_103 : vector<16xi32>
      %add3A_105 = vector.broadcast %arg0 : i32 to vector<16xi32>
      %add3A_106 = arith.addi %mul3A_104, %add3A_105 : vector<16xi32>
      %swap3A_107 = arith.constant 48 : index
      %swap3A_108 = tpu.vector_load %arg11[%swap3A_107] {strides = array<i32>} : memref<80xi32, #tpu.memory_space<vmem>>, vector<16xi32>,
      %swap3A_109 = vector.shape_cast %swap3A_108 : vector<16xi32> to vector<16xi32>
      %swap3A_110 = vector.shape_cast %add3A_106 : vector<16xi32> to vector<16xi32>
      tpu.vector_store %arg11[%swap3A_107], %swap3A_110 {strides = array<i32>} : memref<80xi32, #tpu.memory_space<vmem>>, vector<16xi32>,
      %get3A_111 = arith.constant 1 : i32
      %get3A_112 = arith.index_cast %get3A_111 : i32 to index
      %get3A_113 = arith.constant 48 : index
      %get3A_114 = tpu.vector_load %arg17[%get3A_112, %get3A_113] {strides = array<i32>} : memref<2x2000xi32, #tpu.memory_space<vmem>>, vector<1x16xi32>,
      %get3A_115 = vector.shape_cast %get3A_114 : vector<1x16xi32> to vector<16xi32>
      %swap3A_116 = arith.constant 48 : index
      %swap3A_117 = tpu.vector_load %arg15[%swap3A_116] {strides = array<i32>} : memref<80xi32, #tpu.memory_space<vmem>>, vector<16xi32>,
      %swap3A_118 = vector.shape_cast %swap3A_117 : vector<16xi32> to vector<16xi32>
      %swap3A_119 = vector.shape_cast %get3A_115 : vector<16xi32> to vector<16xi32>
      tpu.vector_store %arg15[%swap3A_116], %swap3A_119 {strides = array<i32>} : memref<80xi32, #tpu.memory_space<vmem>>, vector<16xi32>,
      %get3A_120 = arith.constant 0 : i32
      %get3A_121 = arith.index_cast %get3A_120 : i32 to index
      %get3A_122 = arith.constant 64 : index
      %get3A_123 = tpu.vector_load %arg17[%get3A_121, %get3A_122] {strides = array<i32>} : memref<2x2000xi32, #tpu.memory_space<vmem>>, vector<1x16xi32>,
      %get3A_124 = vector.shape_cast %get3A_123 : vector<1x16xi32> to vector<16xi32>
      %mul3A_125 = arith.constant 2 : i32
      %mul3A_126 = vector.broadcast %mul3A_125 : i32 to vector<16xi32>
      %mul3A_127 = arith.muli %get3A_124, %mul3A_126 : vector<16xi32>
      %add3A_128 = vector.broadcast %arg0 : i32 to vector<16xi32>
      %add3A_129 = arith.addi %mul3A_127, %add3A_128 : vector<16xi32>
      %swap3A_130 = arith.constant 64 : index
      %swap3A_131 = tpu.vector_load %arg11[%swap3A_130] {strides = array<i32>} : memref<80xi32, #tpu.memory_space<vmem>>, vector<16xi32>,
      %swap3A_132 = vector.shape_cast %swap3A_131 : vector<16xi32> to vector<16xi32>
      %swap3A_133 = vector.shape_cast %add3A_129 : vector<16xi32> to vector<16xi32>
      tpu.vector_store %arg11[%swap3A_130], %swap3A_133 {strides = array<i32>} : memref<80xi32, #tpu.memory_space<vmem>>, vector<16xi32>,
      %get3A_134 = arith.constant 1 : i32
      %get3A_135 = arith.index_cast %get3A_134 : i32 to index
      %get3A_136 = arith.constant 64 : index
      %get3A_137 = tpu.vector_load %arg17[%get3A_135, %get3A_136] {strides = array<i32>} : memref<2x2000xi32, #tpu.memory_space<vmem>>, vector<1x16xi32>,
      %get3A_138 = vector.shape_cast %get3A_137 : vector<1x16xi32> to vector<16xi32>
      %swap3A_139 = arith.constant 64 : index
      %swap3A_140 = tpu.vector_load %arg15[%swap3A_139] {strides = array<i32>} : memref<80xi32, #tpu.memory_space<vmem>>, vector<16xi32>,
      %swap3A_141 = vector.shape_cast %swap3A_140 : vector<16xi32> to vector<16xi32>
      %swap3A_142 = vector.shape_cast %get3A_138 : vector<16xi32> to vector<16xi32>
      tpu.vector_store %arg15[%swap3A_139], %swap3A_142 {strides = array<i32>} : memref<80xi32, #tpu.memory_space<vmem>>, vector<16xi32>,
      %dma_start3A = arith.constant 0 : i32
      %dma_start3A_143 = arith.constant 0 : i32
      %dma_start3A_144 = tpu.memref_slice %arg2[%dma_start3A, %dma_start3A_143] : memref<20000x128xf32, #tpu.memory_space<hbm>> -> memref<20000x128xf32, #tpu.memory_space<hbm>>
      tpu.enqueue_indirect_dma source(%dma_start3A_144 : memref<20000x128xf32, #tpu.memory_space<hbm>>) target(%arg7 : memref<80x128xf32, #tpu.memory_space<vmem>>) offsets(%arg11 : memref<80xi32, #tpu.memory_space<vmem>>) semaphore(%arg18 : memref<!tpu.dma_semaphore, #tpu.memory_space<semaphore_mem>>)
      %add3A_145 = arith.constant 0 : i32
      %add3A_146 = arith.addi %mul3A_29, %add3A_145 : i32
      %add3A_147 = vector.broadcast %add3A_146 : i32 to vector<16xi32>
      %add3A_148 = arith.addi %add3A_147, %iota3A : vector<16xi32>
      %mul3A_149 = arith.constant 2 : i32
      %mul3A_150 = vector.broadcast %mul3A_149 : i32 to vector<16xi32>
      %mul3A_151 = arith.muli %add3A_148, %mul3A_150 : vector<16xi32>
      %add3A_152 = vector.broadcast %arg0 : i32 to vector<16xi32>
      %add3A_153 = arith.addi %mul3A_151, %add3A_152 : vector<16xi32>
      %swap3A_154 = arith.constant 0 : index
      %swap3A_155 = tpu.vector_load %arg13[%swap3A_154] {strides = array<i32>} : memref<80xi32, #tpu.memory_space<vmem>>, vector<16xi32>,
      %swap3A_156 = vector.shape_cast %swap3A_155 : vector<16xi32> to vector<16xi32>
      %swap3A_157 = vector.shape_cast %add3A_153 : vector<16xi32> to vector<16xi32>
      tpu.vector_store %arg13[%swap3A_154], %swap3A_157 {strides = array<i32>} : memref<80xi32, #tpu.memory_space<vmem>>, vector<16xi32>,
      %add3A_158 = arith.constant 16 : i32
      %add3A_159 = arith.addi %mul3A_29, %add3A_158 : i32
      %add3A_160 = vector.broadcast %add3A_159 : i32 to vector<16xi32>
      %add3A_161 = arith.addi %add3A_160, %iota3A : vector<16xi32>
      %mul3A_162 = arith.constant 2 : i32
      %mul3A_163 = vector.broadcast %mul3A_162 : i32 to vector<16xi32>
      %mul3A_164 = arith.muli %add3A_161, %mul3A_163 : vector<16xi32>
      %add3A_165 = vector.broadcast %arg0 : i32 to vector<16xi32>
      %add3A_166 = arith.addi %mul3A_164, %add3A_165 : vector<16xi32>
      %swap3A_167 = arith.constant 16 : index
      %swap3A_168 = tpu.vector_load %arg13[%swap3A_167] {strides = array<i32>} : memref<80xi32, #tpu.memory_space<vmem>>, vector<16xi32>,
      %swap3A_169 = vector.shape_cast %swap3A_168 : vector<16xi32> to vector<16xi32>
      %swap3A_170 = vector.shape_cast %add3A_166 : vector<16xi32> to vector<16xi32>
      tpu.vector_store %arg13[%swap3A_167], %swap3A_170 {strides = array<i32>} : memref<80xi32, #tpu.memory_space<vmem>>, vector<16xi32>,
      %add3A_171 = arith.constant 32 : i32
      %add3A_172 = arith.addi %mul3A_29, %add3A_171 : i32
      %add3A_173 = vector.broadcast %add3A_172 : i32 to vector<16xi32>
      %add3A_174 = arith.addi %add3A_173, %iota3A : vector<16xi32>
      %mul3A_175 = arith.constant 2 : i32
      %mul3A_176 = vector.broadcast %mul3A_175 : i32 to vector<16xi32>
      %mul3A_177 = arith.muli %add3A_174, %mul3A_176 : vector<16xi32>
      %add3A_178 = vector.broadcast %arg0 : i32 to vector<16xi32>
      %add3A_179 = arith.addi %mul3A_177, %add3A_178 : vector<16xi32>
      %swap3A_180 = arith.constant 32 : index
      %swap3A_181 = tpu.vector_load %arg13[%swap3A_180] {strides = array<i32>} : memref<80xi32, #tpu.memory_space<vmem>>, vector<16xi32>,
      %swap3A_182 = vector.shape_cast %swap3A_181 : vector<16xi32> to vector<16xi32>
      %swap3A_183 = vector.shape_cast %add3A_179 : vector<16xi32> to vector<16xi32>
      tpu.vector_store %arg13[%swap3A_180], %swap3A_183 {strides = array<i32>} : memref<80xi32, #tpu.memory_space<vmem>>, vector<16xi32>,
      %add3A_184 = arith.constant 48 : i32
      %add3A_185 = arith.addi %mul3A_29, %add3A_184 : i32
      %add3A_186 = vector.broadcast %add3A_185 : i32 to vector<16xi32>
      %add3A_187 = arith.addi %add3A_186, %iota3A : vector<16xi32>
      %mul3A_188 = arith.constant 2 : i32
      %mul3A_189 = vector.broadcast %mul3A_188 : i32 to vector<16xi32>
      %mul3A_190 = arith.muli %add3A_187, %mul3A_189 : vector<16xi32>
      %add3A_191 = vector.broadcast %arg0 : i32 to vector<16xi32>
      %add3A_192 = arith.addi %mul3A_190, %add3A_191 : vector<16xi32>
      %swap3A_193 = arith.constant 48 : index
      %swap3A_194 = tpu.vector_load %arg13[%swap3A_193] {strides = array<i32>} : memref<80xi32, #tpu.memory_space<vmem>>, vector<16xi32>,
      %swap3A_195 = vector.shape_cast %swap3A_194 : vector<16xi32> to vector<16xi32>
      %swap3A_196 = vector.shape_cast %add3A_192 : vector<16xi32> to vector<16xi32>
      tpu.vector_store %arg13[%swap3A_193], %swap3A_196 {strides = array<i32>} : memref<80xi32, #tpu.memory_space<vmem>>, vector<16xi32>,
      %add3A_197 = arith.constant 64 : i32
      %add3A_198 = arith.addi %mul3A_29, %add3A_197 : i32
      %add3A_199 = vector.broadcast %add3A_198 : i32 to vector<16xi32>
      %add3A_200 = arith.addi %add3A_199, %iota3A : vector<16xi32>
      %mul3A_201 = arith.constant 2 : i32
      %mul3A_202 = vector.broadcast %mul3A_201 : i32 to vector<16xi32>
      %mul3A_203 = arith.muli %add3A_200, %mul3A_202 : vector<16xi32>
      %add3A_204 = vector.broadcast %arg0 : i32 to vector<16xi32>
      %add3A_205 = arith.addi %mul3A_203, %add3A_204 : vector<16xi32>
      %swap3A_206 = arith.constant 64 : index
      %swap3A_207 = tpu.vector_load %arg13[%swap3A_206] {strides = array<i32>} : memref<80xi32, #tpu.memory_space<vmem>>, vector<16xi32>,
      %swap3A_208 = vector.shape_cast %swap3A_207 : vector<16xi32> to vector<16xi32>
      %swap3A_209 = vector.shape_cast %add3A_205 : vector<16xi32> to vector<16xi32>
      tpu.vector_store %arg13[%swap3A_206], %swap3A_209 {strides = array<i32>} : memref<80xi32, #tpu.memory_space<vmem>>, vector<16xi32>,
      %dma_start3A_210 = arith.constant 0 : i32
      %dma_start3A_211 = arith.constant 0 : i32
      %dma_start3A_212 = tpu.memref_slice %arg3[%dma_start3A_210, %dma_start3A_211] : memref<320000x128xf32, #tpu.memory_space<hbm>> -> memref<320000x128xf32, #tpu.memory_space<hbm>>
      tpu.enqueue_indirect_dma source(%dma_start3A_212 : memref<320000x128xf32, #tpu.memory_space<hbm>>) target(%arg9 : memref<80x128xf32, #tpu.memory_space<vmem>>) offsets(%arg13 : memref<80xi32, #tpu.memory_space<vmem>>) semaphore(%arg20 : memref<!tpu.dma_semaphore, #tpu.memory_space<semaphore_mem>>)
      %scan3A_213 = arith.constant 0 : i32
      %scan3A_214 = arith.constant 0 : i32
      %scan3A_215 = arith.constant 12 : i32
      %scan3A_216 = arith.addi %scan3A_214, %scan3A_215 : i32
      %scan3A_217 = arith.constant 1 : i32
      %scan3A_218 = scf.for %scan3A_233 = %scan3A_214 to %scan3A_216 step %scan3A_217 iter_args(%scan3A_234 = %scan3A_213) -> (i32)  : i32 {
        %mul3A_235 = arith.constant 2 : i32
        %mul3A_236 = arith.muli %scan3A_233, %mul3A_235 : i32
        %add3A_237 = arith.constant 1 : i32
        %add3A_238 = arith.addi %mul3A_236, %add3A_237 : i32
        %mul3A_239 = arith.constant 80 : i32
        %mul3A_240 = arith.muli %add3A_238, %mul3A_239 : i32
        %add3A_241 = arith.addi %mul3A_29, %mul3A_240 : i32
        %add3A_242 = arith.constant 2 : i32
        %add3A_243 = arith.addi %mul3A_236, %add3A_242 : i32
        %mul3A_244 = arith.constant 80 : i32
        %mul3A_245 = arith.muli %add3A_243, %mul3A_244 : i32
        %add3A_246 = arith.addi %mul3A_29, %mul3A_245 : i32
        %add3A_247 = arith.constant 1 : i32
        %add3A_248 = arith.addi %mul3A_236, %add3A_247 : i32
        %mul3A_249 = arith.constant 80 : i32
        %mul3A_250 = arith.muli %add3A_248, %mul3A_249 : i32
        %add3A_251 = arith.constant 0 : i32
        %add3A_252 = arith.addi %mul3A_250, %add3A_251 : i32
        %get3A_253 = arith.constant 0 : i32
        %get3A_254 = arith.index_cast %get3A_253 : i32 to index
        %get3A_255 = arith.index_cast %add3A_252 : i32 to index
        %get3A_256 = tpu.vector_load %arg17[%get3A_254, %get3A_255] {strides = array<i32>} : memref<2x2000xi32, #tpu.memory_space<vmem>>, vector<1x16xi32>,
        %get3A_257 = vector.shape_cast %get3A_256 : vector<1x16xi32> to vector<16xi32>
        %mul3A_258 = arith.constant 2 : i32
        %mul3A_259 = vector.broadcast %mul3A_258 : i32 to vector<16xi32>
        %mul3A_260 = arith.muli %get3A_257, %mul3A_259 : vector<16xi32>
        %add3A_261 = vector.broadcast %arg0 : i32 to vector<16xi32>
        %add3A_262 = arith.addi %mul3A_260, %add3A_261 : vector<16xi32>
        %swap3A_263 = arith.constant 0 : index
        %swap3A_264 = tpu.vector_load %arg12[%swap3A_263] {strides = array<i32>} : memref<80xi32, #tpu.memory_space<vmem>>, vector<16xi32>,
        %swap3A_265 = vector.shape_cast %swap3A_264 : vector<16xi32> to vector<16xi32>
        %swap3A_266 = vector.shape_cast %add3A_262 : vector<16xi32> to vector<16xi32>
        tpu.vector_store %arg12[%swap3A_263], %swap3A_266 {strides = array<i32>} : memref<80xi32, #tpu.memory_space<vmem>>, vector<16xi32>,
        %mul3A_267 = arith.constant 80 : i32
        %mul3A_268 = arith.muli %add3A_248, %mul3A_267 : i32
        %add3A_269 = arith.constant 0 : i32
        %add3A_270 = arith.addi %mul3A_268, %add3A_269 : i32
        %get3A_271 = arith.constant 1 : i32
        %get3A_272 = arith.index_cast %get3A_271 : i32 to index
        %get3A_273 = arith.index_cast %add3A_270 : i32 to index
        %get3A_274 = tpu.vector_load %arg17[%get3A_272, %get3A_273] {strides = array<i32>} : memref<2x2000xi32, #tpu.memory_space<vmem>>, vector<1x16xi32>,
        %get3A_275 = vector.shape_cast %get3A_274 : vector<1x16xi32> to vector<16xi32>
        %swap3A_276 = arith.constant 0 : index
        %swap3A_277 = tpu.vector_load %arg16[%swap3A_276] {strides = array<i32>} : memref<80xi32, #tpu.memory_space<vmem>>, vector<16xi32>,
        %swap3A_278 = vector.shape_cast %swap3A_277 : vector<16xi32> to vector<16xi32>
        %swap3A_279 = vector.shape_cast %get3A_275 : vector<16xi32> to vector<16xi32>
        tpu.vector_store %arg16[%swap3A_276], %swap3A_279 {strides = array<i32>} : memref<80xi32, #tpu.memory_space<vmem>>, vector<16xi32>,
        %mul3A_280 = arith.constant 80 : i32
        %mul3A_281 = arith.muli %add3A_248, %mul3A_280 : i32
        %add3A_282 = arith.constant 16 : i32
        %add3A_283 = arith.addi %mul3A_281, %add3A_282 : i32
        %get3A_284 = arith.constant 0 : i32
        %get3A_285 = arith.index_cast %get3A_284 : i32 to index
        %get3A_286 = arith.index_cast %add3A_283 : i32 to index
        %get3A_287 = tpu.vector_load %arg17[%get3A_285, %get3A_286] {strides = array<i32>} : memref<2x2000xi32, #tpu.memory_space<vmem>>, vector<1x16xi32>,
        %get3A_288 = vector.shape_cast %get3A_287 : vector<1x16xi32> to vector<16xi32>
        %mul3A_289 = arith.constant 2 : i32
        %mul3A_290 = vector.broadcast %mul3A_289 : i32 to vector<16xi32>
        %mul3A_291 = arith.muli %get3A_288, %mul3A_290 : vector<16xi32>
        %add3A_292 = vector.broadcast %arg0 : i32 to vector<16xi32>
        %add3A_293 = arith.addi %mul3A_291, %add3A_292 : vector<16xi32>
        %swap3A_294 = arith.constant 16 : index
        %swap3A_295 = tpu.vector_load %arg12[%swap3A_294] {strides = array<i32>} : memref<80xi32, #tpu.memory_space<vmem>>, vector<16xi32>,
        %swap3A_296 = vector.shape_cast %swap3A_295 : vector<16xi32> to vector<16xi32>
        %swap3A_297 = vector.shape_cast %add3A_293 : vector<16xi32> to vector<16xi32>
        tpu.vector_store %arg12[%swap3A_294], %swap3A_297 {strides = array<i32>} : memref<80xi32, #tpu.memory_space<vmem>>, vector<16xi32>,
        %mul3A_298 = arith.constant 80 : i32
        %mul3A_299 = arith.muli %add3A_248, %mul3A_298 : i32
        %add3A_300 = arith.constant 16 : i32
        %add3A_301 = arith.addi %mul3A_299, %add3A_300 : i32
        %get3A_302 = arith.constant 1 : i32
        %get3A_303 = arith.index_cast %get3A_302 : i32 to index
        %get3A_304 = arith.index_cast %add3A_301 : i32 to index
        %get3A_305 = tpu.vector_load %arg17[%get3A_303, %get3A_304] {strides = array<i32>} : memref<2x2000xi32, #tpu.memory_space<vmem>>, vector<1x16xi32>,
        %get3A_306 = vector.shape_cast %get3A_305 : vector<1x16xi32> to vector<16xi32>
        %swap3A_307 = arith.constant 16 : index
        %swap3A_308 = tpu.vector_load %arg16[%swap3A_307] {strides = array<i32>} : memref<80xi32, #tpu.memory_space<vmem>>, vector<16xi32>,
        %swap3A_309 = vector.shape_cast %swap3A_308 : vector<16xi32> to vector<16xi32>
        %swap3A_310 = vector.shape_cast %get3A_306 : vector<16xi32> to vector<16xi32>
        tpu.vector_store %arg16[%swap3A_307], %swap3A_310 {strides = array<i32>} : memref<80xi32, #tpu.memory_space<vmem>>, vector<16xi32>,
        %mul3A_311 = arith.constant 80 : i32
        %mul3A_312 = arith.muli %add3A_248, %mul3A_311 : i32
        %add3A_313 = arith.constant 32 : i32
        %add3A_314 = arith.addi %mul3A_312, %add3A_313 : i32
        %get3A_315 = arith.constant 0 : i32
        %get3A_316 = arith.index_cast %get3A_315 : i32 to index
        %get3A_317 = arith.index_cast %add3A_314 : i32 to index
        %get3A_318 = tpu.vector_load %arg17[%get3A_316, %get3A_317] {strides = array<i32>} : memref<2x2000xi32, #tpu.memory_space<vmem>>, vector<1x16xi32>,
        %get3A_319 = vector.shape_cast %get3A_318 : vector<1x16xi32> to vector<16xi32>
        %mul3A_320 = arith.constant 2 : i32
        %mul3A_321 = vector.broadcast %mul3A_320 : i32 to vector<16xi32>
        %mul3A_322 = arith.muli %get3A_319, %mul3A_321 : vector<16xi32>
        %add3A_323 = vector.broadcast %arg0 : i32 to vector<16xi32>
        %add3A_324 = arith.addi %mul3A_322, %add3A_323 : vector<16xi32>
        %swap3A_325 = arith.constant 32 : index
        %swap3A_326 = tpu.vector_load %arg12[%swap3A_325] {strides = array<i32>} : memref<80xi32, #tpu.memory_space<vmem>>, vector<16xi32>,
        %swap3A_327 = vector.shape_cast %swap3A_326 : vector<16xi32> to vector<16xi32>
        %swap3A_328 = vector.shape_cast %add3A_324 : vector<16xi32> to vector<16xi32>
        tpu.vector_store %arg12[%swap3A_325], %swap3A_328 {strides = array<i32>} : memref<80xi32, #tpu.memory_space<vmem>>, vector<16xi32>,
        %mul3A_329 = arith.constant 80 : i32
        %mul3A_330 = arith.muli %add3A_248, %mul3A_329 : i32
        %add3A_331 = arith.constant 32 : i32
        %add3A_332 = arith.addi %mul3A_330, %add3A_331 : i32
        %get3A_333 = arith.constant 1 : i32
        %get3A_334 = arith.index_cast %get3A_333 : i32 to index
        %get3A_335 = arith.index_cast %add3A_332 : i32 to index
        %get3A_336 = tpu.vector_load %arg17[%get3A_334, %get3A_335] {strides = array<i32>} : memref<2x2000xi32, #tpu.memory_space<vmem>>, vector<1x16xi32>,
        %get3A_337 = vector.shape_cast %get3A_336 : vector<1x16xi32> to vector<16xi32>
        %swap3A_338 = arith.constant 32 : index
        %swap3A_339 = tpu.vector_load %arg16[%swap3A_338] {strides = array<i32>} : memref<80xi32, #tpu.memory_space<vmem>>, vector<16xi32>,
        %swap3A_340 = vector.shape_cast %swap3A_339 : vector<16xi32> to vector<16xi32>
        %swap3A_341 = vector.shape_cast %get3A_337 : vector<16xi32> to vector<16xi32>
        tpu.vector_store %arg16[%swap3A_338], %swap3A_341 {strides = array<i32>} : memref<80xi32, #tpu.memory_space<vmem>>, vector<16xi32>,
        %mul3A_342 = arith.constant 80 : i32
        %mul3A_343 = arith.muli %add3A_248, %mul3A_342 : i32
        %add3A_344 = arith.constant 48 : i32
        %add3A_345 = arith.addi %mul3A_343, %add3A_344 : i32
        %get3A_346 = arith.constant 0 : i32
        %get3A_347 = arith.index_cast %get3A_346 : i32 to index
        %get3A_348 = arith.index_cast %add3A_345 : i32 to index
        %get3A_349 = tpu.vector_load %arg17[%get3A_347, %get3A_348] {strides = array<i32>} : memref<2x2000xi32, #tpu.memory_space<vmem>>, vector<1x16xi32>,
        %get3A_350 = vector.shape_cast %get3A_349 : vector<1x16xi32> to vector<16xi32>
        %mul3A_351 = arith.constant 2 : i32
        %mul3A_352 = vector.broadcast %mul3A_351 : i32 to vector<16xi32>
        %mul3A_353 = arith.muli %get3A_350, %mul3A_352 : vector<16xi32>
        %add3A_354 = vector.broadcast %arg0 : i32 to vector<16xi32>
        %add3A_355 = arith.addi %mul3A_353, %add3A_354 : vector<16xi32>
        %swap3A_356 = arith.constant 48 : index
        %swap3A_357 = tpu.vector_load %arg12[%swap3A_356] {strides = array<i32>} : memref<80xi32, #tpu.memory_space<vmem>>, vector<16xi32>,
        %swap3A_358 = vector.shape_cast %swap3A_357 : vector<16xi32> to vector<16xi32>
        %swap3A_359 = vector.shape_cast %add3A_355 : vector<16xi32> to vector<16xi32>
        tpu.vector_store %arg12[%swap3A_356], %swap3A_359 {strides = array<i32>} : memref<80xi32, #tpu.memory_space<vmem>>, vector<16xi32>,
        %mul3A_360 = arith.constant 80 : i32
        %mul3A_361 = arith.muli %add3A_248, %mul3A_360 : i32
        %add3A_362 = arith.constant 48 : i32
        %add3A_363 = arith.addi %mul3A_361, %add3A_362 : i32
        %get3A_364 = arith.constant 1 : i32
        %get3A_365 = arith.index_cast %get3A_364 : i32 to index
        %get3A_366 = arith.index_cast %add3A_363 : i32 to index
        %get3A_367 = tpu.vector_load %arg17[%get3A_365, %get3A_366] {strides = array<i32>} : memref<2x2000xi32, #tpu.memory_space<vmem>>, vector<1x16xi32>,
        %get3A_368 = vector.shape_cast %get3A_367 : vector<1x16xi32> to vector<16xi32>
        %swap3A_369 = arith.constant 48 : index
        %swap3A_370 = tpu.vector_load %arg16[%swap3A_369] {strides = array<i32>} : memref<80xi32, #tpu.memory_space<vmem>>, vector<16xi32>,
        %swap3A_371 = vector.shape_cast %swap3A_370 : vector<16xi32> to vector<16xi32>
        %swap3A_372 = vector.shape_cast %get3A_368 : vector<16xi32> to vector<16xi32>
        tpu.vector_store %arg16[%swap3A_369], %swap3A_372 {strides = array<i32>} : memref<80xi32, #tpu.memory_space<vmem>>, vector<16xi32>,
        %mul3A_373 = arith.constant 80 : i32
        %mul3A_374 = arith.muli %add3A_248, %mul3A_373 : i32
        %add3A_375 = arith.constant 64 : i32
        %add3A_376 = arith.addi %mul3A_374, %add3A_375 : i32
        %get3A_377 = arith.constant 0 : i32
        %get3A_378 = arith.index_cast %get3A_377 : i32 to index
        %get3A_379 = arith.index_cast %add3A_376 : i32 to index
        %get3A_380 = tpu.vector_load %arg17[%get3A_378, %get3A_379] {strides = array<i32>} : memref<2x2000xi32, #tpu.memory_space<vmem>>, vector<1x16xi32>,
        %get3A_381 = vector.shape_cast %get3A_380 : vector<1x16xi32> to vector<16xi32>
        %mul3A_382 = arith.constant 2 : i32
        %mul3A_383 = vector.broadcast %mul3A_382 : i32 to vector<16xi32>
        %mul3A_384 = arith.muli %get3A_381, %mul3A_383 : vector<16xi32>
        %add3A_385 = vector.broadcast %arg0 : i32 to vector<16xi32>
        %add3A_386 = arith.addi %mul3A_384, %add3A_385 : vector<16xi32>
        %swap3A_387 = arith.constant 64 : index
        %swap3A_388 = tpu.vector_load %arg12[%swap3A_387] {strides = array<i32>} : memref<80xi32, #tpu.memory_space<vmem>>, vector<16xi32>,
        %swap3A_389 = vector.shape_cast %swap3A_388 : vector<16xi32> to vector<16xi32>
        %swap3A_390 = vector.shape_cast %add3A_386 : vector<16xi32> to vector<16xi32>
        tpu.vector_store %arg12[%swap3A_387], %swap3A_390 {strides = array<i32>} : memref<80xi32, #tpu.memory_space<vmem>>, vector<16xi32>,
        %mul3A_391 = arith.constant 80 : i32
        %mul3A_392 = arith.muli %add3A_248, %mul3A_391 : i32
        %add3A_393 = arith.constant 64 : i32
        %add3A_394 = arith.addi %mul3A_392, %add3A_393 : i32
        %get3A_395 = arith.constant 1 : i32
        %get3A_396 = arith.index_cast %get3A_395 : i32 to index
        %get3A_397 = arith.index_cast %add3A_394 : i32 to index
        %get3A_398 = tpu.vector_load %arg17[%get3A_396, %get3A_397] {strides = array<i32>} : memref<2x2000xi32, #tpu.memory_space<vmem>>, vector<1x16xi32>,
        %get3A_399 = vector.shape_cast %get3A_398 : vector<1x16xi32> to vector<16xi32>
        %swap3A_400 = arith.constant 64 : index
        %swap3A_401 = tpu.vector_load %arg16[%swap3A_400] {strides = array<i32>} : memref<80xi32, #tpu.memory_space<vmem>>, vector<16xi32>,
        %swap3A_402 = vector.shape_cast %swap3A_401 : vector<16xi32> to vector<16xi32>
        %swap3A_403 = vector.shape_cast %get3A_399 : vector<16xi32> to vector<16xi32>
        tpu.vector_store %arg16[%swap3A_400], %swap3A_403 {strides = array<i32>} : memref<80xi32, #tpu.memory_space<vmem>>, vector<16xi32>,
        %dma_start3A_404 = arith.constant 0 : i32
        %dma_start3A_405 = arith.constant 0 : i32
        %dma_start3A_406 = tpu.memref_slice %arg2[%dma_start3A_404, %dma_start3A_405] : memref<20000x128xf32, #tpu.memory_space<hbm>> -> memref<20000x128xf32, #tpu.memory_space<hbm>>
        tpu.enqueue_indirect_dma source(%dma_start3A_406 : memref<20000x128xf32, #tpu.memory_space<hbm>>) target(%arg8 : memref<80x128xf32, #tpu.memory_space<vmem>>) offsets(%arg12 : memref<80xi32, #tpu.memory_space<vmem>>) semaphore(%arg19 : memref<!tpu.dma_semaphore, #tpu.memory_space<semaphore_mem>>)
        %add3A_407 = arith.constant 0 : i32
        %add3A_408 = arith.addi %add3A_241, %add3A_407 : i32
        %add3A_409 = vector.broadcast %add3A_408 : i32 to vector<16xi32>
        %add3A_410 = arith.addi %add3A_409, %iota3A : vector<16xi32>
        %mul3A_411 = arith.constant 2 : i32
        %mul3A_412 = vector.broadcast %mul3A_411 : i32 to vector<16xi32>
        %mul3A_413 = arith.muli %add3A_410, %mul3A_412 : vector<16xi32>
        %add3A_414 = vector.broadcast %arg0 : i32 to vector<16xi32>
        %add3A_415 = arith.addi %mul3A_413, %add3A_414 : vector<16xi32>
        %swap3A_416 = arith.constant 0 : index
        %swap3A_417 = tpu.vector_load %arg14[%swap3A_416] {strides = array<i32>} : memref<80xi32, #tpu.memory_space<vmem>>, vector<16xi32>,
        %swap3A_418 = vector.shape_cast %swap3A_417 : vector<16xi32> to vector<16xi32>
        %swap3A_419 = vector.shape_cast %add3A_415 : vector<16xi32> to vector<16xi32>
        tpu.vector_store %arg14[%swap3A_416], %swap3A_419 {strides = array<i32>} : memref<80xi32, #tpu.memory_space<vmem>>, vector<16xi32>,
        %add3A_420 = arith.constant 16 : i32
        %add3A_421 = arith.addi %add3A_241, %add3A_420 : i32
        %add3A_422 = vector.broadcast %add3A_421 : i32 to vector<16xi32>
        %add3A_423 = arith.addi %add3A_422, %iota3A : vector<16xi32>
        %mul3A_424 = arith.constant 2 : i32
        %mul3A_425 = vector.broadcast %mul3A_424 : i32 to vector<16xi32>
        %mul3A_426 = arith.muli %add3A_423, %mul3A_425 : vector<16xi32>
        %add3A_427 = vector.broadcast %arg0 : i32 to vector<16xi32>
        %add3A_428 = arith.addi %mul3A_426, %add3A_427 : vector<16xi32>
        %swap3A_429 = arith.constant 16 : index
        %swap3A_430 = tpu.vector_load %arg14[%swap3A_429] {strides = array<i32>} : memref<80xi32, #tpu.memory_space<vmem>>, vector<16xi32>,
        %swap3A_431 = vector.shape_cast %swap3A_430 : vector<16xi32> to vector<16xi32>
        %swap3A_432 = vector.shape_cast %add3A_428 : vector<16xi32> to vector<16xi32>
        tpu.vector_store %arg14[%swap3A_429], %swap3A_432 {strides = array<i32>} : memref<80xi32, #tpu.memory_space<vmem>>, vector<16xi32>,
        %add3A_433 = arith.constant 32 : i32
        %add3A_434 = arith.addi %add3A_241, %add3A_433 : i32
        %add3A_435 = vector.broadcast %add3A_434 : i32 to vector<16xi32>
        %add3A_436 = arith.addi %add3A_435, %iota3A : vector<16xi32>
        %mul3A_437 = arith.constant 2 : i32
        %mul3A_438 = vector.broadcast %mul3A_437 : i32 to vector<16xi32>
        %mul3A_439 = arith.muli %add3A_436, %mul3A_438 : vector<16xi32>
        %add3A_440 = vector.broadcast %arg0 : i32 to vector<16xi32>
        %add3A_441 = arith.addi %mul3A_439, %add3A_440 : vector<16xi32>
        %swap3A_442 = arith.constant 32 : index
        %swap3A_443 = tpu.vector_load %arg14[%swap3A_442] {strides = array<i32>} : memref<80xi32, #tpu.memory_space<vmem>>, vector<16xi32>,
        %swap3A_444 = vector.shape_cast %swap3A_443 : vector<16xi32> to vector<16xi32>
        %swap3A_445 = vector.shape_cast %add3A_441 : vector<16xi32> to vector<16xi32>
        tpu.vector_store %arg14[%swap3A_442], %swap3A_445 {strides = array<i32>} : memref<80xi32, #tpu.memory_space<vmem>>, vector<16xi32>,
        %add3A_446 = arith.constant 48 : i32
        %add3A_447 = arith.addi %add3A_241, %add3A_446 : i32
        %add3A_448 = vector.broadcast %add3A_447 : i32 to vector<16xi32>
        %add3A_449 = arith.addi %add3A_448, %iota3A : vector<16xi32>
        %mul3A_450 = arith.constant 2 : i32
        %mul3A_451 = vector.broadcast %mul3A_450 : i32 to vector<16xi32>
        %mul3A_452 = arith.muli %add3A_449, %mul3A_451 : vector<16xi32>
        %add3A_453 = vector.broadcast %arg0 : i32 to vector<16xi32>
        %add3A_454 = arith.addi %mul3A_452, %add3A_453 : vector<16xi32>
        %swap3A_455 = arith.constant 48 : index
        %swap3A_456 = tpu.vector_load %arg14[%swap3A_455] {strides = array<i32>} : memref<80xi32, #tpu.memory_space<vmem>>, vector<16xi32>,
        %swap3A_457 = vector.shape_cast %swap3A_456 : vector<16xi32> to vector<16xi32>
        %swap3A_458 = vector.shape_cast %add3A_454 : vector<16xi32> to vector<16xi32>
        tpu.vector_store %arg14[%swap3A_455], %swap3A_458 {strides = array<i32>} : memref<80xi32, #tpu.memory_space<vmem>>, vector<16xi32>,
        %add3A_459 = arith.constant 64 : i32
        %add3A_460 = arith.addi %add3A_241, %add3A_459 : i32
        %add3A_461 = vector.broadcast %add3A_460 : i32 to vector<16xi32>
        %add3A_462 = arith.addi %add3A_461, %iota3A : vector<16xi32>
        %mul3A_463 = arith.constant 2 : i32
        %mul3A_464 = vector.broadcast %mul3A_463 : i32 to vector<16xi32>
        %mul3A_465 = arith.muli %add3A_462, %mul3A_464 : vector<16xi32>
        %add3A_466 = vector.broadcast %arg0 : i32 to vector<16xi32>
        %add3A_467 = arith.addi %mul3A_465, %add3A_466 : vector<16xi32>
        %swap3A_468 = arith.constant 64 : index
        %swap3A_469 = tpu.vector_load %arg14[%swap3A_468] {strides = array<i32>} : memref<80xi32, #tpu.memory_space<vmem>>, vector<16xi32>,
        %swap3A_470 = vector.shape_cast %swap3A_469 : vector<16xi32> to vector<16xi32>
        %swap3A_471 = vector.shape_cast %add3A_467 : vector<16xi32> to vector<16xi32>
        tpu.vector_store %arg14[%swap3A_468], %swap3A_471 {strides = array<i32>} : memref<80xi32, #tpu.memory_space<vmem>>, vector<16xi32>,
        %dma_start3A_472 = arith.constant 0 : i32
        %dma_start3A_473 = arith.constant 0 : i32
        %dma_start3A_474 = tpu.memref_slice %arg3[%dma_start3A_472, %dma_start3A_473] : memref<320000x128xf32, #tpu.memory_space<hbm>> -> memref<320000x128xf32, #tpu.memory_space<hbm>>
        tpu.enqueue_indirect_dma source(%dma_start3A_474 : memref<320000x128xf32, #tpu.memory_space<hbm>>) target(%arg10 : memref<80x128xf32, #tpu.memory_space<vmem>>) offsets(%arg14 : memref<80xi32, #tpu.memory_space<vmem>>) semaphore(%arg21 : memref<!tpu.dma_semaphore, #tpu.memory_space<semaphore_mem>>)
        %dma_wait3A_475 = arith.constant 0 : i32
        %dma_wait3A_476 = arith.constant 0 : i32
        %dma_wait3A_477 = tpu.memref_slice %arg2[%dma_wait3A_475, %dma_wait3A_476] : memref<20000x128xf32, #tpu.memory_space<hbm>> -> memref<20000x128xf32, #tpu.memory_space<hbm>>
        tpu.wait_indirect_dma semaphore(%arg18 : memref<!tpu.dma_semaphore, #tpu.memory_space<semaphore_mem>>) src(%dma_wait3A_477 : memref<20000x128xf32, #tpu.memory_space<hbm>>) dst(%arg7 : memref<80x128xf32, #tpu.memory_space<vmem>>)
        %dma_wait3A_478 = arith.constant 0 : i32
        %dma_wait3A_479 = arith.constant 0 : i32
        %dma_wait3A_480 = tpu.memref_slice %arg3[%dma_wait3A_478, %dma_wait3A_479] : memref<320000x128xf32, #tpu.memory_space<hbm>> -> memref<320000x128xf32, #tpu.memory_space<hbm>>
        tpu.wait_indirect_dma semaphore(%arg20 : memref<!tpu.dma_semaphore, #tpu.memory_space<semaphore_mem>>) src(%dma_wait3A_480 : memref<320000x128xf32, #tpu.memory_space<hbm>>) dst(%arg9 : memref<80x128xf32, #tpu.memory_space<vmem>>)
        %scan3A_481 = arith.constant 0 : i32
        %scan3A_482 = arith.constant 0 : i32
        %scan3A_483 = arith.constant 20 : i32
        %scan3A_484 = arith.addi %scan3A_482, %scan3A_483 : i32
        %scan3A_485 = arith.constant 1 : i32
        %scan3A_486 = scf.for %scan3A_730 = %scan3A_482 to %scan3A_484 step %scan3A_485 iter_args(%scan3A_731 = %scan3A_481) -> (i32)  : i32 {
          %mul3A_732 = arith.constant 4 : i32
          %mul3A_733 = arith.muli %scan3A_730, %mul3A_732 : i32
          %add3A_734 = arith.constant 0 : i32
          %add3A_735 = arith.addi %mul3A_733, %add3A_734 : i32
          %get3A_736 = arith.index_cast %add3A_735 : i32 to index
          %get3A_737 = arith.constant 0 : index
          %get3A_738 = tpu.vector_load %arg7[%get3A_736, %get3A_737] {strides = array<i32>} : memref<80x128xf32, #tpu.memory_space<vmem>>, vector<1x16xf32>,
          %get3A_739 = vector.shape_cast %get3A_738 : vector<1x16xf32> to vector<16xf32>
          %get3A_740 = arith.index_cast %add3A_735 : i32 to index
          %get3A_741 = arith.constant 0 : index
          %get3A_742 = tpu.vector_load %arg9[%get3A_740, %get3A_741] {strides = array<i32>} : memref<80x128xf32, #tpu.memory_space<vmem>>, vector<1x16xf32>,
          %get3A_743 = vector.shape_cast %get3A_742 : vector<1x16xf32> to vector<16xf32>
          %add3A_744 = arith.addf %get3A_739, %get3A_743 : vector<16xf32>
          %max3A = arith.constant 0.000000e+00 : f32
          %max3A_745 = vector.broadcast %max3A : f32 to vector<16xf32>
          %max3A_746 = arith.maximumf %add3A_744, %max3A_745 : vector<16xf32>
          %swap3A_747 = arith.index_cast %add3A_735 : i32 to index
          %swap3A_748 = arith.constant 0 : index
          %swap3A_749 = tpu.vector_load %arg9[%swap3A_747, %swap3A_748] {strides = array<i32>} : memref<80x128xf32, #tpu.memory_space<vmem>>, vector<1x16xf32>,
          %swap3A_750 = vector.shape_cast %swap3A_749 : vector<1x16xf32> to vector<16xf32>
          %swap3A_751 = vector.shape_cast %max3A_746 : vector<16xf32> to vector<1x16xf32>
          tpu.vector_store %arg9[%swap3A_747, %swap3A_748], %swap3A_751 {strides = array<i32>} : memref<80x128xf32, #tpu.memory_space<vmem>>, vector<1x16xf32>,
          %get3A_752 = arith.index_cast %add3A_735 : i32 to index
          %get3A_753 = arith.constant 16 : index
          %get3A_754 = tpu.vector_load %arg7[%get3A_752, %get3A_753] {strides = array<i32>} : memref<80x128xf32, #tpu.memory_space<vmem>>, vector<1x16xf32>,
          %get3A_755 = vector.shape_cast %get3A_754 : vector<1x16xf32> to vector<16xf32>
          %get3A_756 = arith.index_cast %add3A_735 : i32 to index
          %get3A_757 = arith.constant 16 : index
          %get3A_758 = tpu.vector_load %arg9[%get3A_756, %get3A_757] {strides = array<i32>} : memref<80x128xf32, #tpu.memory_space<vmem>>, vector<1x16xf32>,
          %get3A_759 = vector.shape_cast %get3A_758 : vector<1x16xf32> to vector<16xf32>
          %add3A_760 = arith.addf %get3A_755, %get3A_759 : vector<16xf32>
          %max3A_761 = arith.constant 0.000000e+00 : f32
          %max3A_762 = vector.broadcast %max3A_761 : f32 to vector<16xf32>
          %max3A_763 = arith.maximumf %add3A_760, %max3A_762 : vector<16xf32>
          %swap3A_764 = arith.index_cast %add3A_735 : i32 to index
          %swap3A_765 = arith.constant 16 : index
          %swap3A_766 = tpu.vector_load %arg9[%swap3A_764, %swap3A_765] {strides = array<i32>} : memref<80x128xf32, #tpu.memory_space<vmem>>, vector<1x16xf32>,
          %swap3A_767 = vector.shape_cast %swap3A_766 : vector<1x16xf32> to vector<16xf32>
          %swap3A_768 = vector.shape_cast %max3A_763 : vector<16xf32> to vector<1x16xf32>
          tpu.vector_store %arg9[%swap3A_764, %swap3A_765], %swap3A_768 {strides = array<i32>} : memref<80x128xf32, #tpu.memory_space<vmem>>, vector<1x16xf32>,
          %get3A_769 = arith.index_cast %add3A_735 : i32 to index
          %get3A_770 = arith.constant 32 : index
          %get3A_771 = tpu.vector_load %arg7[%get3A_769, %get3A_770] {strides = array<i32>} : memref<80x128xf32, #tpu.memory_space<vmem>>, vector<1x16xf32>,
          %get3A_772 = vector.shape_cast %get3A_771 : vector<1x16xf32> to vector<16xf32>
          %get3A_773 = arith.index_cast %add3A_735 : i32 to index
          %get3A_774 = arith.constant 32 : index
          %get3A_775 = tpu.vector_load %arg9[%get3A_773, %get3A_774] {strides = array<i32>} : memref<80x128xf32, #tpu.memory_space<vmem>>, vector<1x16xf32>,
          %get3A_776 = vector.shape_cast %get3A_775 : vector<1x16xf32> to vector<16xf32>
          %add3A_777 = arith.addf %get3A_772, %get3A_776 : vector<16xf32>
          %max3A_778 = arith.constant 0.000000e+00 : f32
          %max3A_779 = vector.broadcast %max3A_778 : f32 to vector<16xf32>
          %max3A_780 = arith.maximumf %add3A_777, %max3A_779 : vector<16xf32>
          %swap3A_781 = arith.index_cast %add3A_735 : i32 to index
          %swap3A_782 = arith.constant 32 : index
          %swap3A_783 = tpu.vector_load %arg9[%swap3A_781, %swap3A_782] {strides = array<i32>} : memref<80x128xf32, #tpu.memory_space<vmem>>, vector<1x16xf32>,
          %swap3A_784 = vector.shape_cast %swap3A_783 : vector<1x16xf32> to vector<16xf32>
          %swap3A_785 = vector.shape_cast %max3A_780 : vector<16xf32> to vector<1x16xf32>
          tpu.vector_store %arg9[%swap3A_781, %swap3A_782], %swap3A_785 {strides = array<i32>} : memref<80x128xf32, #tpu.memory_space<vmem>>, vector<1x16xf32>,
          %get3A_786 = arith.index_cast %add3A_735 : i32 to index
          %get3A_787 = arith.constant 48 : index
          %get3A_788 = tpu.vector_load %arg7[%get3A_786, %get3A_787] {strides = array<i32>} : memref<80x128xf32, #tpu.memory_space<vmem>>, vector<1x16xf32>,
          %get3A_789 = vector.shape_cast %get3A_788 : vector<1x16xf32> to vector<16xf32>
          %get3A_790 = arith.index_cast %add3A_735 : i32 to index
          %get3A_791 = arith.constant 48 : index
          %get3A_792 = tpu.vector_load %arg9[%get3A_790, %get3A_791] {strides = array<i32>} : memref<80x128xf32, #tpu.memory_space<vmem>>, vector<1x16xf32>,
          %get3A_793 = vector.shape_cast %get3A_792 : vector<1x16xf32> to vector<16xf32>
          %add3A_794 = arith.addf %get3A_789, %get3A_793 : vector<16xf32>
          %max3A_795 = arith.constant 0.000000e+00 : f32
          %max3A_796 = vector.broadcast %max3A_795 : f32 to vector<16xf32>
          %max3A_797 = arith.maximumf %add3A_794, %max3A_796 : vector<16xf32>
          %swap3A_798 = arith.index_cast %add3A_735 : i32 to index
          %swap3A_799 = arith.constant 48 : index
          %swap3A_800 = tpu.vector_load %arg9[%swap3A_798, %swap3A_799] {strides = array<i32>} : memref<80x128xf32, #tpu.memory_space<vmem>>, vector<1x16xf32>,
          %swap3A_801 = vector.shape_cast %swap3A_800 : vector<1x16xf32> to vector<16xf32>
          %swap3A_802 = vector.shape_cast %max3A_797 : vector<16xf32> to vector<1x16xf32>
          tpu.vector_store %arg9[%swap3A_798, %swap3A_799], %swap3A_802 {strides = array<i32>} : memref<80x128xf32, #tpu.memory_space<vmem>>, vector<1x16xf32>,
          %get3A_803 = arith.index_cast %add3A_735 : i32 to index
          %get3A_804 = arith.constant 64 : index
          %get3A_805 = tpu.vector_load %arg7[%get3A_803, %get3A_804] {strides = array<i32>} : memref<80x128xf32, #tpu.memory_space<vmem>>, vector<1x16xf32>,
          %get3A_806 = vector.shape_cast %get3A_805 : vector<1x16xf32> to vector<16xf32>
          %get3A_807 = arith.index_cast %add3A_735 : i32 to index
          %get3A_808 = arith.constant 64 : index
          %get3A_809 = tpu.vector_load %arg9[%get3A_807, %get3A_808] {strides = array<i32>} : memref<80x128xf32, #tpu.memory_space<vmem>>, vector<1x16xf32>,
          %get3A_810 = vector.shape_cast %get3A_809 : vector<1x16xf32> to vector<16xf32>
          %add3A_811 = arith.addf %get3A_806, %get3A_810 : vector<16xf32>
          %max3A_812 = arith.constant 0.000000e+00 : f32
          %max3A_813 = vector.broadcast %max3A_812 : f32 to vector<16xf32>
          %max3A_814 = arith.maximumf %add3A_811, %max3A_813 : vector<16xf32>
          %swap3A_815 = arith.index_cast %add3A_735 : i32 to index
          %swap3A_816 = arith.constant 64 : index
          %swap3A_817 = tpu.vector_load %arg9[%swap3A_815, %swap3A_816] {strides = array<i32>} : memref<80x128xf32, #tpu.memory_space<vmem>>, vector<1x16xf32>,
          %swap3A_818 = vector.shape_cast %swap3A_817 : vector<1x16xf32> to vector<16xf32>
          %swap3A_819 = vector.shape_cast %max3A_814 : vector<16xf32> to vector<1x16xf32>
          tpu.vector_store %arg9[%swap3A_815, %swap3A_816], %swap3A_819 {strides = array<i32>} : memref<80x128xf32, #tpu.memory_space<vmem>>, vector<1x16xf32>,
          %get3A_820 = arith.index_cast %add3A_735 : i32 to index
          %get3A_821 = arith.constant 80 : index
          %get3A_822 = tpu.vector_load %arg7[%get3A_820, %get3A_821] {strides = array<i32>} : memref<80x128xf32, #tpu.memory_space<vmem>>, vector<1x16xf32>,
          %get3A_823 = vector.shape_cast %get3A_822 : vector<1x16xf32> to vector<16xf32>
          %get3A_824 = arith.index_cast %add3A_735 : i32 to index
          %get3A_825 = arith.constant 80 : index
          %get3A_826 = tpu.vector_load %arg9[%get3A_824, %get3A_825] {strides = array<i32>} : memref<80x128xf32, #tpu.memory_space<vmem>>, vector<1x16xf32>,
          %get3A_827 = vector.shape_cast %get3A_826 : vector<1x16xf32> to vector<16xf32>
          %add3A_828 = arith.addf %get3A_823, %get3A_827 : vector<16xf32>
          %max3A_829 = arith.constant 0.000000e+00 : f32
          %max3A_830 = vector.broadcast %max3A_829 : f32 to vector<16xf32>
          %max3A_831 = arith.maximumf %add3A_828, %max3A_830 : vector<16xf32>
          %swap3A_832 = arith.index_cast %add3A_735 : i32 to index
          %swap3A_833 = arith.constant 80 : index
          %swap3A_834 = tpu.vector_load %arg9[%swap3A_832, %swap3A_833] {strides = array<i32>} : memref<80x128xf32, #tpu.memory_space<vmem>>, vector<1x16xf32>,
          %swap3A_835 = vector.shape_cast %swap3A_834 : vector<1x16xf32> to vector<16xf32>
          %swap3A_836 = vector.shape_cast %max3A_831 : vector<16xf32> to vector<1x16xf32>
          tpu.vector_store %arg9[%swap3A_832, %swap3A_833], %swap3A_836 {strides = array<i32>} : memref<80x128xf32, #tpu.memory_space<vmem>>, vector<1x16xf32>,
          %get3A_837 = arith.index_cast %add3A_735 : i32 to index
          %get3A_838 = arith.constant 96 : index
          %get3A_839 = tpu.vector_load %arg7[%get3A_837, %get3A_838] {strides = array<i32>} : memref<80x128xf32, #tpu.memory_space<vmem>>, vector<1x16xf32>,
          %get3A_840 = vector.shape_cast %get3A_839 : vector<1x16xf32> to vector<16xf32>
          %get3A_841 = arith.index_cast %add3A_735 : i32 to index
          %get3A_842 = arith.constant 96 : index
          %get3A_843 = tpu.vector_load %arg9[%get3A_841, %get3A_842] {strides = array<i32>} : memref<80x128xf32, #tpu.memory_space<vmem>>, vector<1x16xf32>,
          %get3A_844 = vector.shape_cast %get3A_843 : vector<1x16xf32> to vector<16xf32>
          %add3A_845 = arith.addf %get3A_840, %get3A_844 : vector<16xf32>
          %max3A_846 = arith.constant 0.000000e+00 : f32
          %max3A_847 = vector.broadcast %max3A_846 : f32 to vector<16xf32>
          %max3A_848 = arith.maximumf %add3A_845, %max3A_847 : vector<16xf32>
          %swap3A_849 = arith.index_cast %add3A_735 : i32 to index
          %swap3A_850 = arith.constant 96 : index
          %swap3A_851 = tpu.vector_load %arg9[%swap3A_849, %swap3A_850] {strides = array<i32>} : memref<80x128xf32, #tpu.memory_space<vmem>>, vector<1x16xf32>,
          %swap3A_852 = vector.shape_cast %swap3A_851 : vector<1x16xf32> to vector<16xf32>
          %swap3A_853 = vector.shape_cast %max3A_848 : vector<16xf32> to vector<1x16xf32>
          tpu.vector_store %arg9[%swap3A_849, %swap3A_850], %swap3A_853 {strides = array<i32>} : memref<80x128xf32, #tpu.memory_space<vmem>>, vector<1x16xf32>,
          %get3A_854 = arith.index_cast %add3A_735 : i32 to index
          %get3A_855 = arith.constant 112 : index
          %get3A_856 = tpu.vector_load %arg7[%get3A_854, %get3A_855] {strides = array<i32>} : memref<80x128xf32, #tpu.memory_space<vmem>>, vector<1x16xf32>,
          %get3A_857 = vector.shape_cast %get3A_856 : vector<1x16xf32> to vector<16xf32>
          %get3A_858 = arith.index_cast %add3A_735 : i32 to index
          %get3A_859 = arith.constant 112 : index
          %get3A_860 = tpu.vector_load %arg9[%get3A_858, %get3A_859] {strides = array<i32>} : memref<80x128xf32, #tpu.memory_space<vmem>>, vector<1x16xf32>,
          %get3A_861 = vector.shape_cast %get3A_860 : vector<1x16xf32> to vector<16xf32>
          %add3A_862 = arith.addf %get3A_857, %get3A_861 : vector<16xf32>
          %max3A_863 = arith.constant 0.000000e+00 : f32
          %max3A_864 = vector.broadcast %max3A_863 : f32 to vector<16xf32>
          %max3A_865 = arith.maximumf %add3A_862, %max3A_864 : vector<16xf32>
          %swap3A_866 = arith.index_cast %add3A_735 : i32 to index
          %swap3A_867 = arith.constant 112 : index
          %swap3A_868 = tpu.vector_load %arg9[%swap3A_866, %swap3A_867] {strides = array<i32>} : memref<80x128xf32, #tpu.memory_space<vmem>>, vector<1x16xf32>,
          %swap3A_869 = vector.shape_cast %swap3A_868 : vector<1x16xf32> to vector<16xf32>
          %swap3A_870 = vector.shape_cast %max3A_865 : vector<16xf32> to vector<1x16xf32>
          tpu.vector_store %arg9[%swap3A_866, %swap3A_867], %swap3A_870 {strides = array<i32>} : memref<80x128xf32, #tpu.memory_space<vmem>>, vector<1x16xf32>,
          %mul3A_871 = arith.constant 4 : i32
          %mul3A_872 = arith.muli %scan3A_730, %mul3A_871 : i32
          %add3A_873 = arith.constant 1 : i32
          %add3A_874 = arith.addi %mul3A_872, %add3A_873 : i32
          %get3A_875 = arith.index_cast %add3A_874 : i32 to index
          %get3A_876 = arith.constant 0 : index
          %get3A_877 = tpu.vector_load %arg7[%get3A_875, %get3A_876] {strides = array<i32>} : memref<80x128xf32, #tpu.memory_space<vmem>>, vector<1x16xf32>,
          %get3A_878 = vector.shape_cast %get3A_877 : vector<1x16xf32> to vector<16xf32>
          %get3A_879 = arith.index_cast %add3A_874 : i32 to index
          %get3A_880 = arith.constant 0 : index
          %get3A_881 = tpu.vector_load %arg9[%get3A_879, %get3A_880] {strides = array<i32>} : memref<80x128xf32, #tpu.memory_space<vmem>>, vector<1x16xf32>,
          %get3A_882 = vector.shape_cast %get3A_881 : vector<1x16xf32> to vector<16xf32>
          %add3A_883 = arith.addf %get3A_878, %get3A_882 : vector<16xf32>
          %max3A_884 = arith.constant 0.000000e+00 : f32
          %max3A_885 = vector.broadcast %max3A_884 : f32 to vector<16xf32>
          %max3A_886 = arith.maximumf %add3A_883, %max3A_885 : vector<16xf32>
          %swap3A_887 = arith.index_cast %add3A_874 : i32 to index
          %swap3A_888 = arith.constant 0 : index
          %swap3A_889 = tpu.vector_load %arg9[%swap3A_887, %swap3A_888] {strides = array<i32>} : memref<80x128xf32, #tpu.memory_space<vmem>>, vector<1x16xf32>,
          %swap3A_890 = vector.shape_cast %swap3A_889 : vector<1x16xf32> to vector<16xf32>
          %swap3A_891 = vector.shape_cast %max3A_886 : vector<16xf32> to vector<1x16xf32>
          tpu.vector_store %arg9[%swap3A_887, %swap3A_888], %swap3A_891 {strides = array<i32>} : memref<80x128xf32, #tpu.memory_space<vmem>>, vector<1x16xf32>,
          %get3A_892 = arith.index_cast %add3A_874 : i32 to index
          %get3A_893 = arith.constant 16 : index
          %get3A_894 = tpu.vector_load %arg7[%get3A_892, %get3A_893] {strides = array<i32>} : memref<80x128xf32, #tpu.memory_space<vmem>>, vector<1x16xf32>,
          %get3A_895 = vector.shape_cast %get3A_894 : vector<1x16xf32> to vector<16xf32>
          %get3A_896 = arith.index_cast %add3A_874 : i32 to index
          %get3A_897 = arith.constant 16 : index
          %get3A_898 = tpu.vector_load %arg9[%get3A_896, %get3A_897] {strides = array<i32>} : memref<80x128xf32, #tpu.memory_space<vmem>>, vector<1x16xf32>,
          %get3A_899 = vector.shape_cast %get3A_898 : vector<1x16xf32> to vector<16xf32>
          %add3A_900 = arith.addf %get3A_895, %get3A_899 : vector<16xf32>
          %max3A_901 = arith.constant 0.000000e+00 : f32
          %max3A_902 = vector.broadcast %max3A_901 : f32 to vector<16xf32>
          %max3A_903 = arith.maximumf %add3A_900, %max3A_902 : vector<16xf32>
          %swap3A_904 = arith.index_cast %add3A_874 : i32 to index
          %swap3A_905 = arith.constant 16 : index
          %swap3A_906 = tpu.vector_load %arg9[%swap3A_904, %swap3A_905] {strides = array<i32>} : memref<80x128xf32, #tpu.memory_space<vmem>>, vector<1x16xf32>,
          %swap3A_907 = vector.shape_cast %swap3A_906 : vector<1x16xf32> to vector<16xf32>
          %swap3A_908 = vector.shape_cast %max3A_903 : vector<16xf32> to vector<1x16xf32>
          tpu.vector_store %arg9[%swap3A_904, %swap3A_905], %swap3A_908 {strides = array<i32>} : memref<80x128xf32, #tpu.memory_space<vmem>>, vector<1x16xf32>,
          %get3A_909 = arith.index_cast %add3A_874 : i32 to index
          %get3A_910 = arith.constant 32 : index
          %get3A_911 = tpu.vector_load %arg7[%get3A_909, %get3A_910] {strides = array<i32>} : memref<80x128xf32, #tpu.memory_space<vmem>>, vector<1x16xf32>,
          %get3A_912 = vector.shape_cast %get3A_911 : vector<1x16xf32> to vector<16xf32>
          %get3A_913 = arith.index_cast %add3A_874 : i32 to index
          %get3A_914 = arith.constant 32 : index
          %get3A_915 = tpu.vector_load %arg9[%get3A_913, %get3A_914] {strides = array<i32>} : memref<80x128xf32, #tpu.memory_space<vmem>>, vector<1x16xf32>,
          %get3A_916 = vector.shape_cast %get3A_915 : vector<1x16xf32> to vector<16xf32>
          %add3A_917 = arith.addf %get3A_912, %get3A_916 : vector<16xf32>
          %max3A_918 = arith.constant 0.000000e+00 : f32
          %max3A_919 = vector.broadcast %max3A_918 : f32 to vector<16xf32>
          %max3A_920 = arith.maximumf %add3A_917, %max3A_919 : vector<16xf32>
          %swap3A_921 = arith.index_cast %add3A_874 : i32 to index
          %swap3A_922 = arith.constant 32 : index
          %swap3A_923 = tpu.vector_load %arg9[%swap3A_921, %swap3A_922] {strides = array<i32>} : memref<80x128xf32, #tpu.memory_space<vmem>>, vector<1x16xf32>,
          %swap3A_924 = vector.shape_cast %swap3A_923 : vector<1x16xf32> to vector<16xf32>
          %swap3A_925 = vector.shape_cast %max3A_920 : vector<16xf32> to vector<1x16xf32>
          tpu.vector_store %arg9[%swap3A_921, %swap3A_922], %swap3A_925 {strides = array<i32>} : memref<80x128xf32, #tpu.memory_space<vmem>>, vector<1x16xf32>,
          %get3A_926 = arith.index_cast %add3A_874 : i32 to index
          %get3A_927 = arith.constant 48 : index
          %get3A_928 = tpu.vector_load %arg7[%get3A_926, %get3A_927] {strides = array<i32>} : memref<80x128xf32, #tpu.memory_space<vmem>>, vector<1x16xf32>,
          %get3A_929 = vector.shape_cast %get3A_928 : vector<1x16xf32> to vector<16xf32>
          %get3A_930 = arith.index_cast %add3A_874 : i32 to index
          %get3A_931 = arith.constant 48 : index
          %get3A_932 = tpu.vector_load %arg9[%get3A_930, %get3A_931] {strides = array<i32>} : memref<80x128xf32, #tpu.memory_space<vmem>>, vector<1x16xf32>,
          %get3A_933 = vector.shape_cast %get3A_932 : vector<1x16xf32> to vector<16xf32>
          %add3A_934 = arith.addf %get3A_929, %get3A_933 : vector<16xf32>
          %max3A_935 = arith.constant 0.000000e+00 : f32
          %max3A_936 = vector.broadcast %max3A_935 : f32 to vector<16xf32>
          %max3A_937 = arith.maximumf %add3A_934, %max3A_936 : vector<16xf32>
          %swap3A_938 = arith.index_cast %add3A_874 : i32 to index
          %swap3A_939 = arith.constant 48 : index
          %swap3A_940 = tpu.vector_load %arg9[%swap3A_938, %swap3A_939] {strides = array<i32>} : memref<80x128xf32, #tpu.memory_space<vmem>>, vector<1x16xf32>,
          %swap3A_941 = vector.shape_cast %swap3A_940 : vector<1x16xf32> to vector<16xf32>
          %swap3A_942 = vector.shape_cast %max3A_937 : vector<16xf32> to vector<1x16xf32>
          tpu.vector_store %arg9[%swap3A_938, %swap3A_939], %swap3A_942 {strides = array<i32>} : memref<80x128xf32, #tpu.memory_space<vmem>>, vector<1x16xf32>,
          %get3A_943 = arith.index_cast %add3A_874 : i32 to index
          %get3A_944 = arith.constant 64 : index
          %get3A_945 = tpu.vector_load %arg7[%get3A_943, %get3A_944] {strides = array<i32>} : memref<80x128xf32, #tpu.memory_space<vmem>>, vector<1x16xf32>,
          %get3A_946 = vector.shape_cast %get3A_945 : vector<1x16xf32> to vector<16xf32>
          %get3A_947 = arith.index_cast %add3A_874 : i32 to index
          %get3A_948 = arith.constant 64 : index
          %get3A_949 = tpu.vector_load %arg9[%get3A_947, %get3A_948] {strides = array<i32>} : memref<80x128xf32, #tpu.memory_space<vmem>>, vector<1x16xf32>,
          %get3A_950 = vector.shape_cast %get3A_949 : vector<1x16xf32> to vector<16xf32>
          %add3A_951 = arith.addf %get3A_946, %get3A_950 : vector<16xf32>
          %max3A_952 = arith.constant 0.000000e+00 : f32
          %max3A_953 = vector.broadcast %max3A_952 : f32 to vector<16xf32>
          %max3A_954 = arith.maximumf %add3A_951, %max3A_953 : vector<16xf32>
          %swap3A_955 = arith.index_cast %add3A_874 : i32 to index
          %swap3A_956 = arith.constant 64 : index
          %swap3A_957 = tpu.vector_load %arg9[%swap3A_955, %swap3A_956] {strides = array<i32>} : memref<80x128xf32, #tpu.memory_space<vmem>>, vector<1x16xf32>,
          %swap3A_958 = vector.shape_cast %swap3A_957 : vector<1x16xf32> to vector<16xf32>
          %swap3A_959 = vector.shape_cast %max3A_954 : vector<16xf32> to vector<1x16xf32>
          tpu.vector_store %arg9[%swap3A_955, %swap3A_956], %swap3A_959 {strides = array<i32>} : memref<80x128xf32, #tpu.memory_space<vmem>>, vector<1x16xf32>,
          %get3A_960 = arith.index_cast %add3A_874 : i32 to index
          %get3A_961 = arith.constant 80 : index
          %get3A_962 = tpu.vector_load %arg7[%get3A_960, %get3A_961] {strides = array<i32>} : memref<80x128xf32, #tpu.memory_space<vmem>>, vector<1x16xf32>,
          %get3A_963 = vector.shape_cast %get3A_962 : vector<1x16xf32> to vector<16xf32>
          %get3A_964 = arith.index_cast %add3A_874 : i32 to index
          %get3A_965 = arith.constant 80 : index
          %get3A_966 = tpu.vector_load %arg9[%get3A_964, %get3A_965] {strides = array<i32>} : memref<80x128xf32, #tpu.memory_space<vmem>>, vector<1x16xf32>,
          %get3A_967 = vector.shape_cast %get3A_966 : vector<1x16xf32> to vector<16xf32>
          %add3A_968 = arith.addf %get3A_963, %get3A_967 : vector<16xf32>
          %max3A_969 = arith.constant 0.000000e+00 : f32
          %max3A_970 = vector.broadcast %max3A_969 : f32 to vector<16xf32>
          %max3A_971 = arith.maximumf %add3A_968, %max3A_970 : vector<16xf32>
          %swap3A_972 = arith.index_cast %add3A_874 : i32 to index
          %swap3A_973 = arith.constant 80 : index
          %swap3A_974 = tpu.vector_load %arg9[%swap3A_972, %swap3A_973] {strides = array<i32>} : memref<80x128xf32, #tpu.memory_space<vmem>>, vector<1x16xf32>,
          %swap3A_975 = vector.shape_cast %swap3A_974 : vector<1x16xf32> to vector<16xf32>
          %swap3A_976 = vector.shape_cast %max3A_971 : vector<16xf32> to vector<1x16xf32>
          tpu.vector_store %arg9[%swap3A_972, %swap3A_973], %swap3A_976 {strides = array<i32>} : memref<80x128xf32, #tpu.memory_space<vmem>>, vector<1x16xf32>,
          %get3A_977 = arith.index_cast %add3A_874 : i32 to index
          %get3A_978 = arith.constant 96 : index
          %get3A_979 = tpu.vector_load %arg7[%get3A_977, %get3A_978] {strides = array<i32>} : memref<80x128xf32, #tpu.memory_space<vmem>>, vector<1x16xf32>,
          %get3A_980 = vector.shape_cast %get3A_979 : vector<1x16xf32> to vector<16xf32>
          %get3A_981 = arith.index_cast %add3A_874 : i32 to index
          %get3A_982 = arith.constant 96 : index
          %get3A_983 = tpu.vector_load %arg9[%get3A_981, %get3A_982] {strides = array<i32>} : memref<80x128xf32, #tpu.memory_space<vmem>>, vector<1x16xf32>,
          %get3A_984 = vector.shape_cast %get3A_983 : vector<1x16xf32> to vector<16xf32>
          %add3A_985 = arith.addf %get3A_980, %get3A_984 : vector<16xf32>
          %max3A_986 = arith.constant 0.000000e+00 : f32
          %max3A_987 = vector.broadcast %max3A_986 : f32 to vector<16xf32>
          %max3A_988 = arith.maximumf %add3A_985, %max3A_987 : vector<16xf32>
          %swap3A_989 = arith.index_cast %add3A_874 : i32 to index
          %swap3A_990 = arith.constant 96 : index
          %swap3A_991 = tpu.vector_load %arg9[%swap3A_989, %swap3A_990] {strides = array<i32>} : memref<80x128xf32, #tpu.memory_space<vmem>>, vector<1x16xf32>,
          %swap3A_992 = vector.shape_cast %swap3A_991 : vector<1x16xf32> to vector<16xf32>
          %swap3A_993 = vector.shape_cast %max3A_988 : vector<16xf32> to vector<1x16xf32>
          tpu.vector_store %arg9[%swap3A_989, %swap3A_990], %swap3A_993 {strides = array<i32>} : memref<80x128xf32, #tpu.memory_space<vmem>>, vector<1x16xf32>,
          %get3A_994 = arith.index_cast %add3A_874 : i32 to index
          %get3A_995 = arith.constant 112 : index
          %get3A_996 = tpu.vector_load %arg7[%get3A_994, %get3A_995] {strides = array<i32>} : memref<80x128xf32, #tpu.memory_space<vmem>>, vector<1x16xf32>,
          %get3A_997 = vector.shape_cast %get3A_996 : vector<1x16xf32> to vector<16xf32>
          %get3A_998 = arith.index_cast %add3A_874 : i32 to index
          %get3A_999 = arith.constant 112 : index
          %get3A_1000 = tpu.vector_load %arg9[%get3A_998, %get3A_999] {strides = array<i32>} : memref<80x128xf32, #tpu.memory_space<vmem>>, vector<1x16xf32>,
          %get3A_1001 = vector.shape_cast %get3A_1000 : vector<1x16xf32> to vector<16xf32>
          %add3A_1002 = arith.addf %get3A_997, %get3A_1001 : vector<16xf32>
          %max3A_1003 = arith.constant 0.000000e+00 : f32
          %max3A_1004 = vector.broadcast %max3A_1003 : f32 to vector<16xf32>
          %max3A_1005 = arith.maximumf %add3A_1002, %max3A_1004 : vector<16xf32>
          %swap3A_1006 = arith.index_cast %add3A_874 : i32 to index
          %swap3A_1007 = arith.constant 112 : index
          %swap3A_1008 = tpu.vector_load %arg9[%swap3A_1006, %swap3A_1007] {strides = array<i32>} : memref<80x128xf32, #tpu.memory_space<vmem>>, vector<1x16xf32>,
          %swap3A_1009 = vector.shape_cast %swap3A_1008 : vector<1x16xf32> to vector<16xf32>
          %swap3A_1010 = vector.shape_cast %max3A_1005 : vector<16xf32> to vector<1x16xf32>
          tpu.vector_store %arg9[%swap3A_1006, %swap3A_1007], %swap3A_1010 {strides = array<i32>} : memref<80x128xf32, #tpu.memory_space<vmem>>, vector<1x16xf32>,
          %mul3A_1011 = arith.constant 4 : i32
          %mul3A_1012 = arith.muli %scan3A_730, %mul3A_1011 : i32
          %add3A_1013 = arith.constant 2 : i32
          %add3A_1014 = arith.addi %mul3A_1012, %add3A_1013 : i32
          %get3A_1015 = arith.index_cast %add3A_1014 : i32 to index
          %get3A_1016 = arith.constant 0 : index
          %get3A_1017 = tpu.vector_load %arg7[%get3A_1015, %get3A_1016] {strides = array<i32>} : memref<80x128xf32, #tpu.memory_space<vmem>>, vector<1x16xf32>,
          %get3A_1018 = vector.shape_cast %get3A_1017 : vector<1x16xf32> to vector<16xf32>
          %get3A_1019 = arith.index_cast %add3A_1014 : i32 to index
          %get3A_1020 = arith.constant 0 : index
          %get3A_1021 = tpu.vector_load %arg9[%get3A_1019, %get3A_1020] {strides = array<i32>} : memref<80x128xf32, #tpu.memory_space<vmem>>, vector<1x16xf32>,
          %get3A_1022 = vector.shape_cast %get3A_1021 : vector<1x16xf32> to vector<16xf32>
          %add3A_1023 = arith.addf %get3A_1018, %get3A_1022 : vector<16xf32>
          %max3A_1024 = arith.constant 0.000000e+00 : f32
          %max3A_1025 = vector.broadcast %max3A_1024 : f32 to vector<16xf32>
          %max3A_1026 = arith.maximumf %add3A_1023, %max3A_1025 : vector<16xf32>
          %swap3A_1027 = arith.index_cast %add3A_1014 : i32 to index
          %swap3A_1028 = arith.constant 0 : index
          %swap3A_1029 = tpu.vector_load %arg9[%swap3A_1027, %swap3A_1028] {strides = array<i32>} : memref<80x128xf32, #tpu.memory_space<vmem>>, vector<1x16xf32>,
          %swap3A_1030 = vector.shape_cast %swap3A_1029 : vector<1x16xf32> to vector<16xf32>
          %swap3A_1031 = vector.shape_cast %max3A_1026 : vector<16xf32> to vector<1x16xf32>
          tpu.vector_store %arg9[%swap3A_1027, %swap3A_1028], %swap3A_1031 {strides = array<i32>} : memref<80x128xf32, #tpu.memory_space<vmem>>, vector<1x16xf32>,
          %get3A_1032 = arith.index_cast %add3A_1014 : i32 to index
          %get3A_1033 = arith.constant 16 : index
          %get3A_1034 = tpu.vector_load %arg7[%get3A_1032, %get3A_1033] {strides = array<i32>} : memref<80x128xf32, #tpu.memory_space<vmem>>, vector<1x16xf32>,
          %get3A_1035 = vector.shape_cast %get3A_1034 : vector<1x16xf32> to vector<16xf32>
          %get3A_1036 = arith.index_cast %add3A_1014 : i32 to index
          %get3A_1037 = arith.constant 16 : index
          %get3A_1038 = tpu.vector_load %arg9[%get3A_1036, %get3A_1037] {strides = array<i32>} : memref<80x128xf32, #tpu.memory_space<vmem>>, vector<1x16xf32>,
          %get3A_1039 = vector.shape_cast %get3A_1038 : vector<1x16xf32> to vector<16xf32>
          %add3A_1040 = arith.addf %get3A_1035, %get3A_1039 : vector<16xf32>
          %max3A_1041 = arith.constant 0.000000e+00 : f32
          %max3A_1042 = vector.broadcast %max3A_1041 : f32 to vector<16xf32>
          %max3A_1043 = arith.maximumf %add3A_1040, %max3A_1042 : vector<16xf32>
          %swap3A_1044 = arith.index_cast %add3A_1014 : i32 to index
          %swap3A_1045 = arith.constant 16 : index
          %swap3A_1046 = tpu.vector_load %arg9[%swap3A_1044, %swap3A_1045] {strides = array<i32>} : memref<80x128xf32, #tpu.memory_space<vmem>>, vector<1x16xf32>,
          %swap3A_1047 = vector.shape_cast %swap3A_1046 : vector<1x16xf32> to vector<16xf32>
          %swap3A_1048 = vector.shape_cast %max3A_1043 : vector<16xf32> to vector<1x16xf32>
          tpu.vector_store %arg9[%swap3A_1044, %swap3A_1045], %swap3A_1048 {strides = array<i32>} : memref<80x128xf32, #tpu.memory_space<vmem>>, vector<1x16xf32>,
          %get3A_1049 = arith.index_cast %add3A_1014 : i32 to index
          %get3A_1050 = arith.constant 32 : index
          %get3A_1051 = tpu.vector_load %arg7[%get3A_1049, %get3A_1050] {strides = array<i32>} : memref<80x128xf32, #tpu.memory_space<vmem>>, vector<1x16xf32>,
          %get3A_1052 = vector.shape_cast %get3A_1051 : vector<1x16xf32> to vector<16xf32>
          %get3A_1053 = arith.index_cast %add3A_1014 : i32 to index
          %get3A_1054 = arith.constant 32 : index
          %get3A_1055 = tpu.vector_load %arg9[%get3A_1053, %get3A_1054] {strides = array<i32>} : memref<80x128xf32, #tpu.memory_space<vmem>>, vector<1x16xf32>,
          %get3A_1056 = vector.shape_cast %get3A_1055 : vector<1x16xf32> to vector<16xf32>
          %add3A_1057 = arith.addf %get3A_1052, %get3A_1056 : vector<16xf32>
          %max3A_1058 = arith.constant 0.000000e+00 : f32
          %max3A_1059 = vector.broadcast %max3A_1058 : f32 to vector<16xf32>
          %max3A_1060 = arith.maximumf %add3A_1057, %max3A_1059 : vector<16xf32>
          %swap3A_1061 = arith.index_cast %add3A_1014 : i32 to index
          %swap3A_1062 = arith.constant 32 : index
          %swap3A_1063 = tpu.vector_load %arg9[%swap3A_1061, %swap3A_1062] {strides = array<i32>} : memref<80x128xf32, #tpu.memory_space<vmem>>, vector<1x16xf32>,
          %swap3A_1064 = vector.shape_cast %swap3A_1063 : vector<1x16xf32> to vector<16xf32>
          %swap3A_1065 = vector.shape_cast %max3A_1060 : vector<16xf32> to vector<1x16xf32>
          tpu.vector_store %arg9[%swap3A_1061, %swap3A_1062], %swap3A_1065 {strides = array<i32>} : memref<80x128xf32, #tpu.memory_space<vmem>>, vector<1x16xf32>,
          %get3A_1066 = arith.index_cast %add3A_1014 : i32 to index
          %get3A_1067 = arith.constant 48 : index
          %get3A_1068 = tpu.vector_load %arg7[%get3A_1066, %get3A_1067] {strides = array<i32>} : memref<80x128xf32, #tpu.memory_space<vmem>>, vector<1x16xf32>,
          %get3A_1069 = vector.shape_cast %get3A_1068 : vector<1x16xf32> to vector<16xf32>
          %get3A_1070 = arith.index_cast %add3A_1014 : i32 to index
          %get3A_1071 = arith.constant 48 : index
          %get3A_1072 = tpu.vector_load %arg9[%get3A_1070, %get3A_1071] {strides = array<i32>} : memref<80x128xf32, #tpu.memory_space<vmem>>, vector<1x16xf32>,
          %get3A_1073 = vector.shape_cast %get3A_1072 : vector<1x16xf32> to vector<16xf32>
          %add3A_1074 = arith.addf %get3A_1069, %get3A_1073 : vector<16xf32>
          %max3A_1075 = arith.constant 0.000000e+00 : f32
          %max3A_1076 = vector.broadcast %max3A_1075 : f32 to vector<16xf32>
          %max3A_1077 = arith.maximumf %add3A_1074, %max3A_1076 : vector<16xf32>
          %swap3A_1078 = arith.index_cast %add3A_1014 : i32 to index
          %swap3A_1079 = arith.constant 48 : index
          %swap3A_1080 = tpu.vector_load %arg9[%swap3A_1078, %swap3A_1079] {strides = array<i32>} : memref<80x128xf32, #tpu.memory_space<vmem>>, vector<1x16xf32>,
          %swap3A_1081 = vector.shape_cast %swap3A_1080 : vector<1x16xf32> to vector<16xf32>
          %swap3A_1082 = vector.shape_cast %max3A_1077 : vector<16xf32> to vector<1x16xf32>
          tpu.vector_store %arg9[%swap3A_1078, %swap3A_1079], %swap3A_1082 {strides = array<i32>} : memref<80x128xf32, #tpu.memory_space<vmem>>, vector<1x16xf32>,
          %get3A_1083 = arith.index_cast %add3A_1014 : i32 to index
          %get3A_1084 = arith.constant 64 : index
          %get3A_1085 = tpu.vector_load %arg7[%get3A_1083, %get3A_1084] {strides = array<i32>} : memref<80x128xf32, #tpu.memory_space<vmem>>, vector<1x16xf32>,
          %get3A_1086 = vector.shape_cast %get3A_1085 : vector<1x16xf32> to vector<16xf32>
          %get3A_1087 = arith.index_cast %add3A_1014 : i32 to index
          %get3A_1088 = arith.constant 64 : index
          %get3A_1089 = tpu.vector_load %arg9[%get3A_1087, %get3A_1088] {strides = array<i32>} : memref<80x128xf32, #tpu.memory_space<vmem>>, vector<1x16xf32>,
          %get3A_1090 = vector.shape_cast %get3A_1089 : vector<1x16xf32> to vector<16xf32>
          %add3A_1091 = arith.addf %get3A_1086, %get3A_1090 : vector<16xf32>
          %max3A_1092 = arith.constant 0.000000e+00 : f32
          %max3A_1093 = vector.broadcast %max3A_1092 : f32 to vector<16xf32>
          %max3A_1094 = arith.maximumf %add3A_1091, %max3A_1093 : vector<16xf32>
          %swap3A_1095 = arith.index_cast %add3A_1014 : i32 to index
          %swap3A_1096 = arith.constant 64 : index
          %swap3A_1097 = tpu.vector_load %arg9[%swap3A_1095, %swap3A_1096] {strides = array<i32>} : memref<80x128xf32, #tpu.memory_space<vmem>>, vector<1x16xf32>,
          %swap3A_1098 = vector.shape_cast %swap3A_1097 : vector<1x16xf32> to vector<16xf32>
          %swap3A_1099 = vector.shape_cast %max3A_1094 : vector<16xf32> to vector<1x16xf32>
          tpu.vector_store %arg9[%swap3A_1095, %swap3A_1096], %swap3A_1099 {strides = array<i32>} : memref<80x128xf32, #tpu.memory_space<vmem>>, vector<1x16xf32>,
          %get3A_1100 = arith.index_cast %add3A_1014 : i32 to index
          %get3A_1101 = arith.constant 80 : index
          %get3A_1102 = tpu.vector_load %arg7[%get3A_1100, %get3A_1101] {strides = array<i32>} : memref<80x128xf32, #tpu.memory_space<vmem>>, vector<1x16xf32>,
          %get3A_1103 = vector.shape_cast %get3A_1102 : vector<1x16xf32> to vector<16xf32>
          %get3A_1104 = arith.index_cast %add3A_1014 : i32 to index
          %get3A_1105 = arith.constant 80 : index
          %get3A_1106 = tpu.vector_load %arg9[%get3A_1104, %get3A_1105] {strides = array<i32>} : memref<80x128xf32, #tpu.memory_space<vmem>>, vector<1x16xf32>,
          %get3A_1107 = vector.shape_cast %get3A_1106 : vector<1x16xf32> to vector<16xf32>
          %add3A_1108 = arith.addf %get3A_1103, %get3A_1107 : vector<16xf32>
          %max3A_1109 = arith.constant 0.000000e+00 : f32
          %max3A_1110 = vector.broadcast %max3A_1109 : f32 to vector<16xf32>
          %max3A_1111 = arith.maximumf %add3A_1108, %max3A_1110 : vector<16xf32>
          %swap3A_1112 = arith.index_cast %add3A_1014 : i32 to index
          %swap3A_1113 = arith.constant 80 : index
          %swap3A_1114 = tpu.vector_load %arg9[%swap3A_1112, %swap3A_1113] {strides = array<i32>} : memref<80x128xf32, #tpu.memory_space<vmem>>, vector<1x16xf32>,
          %swap3A_1115 = vector.shape_cast %swap3A_1114 : vector<1x16xf32> to vector<16xf32>
          %swap3A_1116 = vector.shape_cast %max3A_1111 : vector<16xf32> to vector<1x16xf32>
          tpu.vector_store %arg9[%swap3A_1112, %swap3A_1113], %swap3A_1116 {strides = array<i32>} : memref<80x128xf32, #tpu.memory_space<vmem>>, vector<1x16xf32>,
          %get3A_1117 = arith.index_cast %add3A_1014 : i32 to index
          %get3A_1118 = arith.constant 96 : index
          %get3A_1119 = tpu.vector_load %arg7[%get3A_1117, %get3A_1118] {strides = array<i32>} : memref<80x128xf32, #tpu.memory_space<vmem>>, vector<1x16xf32>,
          %get3A_1120 = vector.shape_cast %get3A_1119 : vector<1x16xf32> to vector<16xf32>
          %get3A_1121 = arith.index_cast %add3A_1014 : i32 to index
          %get3A_1122 = arith.constant 96 : index
          %get3A_1123 = tpu.vector_load %arg9[%get3A_1121, %get3A_1122] {strides = array<i32>} : memref<80x128xf32, #tpu.memory_space<vmem>>, vector<1x16xf32>,
          %get3A_1124 = vector.shape_cast %get3A_1123 : vector<1x16xf32> to vector<16xf32>
          %add3A_1125 = arith.addf %get3A_1120, %get3A_1124 : vector<16xf32>
          %max3A_1126 = arith.constant 0.000000e+00 : f32
          %max3A_1127 = vector.broadcast %max3A_1126 : f32 to vector<16xf32>
          %max3A_1128 = arith.maximumf %add3A_1125, %max3A_1127 : vector<16xf32>
          %swap3A_1129 = arith.index_cast %add3A_1014 : i32 to index
          %swap3A_1130 = arith.constant 96 : index
          %swap3A_1131 = tpu.vector_load %arg9[%swap3A_1129, %swap3A_1130] {strides = array<i32>} : memref<80x128xf32, #tpu.memory_space<vmem>>, vector<1x16xf32>,
          %swap3A_1132 = vector.shape_cast %swap3A_1131 : vector<1x16xf32> to vector<16xf32>
          %swap3A_1133 = vector.shape_cast %max3A_1128 : vector<16xf32> to vector<1x16xf32>
          tpu.vector_store %arg9[%swap3A_1129, %swap3A_1130], %swap3A_1133 {strides = array<i32>} : memref<80x128xf32, #tpu.memory_space<vmem>>, vector<1x16xf32>,
          %get3A_1134 = arith.index_cast %add3A_1014 : i32 to index
          %get3A_1135 = arith.constant 112 : index
          %get3A_1136 = tpu.vector_load %arg7[%get3A_1134, %get3A_1135] {strides = array<i32>} : memref<80x128xf32, #tpu.memory_space<vmem>>, vector<1x16xf32>,
          %get3A_1137 = vector.shape_cast %get3A_1136 : vector<1x16xf32> to vector<16xf32>
          %get3A_1138 = arith.index_cast %add3A_1014 : i32 to index
          %get3A_1139 = arith.constant 112 : index
          %get3A_1140 = tpu.vector_load %arg9[%get3A_1138, %get3A_1139] {strides = array<i32>} : memref<80x128xf32, #tpu.memory_space<vmem>>, vector<1x16xf32>,
          %get3A_1141 = vector.shape_cast %get3A_1140 : vector<1x16xf32> to vector<16xf32>
          %add3A_1142 = arith.addf %get3A_1137, %get3A_1141 : vector<16xf32>
          %max3A_1143 = arith.constant 0.000000e+00 : f32
          %max3A_1144 = vector.broadcast %max3A_1143 : f32 to vector<16xf32>
          %max3A_1145 = arith.maximumf %add3A_1142, %max3A_1144 : vector<16xf32>
          %swap3A_1146 = arith.index_cast %add3A_1014 : i32 to index
          %swap3A_1147 = arith.constant 112 : index
          %swap3A_1148 = tpu.vector_load %arg9[%swap3A_1146, %swap3A_1147] {strides = array<i32>} : memref<80x128xf32, #tpu.memory_space<vmem>>, vector<1x16xf32>,
          %swap3A_1149 = vector.shape_cast %swap3A_1148 : vector<1x16xf32> to vector<16xf32>
          %swap3A_1150 = vector.shape_cast %max3A_1145 : vector<16xf32> to vector<1x16xf32>
          tpu.vector_store %arg9[%swap3A_1146, %swap3A_1147], %swap3A_1150 {strides = array<i32>} : memref<80x128xf32, #tpu.memory_space<vmem>>, vector<1x16xf32>,
          %mul3A_1151 = arith.constant 4 : i32
          %mul3A_1152 = arith.muli %scan3A_730, %mul3A_1151 : i32
          %add3A_1153 = arith.constant 3 : i32
          %add3A_1154 = arith.addi %mul3A_1152, %add3A_1153 : i32
          %get3A_1155 = arith.index_cast %add3A_1154 : i32 to index
          %get3A_1156 = arith.constant 0 : index
          %get3A_1157 = tpu.vector_load %arg7[%get3A_1155, %get3A_1156] {strides = array<i32>} : memref<80x128xf32, #tpu.memory_space<vmem>>, vector<1x16xf32>,
          %get3A_1158 = vector.shape_cast %get3A_1157 : vector<1x16xf32> to vector<16xf32>
          %get3A_1159 = arith.index_cast %add3A_1154 : i32 to index
          %get3A_1160 = arith.constant 0 : index
          %get3A_1161 = tpu.vector_load %arg9[%get3A_1159, %get3A_1160] {strides = array<i32>} : memref<80x128xf32, #tpu.memory_space<vmem>>, vector<1x16xf32>,
          %get3A_1162 = vector.shape_cast %get3A_1161 : vector<1x16xf32> to vector<16xf32>
          %add3A_1163 = arith.addf %get3A_1158, %get3A_1162 : vector<16xf32>
          %max3A_1164 = arith.constant 0.000000e+00 : f32
          %max3A_1165 = vector.broadcast %max3A_1164 : f32 to vector<16xf32>
          %max3A_1166 = arith.maximumf %add3A_1163, %max3A_1165 : vector<16xf32>
          %swap3A_1167 = arith.index_cast %add3A_1154 : i32 to index
          %swap3A_1168 = arith.constant 0 : index
          %swap3A_1169 = tpu.vector_load %arg9[%swap3A_1167, %swap3A_1168] {strides = array<i32>} : memref<80x128xf32, #tpu.memory_space<vmem>>, vector<1x16xf32>,
          %swap3A_1170 = vector.shape_cast %swap3A_1169 : vector<1x16xf32> to vector<16xf32>
          %swap3A_1171 = vector.shape_cast %max3A_1166 : vector<16xf32> to vector<1x16xf32>
          tpu.vector_store %arg9[%swap3A_1167, %swap3A_1168], %swap3A_1171 {strides = array<i32>} : memref<80x128xf32, #tpu.memory_space<vmem>>, vector<1x16xf32>,
          %get3A_1172 = arith.index_cast %add3A_1154 : i32 to index
          %get3A_1173 = arith.constant 16 : index
          %get3A_1174 = tpu.vector_load %arg7[%get3A_1172, %get3A_1173] {strides = array<i32>} : memref<80x128xf32, #tpu.memory_space<vmem>>, vector<1x16xf32>,
          %get3A_1175 = vector.shape_cast %get3A_1174 : vector<1x16xf32> to vector<16xf32>
          %get3A_1176 = arith.index_cast %add3A_1154 : i32 to index
          %get3A_1177 = arith.constant 16 : index
          %get3A_1178 = tpu.vector_load %arg9[%get3A_1176, %get3A_1177] {strides = array<i32>} : memref<80x128xf32, #tpu.memory_space<vmem>>, vector<1x16xf32>,
          %get3A_1179 = vector.shape_cast %get3A_1178 : vector<1x16xf32> to vector<16xf32>
          %add3A_1180 = arith.addf %get3A_1175, %get3A_1179 : vector<16xf32>
          %max3A_1181 = arith.constant 0.000000e+00 : f32
          %max3A_1182 = vector.broadcast %max3A_1181 : f32 to vector<16xf32>
          %max3A_1183 = arith.maximumf %add3A_1180, %max3A_1182 : vector<16xf32>
          %swap3A_1184 = arith.index_cast %add3A_1154 : i32 to index
          %swap3A_1185 = arith.constant 16 : index
          %swap3A_1186 = tpu.vector_load %arg9[%swap3A_1184, %swap3A_1185] {strides = array<i32>} : memref<80x128xf32, #tpu.memory_space<vmem>>, vector<1x16xf32>,
          %swap3A_1187 = vector.shape_cast %swap3A_1186 : vector<1x16xf32> to vector<16xf32>
          %swap3A_1188 = vector.shape_cast %max3A_1183 : vector<16xf32> to vector<1x16xf32>
          tpu.vector_store %arg9[%swap3A_1184, %swap3A_1185], %swap3A_1188 {strides = array<i32>} : memref<80x128xf32, #tpu.memory_space<vmem>>, vector<1x16xf32>,
          %get3A_1189 = arith.index_cast %add3A_1154 : i32 to index
          %get3A_1190 = arith.constant 32 : index
          %get3A_1191 = tpu.vector_load %arg7[%get3A_1189, %get3A_1190] {strides = array<i32>} : memref<80x128xf32, #tpu.memory_space<vmem>>, vector<1x16xf32>,
          %get3A_1192 = vector.shape_cast %get3A_1191 : vector<1x16xf32> to vector<16xf32>
          %get3A_1193 = arith.index_cast %add3A_1154 : i32 to index
          %get3A_1194 = arith.constant 32 : index
          %get3A_1195 = tpu.vector_load %arg9[%get3A_1193, %get3A_1194] {strides = array<i32>} : memref<80x128xf32, #tpu.memory_space<vmem>>, vector<1x16xf32>,
          %get3A_1196 = vector.shape_cast %get3A_1195 : vector<1x16xf32> to vector<16xf32>
          %add3A_1197 = arith.addf %get3A_1192, %get3A_1196 : vector<16xf32>
          %max3A_1198 = arith.constant 0.000000e+00 : f32
          %max3A_1199 = vector.broadcast %max3A_1198 : f32 to vector<16xf32>
          %max3A_1200 = arith.maximumf %add3A_1197, %max3A_1199 : vector<16xf32>
          %swap3A_1201 = arith.index_cast %add3A_1154 : i32 to index
          %swap3A_1202 = arith.constant 32 : index
          %swap3A_1203 = tpu.vector_load %arg9[%swap3A_1201, %swap3A_1202] {strides = array<i32>} : memref<80x128xf32, #tpu.memory_space<vmem>>, vector<1x16xf32>,
          %swap3A_1204 = vector.shape_cast %swap3A_1203 : vector<1x16xf32> to vector<16xf32>
          %swap3A_1205 = vector.shape_cast %max3A_1200 : vector<16xf32> to vector<1x16xf32>
          tpu.vector_store %arg9[%swap3A_1201, %swap3A_1202], %swap3A_1205 {strides = array<i32>} : memref<80x128xf32, #tpu.memory_space<vmem>>, vector<1x16xf32>,
          %get3A_1206 = arith.index_cast %add3A_1154 : i32 to index
          %get3A_1207 = arith.constant 48 : index
          %get3A_1208 = tpu.vector_load %arg7[%get3A_1206, %get3A_1207] {strides = array<i32>} : memref<80x128xf32, #tpu.memory_space<vmem>>, vector<1x16xf32>,
          %get3A_1209 = vector.shape_cast %get3A_1208 : vector<1x16xf32> to vector<16xf32>
          %get3A_1210 = arith.index_cast %add3A_1154 : i32 to index
          %get3A_1211 = arith.constant 48 : index
          %get3A_1212 = tpu.vector_load %arg9[%get3A_1210, %get3A_1211] {strides = array<i32>} : memref<80x128xf32, #tpu.memory_space<vmem>>, vector<1x16xf32>,
          %get3A_1213 = vector.shape_cast %get3A_1212 : vector<1x16xf32> to vector<16xf32>
          %add3A_1214 = arith.addf %get3A_1209, %get3A_1213 : vector<16xf32>
          %max3A_1215 = arith.constant 0.000000e+00 : f32
          %max3A_1216 = vector.broadcast %max3A_1215 : f32 to vector<16xf32>
          %max3A_1217 = arith.maximumf %add3A_1214, %max3A_1216 : vector<16xf32>
          %swap3A_1218 = arith.index_cast %add3A_1154 : i32 to index
          %swap3A_1219 = arith.constant 48 : index
          %swap3A_1220 = tpu.vector_load %arg9[%swap3A_1218, %swap3A_1219] {strides = array<i32>} : memref<80x128xf32, #tpu.memory_space<vmem>>, vector<1x16xf32>,
          %swap3A_1221 = vector.shape_cast %swap3A_1220 : vector<1x16xf32> to vector<16xf32>
          %swap3A_1222 = vector.shape_cast %max3A_1217 : vector<16xf32> to vector<1x16xf32>
          tpu.vector_store %arg9[%swap3A_1218, %swap3A_1219], %swap3A_1222 {strides = array<i32>} : memref<80x128xf32, #tpu.memory_space<vmem>>, vector<1x16xf32>,
          %get3A_1223 = arith.index_cast %add3A_1154 : i32 to index
          %get3A_1224 = arith.constant 64 : index
          %get3A_1225 = tpu.vector_load %arg7[%get3A_1223, %get3A_1224] {strides = array<i32>} : memref<80x128xf32, #tpu.memory_space<vmem>>, vector<1x16xf32>,
          %get3A_1226 = vector.shape_cast %get3A_1225 : vector<1x16xf32> to vector<16xf32>
          %get3A_1227 = arith.index_cast %add3A_1154 : i32 to index
          %get3A_1228 = arith.constant 64 : index
          %get3A_1229 = tpu.vector_load %arg9[%get3A_1227, %get3A_1228] {strides = array<i32>} : memref<80x128xf32, #tpu.memory_space<vmem>>, vector<1x16xf32>,
          %get3A_1230 = vector.shape_cast %get3A_1229 : vector<1x16xf32> to vector<16xf32>
          %add3A_1231 = arith.addf %get3A_1226, %get3A_1230 : vector<16xf32>
          %max3A_1232 = arith.constant 0.000000e+00 : f32
          %max3A_1233 = vector.broadcast %max3A_1232 : f32 to vector<16xf32>
          %max3A_1234 = arith.maximumf %add3A_1231, %max3A_1233 : vector<16xf32>
          %swap3A_1235 = arith.index_cast %add3A_1154 : i32 to index
          %swap3A_1236 = arith.constant 64 : index
          %swap3A_1237 = tpu.vector_load %arg9[%swap3A_1235, %swap3A_1236] {strides = array<i32>} : memref<80x128xf32, #tpu.memory_space<vmem>>, vector<1x16xf32>,
          %swap3A_1238 = vector.shape_cast %swap3A_1237 : vector<1x16xf32> to vector<16xf32>
          %swap3A_1239 = vector.shape_cast %max3A_1234 : vector<16xf32> to vector<1x16xf32>
          tpu.vector_store %arg9[%swap3A_1235, %swap3A_1236], %swap3A_1239 {strides = array<i32>} : memref<80x128xf32, #tpu.memory_space<vmem>>, vector<1x16xf32>,
          %get3A_1240 = arith.index_cast %add3A_1154 : i32 to index
          %get3A_1241 = arith.constant 80 : index
          %get3A_1242 = tpu.vector_load %arg7[%get3A_1240, %get3A_1241] {strides = array<i32>} : memref<80x128xf32, #tpu.memory_space<vmem>>, vector<1x16xf32>,
          %get3A_1243 = vector.shape_cast %get3A_1242 : vector<1x16xf32> to vector<16xf32>
          %get3A_1244 = arith.index_cast %add3A_1154 : i32 to index
          %get3A_1245 = arith.constant 80 : index
          %get3A_1246 = tpu.vector_load %arg9[%get3A_1244, %get3A_1245] {strides = array<i32>} : memref<80x128xf32, #tpu.memory_space<vmem>>, vector<1x16xf32>,
          %get3A_1247 = vector.shape_cast %get3A_1246 : vector<1x16xf32> to vector<16xf32>
          %add3A_1248 = arith.addf %get3A_1243, %get3A_1247 : vector<16xf32>
          %max3A_1249 = arith.constant 0.000000e+00 : f32
          %max3A_1250 = vector.broadcast %max3A_1249 : f32 to vector<16xf32>
          %max3A_1251 = arith.maximumf %add3A_1248, %max3A_1250 : vector<16xf32>
          %swap3A_1252 = arith.index_cast %add3A_1154 : i32 to index
          %swap3A_1253 = arith.constant 80 : index
          %swap3A_1254 = tpu.vector_load %arg9[%swap3A_1252, %swap3A_1253] {strides = array<i32>} : memref<80x128xf32, #tpu.memory_space<vmem>>, vector<1x16xf32>,
          %swap3A_1255 = vector.shape_cast %swap3A_1254 : vector<1x16xf32> to vector<16xf32>
          %swap3A_1256 = vector.shape_cast %max3A_1251 : vector<16xf32> to vector<1x16xf32>
          tpu.vector_store %arg9[%swap3A_1252, %swap3A_1253], %swap3A_1256 {strides = array<i32>} : memref<80x128xf32, #tpu.memory_space<vmem>>, vector<1x16xf32>,
          %get3A_1257 = arith.index_cast %add3A_1154 : i32 to index
          %get3A_1258 = arith.constant 96 : index
          %get3A_1259 = tpu.vector_load %arg7[%get3A_1257, %get3A_1258] {strides = array<i32>} : memref<80x128xf32, #tpu.memory_space<vmem>>, vector<1x16xf32>,
          %get3A_1260 = vector.shape_cast %get3A_1259 : vector<1x16xf32> to vector<16xf32>
          %get3A_1261 = arith.index_cast %add3A_1154 : i32 to index
          %get3A_1262 = arith.constant 96 : index
          %get3A_1263 = tpu.vector_load %arg9[%get3A_1261, %get3A_1262] {strides = array<i32>} : memref<80x128xf32, #tpu.memory_space<vmem>>, vector<1x16xf32>,
          %get3A_1264 = vector.shape_cast %get3A_1263 : vector<1x16xf32> to vector<16xf32>
          %add3A_1265 = arith.addf %get3A_1260, %get3A_1264 : vector<16xf32>
          %max3A_1266 = arith.constant 0.000000e+00 : f32
          %max3A_1267 = vector.broadcast %max3A_1266 : f32 to vector<16xf32>
          %max3A_1268 = arith.maximumf %add3A_1265, %max3A_1267 : vector<16xf32>
          %swap3A_1269 = arith.index_cast %add3A_1154 : i32 to index
          %swap3A_1270 = arith.constant 96 : index
          %swap3A_1271 = tpu.vector_load %arg9[%swap3A_1269, %swap3A_1270] {strides = array<i32>} : memref<80x128xf32, #tpu.memory_space<vmem>>, vector<1x16xf32>,
          %swap3A_1272 = vector.shape_cast %swap3A_1271 : vector<1x16xf32> to vector<16xf32>
          %swap3A_1273 = vector.shape_cast %max3A_1268 : vector<16xf32> to vector<1x16xf32>
          tpu.vector_store %arg9[%swap3A_1269, %swap3A_1270], %swap3A_1273 {strides = array<i32>} : memref<80x128xf32, #tpu.memory_space<vmem>>, vector<1x16xf32>,
          %get3A_1274 = arith.index_cast %add3A_1154 : i32 to index
          %get3A_1275 = arith.constant 112 : index
          %get3A_1276 = tpu.vector_load %arg7[%get3A_1274, %get3A_1275] {strides = array<i32>} : memref<80x128xf32, #tpu.memory_space<vmem>>, vector<1x16xf32>,
          %get3A_1277 = vector.shape_cast %get3A_1276 : vector<1x16xf32> to vector<16xf32>
          %get3A_1278 = arith.index_cast %add3A_1154 : i32 to index
          %get3A_1279 = arith.constant 112 : index
          %get3A_1280 = tpu.vector_load %arg9[%get3A_1278, %get3A_1279] {strides = array<i32>} : memref<80x128xf32, #tpu.memory_space<vmem>>, vector<1x16xf32>,
          %get3A_1281 = vector.shape_cast %get3A_1280 : vector<1x16xf32> to vector<16xf32>
          %add3A_1282 = arith.addf %get3A_1277, %get3A_1281 : vector<16xf32>
          %max3A_1283 = arith.constant 0.000000e+00 : f32
          %max3A_1284 = vector.broadcast %max3A_1283 : f32 to vector<16xf32>
          %max3A_1285 = arith.maximumf %add3A_1282, %max3A_1284 : vector<16xf32>
          %swap3A_1286 = arith.index_cast %add3A_1154 : i32 to index
          %swap3A_1287 = arith.constant 112 : index
          %swap3A_1288 = tpu.vector_load %arg9[%swap3A_1286, %swap3A_1287] {strides = array<i32>} : memref<80x128xf32, #tpu.memory_space<vmem>>, vector<1x16xf32>,
          %swap3A_1289 = vector.shape_cast %swap3A_1288 : vector<1x16xf32> to vector<16xf32>
          %swap3A_1290 = vector.shape_cast %max3A_1285 : vector<16xf32> to vector<1x16xf32>
          tpu.vector_store %arg9[%swap3A_1286, %swap3A_1287], %swap3A_1290 {strides = array<i32>} : memref<80x128xf32, #tpu.memory_space<vmem>>, vector<1x16xf32>,
          %scan3A_1291 = arith.constant 0 : i32
          scf.yield %scan3A_1291 : i32
        }
        %scan3A_487 = arith.constant 20 : i32
        "tpu.region"() ({
          %run_scoped3A = tpu.sem_alloc : memref<!tpu.dma_semaphore, #tpu.memory_space<semaphore_mem>>
          %dma_start3A_730 = arith.constant 0 : i32
          %dma_start3A_731 = arith.constant 0 : i32
          %dma_start3A_732 = tpu.memref_slice %arg6[%dma_start3A_730, %dma_start3A_731] : memref<10240x128xf32, #tpu.memory_space<vmem_shared>> -> memref<10240x128xf32, #tpu.memory_space<vmem_shared>>
          tpu.enqueue_indirect_dma source(%arg9 : memref<80x128xf32, #tpu.memory_space<vmem>>) target(%dma_start3A_732 : memref<10240x128xf32, #tpu.memory_space<vmem_shared>>) offsets(%arg15 : memref<80xi32, #tpu.memory_space<vmem>>) semaphore(%run_scoped3A : memref<!tpu.dma_semaphore, #tpu.memory_space<semaphore_mem>>) {add = true}
          %dma_wait3A_733 = arith.constant 0 : i32
          %dma_wait3A_734 = arith.constant 0 : i32
          %dma_wait3A_735 = tpu.memref_slice %arg6[%dma_wait3A_733, %dma_wait3A_734] : memref<10240x128xf32, #tpu.memory_space<vmem_shared>> -> memref<10240x128xf32, #tpu.memory_space<vmem_shared>>
          tpu.wait_indirect_dma semaphore(%run_scoped3A : memref<!tpu.dma_semaphore, #tpu.memory_space<semaphore_mem>>) src(%arg9 : memref<80x128xf32, #tpu.memory_space<vmem>>) dst(%dma_wait3A_735 : memref<10240x128xf32, #tpu.memory_space<vmem_shared>>)
          tpu.yield
        }) : () -> ()
        %add3A_488 = arith.constant 2 : i32
        %add3A_489 = arith.addi %mul3A_236, %add3A_488 : i32
        %mul3A_490 = arith.constant 80 : i32
        %mul3A_491 = arith.muli %add3A_489, %mul3A_490 : i32
        %add3A_492 = arith.constant 0 : i32
        %add3A_493 = arith.addi %mul3A_491, %add3A_492 : i32
        %get3A_494 = arith.constant 0 : i32
        %get3A_495 = arith.index_cast %get3A_494 : i32 to index
        %get3A_496 = arith.index_cast %add3A_493 : i32 to index
        %get3A_497 = tpu.vector_load %arg17[%get3A_495, %get3A_496] {strides = array<i32>} : memref<2x2000xi32, #tpu.memory_space<vmem>>, vector<1x16xi32>,
        %get3A_498 = vector.shape_cast %get3A_497 : vector<1x16xi32> to vector<16xi32>
        %mul3A_499 = arith.constant 2 : i32
        %mul3A_500 = vector.broadcast %mul3A_499 : i32 to vector<16xi32>
        %mul3A_501 = arith.muli %get3A_498, %mul3A_500 : vector<16xi32>
        %add3A_502 = vector.broadcast %arg0 : i32 to vector<16xi32>
        %add3A_503 = arith.addi %mul3A_501, %add3A_502 : vector<16xi32>
        %swap3A_504 = arith.constant 0 : index
        %swap3A_505 = tpu.vector_load %arg11[%swap3A_504] {strides = array<i32>} : memref<80xi32, #tpu.memory_space<vmem>>, vector<16xi32>,
        %swap3A_506 = vector.shape_cast %swap3A_505 : vector<16xi32> to vector<16xi32>
        %swap3A_507 = vector.shape_cast %add3A_503 : vector<16xi32> to vector<16xi32>
        tpu.vector_store %arg11[%swap3A_504], %swap3A_507 {strides = array<i32>} : memref<80xi32, #tpu.memory_space<vmem>>, vector<16xi32>,
        %mul3A_508 = arith.constant 80 : i32
        %mul3A_509 = arith.muli %add3A_489, %mul3A_508 : i32
        %add3A_510 = arith.constant 0 : i32
        %add3A_511 = arith.addi %mul3A_509, %add3A_510 : i32
        %get3A_512 = arith.constant 1 : i32
        %get3A_513 = arith.index_cast %get3A_512 : i32 to index
        %get3A_514 = arith.index_cast %add3A_511 : i32 to index
        %get3A_515 = tpu.vector_load %arg17[%get3A_513, %get3A_514] {strides = array<i32>} : memref<2x2000xi32, #tpu.memory_space<vmem>>, vector<1x16xi32>,
        %get3A_516 = vector.shape_cast %get3A_515 : vector<1x16xi32> to vector<16xi32>
        %swap3A_517 = arith.constant 0 : index
        %swap3A_518 = tpu.vector_load %arg15[%swap3A_517] {strides = array<i32>} : memref<80xi32, #tpu.memory_space<vmem>>, vector<16xi32>,
        %swap3A_519 = vector.shape_cast %swap3A_518 : vector<16xi32> to vector<16xi32>
        %swap3A_520 = vector.shape_cast %get3A_516 : vector<16xi32> to vector<16xi32>
        tpu.vector_store %arg15[%swap3A_517], %swap3A_520 {strides = array<i32>} : memref<80xi32, #tpu.memory_space<vmem>>, vector<16xi32>,
        %mul3A_521 = arith.constant 80 : i32
        %mul3A_522 = arith.muli %add3A_489, %mul3A_521 : i32
        %add3A_523 = arith.constant 16 : i32
        %add3A_524 = arith.addi %mul3A_522, %add3A_523 : i32
        %get3A_525 = arith.constant 0 : i32
        %get3A_526 = arith.index_cast %get3A_525 : i32 to index
        %get3A_527 = arith.index_cast %add3A_524 : i32 to index
        %get3A_528 = tpu.vector_load %arg17[%get3A_526, %get3A_527] {strides = array<i32>} : memref<2x2000xi32, #tpu.memory_space<vmem>>, vector<1x16xi32>,
        %get3A_529 = vector.shape_cast %get3A_528 : vector<1x16xi32> to vector<16xi32>
        %mul3A_530 = arith.constant 2 : i32
        %mul3A_531 = vector.broadcast %mul3A_530 : i32 to vector<16xi32>
        %mul3A_532 = arith.muli %get3A_529, %mul3A_531 : vector<16xi32>
        %add3A_533 = vector.broadcast %arg0 : i32 to vector<16xi32>
        %add3A_534 = arith.addi %mul3A_532, %add3A_533 : vector<16xi32>
        %swap3A_535 = arith.constant 16 : index
        %swap3A_536 = tpu.vector_load %arg11[%swap3A_535] {strides = array<i32>} : memref<80xi32, #tpu.memory_space<vmem>>, vector<16xi32>,
        %swap3A_537 = vector.shape_cast %swap3A_536 : vector<16xi32> to vector<16xi32>
        %swap3A_538 = vector.shape_cast %add3A_534 : vector<16xi32> to vector<16xi32>
        tpu.vector_store %arg11[%swap3A_535], %swap3A_538 {strides = array<i32>} : memref<80xi32, #tpu.memory_space<vmem>>, vector<16xi32>,
        %mul3A_539 = arith.constant 80 : i32
        %mul3A_540 = arith.muli %add3A_489, %mul3A_539 : i32
        %add3A_541 = arith.constant 16 : i32
        %add3A_542 = arith.addi %mul3A_540, %add3A_541 : i32
        %get3A_543 = arith.constant 1 : i32
        %get3A_544 = arith.index_cast %get3A_543 : i32 to index
        %get3A_545 = arith.index_cast %add3A_542 : i32 to index
        %get3A_546 = tpu.vector_load %arg17[%get3A_544, %get3A_545] {strides = array<i32>} : memref<2x2000xi32, #tpu.memory_space<vmem>>, vector<1x16xi32>,
        %get3A_547 = vector.shape_cast %get3A_546 : vector<1x16xi32> to vector<16xi32>
        %swap3A_548 = arith.constant 16 : index
        %swap3A_549 = tpu.vector_load %arg15[%swap3A_548] {strides = array<i32>} : memref<80xi32, #tpu.memory_space<vmem>>, vector<16xi32>,
        %swap3A_550 = vector.shape_cast %swap3A_549 : vector<16xi32> to vector<16xi32>
        %swap3A_551 = vector.shape_cast %get3A_547 : vector<16xi32> to vector<16xi32>
        tpu.vector_store %arg15[%swap3A_548], %swap3A_551 {strides = array<i32>} : memref<80xi32, #tpu.memory_space<vmem>>, vector<16xi32>,
        %mul3A_552 = arith.constant 80 : i32
        %mul3A_553 = arith.muli %add3A_489, %mul3A_552 : i32
        %add3A_554 = arith.constant 32 : i32
        %add3A_555 = arith.addi %mul3A_553, %add3A_554 : i32
        %get3A_556 = arith.constant 0 : i32
        %get3A_557 = arith.index_cast %get3A_556 : i32 to index
        %get3A_558 = arith.index_cast %add3A_555 : i32 to index
        %get3A_559 = tpu.vector_load %arg17[%get3A_557, %get3A_558] {strides = array<i32>} : memref<2x2000xi32, #tpu.memory_space<vmem>>, vector<1x16xi32>,
        %get3A_560 = vector.shape_cast %get3A_559 : vector<1x16xi32> to vector<16xi32>
        %mul3A_561 = arith.constant 2 : i32
        %mul3A_562 = vector.broadcast %mul3A_561 : i32 to vector<16xi32>
        %mul3A_563 = arith.muli %get3A_560, %mul3A_562 : vector<16xi32>
        %add3A_564 = vector.broadcast %arg0 : i32 to vector<16xi32>
        %add3A_565 = arith.addi %mul3A_563, %add3A_564 : vector<16xi32>
        %swap3A_566 = arith.constant 32 : index
        %swap3A_567 = tpu.vector_load %arg11[%swap3A_566] {strides = array<i32>} : memref<80xi32, #tpu.memory_space<vmem>>, vector<16xi32>,
        %swap3A_568 = vector.shape_cast %swap3A_567 : vector<16xi32> to vector<16xi32>
        %swap3A_569 = vector.shape_cast %add3A_565 : vector<16xi32> to vector<16xi32>
        tpu.vector_store %arg11[%swap3A_566], %swap3A_569 {strides = array<i32>} : memref<80xi32, #tpu.memory_space<vmem>>, vector<16xi32>,
        %mul3A_570 = arith.constant 80 : i32
        %mul3A_571 = arith.muli %add3A_489, %mul3A_570 : i32
        %add3A_572 = arith.constant 32 : i32
        %add3A_573 = arith.addi %mul3A_571, %add3A_572 : i32
        %get3A_574 = arith.constant 1 : i32
        %get3A_575 = arith.index_cast %get3A_574 : i32 to index
        %get3A_576 = arith.index_cast %add3A_573 : i32 to index
        %get3A_577 = tpu.vector_load %arg17[%get3A_575, %get3A_576] {strides = array<i32>} : memref<2x2000xi32, #tpu.memory_space<vmem>>, vector<1x16xi32>,
        %get3A_578 = vector.shape_cast %get3A_577 : vector<1x16xi32> to vector<16xi32>
        %swap3A_579 = arith.constant 32 : index
        %swap3A_580 = tpu.vector_load %arg15[%swap3A_579] {strides = array<i32>} : memref<80xi32, #tpu.memory_space<vmem>>, vector<16xi32>,
        %swap3A_581 = vector.shape_cast %swap3A_580 : vector<16xi32> to vector<16xi32>
        %swap3A_582 = vector.shape_cast %get3A_578 : vector<16xi32> to vector<16xi32>
        tpu.vector_store %arg15[%swap3A_579], %swap3A_582 {strides = array<i32>} : memref<80xi32, #tpu.memory_space<vmem>>, vector<16xi32>,
        %mul3A_583 = arith.constant 80 : i32
        %mul3A_584 = arith.muli %add3A_489, %mul3A_583 : i32
        %add3A_585 = arith.constant 48 : i32
        %add3A_586 = arith.addi %mul3A_584, %add3A_585 : i32
        %get3A_587 = arith.constant 0 : i32
        %get3A_588 = arith.index_cast %get3A_587 : i32 to index
        %get3A_589 = arith.index_cast %add3A_586 : i32 to index
        %get3A_590 = tpu.vector_load %arg17[%get3A_588, %get3A_589] {strides = array<i32>} : memref<2x2000xi32, #tpu.memory_space<vmem>>, vector<1x16xi32>,
        %get3A_591 = vector.shape_cast %get3A_590 : vector<1x16xi32> to vector<16xi32>
        %mul3A_592 = arith.constant 2 : i32
        %mul3A_593 = vector.broadcast %mul3A_592 : i32 to vector<16xi32>
        %mul3A_594 = arith.muli %get3A_591, %mul3A_593 : vector<16xi32>
        %add3A_595 = vector.broadcast %arg0 : i32 to vector<16xi32>
        %add3A_596 = arith.addi %mul3A_594, %add3A_595 : vector<16xi32>
        %swap3A_597 = arith.constant 48 : index
        %swap3A_598 = tpu.vector_load %arg11[%swap3A_597] {strides = array<i32>} : memref<80xi32, #tpu.memory_space<vmem>>, vector<16xi32>,
        %swap3A_599 = vector.shape_cast %swap3A_598 : vector<16xi32> to vector<16xi32>
        %swap3A_600 = vector.shape_cast %add3A_596 : vector<16xi32> to vector<16xi32>
        tpu.vector_store %arg11[%swap3A_597], %swap3A_600 {strides = array<i32>} : memref<80xi32, #tpu.memory_space<vmem>>, vector<16xi32>,
        %mul3A_601 = arith.constant 80 : i32
        %mul3A_602 = arith.muli %add3A_489, %mul3A_601 : i32
        %add3A_603 = arith.constant 48 : i32
        %add3A_604 = arith.addi %mul3A_602, %add3A_603 : i32
        %get3A_605 = arith.constant 1 : i32
        %get3A_606 = arith.index_cast %get3A_605 : i32 to index
        %get3A_607 = arith.index_cast %add3A_604 : i32 to index
        %get3A_608 = tpu.vector_load %arg17[%get3A_606, %get3A_607] {strides = array<i32>} : memref<2x2000xi32, #tpu.memory_space<vmem>>, vector<1x16xi32>,
        %get3A_609 = vector.shape_cast %get3A_608 : vector<1x16xi32> to vector<16xi32>
        %swap3A_610 = arith.constant 48 : index
        %swap3A_611 = tpu.vector_load %arg15[%swap3A_610] {strides = array<i32>} : memref<80xi32, #tpu.memory_space<vmem>>, vector<16xi32>,
        %swap3A_612 = vector.shape_cast %swap3A_611 : vector<16xi32> to vector<16xi32>
        %swap3A_613 = vector.shape_cast %get3A_609 : vector<16xi32> to vector<16xi32>
        tpu.vector_store %arg15[%swap3A_610], %swap3A_613 {strides = array<i32>} : memref<80xi32, #tpu.memory_space<vmem>>, vector<16xi32>,
        %mul3A_614 = arith.constant 80 : i32
        %mul3A_615 = arith.muli %add3A_489, %mul3A_614 : i32
        %add3A_616 = arith.constant 64 : i32
        %add3A_617 = arith.addi %mul3A_615, %add3A_616 : i32
        %get3A_618 = arith.constant 0 : i32
        %get3A_619 = arith.index_cast %get3A_618 : i32 to index
        %get3A_620 = arith.index_cast %add3A_617 : i32 to index
        %get3A_621 = tpu.vector_load %arg17[%get3A_619, %get3A_620] {strides = array<i32>} : memref<2x2000xi32, #tpu.memory_space<vmem>>, vector<1x16xi32>,
        %get3A_622 = vector.shape_cast %get3A_621 : vector<1x16xi32> to vector<16xi32>
        %mul3A_623 = arith.constant 2 : i32
        %mul3A_624 = vector.broadcast %mul3A_623 : i32 to vector<16xi32>
        %mul3A_625 = arith.muli %get3A_622, %mul3A_624 : vector<16xi32>
        %add3A_626 = vector.broadcast %arg0 : i32 to vector<16xi32>
        %add3A_627 = arith.addi %mul3A_625, %add3A_626 : vector<16xi32>
        %swap3A_628 = arith.constant 64 : index
        %swap3A_629 = tpu.vector_load %arg11[%swap3A_628] {strides = array<i32>} : memref<80xi32, #tpu.memory_space<vmem>>, vector<16xi32>,
        %swap3A_630 = vector.shape_cast %swap3A_629 : vector<16xi32> to vector<16xi32>
        %swap3A_631 = vector.shape_cast %add3A_627 : vector<16xi32> to vector<16xi32>
        tpu.vector_store %arg11[%swap3A_628], %swap3A_631 {strides = array<i32>} : memref<80xi32, #tpu.memory_space<vmem>>, vector<16xi32>,
        %mul3A_632 = arith.constant 80 : i32
        %mul3A_633 = arith.muli %add3A_489, %mul3A_632 : i32
        %add3A_634 = arith.constant 64 : i32
        %add3A_635 = arith.addi %mul3A_633, %add3A_634 : i32
        %get3A_636 = arith.constant 1 : i32
        %get3A_637 = arith.index_cast %get3A_636 : i32 to index
        %get3A_638 = arith.index_cast %add3A_635 : i32 to index
        %get3A_639 = tpu.vector_load %arg17[%get3A_637, %get3A_638] {strides = array<i32>} : memref<2x2000xi32, #tpu.memory_space<vmem>>, vector<1x16xi32>,
        %get3A_640 = vector.shape_cast %get3A_639 : vector<1x16xi32> to vector<16xi32>
        %swap3A_641 = arith.constant 64 : index
        %swap3A_642 = tpu.vector_load %arg15[%swap3A_641] {strides = array<i32>} : memref<80xi32, #tpu.memory_space<vmem>>, vector<16xi32>,
        %swap3A_643 = vector.shape_cast %swap3A_642 : vector<16xi32> to vector<16xi32>
        %swap3A_644 = vector.shape_cast %get3A_640 : vector<16xi32> to vector<16xi32>
        tpu.vector_store %arg15[%swap3A_641], %swap3A_644 {strides = array<i32>} : memref<80xi32, #tpu.memory_space<vmem>>, vector<16xi32>,
        %dma_start3A_645 = arith.constant 0 : i32
        %dma_start3A_646 = arith.constant 0 : i32
        %dma_start3A_647 = tpu.memref_slice %arg2[%dma_start3A_645, %dma_start3A_646] : memref<20000x128xf32, #tpu.memory_space<hbm>> -> memref<20000x128xf32, #tpu.memory_space<hbm>>
        tpu.enqueue_indirect_dma source(%dma_start3A_647 : memref<20000x128xf32, #tpu.memory_space<hbm>>) target(%arg7 : memref<80x128xf32, #tpu.memory_space<vmem>>) offsets(%arg11 : memref<80xi32, #tpu.memory_space<vmem>>) semaphore(%arg18 : memref<!tpu.dma_semaphore, #tpu.memory_space<semaphore_mem>>)
        %add3A_648 = arith.constant 0 : i32
        %add3A_649 = arith.addi %add3A_246, %add3A_648 : i32
        %add3A_650 = vector.broadcast %add3A_649 : i32 to vector<16xi32>
        %add3A_651 = arith.addi %add3A_650, %iota3A : vector<16xi32>
        %mul3A_652 = arith.constant 2 : i32
        %mul3A_653 = vector.broadcast %mul3A_652 : i32 to vector<16xi32>
        %mul3A_654 = arith.muli %add3A_651, %mul3A_653 : vector<16xi32>
        %add3A_655 = vector.broadcast %arg0 : i32 to vector<16xi32>
        %add3A_656 = arith.addi %mul3A_654, %add3A_655 : vector<16xi32>
        %swap3A_657 = arith.constant 0 : index
        %swap3A_658 = tpu.vector_load %arg13[%swap3A_657] {strides = array<i32>} : memref<80xi32, #tpu.memory_space<vmem>>, vector<16xi32>,
        %swap3A_659 = vector.shape_cast %swap3A_658 : vector<16xi32> to vector<16xi32>
        %swap3A_660 = vector.shape_cast %add3A_656 : vector<16xi32> to vector<16xi32>
        tpu.vector_store %arg13[%swap3A_657], %swap3A_660 {strides = array<i32>} : memref<80xi32, #tpu.memory_space<vmem>>, vector<16xi32>,
        %add3A_661 = arith.constant 16 : i32
        %add3A_662 = arith.addi %add3A_246, %add3A_661 : i32
        %add3A_663 = vector.broadcast %add3A_662 : i32 to vector<16xi32>
        %add3A_664 = arith.addi %add3A_663, %iota3A : vector<16xi32>
        %mul3A_665 = arith.constant 2 : i32
        %mul3A_666 = vector.broadcast %mul3A_665 : i32 to vector<16xi32>
        %mul3A_667 = arith.muli %add3A_664, %mul3A_666 : vector<16xi32>
        %add3A_668 = vector.broadcast %arg0 : i32 to vector<16xi32>
        %add3A_669 = arith.addi %mul3A_667, %add3A_668 : vector<16xi32>
        %swap3A_670 = arith.constant 16 : index
        %swap3A_671 = tpu.vector_load %arg13[%swap3A_670] {strides = array<i32>} : memref<80xi32, #tpu.memory_space<vmem>>, vector<16xi32>,
        %swap3A_672 = vector.shape_cast %swap3A_671 : vector<16xi32> to vector<16xi32>
        %swap3A_673 = vector.shape_cast %add3A_669 : vector<16xi32> to vector<16xi32>
        tpu.vector_store %arg13[%swap3A_670], %swap3A_673 {strides = array<i32>} : memref<80xi32, #tpu.memory_space<vmem>>, vector<16xi32>,
        %add3A_674 = arith.constant 32 : i32
        %add3A_675 = arith.addi %add3A_246, %add3A_674 : i32
        %add3A_676 = vector.broadcast %add3A_675 : i32 to vector<16xi32>
        %add3A_677 = arith.addi %add3A_676, %iota3A : vector<16xi32>
        %mul3A_678 = arith.constant 2 : i32
        %mul3A_679 = vector.broadcast %mul3A_678 : i32 to vector<16xi32>
        %mul3A_680 = arith.muli %add3A_677, %mul3A_679 : vector<16xi32>
        %add3A_681 = vector.broadcast %arg0 : i32 to vector<16xi32>
        %add3A_682 = arith.addi %mul3A_680, %add3A_681 : vector<16xi32>
        %swap3A_683 = arith.constant 32 : index
        %swap3A_684 = tpu.vector_load %arg13[%swap3A_683] {strides = array<i32>} : memref<80xi32, #tpu.memory_space<vmem>>, vector<16xi32>,
        %swap3A_685 = vector.shape_cast %swap3A_684 : vector<16xi32> to vector<16xi32>
        %swap3A_686 = vector.shape_cast %add3A_682 : vector<16xi32> to vector<16xi32>
        tpu.vector_store %arg13[%swap3A_683], %swap3A_686 {strides = array<i32>} : memref<80xi32, #tpu.memory_space<vmem>>, vector<16xi32>,
        %add3A_687 = arith.constant 48 : i32
        %add3A_688 = arith.addi %add3A_246, %add3A_687 : i32
        %add3A_689 = vector.broadcast %add3A_688 : i32 to vector<16xi32>
        %add3A_690 = arith.addi %add3A_689, %iota3A : vector<16xi32>
        %mul3A_691 = arith.constant 2 : i32
        %mul3A_692 = vector.broadcast %mul3A_691 : i32 to vector<16xi32>
        %mul3A_693 = arith.muli %add3A_690, %mul3A_692 : vector<16xi32>
        %add3A_694 = vector.broadcast %arg0 : i32 to vector<16xi32>
        %add3A_695 = arith.addi %mul3A_693, %add3A_694 : vector<16xi32>
        %swap3A_696 = arith.constant 48 : index
        %swap3A_697 = tpu.vector_load %arg13[%swap3A_696] {strides = array<i32>} : memref<80xi32, #tpu.memory_space<vmem>>, vector<16xi32>,
        %swap3A_698 = vector.shape_cast %swap3A_697 : vector<16xi32> to vector<16xi32>
        %swap3A_699 = vector.shape_cast %add3A_695 : vector<16xi32> to vector<16xi32>
        tpu.vector_store %arg13[%swap3A_696], %swap3A_699 {strides = array<i32>} : memref<80xi32, #tpu.memory_space<vmem>>, vector<16xi32>,
        %add3A_700 = arith.constant 64 : i32
        %add3A_701 = arith.addi %add3A_246, %add3A_700 : i32
        %add3A_702 = vector.broadcast %add3A_701 : i32 to vector<16xi32>
        %add3A_703 = arith.addi %add3A_702, %iota3A : vector<16xi32>
        %mul3A_704 = arith.constant 2 : i32
        %mul3A_705 = vector.broadcast %mul3A_704 : i32 to vector<16xi32>
        %mul3A_706 = arith.muli %add3A_703, %mul3A_705 : vector<16xi32>
        %add3A_707 = vector.broadcast %arg0 : i32 to vector<16xi32>
        %add3A_708 = arith.addi %mul3A_706, %add3A_707 : vector<16xi32>
        %swap3A_709 = arith.constant 64 : index
        %swap3A_710 = tpu.vector_load %arg13[%swap3A_709] {strides = array<i32>} : memref<80xi32, #tpu.memory_space<vmem>>, vector<16xi32>,
        %swap3A_711 = vector.shape_cast %swap3A_710 : vector<16xi32> to vector<16xi32>
        %swap3A_712 = vector.shape_cast %add3A_708 : vector<16xi32> to vector<16xi32>
        tpu.vector_store %arg13[%swap3A_709], %swap3A_712 {strides = array<i32>} : memref<80xi32, #tpu.memory_space<vmem>>, vector<16xi32>,
        %dma_start3A_713 = arith.constant 0 : i32
        %dma_start3A_714 = arith.constant 0 : i32
        %dma_start3A_715 = tpu.memref_slice %arg3[%dma_start3A_713, %dma_start3A_714] : memref<320000x128xf32, #tpu.memory_space<hbm>> -> memref<320000x128xf32, #tpu.memory_space<hbm>>
        tpu.enqueue_indirect_dma source(%dma_start3A_715 : memref<320000x128xf32, #tpu.memory_space<hbm>>) target(%arg9 : memref<80x128xf32, #tpu.memory_space<vmem>>) offsets(%arg13 : memref<80xi32, #tpu.memory_space<vmem>>) semaphore(%arg20 : memref<!tpu.dma_semaphore, #tpu.memory_space<semaphore_mem>>)
        %dma_wait3A_716 = arith.constant 0 : i32
        %dma_wait3A_717 = arith.constant 0 : i32
        %dma_wait3A_718 = tpu.memref_slice %arg2[%dma_wait3A_716, %dma_wait3A_717] : memref<20000x128xf32, #tpu.memory_space<hbm>> -> memref<20000x128xf32, #tpu.memory_space<hbm>>
        tpu.wait_indirect_dma semaphore(%arg19 : memref<!tpu.dma_semaphore, #tpu.memory_space<semaphore_mem>>) src(%dma_wait3A_718 : memref<20000x128xf32, #tpu.memory_space<hbm>>) dst(%arg8 : memref<80x128xf32, #tpu.memory_space<vmem>>)
        %dma_wait3A_719 = arith.constant 0 : i32
        %dma_wait3A_720 = arith.constant 0 : i32
        %dma_wait3A_721 = tpu.memref_slice %arg3[%dma_wait3A_719, %dma_wait3A_720] : memref<320000x128xf32, #tpu.memory_space<hbm>> -> memref<320000x128xf32, #tpu.memory_space<hbm>>
        tpu.wait_indirect_dma semaphore(%arg21 : memref<!tpu.dma_semaphore, #tpu.memory_space<semaphore_mem>>) src(%dma_wait3A_721 : memref<320000x128xf32, #tpu.memory_space<hbm>>) dst(%arg10 : memref<80x128xf32, #tpu.memory_space<vmem>>)
        %scan3A_722 = arith.constant 0 : i32
        %scan3A_723 = arith.constant 0 : i32
        %scan3A_724 = arith.constant 20 : i32
        %scan3A_725 = arith.addi %scan3A_723, %scan3A_724 : i32
        %scan3A_726 = arith.constant 1 : i32
        %scan3A_727 = scf.for %scan3A_730 = %scan3A_723 to %scan3A_725 step %scan3A_726 iter_args(%scan3A_731 = %scan3A_722) -> (i32)  : i32 {
          %mul3A_732 = arith.constant 4 : i32
          %mul3A_733 = arith.muli %scan3A_730, %mul3A_732 : i32
          %add3A_734 = arith.constant 0 : i32
          %add3A_735 = arith.addi %mul3A_733, %add3A_734 : i32
          %get3A_736 = arith.index_cast %add3A_735 : i32 to index
          %get3A_737 = arith.constant 0 : index
          %get3A_738 = tpu.vector_load %arg8[%get3A_736, %get3A_737] {strides = array<i32>} : memref<80x128xf32, #tpu.memory_space<vmem>>, vector<1x16xf32>,
          %get3A_739 = vector.shape_cast %get3A_738 : vector<1x16xf32> to vector<16xf32>
          %get3A_740 = arith.index_cast %add3A_735 : i32 to index
          %get3A_741 = arith.constant 0 : index
          %get3A_742 = tpu.vector_load %arg10[%get3A_740, %get3A_741] {strides = array<i32>} : memref<80x128xf32, #tpu.memory_space<vmem>>, vector<1x16xf32>,
          %get3A_743 = vector.shape_cast %get3A_742 : vector<1x16xf32> to vector<16xf32>
          %add3A_744 = arith.addf %get3A_739, %get3A_743 : vector<16xf32>
          %max3A = arith.constant 0.000000e+00 : f32
          %max3A_745 = vector.broadcast %max3A : f32 to vector<16xf32>
          %max3A_746 = arith.maximumf %add3A_744, %max3A_745 : vector<16xf32>
          %swap3A_747 = arith.index_cast %add3A_735 : i32 to index
          %swap3A_748 = arith.constant 0 : index
          %swap3A_749 = tpu.vector_load %arg10[%swap3A_747, %swap3A_748] {strides = array<i32>} : memref<80x128xf32, #tpu.memory_space<vmem>>, vector<1x16xf32>,
          %swap3A_750 = vector.shape_cast %swap3A_749 : vector<1x16xf32> to vector<16xf32>
          %swap3A_751 = vector.shape_cast %max3A_746 : vector<16xf32> to vector<1x16xf32>
          tpu.vector_store %arg10[%swap3A_747, %swap3A_748], %swap3A_751 {strides = array<i32>} : memref<80x128xf32, #tpu.memory_space<vmem>>, vector<1x16xf32>,
          %get3A_752 = arith.index_cast %add3A_735 : i32 to index
          %get3A_753 = arith.constant 16 : index
          %get3A_754 = tpu.vector_load %arg8[%get3A_752, %get3A_753] {strides = array<i32>} : memref<80x128xf32, #tpu.memory_space<vmem>>, vector<1x16xf32>,
          %get3A_755 = vector.shape_cast %get3A_754 : vector<1x16xf32> to vector<16xf32>
          %get3A_756 = arith.index_cast %add3A_735 : i32 to index
          %get3A_757 = arith.constant 16 : index
          %get3A_758 = tpu.vector_load %arg10[%get3A_756, %get3A_757] {strides = array<i32>} : memref<80x128xf32, #tpu.memory_space<vmem>>, vector<1x16xf32>,
          %get3A_759 = vector.shape_cast %get3A_758 : vector<1x16xf32> to vector<16xf32>
          %add3A_760 = arith.addf %get3A_755, %get3A_759 : vector<16xf32>
          %max3A_761 = arith.constant 0.000000e+00 : f32
          %max3A_762 = vector.broadcast %max3A_761 : f32 to vector<16xf32>
          %max3A_763 = arith.maximumf %add3A_760, %max3A_762 : vector<16xf32>
          %swap3A_764 = arith.index_cast %add3A_735 : i32 to index
          %swap3A_765 = arith.constant 16 : index
          %swap3A_766 = tpu.vector_load %arg10[%swap3A_764, %swap3A_765] {strides = array<i32>} : memref<80x128xf32, #tpu.memory_space<vmem>>, vector<1x16xf32>,
          %swap3A_767 = vector.shape_cast %swap3A_766 : vector<1x16xf32> to vector<16xf32>
          %swap3A_768 = vector.shape_cast %max3A_763 : vector<16xf32> to vector<1x16xf32>
          tpu.vector_store %arg10[%swap3A_764, %swap3A_765], %swap3A_768 {strides = array<i32>} : memref<80x128xf32, #tpu.memory_space<vmem>>, vector<1x16xf32>,
          %get3A_769 = arith.index_cast %add3A_735 : i32 to index
          %get3A_770 = arith.constant 32 : index
          %get3A_771 = tpu.vector_load %arg8[%get3A_769, %get3A_770] {strides = array<i32>} : memref<80x128xf32, #tpu.memory_space<vmem>>, vector<1x16xf32>,
          %get3A_772 = vector.shape_cast %get3A_771 : vector<1x16xf32> to vector<16xf32>
          %get3A_773 = arith.index_cast %add3A_735 : i32 to index
          %get3A_774 = arith.constant 32 : index
          %get3A_775 = tpu.vector_load %arg10[%get3A_773, %get3A_774] {strides = array<i32>} : memref<80x128xf32, #tpu.memory_space<vmem>>, vector<1x16xf32>,
          %get3A_776 = vector.shape_cast %get3A_775 : vector<1x16xf32> to vector<16xf32>
          %add3A_777 = arith.addf %get3A_772, %get3A_776 : vector<16xf32>
          %max3A_778 = arith.constant 0.000000e+00 : f32
          %max3A_779 = vector.broadcast %max3A_778 : f32 to vector<16xf32>
          %max3A_780 = arith.maximumf %add3A_777, %max3A_779 : vector<16xf32>
          %swap3A_781 = arith.index_cast %add3A_735 : i32 to index
          %swap3A_782 = arith.constant 32 : index
          %swap3A_783 = tpu.vector_load %arg10[%swap3A_781, %swap3A_782] {strides = array<i32>} : memref<80x128xf32, #tpu.memory_space<vmem>>, vector<1x16xf32>,
          %swap3A_784 = vector.shape_cast %swap3A_783 : vector<1x16xf32> to vector<16xf32>
          %swap3A_785 = vector.shape_cast %max3A_780 : vector<16xf32> to vector<1x16xf32>
          tpu.vector_store %arg10[%swap3A_781, %swap3A_782], %swap3A_785 {strides = array<i32>} : memref<80x128xf32, #tpu.memory_space<vmem>>, vector<1x16xf32>,
          %get3A_786 = arith.index_cast %add3A_735 : i32 to index
          %get3A_787 = arith.constant 48 : index
          %get3A_788 = tpu.vector_load %arg8[%get3A_786, %get3A_787] {strides = array<i32>} : memref<80x128xf32, #tpu.memory_space<vmem>>, vector<1x16xf32>,
          %get3A_789 = vector.shape_cast %get3A_788 : vector<1x16xf32> to vector<16xf32>
          %get3A_790 = arith.index_cast %add3A_735 : i32 to index
          %get3A_791 = arith.constant 48 : index
          %get3A_792 = tpu.vector_load %arg10[%get3A_790, %get3A_791] {strides = array<i32>} : memref<80x128xf32, #tpu.memory_space<vmem>>, vector<1x16xf32>,
          %get3A_793 = vector.shape_cast %get3A_792 : vector<1x16xf32> to vector<16xf32>
          %add3A_794 = arith.addf %get3A_789, %get3A_793 : vector<16xf32>
          %max3A_795 = arith.constant 0.000000e+00 : f32
          %max3A_796 = vector.broadcast %max3A_795 : f32 to vector<16xf32>
          %max3A_797 = arith.maximumf %add3A_794, %max3A_796 : vector<16xf32>
          %swap3A_798 = arith.index_cast %add3A_735 : i32 to index
          %swap3A_799 = arith.constant 48 : index
          %swap3A_800 = tpu.vector_load %arg10[%swap3A_798, %swap3A_799] {strides = array<i32>} : memref<80x128xf32, #tpu.memory_space<vmem>>, vector<1x16xf32>,
          %swap3A_801 = vector.shape_cast %swap3A_800 : vector<1x16xf32> to vector<16xf32>
          %swap3A_802 = vector.shape_cast %max3A_797 : vector<16xf32> to vector<1x16xf32>
          tpu.vector_store %arg10[%swap3A_798, %swap3A_799], %swap3A_802 {strides = array<i32>} : memref<80x128xf32, #tpu.memory_space<vmem>>, vector<1x16xf32>,
          %get3A_803 = arith.index_cast %add3A_735 : i32 to index
          %get3A_804 = arith.constant 64 : index
          %get3A_805 = tpu.vector_load %arg8[%get3A_803, %get3A_804] {strides = array<i32>} : memref<80x128xf32, #tpu.memory_space<vmem>>, vector<1x16xf32>,
          %get3A_806 = vector.shape_cast %get3A_805 : vector<1x16xf32> to vector<16xf32>
          %get3A_807 = arith.index_cast %add3A_735 : i32 to index
          %get3A_808 = arith.constant 64 : index
          %get3A_809 = tpu.vector_load %arg10[%get3A_807, %get3A_808] {strides = array<i32>} : memref<80x128xf32, #tpu.memory_space<vmem>>, vector<1x16xf32>,
          %get3A_810 = vector.shape_cast %get3A_809 : vector<1x16xf32> to vector<16xf32>
          %add3A_811 = arith.addf %get3A_806, %get3A_810 : vector<16xf32>
          %max3A_812 = arith.constant 0.000000e+00 : f32
          %max3A_813 = vector.broadcast %max3A_812 : f32 to vector<16xf32>
          %max3A_814 = arith.maximumf %add3A_811, %max3A_813 : vector<16xf32>
          %swap3A_815 = arith.index_cast %add3A_735 : i32 to index
          %swap3A_816 = arith.constant 64 : index
          %swap3A_817 = tpu.vector_load %arg10[%swap3A_815, %swap3A_816] {strides = array<i32>} : memref<80x128xf32, #tpu.memory_space<vmem>>, vector<1x16xf32>,
          %swap3A_818 = vector.shape_cast %swap3A_817 : vector<1x16xf32> to vector<16xf32>
          %swap3A_819 = vector.shape_cast %max3A_814 : vector<16xf32> to vector<1x16xf32>
          tpu.vector_store %arg10[%swap3A_815, %swap3A_816], %swap3A_819 {strides = array<i32>} : memref<80x128xf32, #tpu.memory_space<vmem>>, vector<1x16xf32>,
          %get3A_820 = arith.index_cast %add3A_735 : i32 to index
          %get3A_821 = arith.constant 80 : index
          %get3A_822 = tpu.vector_load %arg8[%get3A_820, %get3A_821] {strides = array<i32>} : memref<80x128xf32, #tpu.memory_space<vmem>>, vector<1x16xf32>,
          %get3A_823 = vector.shape_cast %get3A_822 : vector<1x16xf32> to vector<16xf32>
          %get3A_824 = arith.index_cast %add3A_735 : i32 to index
          %get3A_825 = arith.constant 80 : index
          %get3A_826 = tpu.vector_load %arg10[%get3A_824, %get3A_825] {strides = array<i32>} : memref<80x128xf32, #tpu.memory_space<vmem>>, vector<1x16xf32>,
          %get3A_827 = vector.shape_cast %get3A_826 : vector<1x16xf32> to vector<16xf32>
          %add3A_828 = arith.addf %get3A_823, %get3A_827 : vector<16xf32>
          %max3A_829 = arith.constant 0.000000e+00 : f32
          %max3A_830 = vector.broadcast %max3A_829 : f32 to vector<16xf32>
          %max3A_831 = arith.maximumf %add3A_828, %max3A_830 : vector<16xf32>
          %swap3A_832 = arith.index_cast %add3A_735 : i32 to index
          %swap3A_833 = arith.constant 80 : index
          %swap3A_834 = tpu.vector_load %arg10[%swap3A_832, %swap3A_833] {strides = array<i32>} : memref<80x128xf32, #tpu.memory_space<vmem>>, vector<1x16xf32>,
          %swap3A_835 = vector.shape_cast %swap3A_834 : vector<1x16xf32> to vector<16xf32>
          %swap3A_836 = vector.shape_cast %max3A_831 : vector<16xf32> to vector<1x16xf32>
          tpu.vector_store %arg10[%swap3A_832, %swap3A_833], %swap3A_836 {strides = array<i32>} : memref<80x128xf32, #tpu.memory_space<vmem>>, vector<1x16xf32>,
          %get3A_837 = arith.index_cast %add3A_735 : i32 to index
          %get3A_838 = arith.constant 96 : index
          %get3A_839 = tpu.vector_load %arg8[%get3A_837, %get3A_838] {strides = array<i32>} : memref<80x128xf32, #tpu.memory_space<vmem>>, vector<1x16xf32>,
          %get3A_840 = vector.shape_cast %get3A_839 : vector<1x16xf32> to vector<16xf32>
          %get3A_841 = arith.index_cast %add3A_735 : i32 to index
          %get3A_842 = arith.constant 96 : index
          %get3A_843 = tpu.vector_load %arg10[%get3A_841, %get3A_842] {strides = array<i32>} : memref<80x128xf32, #tpu.memory_space<vmem>>, vector<1x16xf32>,
          %get3A_844 = vector.shape_cast %get3A_843 : vector<1x16xf32> to vector<16xf32>
          %add3A_845 = arith.addf %get3A_840, %get3A_844 : vector<16xf32>
          %max3A_846 = arith.constant 0.000000e+00 : f32
          %max3A_847 = vector.broadcast %max3A_846 : f32 to vector<16xf32>
          %max3A_848 = arith.maximumf %add3A_845, %max3A_847 : vector<16xf32>
          %swap3A_849 = arith.index_cast %add3A_735 : i32 to index
          %swap3A_850 = arith.constant 96 : index
          %swap3A_851 = tpu.vector_load %arg10[%swap3A_849, %swap3A_850] {strides = array<i32>} : memref<80x128xf32, #tpu.memory_space<vmem>>, vector<1x16xf32>,
          %swap3A_852 = vector.shape_cast %swap3A_851 : vector<1x16xf32> to vector<16xf32>
          %swap3A_853 = vector.shape_cast %max3A_848 : vector<16xf32> to vector<1x16xf32>
          tpu.vector_store %arg10[%swap3A_849, %swap3A_850], %swap3A_853 {strides = array<i32>} : memref<80x128xf32, #tpu.memory_space<vmem>>, vector<1x16xf32>,
          %get3A_854 = arith.index_cast %add3A_735 : i32 to index
          %get3A_855 = arith.constant 112 : index
          %get3A_856 = tpu.vector_load %arg8[%get3A_854, %get3A_855] {strides = array<i32>} : memref<80x128xf32, #tpu.memory_space<vmem>>, vector<1x16xf32>,
          %get3A_857 = vector.shape_cast %get3A_856 : vector<1x16xf32> to vector<16xf32>
          %get3A_858 = arith.index_cast %add3A_735 : i32 to index
          %get3A_859 = arith.constant 112 : index
          %get3A_860 = tpu.vector_load %arg10[%get3A_858, %get3A_859] {strides = array<i32>} : memref<80x128xf32, #tpu.memory_space<vmem>>, vector<1x16xf32>,
          %get3A_861 = vector.shape_cast %get3A_860 : vector<1x16xf32> to vector<16xf32>
          %add3A_862 = arith.addf %get3A_857, %get3A_861 : vector<16xf32>
          %max3A_863 = arith.constant 0.000000e+00 : f32
          %max3A_864 = vector.broadcast %max3A_863 : f32 to vector<16xf32>
          %max3A_865 = arith.maximumf %add3A_862, %max3A_864 : vector<16xf32>
          %swap3A_866 = arith.index_cast %add3A_735 : i32 to index
          %swap3A_867 = arith.constant 112 : index
          %swap3A_868 = tpu.vector_load %arg10[%swap3A_866, %swap3A_867] {strides = array<i32>} : memref<80x128xf32, #tpu.memory_space<vmem>>, vector<1x16xf32>,
          %swap3A_869 = vector.shape_cast %swap3A_868 : vector<1x16xf32> to vector<16xf32>
          %swap3A_870 = vector.shape_cast %max3A_865 : vector<16xf32> to vector<1x16xf32>
          tpu.vector_store %arg10[%swap3A_866, %swap3A_867], %swap3A_870 {strides = array<i32>} : memref<80x128xf32, #tpu.memory_space<vmem>>, vector<1x16xf32>,
          %mul3A_871 = arith.constant 4 : i32
          %mul3A_872 = arith.muli %scan3A_730, %mul3A_871 : i32
          %add3A_873 = arith.constant 1 : i32
          %add3A_874 = arith.addi %mul3A_872, %add3A_873 : i32
          %get3A_875 = arith.index_cast %add3A_874 : i32 to index
          %get3A_876 = arith.constant 0 : index
          %get3A_877 = tpu.vector_load %arg8[%get3A_875, %get3A_876] {strides = array<i32>} : memref<80x128xf32, #tpu.memory_space<vmem>>, vector<1x16xf32>,
          %get3A_878 = vector.shape_cast %get3A_877 : vector<1x16xf32> to vector<16xf32>
          %get3A_879 = arith.index_cast %add3A_874 : i32 to index
          %get3A_880 = arith.constant 0 : index
          %get3A_881 = tpu.vector_load %arg10[%get3A_879, %get3A_880] {strides = array<i32>} : memref<80x128xf32, #tpu.memory_space<vmem>>, vector<1x16xf32>,
          %get3A_882 = vector.shape_cast %get3A_881 : vector<1x16xf32> to vector<16xf32>
          %add3A_883 = arith.addf %get3A_878, %get3A_882 : vector<16xf32>
          %max3A_884 = arith.constant 0.000000e+00 : f32
          %max3A_885 = vector.broadcast %max3A_884 : f32 to vector<16xf32>
          %max3A_886 = arith.maximumf %add3A_883, %max3A_885 : vector<16xf32>
          %swap3A_887 = arith.index_cast %add3A_874 : i32 to index
          %swap3A_888 = arith.constant 0 : index
          %swap3A_889 = tpu.vector_load %arg10[%swap3A_887, %swap3A_888] {strides = array<i32>} : memref<80x128xf32, #tpu.memory_space<vmem>>, vector<1x16xf32>,
          %swap3A_890 = vector.shape_cast %swap3A_889 : vector<1x16xf32> to vector<16xf32>
          %swap3A_891 = vector.shape_cast %max3A_886 : vector<16xf32> to vector<1x16xf32>
          tpu.vector_store %arg10[%swap3A_887, %swap3A_888], %swap3A_891 {strides = array<i32>} : memref<80x128xf32, #tpu.memory_space<vmem>>, vector<1x16xf32>,
          %get3A_892 = arith.index_cast %add3A_874 : i32 to index
          %get3A_893 = arith.constant 16 : index
          %get3A_894 = tpu.vector_load %arg8[%get3A_892, %get3A_893] {strides = array<i32>} : memref<80x128xf32, #tpu.memory_space<vmem>>, vector<1x16xf32>,
          %get3A_895 = vector.shape_cast %get3A_894 : vector<1x16xf32> to vector<16xf32>
          %get3A_896 = arith.index_cast %add3A_874 : i32 to index
          %get3A_897 = arith.constant 16 : index
          %get3A_898 = tpu.vector_load %arg10[%get3A_896, %get3A_897] {strides = array<i32>} : memref<80x128xf32, #tpu.memory_space<vmem>>, vector<1x16xf32>,
          %get3A_899 = vector.shape_cast %get3A_898 : vector<1x16xf32> to vector<16xf32>
          %add3A_900 = arith.addf %get3A_895, %get3A_899 : vector<16xf32>
          %max3A_901 = arith.constant 0.000000e+00 : f32
          %max3A_902 = vector.broadcast %max3A_901 : f32 to vector<16xf32>
          %max3A_903 = arith.maximumf %add3A_900, %max3A_902 : vector<16xf32>
          %swap3A_904 = arith.index_cast %add3A_874 : i32 to index
          %swap3A_905 = arith.constant 16 : index
          %swap3A_906 = tpu.vector_load %arg10[%swap3A_904, %swap3A_905] {strides = array<i32>} : memref<80x128xf32, #tpu.memory_space<vmem>>, vector<1x16xf32>,
          %swap3A_907 = vector.shape_cast %swap3A_906 : vector<1x16xf32> to vector<16xf32>
          %swap3A_908 = vector.shape_cast %max3A_903 : vector<16xf32> to vector<1x16xf32>
          tpu.vector_store %arg10[%swap3A_904, %swap3A_905], %swap3A_908 {strides = array<i32>} : memref<80x128xf32, #tpu.memory_space<vmem>>, vector<1x16xf32>,
          %get3A_909 = arith.index_cast %add3A_874 : i32 to index
          %get3A_910 = arith.constant 32 : index
          %get3A_911 = tpu.vector_load %arg8[%get3A_909, %get3A_910] {strides = array<i32>} : memref<80x128xf32, #tpu.memory_space<vmem>>, vector<1x16xf32>,
          %get3A_912 = vector.shape_cast %get3A_911 : vector<1x16xf32> to vector<16xf32>
          %get3A_913 = arith.index_cast %add3A_874 : i32 to index
          %get3A_914 = arith.constant 32 : index
          %get3A_915 = tpu.vector_load %arg10[%get3A_913, %get3A_914] {strides = array<i32>} : memref<80x128xf32, #tpu.memory_space<vmem>>, vector<1x16xf32>,
          %get3A_916 = vector.shape_cast %get3A_915 : vector<1x16xf32> to vector<16xf32>
          %add3A_917 = arith.addf %get3A_912, %get3A_916 : vector<16xf32>
          %max3A_918 = arith.constant 0.000000e+00 : f32
          %max3A_919 = vector.broadcast %max3A_918 : f32 to vector<16xf32>
          %max3A_920 = arith.maximumf %add3A_917, %max3A_919 : vector<16xf32>
          %swap3A_921 = arith.index_cast %add3A_874 : i32 to index
          %swap3A_922 = arith.constant 32 : index
          %swap3A_923 = tpu.vector_load %arg10[%swap3A_921, %swap3A_922] {strides = array<i32>} : memref<80x128xf32, #tpu.memory_space<vmem>>, vector<1x16xf32>,
          %swap3A_924 = vector.shape_cast %swap3A_923 : vector<1x16xf32> to vector<16xf32>
          %swap3A_925 = vector.shape_cast %max3A_920 : vector<16xf32> to vector<1x16xf32>
          tpu.vector_store %arg10[%swap3A_921, %swap3A_922], %swap3A_925 {strides = array<i32>} : memref<80x128xf32, #tpu.memory_space<vmem>>, vector<1x16xf32>,
          %get3A_926 = arith.index_cast %add3A_874 : i32 to index
          %get3A_927 = arith.constant 48 : index
          %get3A_928 = tpu.vector_load %arg8[%get3A_926, %get3A_927] {strides = array<i32>} : memref<80x128xf32, #tpu.memory_space<vmem>>, vector<1x16xf32>,
          %get3A_929 = vector.shape_cast %get3A_928 : vector<1x16xf32> to vector<16xf32>
          %get3A_930 = arith.index_cast %add3A_874 : i32 to index
          %get3A_931 = arith.constant 48 : index
          %get3A_932 = tpu.vector_load %arg10[%get3A_930, %get3A_931] {strides = array<i32>} : memref<80x128xf32, #tpu.memory_space<vmem>>, vector<1x16xf32>,
          %get3A_933 = vector.shape_cast %get3A_932 : vector<1x16xf32> to vector<16xf32>
          %add3A_934 = arith.addf %get3A_929, %get3A_933 : vector<16xf32>
          %max3A_935 = arith.constant 0.000000e+00 : f32
          %max3A_936 = vector.broadcast %max3A_935 : f32 to vector<16xf32>
          %max3A_937 = arith.maximumf %add3A_934, %max3A_936 : vector<16xf32>
          %swap3A_938 = arith.index_cast %add3A_874 : i32 to index
          %swap3A_939 = arith.constant 48 : index
          %swap3A_940 = tpu.vector_load %arg10[%swap3A_938, %swap3A_939] {strides = array<i32>} : memref<80x128xf32, #tpu.memory_space<vmem>>, vector<1x16xf32>,
          %swap3A_941 = vector.shape_cast %swap3A_940 : vector<1x16xf32> to vector<16xf32>
          %swap3A_942 = vector.shape_cast %max3A_937 : vector<16xf32> to vector<1x16xf32>
          tpu.vector_store %arg10[%swap3A_938, %swap3A_939], %swap3A_942 {strides = array<i32>} : memref<80x128xf32, #tpu.memory_space<vmem>>, vector<1x16xf32>,
          %get3A_943 = arith.index_cast %add3A_874 : i32 to index
          %get3A_944 = arith.constant 64 : index
          %get3A_945 = tpu.vector_load %arg8[%get3A_943, %get3A_944] {strides = array<i32>} : memref<80x128xf32, #tpu.memory_space<vmem>>, vector<1x16xf32>,
          %get3A_946 = vector.shape_cast %get3A_945 : vector<1x16xf32> to vector<16xf32>
          %get3A_947 = arith.index_cast %add3A_874 : i32 to index
          %get3A_948 = arith.constant 64 : index
          %get3A_949 = tpu.vector_load %arg10[%get3A_947, %get3A_948] {strides = array<i32>} : memref<80x128xf32, #tpu.memory_space<vmem>>, vector<1x16xf32>,
          %get3A_950 = vector.shape_cast %get3A_949 : vector<1x16xf32> to vector<16xf32>
          %add3A_951 = arith.addf %get3A_946, %get3A_950 : vector<16xf32>
          %max3A_952 = arith.constant 0.000000e+00 : f32
          %max3A_953 = vector.broadcast %max3A_952 : f32 to vector<16xf32>
          %max3A_954 = arith.maximumf %add3A_951, %max3A_953 : vector<16xf32>
          %swap3A_955 = arith.index_cast %add3A_874 : i32 to index
          %swap3A_956 = arith.constant 64 : index
          %swap3A_957 = tpu.vector_load %arg10[%swap3A_955, %swap3A_956] {strides = array<i32>} : memref<80x128xf32, #tpu.memory_space<vmem>>, vector<1x16xf32>,
          %swap3A_958 = vector.shape_cast %swap3A_957 : vector<1x16xf32> to vector<16xf32>
          %swap3A_959 = vector.shape_cast %max3A_954 : vector<16xf32> to vector<1x16xf32>
          tpu.vector_store %arg10[%swap3A_955, %swap3A_956], %swap3A_959 {strides = array<i32>} : memref<80x128xf32, #tpu.memory_space<vmem>>, vector<1x16xf32>,
          %get3A_960 = arith.index_cast %add3A_874 : i32 to index
          %get3A_961 = arith.constant 80 : index
          %get3A_962 = tpu.vector_load %arg8[%get3A_960, %get3A_961] {strides = array<i32>} : memref<80x128xf32, #tpu.memory_space<vmem>>, vector<1x16xf32>,
          %get3A_963 = vector.shape_cast %get3A_962 : vector<1x16xf32> to vector<16xf32>
          %get3A_964 = arith.index_cast %add3A_874 : i32 to index
          %get3A_965 = arith.constant 80 : index
          %get3A_966 = tpu.vector_load %arg10[%get3A_964, %get3A_965] {strides = array<i32>} : memref<80x128xf32, #tpu.memory_space<vmem>>, vector<1x16xf32>,
          %get3A_967 = vector.shape_cast %get3A_966 : vector<1x16xf32> to vector<16xf32>
          %add3A_968 = arith.addf %get3A_963, %get3A_967 : vector<16xf32>
          %max3A_969 = arith.constant 0.000000e+00 : f32
          %max3A_970 = vector.broadcast %max3A_969 : f32 to vector<16xf32>
          %max3A_971 = arith.maximumf %add3A_968, %max3A_970 : vector<16xf32>
          %swap3A_972 = arith.index_cast %add3A_874 : i32 to index
          %swap3A_973 = arith.constant 80 : index
          %swap3A_974 = tpu.vector_load %arg10[%swap3A_972, %swap3A_973] {strides = array<i32>} : memref<80x128xf32, #tpu.memory_space<vmem>>, vector<1x16xf32>,
          %swap3A_975 = vector.shape_cast %swap3A_974 : vector<1x16xf32> to vector<16xf32>
          %swap3A_976 = vector.shape_cast %max3A_971 : vector<16xf32> to vector<1x16xf32>
          tpu.vector_store %arg10[%swap3A_972, %swap3A_973], %swap3A_976 {strides = array<i32>} : memref<80x128xf32, #tpu.memory_space<vmem>>, vector<1x16xf32>,
          %get3A_977 = arith.index_cast %add3A_874 : i32 to index
          %get3A_978 = arith.constant 96 : index
          %get3A_979 = tpu.vector_load %arg8[%get3A_977, %get3A_978] {strides = array<i32>} : memref<80x128xf32, #tpu.memory_space<vmem>>, vector<1x16xf32>,
          %get3A_980 = vector.shape_cast %get3A_979 : vector<1x16xf32> to vector<16xf32>
          %get3A_981 = arith.index_cast %add3A_874 : i32 to index
          %get3A_982 = arith.constant 96 : index
          %get3A_983 = tpu.vector_load %arg10[%get3A_981, %get3A_982] {strides = array<i32>} : memref<80x128xf32, #tpu.memory_space<vmem>>, vector<1x16xf32>,
          %get3A_984 = vector.shape_cast %get3A_983 : vector<1x16xf32> to vector<16xf32>
          %add3A_985 = arith.addf %get3A_980, %get3A_984 : vector<16xf32>
          %max3A_986 = arith.constant 0.000000e+00 : f32
          %max3A_987 = vector.broadcast %max3A_986 : f32 to vector<16xf32>
          %max3A_988 = arith.maximumf %add3A_985, %max3A_987 : vector<16xf32>
          %swap3A_989 = arith.index_cast %add3A_874 : i32 to index
          %swap3A_990 = arith.constant 96 : index
          %swap3A_991 = tpu.vector_load %arg10[%swap3A_989, %swap3A_990] {strides = array<i32>} : memref<80x128xf32, #tpu.memory_space<vmem>>, vector<1x16xf32>,
          %swap3A_992 = vector.shape_cast %swap3A_991 : vector<1x16xf32> to vector<16xf32>
          %swap3A_993 = vector.shape_cast %max3A_988 : vector<16xf32> to vector<1x16xf32>
          tpu.vector_store %arg10[%swap3A_989, %swap3A_990], %swap3A_993 {strides = array<i32>} : memref<80x128xf32, #tpu.memory_space<vmem>>, vector<1x16xf32>,
          %get3A_994 = arith.index_cast %add3A_874 : i32 to index
          %get3A_995 = arith.constant 112 : index
          %get3A_996 = tpu.vector_load %arg8[%get3A_994, %get3A_995] {strides = array<i32>} : memref<80x128xf32, #tpu.memory_space<vmem>>, vector<1x16xf32>,
          %get3A_997 = vector.shape_cast %get3A_996 : vector<1x16xf32> to vector<16xf32>
          %get3A_998 = arith.index_cast %add3A_874 : i32 to index
          %get3A_999 = arith.constant 112 : index
          %get3A_1000 = tpu.vector_load %arg10[%get3A_998, %get3A_999] {strides = array<i32>} : memref<80x128xf32, #tpu.memory_space<vmem>>, vector<1x16xf32>,
          %get3A_1001 = vector.shape_cast %get3A_1000 : vector<1x16xf32> to vector<16xf32>
          %add3A_1002 = arith.addf %get3A_997, %get3A_1001 : vector<16xf32>
          %max3A_1003 = arith.constant 0.000000e+00 : f32
          %max3A_1004 = vector.broadcast %max3A_1003 : f32 to vector<16xf32>
          %max3A_1005 = arith.maximumf %add3A_1002, %max3A_1004 : vector<16xf32>
          %swap3A_1006 = arith.index_cast %add3A_874 : i32 to index
          %swap3A_1007 = arith.constant 112 : index
          %swap3A_1008 = tpu.vector_load %arg10[%swap3A_1006, %swap3A_1007] {strides = array<i32>} : memref<80x128xf32, #tpu.memory_space<vmem>>, vector<1x16xf32>,
          %swap3A_1009 = vector.shape_cast %swap3A_1008 : vector<1x16xf32> to vector<16xf32>
          %swap3A_1010 = vector.shape_cast %max3A_1005 : vector<16xf32> to vector<1x16xf32>
          tpu.vector_store %arg10[%swap3A_1006, %swap3A_1007], %swap3A_1010 {strides = array<i32>} : memref<80x128xf32, #tpu.memory_space<vmem>>, vector<1x16xf32>,
          %mul3A_1011 = arith.constant 4 : i32
          %mul3A_1012 = arith.muli %scan3A_730, %mul3A_1011 : i32
          %add3A_1013 = arith.constant 2 : i32
          %add3A_1014 = arith.addi %mul3A_1012, %add3A_1013 : i32
          %get3A_1015 = arith.index_cast %add3A_1014 : i32 to index
          %get3A_1016 = arith.constant 0 : index
          %get3A_1017 = tpu.vector_load %arg8[%get3A_1015, %get3A_1016] {strides = array<i32>} : memref<80x128xf32, #tpu.memory_space<vmem>>, vector<1x16xf32>,
          %get3A_1018 = vector.shape_cast %get3A_1017 : vector<1x16xf32> to vector<16xf32>
          %get3A_1019 = arith.index_cast %add3A_1014 : i32 to index
          %get3A_1020 = arith.constant 0 : index
          %get3A_1021 = tpu.vector_load %arg10[%get3A_1019, %get3A_1020] {strides = array<i32>} : memref<80x128xf32, #tpu.memory_space<vmem>>, vector<1x16xf32>,
          %get3A_1022 = vector.shape_cast %get3A_1021 : vector<1x16xf32> to vector<16xf32>
          %add3A_1023 = arith.addf %get3A_1018, %get3A_1022 : vector<16xf32>
          %max3A_1024 = arith.constant 0.000000e+00 : f32
          %max3A_1025 = vector.broadcast %max3A_1024 : f32 to vector<16xf32>
          %max3A_1026 = arith.maximumf %add3A_1023, %max3A_1025 : vector<16xf32>
          %swap3A_1027 = arith.index_cast %add3A_1014 : i32 to index
          %swap3A_1028 = arith.constant 0 : index
          %swap3A_1029 = tpu.vector_load %arg10[%swap3A_1027, %swap3A_1028] {strides = array<i32>} : memref<80x128xf32, #tpu.memory_space<vmem>>, vector<1x16xf32>,
          %swap3A_1030 = vector.shape_cast %swap3A_1029 : vector<1x16xf32> to vector<16xf32>
          %swap3A_1031 = vector.shape_cast %max3A_1026 : vector<16xf32> to vector<1x16xf32>
          tpu.vector_store %arg10[%swap3A_1027, %swap3A_1028], %swap3A_1031 {strides = array<i32>} : memref<80x128xf32, #tpu.memory_space<vmem>>, vector<1x16xf32>,
          %get3A_1032 = arith.index_cast %add3A_1014 : i32 to index
          %get3A_1033 = arith.constant 16 : index
          %get3A_1034 = tpu.vector_load %arg8[%get3A_1032, %get3A_1033] {strides = array<i32>} : memref<80x128xf32, #tpu.memory_space<vmem>>, vector<1x16xf32>,
          %get3A_1035 = vector.shape_cast %get3A_1034 : vector<1x16xf32> to vector<16xf32>
          %get3A_1036 = arith.index_cast %add3A_1014 : i32 to index
          %get3A_1037 = arith.constant 16 : index
          %get3A_1038 = tpu.vector_load %arg10[%get3A_1036, %get3A_1037] {strides = array<i32>} : memref<80x128xf32, #tpu.memory_space<vmem>>, vector<1x16xf32>,
          %get3A_1039 = vector.shape_cast %get3A_1038 : vector<1x16xf32> to vector<16xf32>
          %add3A_1040 = arith.addf %get3A_1035, %get3A_1039 : vector<16xf32>
          %max3A_1041 = arith.constant 0.000000e+00 : f32
          %max3A_1042 = vector.broadcast %max3A_1041 : f32 to vector<16xf32>
          %max3A_1043 = arith.maximumf %add3A_1040, %max3A_1042 : vector<16xf32>
          %swap3A_1044 = arith.index_cast %add3A_1014 : i32 to index
          %swap3A_1045 = arith.constant 16 : index
          %swap3A_1046 = tpu.vector_load %arg10[%swap3A_1044, %swap3A_1045] {strides = array<i32>} : memref<80x128xf32, #tpu.memory_space<vmem>>, vector<1x16xf32>,
          %swap3A_1047 = vector.shape_cast %swap3A_1046 : vector<1x16xf32> to vector<16xf32>
          %swap3A_1048 = vector.shape_cast %max3A_1043 : vector<16xf32> to vector<1x16xf32>
          tpu.vector_store %arg10[%swap3A_1044, %swap3A_1045], %swap3A_1048 {strides = array<i32>} : memref<80x128xf32, #tpu.memory_space<vmem>>, vector<1x16xf32>,
          %get3A_1049 = arith.index_cast %add3A_1014 : i32 to index
          %get3A_1050 = arith.constant 32 : index
          %get3A_1051 = tpu.vector_load %arg8[%get3A_1049, %get3A_1050] {strides = array<i32>} : memref<80x128xf32, #tpu.memory_space<vmem>>, vector<1x16xf32>,
          %get3A_1052 = vector.shape_cast %get3A_1051 : vector<1x16xf32> to vector<16xf32>
          %get3A_1053 = arith.index_cast %add3A_1014 : i32 to index
          %get3A_1054 = arith.constant 32 : index
          %get3A_1055 = tpu.vector_load %arg10[%get3A_1053, %get3A_1054] {strides = array<i32>} : memref<80x128xf32, #tpu.memory_space<vmem>>, vector<1x16xf32>,
          %get3A_1056 = vector.shape_cast %get3A_1055 : vector<1x16xf32> to vector<16xf32>
          %add3A_1057 = arith.addf %get3A_1052, %get3A_1056 : vector<16xf32>
          %max3A_1058 = arith.constant 0.000000e+00 : f32
          %max3A_1059 = vector.broadcast %max3A_1058 : f32 to vector<16xf32>
          %max3A_1060 = arith.maximumf %add3A_1057, %max3A_1059 : vector<16xf32>
          %swap3A_1061 = arith.index_cast %add3A_1014 : i32 to index
          %swap3A_1062 = arith.constant 32 : index
          %swap3A_1063 = tpu.vector_load %arg10[%swap3A_1061, %swap3A_1062] {strides = array<i32>} : memref<80x128xf32, #tpu.memory_space<vmem>>, vector<1x16xf32>,
          %swap3A_1064 = vector.shape_cast %swap3A_1063 : vector<1x16xf32> to vector<16xf32>
          %swap3A_1065 = vector.shape_cast %max3A_1060 : vector<16xf32> to vector<1x16xf32>
          tpu.vector_store %arg10[%swap3A_1061, %swap3A_1062], %swap3A_1065 {strides = array<i32>} : memref<80x128xf32, #tpu.memory_space<vmem>>, vector<1x16xf32>,
          %get3A_1066 = arith.index_cast %add3A_1014 : i32 to index
          %get3A_1067 = arith.constant 48 : index
          %get3A_1068 = tpu.vector_load %arg8[%get3A_1066, %get3A_1067] {strides = array<i32>} : memref<80x128xf32, #tpu.memory_space<vmem>>, vector<1x16xf32>,
          %get3A_1069 = vector.shape_cast %get3A_1068 : vector<1x16xf32> to vector<16xf32>
          %get3A_1070 = arith.index_cast %add3A_1014 : i32 to index
          %get3A_1071 = arith.constant 48 : index
          %get3A_1072 = tpu.vector_load %arg10[%get3A_1070, %get3A_1071] {strides = array<i32>} : memref<80x128xf32, #tpu.memory_space<vmem>>, vector<1x16xf32>,
          %get3A_1073 = vector.shape_cast %get3A_1072 : vector<1x16xf32> to vector<16xf32>
          %add3A_1074 = arith.addf %get3A_1069, %get3A_1073 : vector<16xf32>
          %max3A_1075 = arith.constant 0.000000e+00 : f32
          %max3A_1076 = vector.broadcast %max3A_1075 : f32 to vector<16xf32>
          %max3A_1077 = arith.maximumf %add3A_1074, %max3A_1076 : vector<16xf32>
          %swap3A_1078 = arith.index_cast %add3A_1014 : i32 to index
          %swap3A_1079 = arith.constant 48 : index
          %swap3A_1080 = tpu.vector_load %arg10[%swap3A_1078, %swap3A_1079] {strides = array<i32>} : memref<80x128xf32, #tpu.memory_space<vmem>>, vector<1x16xf32>,
          %swap3A_1081 = vector.shape_cast %swap3A_1080 : vector<1x16xf32> to vector<16xf32>
          %swap3A_1082 = vector.shape_cast %max3A_1077 : vector<16xf32> to vector<1x16xf32>
          tpu.vector_store %arg10[%swap3A_1078, %swap3A_1079], %swap3A_1082 {strides = array<i32>} : memref<80x128xf32, #tpu.memory_space<vmem>>, vector<1x16xf32>,
          %get3A_1083 = arith.index_cast %add3A_1014 : i32 to index
          %get3A_1084 = arith.constant 64 : index
          %get3A_1085 = tpu.vector_load %arg8[%get3A_1083, %get3A_1084] {strides = array<i32>} : memref<80x128xf32, #tpu.memory_space<vmem>>, vector<1x16xf32>,
          %get3A_1086 = vector.shape_cast %get3A_1085 : vector<1x16xf32> to vector<16xf32>
          %get3A_1087 = arith.index_cast %add3A_1014 : i32 to index
          %get3A_1088 = arith.constant 64 : index
          %get3A_1089 = tpu.vector_load %arg10[%get3A_1087, %get3A_1088] {strides = array<i32>} : memref<80x128xf32, #tpu.memory_space<vmem>>, vector<1x16xf32>,
          %get3A_1090 = vector.shape_cast %get3A_1089 : vector<1x16xf32> to vector<16xf32>
          %add3A_1091 = arith.addf %get3A_1086, %get3A_1090 : vector<16xf32>
          %max3A_1092 = arith.constant 0.000000e+00 : f32
          %max3A_1093 = vector.broadcast %max3A_1092 : f32 to vector<16xf32>
          %max3A_1094 = arith.maximumf %add3A_1091, %max3A_1093 : vector<16xf32>
          %swap3A_1095 = arith.index_cast %add3A_1014 : i32 to index
          %swap3A_1096 = arith.constant 64 : index
          %swap3A_1097 = tpu.vector_load %arg10[%swap3A_1095, %swap3A_1096] {strides = array<i32>} : memref<80x128xf32, #tpu.memory_space<vmem>>, vector<1x16xf32>,
          %swap3A_1098 = vector.shape_cast %swap3A_1097 : vector<1x16xf32> to vector<16xf32>
          %swap3A_1099 = vector.shape_cast %max3A_1094 : vector<16xf32> to vector<1x16xf32>
          tpu.vector_store %arg10[%swap3A_1095, %swap3A_1096], %swap3A_1099 {strides = array<i32>} : memref<80x128xf32, #tpu.memory_space<vmem>>, vector<1x16xf32>,
          %get3A_1100 = arith.index_cast %add3A_1014 : i32 to index
          %get3A_1101 = arith.constant 80 : index
          %get3A_1102 = tpu.vector_load %arg8[%get3A_1100, %get3A_1101] {strides = array<i32>} : memref<80x128xf32, #tpu.memory_space<vmem>>, vector<1x16xf32>,
          %get3A_1103 = vector.shape_cast %get3A_1102 : vector<1x16xf32> to vector<16xf32>
          %get3A_1104 = arith.index_cast %add3A_1014 : i32 to index
          %get3A_1105 = arith.constant 80 : index
          %get3A_1106 = tpu.vector_load %arg10[%get3A_1104, %get3A_1105] {strides = array<i32>} : memref<80x128xf32, #tpu.memory_space<vmem>>, vector<1x16xf32>,
          %get3A_1107 = vector.shape_cast %get3A_1106 : vector<1x16xf32> to vector<16xf32>
          %add3A_1108 = arith.addf %get3A_1103, %get3A_1107 : vector<16xf32>
          %max3A_1109 = arith.constant 0.000000e+00 : f32
          %max3A_1110 = vector.broadcast %max3A_1109 : f32 to vector<16xf32>
          %max3A_1111 = arith.maximumf %add3A_1108, %max3A_1110 : vector<16xf32>
          %swap3A_1112 = arith.index_cast %add3A_1014 : i32 to index
          %swap3A_1113 = arith.constant 80 : index
          %swap3A_1114 = tpu.vector_load %arg10[%swap3A_1112, %swap3A_1113] {strides = array<i32>} : memref<80x128xf32, #tpu.memory_space<vmem>>, vector<1x16xf32>,
          %swap3A_1115 = vector.shape_cast %swap3A_1114 : vector<1x16xf32> to vector<16xf32>
          %swap3A_1116 = vector.shape_cast %max3A_1111 : vector<16xf32> to vector<1x16xf32>
          tpu.vector_store %arg10[%swap3A_1112, %swap3A_1113], %swap3A_1116 {strides = array<i32>} : memref<80x128xf32, #tpu.memory_space<vmem>>, vector<1x16xf32>,
          %get3A_1117 = arith.index_cast %add3A_1014 : i32 to index
          %get3A_1118 = arith.constant 96 : index
          %get3A_1119 = tpu.vector_load %arg8[%get3A_1117, %get3A_1118] {strides = array<i32>} : memref<80x128xf32, #tpu.memory_space<vmem>>, vector<1x16xf32>,
          %get3A_1120 = vector.shape_cast %get3A_1119 : vector<1x16xf32> to vector<16xf32>
          %get3A_1121 = arith.index_cast %add3A_1014 : i32 to index
          %get3A_1122 = arith.constant 96 : index
          %get3A_1123 = tpu.vector_load %arg10[%get3A_1121, %get3A_1122] {strides = array<i32>} : memref<80x128xf32, #tpu.memory_space<vmem>>, vector<1x16xf32>,
          %get3A_1124 = vector.shape_cast %get3A_1123 : vector<1x16xf32> to vector<16xf32>
          %add3A_1125 = arith.addf %get3A_1120, %get3A_1124 : vector<16xf32>
          %max3A_1126 = arith.constant 0.000000e+00 : f32
          %max3A_1127 = vector.broadcast %max3A_1126 : f32 to vector<16xf32>
          %max3A_1128 = arith.maximumf %add3A_1125, %max3A_1127 : vector<16xf32>
          %swap3A_1129 = arith.index_cast %add3A_1014 : i32 to index
          %swap3A_1130 = arith.constant 96 : index
          %swap3A_1131 = tpu.vector_load %arg10[%swap3A_1129, %swap3A_1130] {strides = array<i32>} : memref<80x128xf32, #tpu.memory_space<vmem>>, vector<1x16xf32>,
          %swap3A_1132 = vector.shape_cast %swap3A_1131 : vector<1x16xf32> to vector<16xf32>
          %swap3A_1133 = vector.shape_cast %max3A_1128 : vector<16xf32> to vector<1x16xf32>
          tpu.vector_store %arg10[%swap3A_1129, %swap3A_1130], %swap3A_1133 {strides = array<i32>} : memref<80x128xf32, #tpu.memory_space<vmem>>, vector<1x16xf32>,
          %get3A_1134 = arith.index_cast %add3A_1014 : i32 to index
          %get3A_1135 = arith.constant 112 : index
          %get3A_1136 = tpu.vector_load %arg8[%get3A_1134, %get3A_1135] {strides = array<i32>} : memref<80x128xf32, #tpu.memory_space<vmem>>, vector<1x16xf32>,
          %get3A_1137 = vector.shape_cast %get3A_1136 : vector<1x16xf32> to vector<16xf32>
          %get3A_1138 = arith.index_cast %add3A_1014 : i32 to index
          %get3A_1139 = arith.constant 112 : index
          %get3A_1140 = tpu.vector_load %arg10[%get3A_1138, %get3A_1139] {strides = array<i32>} : memref<80x128xf32, #tpu.memory_space<vmem>>, vector<1x16xf32>,
          %get3A_1141 = vector.shape_cast %get3A_1140 : vector<1x16xf32> to vector<16xf32>
          %add3A_1142 = arith.addf %get3A_1137, %get3A_1141 : vector<16xf32>
          %max3A_1143 = arith.constant 0.000000e+00 : f32
          %max3A_1144 = vector.broadcast %max3A_1143 : f32 to vector<16xf32>
          %max3A_1145 = arith.maximumf %add3A_1142, %max3A_1144 : vector<16xf32>
          %swap3A_1146 = arith.index_cast %add3A_1014 : i32 to index
          %swap3A_1147 = arith.constant 112 : index
          %swap3A_1148 = tpu.vector_load %arg10[%swap3A_1146, %swap3A_1147] {strides = array<i32>} : memref<80x128xf32, #tpu.memory_space<vmem>>, vector<1x16xf32>,
          %swap3A_1149 = vector.shape_cast %swap3A_1148 : vector<1x16xf32> to vector<16xf32>
          %swap3A_1150 = vector.shape_cast %max3A_1145 : vector<16xf32> to vector<1x16xf32>
          tpu.vector_store %arg10[%swap3A_1146, %swap3A_1147], %swap3A_1150 {strides = array<i32>} : memref<80x128xf32, #tpu.memory_space<vmem>>, vector<1x16xf32>,
          %mul3A_1151 = arith.constant 4 : i32
          %mul3A_1152 = arith.muli %scan3A_730, %mul3A_1151 : i32
          %add3A_1153 = arith.constant 3 : i32
          %add3A_1154 = arith.addi %mul3A_1152, %add3A_1153 : i32
          %get3A_1155 = arith.index_cast %add3A_1154 : i32 to index
          %get3A_1156 = arith.constant 0 : index
          %get3A_1157 = tpu.vector_load %arg8[%get3A_1155, %get3A_1156] {strides = array<i32>} : memref<80x128xf32, #tpu.memory_space<vmem>>, vector<1x16xf32>,
          %get3A_1158 = vector.shape_cast %get3A_1157 : vector<1x16xf32> to vector<16xf32>
          %get3A_1159 = arith.index_cast %add3A_1154 : i32 to index
          %get3A_1160 = arith.constant 0 : index
          %get3A_1161 = tpu.vector_load %arg10[%get3A_1159, %get3A_1160] {strides = array<i32>} : memref<80x128xf32, #tpu.memory_space<vmem>>, vector<1x16xf32>,
          %get3A_1162 = vector.shape_cast %get3A_1161 : vector<1x16xf32> to vector<16xf32>
          %add3A_1163 = arith.addf %get3A_1158, %get3A_1162 : vector<16xf32>
          %max3A_1164 = arith.constant 0.000000e+00 : f32
          %max3A_1165 = vector.broadcast %max3A_1164 : f32 to vector<16xf32>
          %max3A_1166 = arith.maximumf %add3A_1163, %max3A_1165 : vector<16xf32>
          %swap3A_1167 = arith.index_cast %add3A_1154 : i32 to index
          %swap3A_1168 = arith.constant 0 : index
          %swap3A_1169 = tpu.vector_load %arg10[%swap3A_1167, %swap3A_1168] {strides = array<i32>} : memref<80x128xf32, #tpu.memory_space<vmem>>, vector<1x16xf32>,
          %swap3A_1170 = vector.shape_cast %swap3A_1169 : vector<1x16xf32> to vector<16xf32>
          %swap3A_1171 = vector.shape_cast %max3A_1166 : vector<16xf32> to vector<1x16xf32>
          tpu.vector_store %arg10[%swap3A_1167, %swap3A_1168], %swap3A_1171 {strides = array<i32>} : memref<80x128xf32, #tpu.memory_space<vmem>>, vector<1x16xf32>,
          %get3A_1172 = arith.index_cast %add3A_1154 : i32 to index
          %get3A_1173 = arith.constant 16 : index
          %get3A_1174 = tpu.vector_load %arg8[%get3A_1172, %get3A_1173] {strides = array<i32>} : memref<80x128xf32, #tpu.memory_space<vmem>>, vector<1x16xf32>,
          %get3A_1175 = vector.shape_cast %get3A_1174 : vector<1x16xf32> to vector<16xf32>
          %get3A_1176 = arith.index_cast %add3A_1154 : i32 to index
          %get3A_1177 = arith.constant 16 : index
          %get3A_1178 = tpu.vector_load %arg10[%get3A_1176, %get3A_1177] {strides = array<i32>} : memref<80x128xf32, #tpu.memory_space<vmem>>, vector<1x16xf32>,
          %get3A_1179 = vector.shape_cast %get3A_1178 : vector<1x16xf32> to vector<16xf32>
          %add3A_1180 = arith.addf %get3A_1175, %get3A_1179 : vector<16xf32>
          %max3A_1181 = arith.constant 0.000000e+00 : f32
          %max3A_1182 = vector.broadcast %max3A_1181 : f32 to vector<16xf32>
          %max3A_1183 = arith.maximumf %add3A_1180, %max3A_1182 : vector<16xf32>
          %swap3A_1184 = arith.index_cast %add3A_1154 : i32 to index
          %swap3A_1185 = arith.constant 16 : index
          %swap3A_1186 = tpu.vector_load %arg10[%swap3A_1184, %swap3A_1185] {strides = array<i32>} : memref<80x128xf32, #tpu.memory_space<vmem>>, vector<1x16xf32>,
          %swap3A_1187 = vector.shape_cast %swap3A_1186 : vector<1x16xf32> to vector<16xf32>
          %swap3A_1188 = vector.shape_cast %max3A_1183 : vector<16xf32> to vector<1x16xf32>
          tpu.vector_store %arg10[%swap3A_1184, %swap3A_1185], %swap3A_1188 {strides = array<i32>} : memref<80x128xf32, #tpu.memory_space<vmem>>, vector<1x16xf32>,
          %get3A_1189 = arith.index_cast %add3A_1154 : i32 to index
          %get3A_1190 = arith.constant 32 : index
          %get3A_1191 = tpu.vector_load %arg8[%get3A_1189, %get3A_1190] {strides = array<i32>} : memref<80x128xf32, #tpu.memory_space<vmem>>, vector<1x16xf32>,
          %get3A_1192 = vector.shape_cast %get3A_1191 : vector<1x16xf32> to vector<16xf32>
          %get3A_1193 = arith.index_cast %add3A_1154 : i32 to index
          %get3A_1194 = arith.constant 32 : index
          %get3A_1195 = tpu.vector_load %arg10[%get3A_1193, %get3A_1194] {strides = array<i32>} : memref<80x128xf32, #tpu.memory_space<vmem>>, vector<1x16xf32>,
          %get3A_1196 = vector.shape_cast %get3A_1195 : vector<1x16xf32> to vector<16xf32>
          %add3A_1197 = arith.addf %get3A_1192, %get3A_1196 : vector<16xf32>
          %max3A_1198 = arith.constant 0.000000e+00 : f32
          %max3A_1199 = vector.broadcast %max3A_1198 : f32 to vector<16xf32>
          %max3A_1200 = arith.maximumf %add3A_1197, %max3A_1199 : vector<16xf32>
          %swap3A_1201 = arith.index_cast %add3A_1154 : i32 to index
          %swap3A_1202 = arith.constant 32 : index
          %swap3A_1203 = tpu.vector_load %arg10[%swap3A_1201, %swap3A_1202] {strides = array<i32>} : memref<80x128xf32, #tpu.memory_space<vmem>>, vector<1x16xf32>,
          %swap3A_1204 = vector.shape_cast %swap3A_1203 : vector<1x16xf32> to vector<16xf32>
          %swap3A_1205 = vector.shape_cast %max3A_1200 : vector<16xf32> to vector<1x16xf32>
          tpu.vector_store %arg10[%swap3A_1201, %swap3A_1202], %swap3A_1205 {strides = array<i32>} : memref<80x128xf32, #tpu.memory_space<vmem>>, vector<1x16xf32>,
          %get3A_1206 = arith.index_cast %add3A_1154 : i32 to index
          %get3A_1207 = arith.constant 48 : index
          %get3A_1208 = tpu.vector_load %arg8[%get3A_1206, %get3A_1207] {strides = array<i32>} : memref<80x128xf32, #tpu.memory_space<vmem>>, vector<1x16xf32>,
          %get3A_1209 = vector.shape_cast %get3A_1208 : vector<1x16xf32> to vector<16xf32>
          %get3A_1210 = arith.index_cast %add3A_1154 : i32 to index
          %get3A_1211 = arith.constant 48 : index
          %get3A_1212 = tpu.vector_load %arg10[%get3A_1210, %get3A_1211] {strides = array<i32>} : memref<80x128xf32, #tpu.memory_space<vmem>>, vector<1x16xf32>,
          %get3A_1213 = vector.shape_cast %get3A_1212 : vector<1x16xf32> to vector<16xf32>
          %add3A_1214 = arith.addf %get3A_1209, %get3A_1213 : vector<16xf32>
          %max3A_1215 = arith.constant 0.000000e+00 : f32
          %max3A_1216 = vector.broadcast %max3A_1215 : f32 to vector<16xf32>
          %max3A_1217 = arith.maximumf %add3A_1214, %max3A_1216 : vector<16xf32>
          %swap3A_1218 = arith.index_cast %add3A_1154 : i32 to index
          %swap3A_1219 = arith.constant 48 : index
          %swap3A_1220 = tpu.vector_load %arg10[%swap3A_1218, %swap3A_1219] {strides = array<i32>} : memref<80x128xf32, #tpu.memory_space<vmem>>, vector<1x16xf32>,
          %swap3A_1221 = vector.shape_cast %swap3A_1220 : vector<1x16xf32> to vector<16xf32>
          %swap3A_1222 = vector.shape_cast %max3A_1217 : vector<16xf32> to vector<1x16xf32>
          tpu.vector_store %arg10[%swap3A_1218, %swap3A_1219], %swap3A_1222 {strides = array<i32>} : memref<80x128xf32, #tpu.memory_space<vmem>>, vector<1x16xf32>,
          %get3A_1223 = arith.index_cast %add3A_1154 : i32 to index
          %get3A_1224 = arith.constant 64 : index
          %get3A_1225 = tpu.vector_load %arg8[%get3A_1223, %get3A_1224] {strides = array<i32>} : memref<80x128xf32, #tpu.memory_space<vmem>>, vector<1x16xf32>,
          %get3A_1226 = vector.shape_cast %get3A_1225 : vector<1x16xf32> to vector<16xf32>
          %get3A_1227 = arith.index_cast %add3A_1154 : i32 to index
          %get3A_1228 = arith.constant 64 : index
          %get3A_1229 = tpu.vector_load %arg10[%get3A_1227, %get3A_1228] {strides = array<i32>} : memref<80x128xf32, #tpu.memory_space<vmem>>, vector<1x16xf32>,
          %get3A_1230 = vector.shape_cast %get3A_1229 : vector<1x16xf32> to vector<16xf32>
          %add3A_1231 = arith.addf %get3A_1226, %get3A_1230 : vector<16xf32>
          %max3A_1232 = arith.constant 0.000000e+00 : f32
          %max3A_1233 = vector.broadcast %max3A_1232 : f32 to vector<16xf32>
          %max3A_1234 = arith.maximumf %add3A_1231, %max3A_1233 : vector<16xf32>
          %swap3A_1235 = arith.index_cast %add3A_1154 : i32 to index
          %swap3A_1236 = arith.constant 64 : index
          %swap3A_1237 = tpu.vector_load %arg10[%swap3A_1235, %swap3A_1236] {strides = array<i32>} : memref<80x128xf32, #tpu.memory_space<vmem>>, vector<1x16xf32>,
          %swap3A_1238 = vector.shape_cast %swap3A_1237 : vector<1x16xf32> to vector<16xf32>
          %swap3A_1239 = vector.shape_cast %max3A_1234 : vector<16xf32> to vector<1x16xf32>
          tpu.vector_store %arg10[%swap3A_1235, %swap3A_1236], %swap3A_1239 {strides = array<i32>} : memref<80x128xf32, #tpu.memory_space<vmem>>, vector<1x16xf32>,
          %get3A_1240 = arith.index_cast %add3A_1154 : i32 to index
          %get3A_1241 = arith.constant 80 : index
          %get3A_1242 = tpu.vector_load %arg8[%get3A_1240, %get3A_1241] {strides = array<i32>} : memref<80x128xf32, #tpu.memory_space<vmem>>, vector<1x16xf32>,
          %get3A_1243 = vector.shape_cast %get3A_1242 : vector<1x16xf32> to vector<16xf32>
          %get3A_1244 = arith.index_cast %add3A_1154 : i32 to index
          %get3A_1245 = arith.constant 80 : index
          %get3A_1246 = tpu.vector_load %arg10[%get3A_1244, %get3A_1245] {strides = array<i32>} : memref<80x128xf32, #tpu.memory_space<vmem>>, vector<1x16xf32>,
          %get3A_1247 = vector.shape_cast %get3A_1246 : vector<1x16xf32> to vector<16xf32>
          %add3A_1248 = arith.addf %get3A_1243, %get3A_1247 : vector<16xf32>
          %max3A_1249 = arith.constant 0.000000e+00 : f32
          %max3A_1250 = vector.broadcast %max3A_1249 : f32 to vector<16xf32>
          %max3A_1251 = arith.maximumf %add3A_1248, %max3A_1250 : vector<16xf32>
          %swap3A_1252 = arith.index_cast %add3A_1154 : i32 to index
          %swap3A_1253 = arith.constant 80 : index
          %swap3A_1254 = tpu.vector_load %arg10[%swap3A_1252, %swap3A_1253] {strides = array<i32>} : memref<80x128xf32, #tpu.memory_space<vmem>>, vector<1x16xf32>,
          %swap3A_1255 = vector.shape_cast %swap3A_1254 : vector<1x16xf32> to vector<16xf32>
          %swap3A_1256 = vector.shape_cast %max3A_1251 : vector<16xf32> to vector<1x16xf32>
          tpu.vector_store %arg10[%swap3A_1252, %swap3A_1253], %swap3A_1256 {strides = array<i32>} : memref<80x128xf32, #tpu.memory_space<vmem>>, vector<1x16xf32>,
          %get3A_1257 = arith.index_cast %add3A_1154 : i32 to index
          %get3A_1258 = arith.constant 96 : index
          %get3A_1259 = tpu.vector_load %arg8[%get3A_1257, %get3A_1258] {strides = array<i32>} : memref<80x128xf32, #tpu.memory_space<vmem>>, vector<1x16xf32>,
          %get3A_1260 = vector.shape_cast %get3A_1259 : vector<1x16xf32> to vector<16xf32>
          %get3A_1261 = arith.index_cast %add3A_1154 : i32 to index
          %get3A_1262 = arith.constant 96 : index
          %get3A_1263 = tpu.vector_load %arg10[%get3A_1261, %get3A_1262] {strides = array<i32>} : memref<80x128xf32, #tpu.memory_space<vmem>>, vector<1x16xf32>,
          %get3A_1264 = vector.shape_cast %get3A_1263 : vector<1x16xf32> to vector<16xf32>
          %add3A_1265 = arith.addf %get3A_1260, %get3A_1264 : vector<16xf32>
          %max3A_1266 = arith.constant 0.000000e+00 : f32
          %max3A_1267 = vector.broadcast %max3A_1266 : f32 to vector<16xf32>
          %max3A_1268 = arith.maximumf %add3A_1265, %max3A_1267 : vector<16xf32>
          %swap3A_1269 = arith.index_cast %add3A_1154 : i32 to index
          %swap3A_1270 = arith.constant 96 : index
          %swap3A_1271 = tpu.vector_load %arg10[%swap3A_1269, %swap3A_1270] {strides = array<i32>} : memref<80x128xf32, #tpu.memory_space<vmem>>, vector<1x16xf32>,
          %swap3A_1272 = vector.shape_cast %swap3A_1271 : vector<1x16xf32> to vector<16xf32>
          %swap3A_1273 = vector.shape_cast %max3A_1268 : vector<16xf32> to vector<1x16xf32>
          tpu.vector_store %arg10[%swap3A_1269, %swap3A_1270], %swap3A_1273 {strides = array<i32>} : memref<80x128xf32, #tpu.memory_space<vmem>>, vector<1x16xf32>,
          %get3A_1274 = arith.index_cast %add3A_1154 : i32 to index
          %get3A_1275 = arith.constant 112 : index
          %get3A_1276 = tpu.vector_load %arg8[%get3A_1274, %get3A_1275] {strides = array<i32>} : memref<80x128xf32, #tpu.memory_space<vmem>>, vector<1x16xf32>,
          %get3A_1277 = vector.shape_cast %get3A_1276 : vector<1x16xf32> to vector<16xf32>
          %get3A_1278 = arith.index_cast %add3A_1154 : i32 to index
          %get3A_1279 = arith.constant 112 : index
          %get3A_1280 = tpu.vector_load %arg10[%get3A_1278, %get3A_1279] {strides = array<i32>} : memref<80x128xf32, #tpu.memory_space<vmem>>, vector<1x16xf32>,
          %get3A_1281 = vector.shape_cast %get3A_1280 : vector<1x16xf32> to vector<16xf32>
          %add3A_1282 = arith.addf %get3A_1277, %get3A_1281 : vector<16xf32>
          %max3A_1283 = arith.constant 0.000000e+00 : f32
          %max3A_1284 = vector.broadcast %max3A_1283 : f32 to vector<16xf32>
          %max3A_1285 = arith.maximumf %add3A_1282, %max3A_1284 : vector<16xf32>
          %swap3A_1286 = arith.index_cast %add3A_1154 : i32 to index
          %swap3A_1287 = arith.constant 112 : index
          %swap3A_1288 = tpu.vector_load %arg10[%swap3A_1286, %swap3A_1287] {strides = array<i32>} : memref<80x128xf32, #tpu.memory_space<vmem>>, vector<1x16xf32>,
          %swap3A_1289 = vector.shape_cast %swap3A_1288 : vector<1x16xf32> to vector<16xf32>
          %swap3A_1290 = vector.shape_cast %max3A_1285 : vector<16xf32> to vector<1x16xf32>
          tpu.vector_store %arg10[%swap3A_1286, %swap3A_1287], %swap3A_1290 {strides = array<i32>} : memref<80x128xf32, #tpu.memory_space<vmem>>, vector<1x16xf32>,
          %scan3A_1291 = arith.constant 0 : i32
          scf.yield %scan3A_1291 : i32
        }
        %scan3A_728 = arith.constant 20 : i32
        "tpu.region"() ({
          %run_scoped3A = tpu.sem_alloc : memref<!tpu.dma_semaphore, #tpu.memory_space<semaphore_mem>>
          %dma_start3A_730 = arith.constant 0 : i32
          %dma_start3A_731 = arith.constant 0 : i32
          %dma_start3A_732 = tpu.memref_slice %arg6[%dma_start3A_730, %dma_start3A_731] : memref<10240x128xf32, #tpu.memory_space<vmem_shared>> -> memref<10240x128xf32, #tpu.memory_space<vmem_shared>>
          tpu.enqueue_indirect_dma source(%arg10 : memref<80x128xf32, #tpu.memory_space<vmem>>) target(%dma_start3A_732 : memref<10240x128xf32, #tpu.memory_space<vmem_shared>>) offsets(%arg16 : memref<80xi32, #tpu.memory_space<vmem>>) semaphore(%run_scoped3A : memref<!tpu.dma_semaphore, #tpu.memory_space<semaphore_mem>>) {add = true}
          %dma_wait3A_733 = arith.constant 0 : i32
          %dma_wait3A_734 = arith.constant 0 : i32
          %dma_wait3A_735 = tpu.memref_slice %arg6[%dma_wait3A_733, %dma_wait3A_734] : memref<10240x128xf32, #tpu.memory_space<vmem_shared>> -> memref<10240x128xf32, #tpu.memory_space<vmem_shared>>
          tpu.wait_indirect_dma semaphore(%run_scoped3A : memref<!tpu.dma_semaphore, #tpu.memory_space<semaphore_mem>>) src(%arg10 : memref<80x128xf32, #tpu.memory_space<vmem>>) dst(%dma_wait3A_735 : memref<10240x128xf32, #tpu.memory_space<vmem_shared>>)
          tpu.yield
        }) : () -> ()
        %scan3A_729 = arith.constant 0 : i32
        scf.yield %scan3A_729 : i32
      }
      %scan3A_219 = arith.constant 12 : i32
      %dma_wait3A = arith.constant 0 : i32
      %dma_wait3A_220 = arith.constant 0 : i32
      %dma_wait3A_221 = tpu.memref_slice %arg2[%dma_wait3A, %dma_wait3A_220] : memref<20000x128xf32, #tpu.memory_space<hbm>> -> memref<20000x128xf32, #tpu.memory_space<hbm>>
      tpu.wait_indirect_dma semaphore(%arg18 : memref<!tpu.dma_semaphore, #tpu.memory_space<semaphore_mem>>) src(%dma_wait3A_221 : memref<20000x128xf32, #tpu.memory_space<hbm>>) dst(%arg7 : memref<80x128xf32, #tpu.memory_space<vmem>>)
      %dma_wait3A_222 = arith.constant 0 : i32
      %dma_wait3A_223 = arith.constant 0 : i32
      %dma_wait3A_224 = tpu.memref_slice %arg3[%dma_wait3A_222, %dma_wait3A_223] : memref<320000x128xf32, #tpu.memory_space<hbm>> -> memref<320000x128xf32, #tpu.memory_space<hbm>>
      tpu.wait_indirect_dma semaphore(%arg20 : memref<!tpu.dma_semaphore, #tpu.memory_space<semaphore_mem>>) src(%dma_wait3A_224 : memref<320000x128xf32, #tpu.memory_space<hbm>>) dst(%arg9 : memref<80x128xf32, #tpu.memory_space<vmem>>)
      %scan3A_225 = arith.constant 0 : i32
      %scan3A_226 = arith.constant 0 : i32
      %scan3A_227 = arith.constant 20 : i32
      %scan3A_228 = arith.addi %scan3A_226, %scan3A_227 : i32
      %scan3A_229 = arith.constant 1 : i32
      %scan3A_230 = scf.for %scan3A_233 = %scan3A_226 to %scan3A_228 step %scan3A_229 iter_args(%scan3A_234 = %scan3A_225) -> (i32)  : i32 {
        %mul3A_235 = arith.constant 4 : i32
        %mul3A_236 = arith.muli %scan3A_233, %mul3A_235 : i32
        %add3A_237 = arith.constant 0 : i32
        %add3A_238 = arith.addi %mul3A_236, %add3A_237 : i32
        %get3A_239 = arith.index_cast %add3A_238 : i32 to index
        %get3A_240 = arith.constant 0 : index
        %get3A_241 = tpu.vector_load %arg7[%get3A_239, %get3A_240] {strides = array<i32>} : memref<80x128xf32, #tpu.memory_space<vmem>>, vector<1x16xf32>,
        %get3A_242 = vector.shape_cast %get3A_241 : vector<1x16xf32> to vector<16xf32>
        %get3A_243 = arith.index_cast %add3A_238 : i32 to index
        %get3A_244 = arith.constant 0 : index
        %get3A_245 = tpu.vector_load %arg9[%get3A_243, %get3A_244] {strides = array<i32>} : memref<80x128xf32, #tpu.memory_space<vmem>>, vector<1x16xf32>,
        %get3A_246 = vector.shape_cast %get3A_245 : vector<1x16xf32> to vector<16xf32>
        %add3A_247 = arith.addf %get3A_242, %get3A_246 : vector<16xf32>
        %max3A = arith.constant 0.000000e+00 : f32
        %max3A_248 = vector.broadcast %max3A : f32 to vector<16xf32>
        %max3A_249 = arith.maximumf %add3A_247, %max3A_248 : vector<16xf32>
        %swap3A_250 = arith.index_cast %add3A_238 : i32 to index
        %swap3A_251 = arith.constant 0 : index
        %swap3A_252 = tpu.vector_load %arg9[%swap3A_250, %swap3A_251] {strides = array<i32>} : memref<80x128xf32, #tpu.memory_space<vmem>>, vector<1x16xf32>,
        %swap3A_253 = vector.shape_cast %swap3A_252 : vector<1x16xf32> to vector<16xf32>
        %swap3A_254 = vector.shape_cast %max3A_249 : vector<16xf32> to vector<1x16xf32>
        tpu.vector_store %arg9[%swap3A_250, %swap3A_251], %swap3A_254 {strides = array<i32>} : memref<80x128xf32, #tpu.memory_space<vmem>>, vector<1x16xf32>,
        %get3A_255 = arith.index_cast %add3A_238 : i32 to index
        %get3A_256 = arith.constant 16 : index
        %get3A_257 = tpu.vector_load %arg7[%get3A_255, %get3A_256] {strides = array<i32>} : memref<80x128xf32, #tpu.memory_space<vmem>>, vector<1x16xf32>,
        %get3A_258 = vector.shape_cast %get3A_257 : vector<1x16xf32> to vector<16xf32>
        %get3A_259 = arith.index_cast %add3A_238 : i32 to index
        %get3A_260 = arith.constant 16 : index
        %get3A_261 = tpu.vector_load %arg9[%get3A_259, %get3A_260] {strides = array<i32>} : memref<80x128xf32, #tpu.memory_space<vmem>>, vector<1x16xf32>,
        %get3A_262 = vector.shape_cast %get3A_261 : vector<1x16xf32> to vector<16xf32>
        %add3A_263 = arith.addf %get3A_258, %get3A_262 : vector<16xf32>
        %max3A_264 = arith.constant 0.000000e+00 : f32
        %max3A_265 = vector.broadcast %max3A_264 : f32 to vector<16xf32>
        %max3A_266 = arith.maximumf %add3A_263, %max3A_265 : vector<16xf32>
        %swap3A_267 = arith.index_cast %add3A_238 : i32 to index
        %swap3A_268 = arith.constant 16 : index
        %swap3A_269 = tpu.vector_load %arg9[%swap3A_267, %swap3A_268] {strides = array<i32>} : memref<80x128xf32, #tpu.memory_space<vmem>>, vector<1x16xf32>,
        %swap3A_270 = vector.shape_cast %swap3A_269 : vector<1x16xf32> to vector<16xf32>
        %swap3A_271 = vector.shape_cast %max3A_266 : vector<16xf32> to vector<1x16xf32>
        tpu.vector_store %arg9[%swap3A_267, %swap3A_268], %swap3A_271 {strides = array<i32>} : memref<80x128xf32, #tpu.memory_space<vmem>>, vector<1x16xf32>,
        %get3A_272 = arith.index_cast %add3A_238 : i32 to index
        %get3A_273 = arith.constant 32 : index
        %get3A_274 = tpu.vector_load %arg7[%get3A_272, %get3A_273] {strides = array<i32>} : memref<80x128xf32, #tpu.memory_space<vmem>>, vector<1x16xf32>,
        %get3A_275 = vector.shape_cast %get3A_274 : vector<1x16xf32> to vector<16xf32>
        %get3A_276 = arith.index_cast %add3A_238 : i32 to index
        %get3A_277 = arith.constant 32 : index
        %get3A_278 = tpu.vector_load %arg9[%get3A_276, %get3A_277] {strides = array<i32>} : memref<80x128xf32, #tpu.memory_space<vmem>>, vector<1x16xf32>,
        %get3A_279 = vector.shape_cast %get3A_278 : vector<1x16xf32> to vector<16xf32>
        %add3A_280 = arith.addf %get3A_275, %get3A_279 : vector<16xf32>
        %max3A_281 = arith.constant 0.000000e+00 : f32
        %max3A_282 = vector.broadcast %max3A_281 : f32 to vector<16xf32>
        %max3A_283 = arith.maximumf %add3A_280, %max3A_282 : vector<16xf32>
        %swap3A_284 = arith.index_cast %add3A_238 : i32 to index
        %swap3A_285 = arith.constant 32 : index
        %swap3A_286 = tpu.vector_load %arg9[%swap3A_284, %swap3A_285] {strides = array<i32>} : memref<80x128xf32, #tpu.memory_space<vmem>>, vector<1x16xf32>,
        %swap3A_287 = vector.shape_cast %swap3A_286 : vector<1x16xf32> to vector<16xf32>
        %swap3A_288 = vector.shape_cast %max3A_283 : vector<16xf32> to vector<1x16xf32>
        tpu.vector_store %arg9[%swap3A_284, %swap3A_285], %swap3A_288 {strides = array<i32>} : memref<80x128xf32, #tpu.memory_space<vmem>>, vector<1x16xf32>,
        %get3A_289 = arith.index_cast %add3A_238 : i32 to index
        %get3A_290 = arith.constant 48 : index
        %get3A_291 = tpu.vector_load %arg7[%get3A_289, %get3A_290] {strides = array<i32>} : memref<80x128xf32, #tpu.memory_space<vmem>>, vector<1x16xf32>,
        %get3A_292 = vector.shape_cast %get3A_291 : vector<1x16xf32> to vector<16xf32>
        %get3A_293 = arith.index_cast %add3A_238 : i32 to index
        %get3A_294 = arith.constant 48 : index
        %get3A_295 = tpu.vector_load %arg9[%get3A_293, %get3A_294] {strides = array<i32>} : memref<80x128xf32, #tpu.memory_space<vmem>>, vector<1x16xf32>,
        %get3A_296 = vector.shape_cast %get3A_295 : vector<1x16xf32> to vector<16xf32>
        %add3A_297 = arith.addf %get3A_292, %get3A_296 : vector<16xf32>
        %max3A_298 = arith.constant 0.000000e+00 : f32
        %max3A_299 = vector.broadcast %max3A_298 : f32 to vector<16xf32>
        %max3A_300 = arith.maximumf %add3A_297, %max3A_299 : vector<16xf32>
        %swap3A_301 = arith.index_cast %add3A_238 : i32 to index
        %swap3A_302 = arith.constant 48 : index
        %swap3A_303 = tpu.vector_load %arg9[%swap3A_301, %swap3A_302] {strides = array<i32>} : memref<80x128xf32, #tpu.memory_space<vmem>>, vector<1x16xf32>,
        %swap3A_304 = vector.shape_cast %swap3A_303 : vector<1x16xf32> to vector<16xf32>
        %swap3A_305 = vector.shape_cast %max3A_300 : vector<16xf32> to vector<1x16xf32>
        tpu.vector_store %arg9[%swap3A_301, %swap3A_302], %swap3A_305 {strides = array<i32>} : memref<80x128xf32, #tpu.memory_space<vmem>>, vector<1x16xf32>,
        %get3A_306 = arith.index_cast %add3A_238 : i32 to index
        %get3A_307 = arith.constant 64 : index
        %get3A_308 = tpu.vector_load %arg7[%get3A_306, %get3A_307] {strides = array<i32>} : memref<80x128xf32, #tpu.memory_space<vmem>>, vector<1x16xf32>,
        %get3A_309 = vector.shape_cast %get3A_308 : vector<1x16xf32> to vector<16xf32>
        %get3A_310 = arith.index_cast %add3A_238 : i32 to index
        %get3A_311 = arith.constant 64 : index
        %get3A_312 = tpu.vector_load %arg9[%get3A_310, %get3A_311] {strides = array<i32>} : memref<80x128xf32, #tpu.memory_space<vmem>>, vector<1x16xf32>,
        %get3A_313 = vector.shape_cast %get3A_312 : vector<1x16xf32> to vector<16xf32>
        %add3A_314 = arith.addf %get3A_309, %get3A_313 : vector<16xf32>
        %max3A_315 = arith.constant 0.000000e+00 : f32
        %max3A_316 = vector.broadcast %max3A_315 : f32 to vector<16xf32>
        %max3A_317 = arith.maximumf %add3A_314, %max3A_316 : vector<16xf32>
        %swap3A_318 = arith.index_cast %add3A_238 : i32 to index
        %swap3A_319 = arith.constant 64 : index
        %swap3A_320 = tpu.vector_load %arg9[%swap3A_318, %swap3A_319] {strides = array<i32>} : memref<80x128xf32, #tpu.memory_space<vmem>>, vector<1x16xf32>,
        %swap3A_321 = vector.shape_cast %swap3A_320 : vector<1x16xf32> to vector<16xf32>
        %swap3A_322 = vector.shape_cast %max3A_317 : vector<16xf32> to vector<1x16xf32>
        tpu.vector_store %arg9[%swap3A_318, %swap3A_319], %swap3A_322 {strides = array<i32>} : memref<80x128xf32, #tpu.memory_space<vmem>>, vector<1x16xf32>,
        %get3A_323 = arith.index_cast %add3A_238 : i32 to index
        %get3A_324 = arith.constant 80 : index
        %get3A_325 = tpu.vector_load %arg7[%get3A_323, %get3A_324] {strides = array<i32>} : memref<80x128xf32, #tpu.memory_space<vmem>>, vector<1x16xf32>,
        %get3A_326 = vector.shape_cast %get3A_325 : vector<1x16xf32> to vector<16xf32>
        %get3A_327 = arith.index_cast %add3A_238 : i32 to index
        %get3A_328 = arith.constant 80 : index
        %get3A_329 = tpu.vector_load %arg9[%get3A_327, %get3A_328] {strides = array<i32>} : memref<80x128xf32, #tpu.memory_space<vmem>>, vector<1x16xf32>,
        %get3A_330 = vector.shape_cast %get3A_329 : vector<1x16xf32> to vector<16xf32>
        %add3A_331 = arith.addf %get3A_326, %get3A_330 : vector<16xf32>
        %max3A_332 = arith.constant 0.000000e+00 : f32
        %max3A_333 = vector.broadcast %max3A_332 : f32 to vector<16xf32>
        %max3A_334 = arith.maximumf %add3A_331, %max3A_333 : vector<16xf32>
        %swap3A_335 = arith.index_cast %add3A_238 : i32 to index
        %swap3A_336 = arith.constant 80 : index
        %swap3A_337 = tpu.vector_load %arg9[%swap3A_335, %swap3A_336] {strides = array<i32>} : memref<80x128xf32, #tpu.memory_space<vmem>>, vector<1x16xf32>,
        %swap3A_338 = vector.shape_cast %swap3A_337 : vector<1x16xf32> to vector<16xf32>
        %swap3A_339 = vector.shape_cast %max3A_334 : vector<16xf32> to vector<1x16xf32>
        tpu.vector_store %arg9[%swap3A_335, %swap3A_336], %swap3A_339 {strides = array<i32>} : memref<80x128xf32, #tpu.memory_space<vmem>>, vector<1x16xf32>,
        %get3A_340 = arith.index_cast %add3A_238 : i32 to index
        %get3A_341 = arith.constant 96 : index
        %get3A_342 = tpu.vector_load %arg7[%get3A_340, %get3A_341] {strides = array<i32>} : memref<80x128xf32, #tpu.memory_space<vmem>>, vector<1x16xf32>,
        %get3A_343 = vector.shape_cast %get3A_342 : vector<1x16xf32> to vector<16xf32>
        %get3A_344 = arith.index_cast %add3A_238 : i32 to index
        %get3A_345 = arith.constant 96 : index
        %get3A_346 = tpu.vector_load %arg9[%get3A_344, %get3A_345] {strides = array<i32>} : memref<80x128xf32, #tpu.memory_space<vmem>>, vector<1x16xf32>,
        %get3A_347 = vector.shape_cast %get3A_346 : vector<1x16xf32> to vector<16xf32>
        %add3A_348 = arith.addf %get3A_343, %get3A_347 : vector<16xf32>
        %max3A_349 = arith.constant 0.000000e+00 : f32
        %max3A_350 = vector.broadcast %max3A_349 : f32 to vector<16xf32>
        %max3A_351 = arith.maximumf %add3A_348, %max3A_350 : vector<16xf32>
        %swap3A_352 = arith.index_cast %add3A_238 : i32 to index
        %swap3A_353 = arith.constant 96 : index
        %swap3A_354 = tpu.vector_load %arg9[%swap3A_352, %swap3A_353] {strides = array<i32>} : memref<80x128xf32, #tpu.memory_space<vmem>>, vector<1x16xf32>,
        %swap3A_355 = vector.shape_cast %swap3A_354 : vector<1x16xf32> to vector<16xf32>
        %swap3A_356 = vector.shape_cast %max3A_351 : vector<16xf32> to vector<1x16xf32>
        tpu.vector_store %arg9[%swap3A_352, %swap3A_353], %swap3A_356 {strides = array<i32>} : memref<80x128xf32, #tpu.memory_space<vmem>>, vector<1x16xf32>,
        %get3A_357 = arith.index_cast %add3A_238 : i32 to index
        %get3A_358 = arith.constant 112 : index
        %get3A_359 = tpu.vector_load %arg7[%get3A_357, %get3A_358] {strides = array<i32>} : memref<80x128xf32, #tpu.memory_space<vmem>>, vector<1x16xf32>,
        %get3A_360 = vector.shape_cast %get3A_359 : vector<1x16xf32> to vector<16xf32>
        %get3A_361 = arith.index_cast %add3A_238 : i32 to index
        %get3A_362 = arith.constant 112 : index
        %get3A_363 = tpu.vector_load %arg9[%get3A_361, %get3A_362] {strides = array<i32>} : memref<80x128xf32, #tpu.memory_space<vmem>>, vector<1x16xf32>,
        %get3A_364 = vector.shape_cast %get3A_363 : vector<1x16xf32> to vector<16xf32>
        %add3A_365 = arith.addf %get3A_360, %get3A_364 : vector<16xf32>
        %max3A_366 = arith.constant 0.000000e+00 : f32
        %max3A_367 = vector.broadcast %max3A_366 : f32 to vector<16xf32>
        %max3A_368 = arith.maximumf %add3A_365, %max3A_367 : vector<16xf32>
        %swap3A_369 = arith.index_cast %add3A_238 : i32 to index
        %swap3A_370 = arith.constant 112 : index
        %swap3A_371 = tpu.vector_load %arg9[%swap3A_369, %swap3A_370] {strides = array<i32>} : memref<80x128xf32, #tpu.memory_space<vmem>>, vector<1x16xf32>,
        %swap3A_372 = vector.shape_cast %swap3A_371 : vector<1x16xf32> to vector<16xf32>
        %swap3A_373 = vector.shape_cast %max3A_368 : vector<16xf32> to vector<1x16xf32>
        tpu.vector_store %arg9[%swap3A_369, %swap3A_370], %swap3A_373 {strides = array<i32>} : memref<80x128xf32, #tpu.memory_space<vmem>>, vector<1x16xf32>,
        %mul3A_374 = arith.constant 4 : i32
        %mul3A_375 = arith.muli %scan3A_233, %mul3A_374 : i32
        %add3A_376 = arith.constant 1 : i32
        %add3A_377 = arith.addi %mul3A_375, %add3A_376 : i32
        %get3A_378 = arith.index_cast %add3A_377 : i32 to index
        %get3A_379 = arith.constant 0 : index
        %get3A_380 = tpu.vector_load %arg7[%get3A_378, %get3A_379] {strides = array<i32>} : memref<80x128xf32, #tpu.memory_space<vmem>>, vector<1x16xf32>,
        %get3A_381 = vector.shape_cast %get3A_380 : vector<1x16xf32> to vector<16xf32>
        %get3A_382 = arith.index_cast %add3A_377 : i32 to index
        %get3A_383 = arith.constant 0 : index
        %get3A_384 = tpu.vector_load %arg9[%get3A_382, %get3A_383] {strides = array<i32>} : memref<80x128xf32, #tpu.memory_space<vmem>>, vector<1x16xf32>,
        %get3A_385 = vector.shape_cast %get3A_384 : vector<1x16xf32> to vector<16xf32>
        %add3A_386 = arith.addf %get3A_381, %get3A_385 : vector<16xf32>
        %max3A_387 = arith.constant 0.000000e+00 : f32
        %max3A_388 = vector.broadcast %max3A_387 : f32 to vector<16xf32>
        %max3A_389 = arith.maximumf %add3A_386, %max3A_388 : vector<16xf32>
        %swap3A_390 = arith.index_cast %add3A_377 : i32 to index
        %swap3A_391 = arith.constant 0 : index
        %swap3A_392 = tpu.vector_load %arg9[%swap3A_390, %swap3A_391] {strides = array<i32>} : memref<80x128xf32, #tpu.memory_space<vmem>>, vector<1x16xf32>,
        %swap3A_393 = vector.shape_cast %swap3A_392 : vector<1x16xf32> to vector<16xf32>
        %swap3A_394 = vector.shape_cast %max3A_389 : vector<16xf32> to vector<1x16xf32>
        tpu.vector_store %arg9[%swap3A_390, %swap3A_391], %swap3A_394 {strides = array<i32>} : memref<80x128xf32, #tpu.memory_space<vmem>>, vector<1x16xf32>,
        %get3A_395 = arith.index_cast %add3A_377 : i32 to index
        %get3A_396 = arith.constant 16 : index
        %get3A_397 = tpu.vector_load %arg7[%get3A_395, %get3A_396] {strides = array<i32>} : memref<80x128xf32, #tpu.memory_space<vmem>>, vector<1x16xf32>,
        %get3A_398 = vector.shape_cast %get3A_397 : vector<1x16xf32> to vector<16xf32>
        %get3A_399 = arith.index_cast %add3A_377 : i32 to index
        %get3A_400 = arith.constant 16 : index
        %get3A_401 = tpu.vector_load %arg9[%get3A_399, %get3A_400] {strides = array<i32>} : memref<80x128xf32, #tpu.memory_space<vmem>>, vector<1x16xf32>,
        %get3A_402 = vector.shape_cast %get3A_401 : vector<1x16xf32> to vector<16xf32>
        %add3A_403 = arith.addf %get3A_398, %get3A_402 : vector<16xf32>
        %max3A_404 = arith.constant 0.000000e+00 : f32
        %max3A_405 = vector.broadcast %max3A_404 : f32 to vector<16xf32>
        %max3A_406 = arith.maximumf %add3A_403, %max3A_405 : vector<16xf32>
        %swap3A_407 = arith.index_cast %add3A_377 : i32 to index
        %swap3A_408 = arith.constant 16 : index
        %swap3A_409 = tpu.vector_load %arg9[%swap3A_407, %swap3A_408] {strides = array<i32>} : memref<80x128xf32, #tpu.memory_space<vmem>>, vector<1x16xf32>,
        %swap3A_410 = vector.shape_cast %swap3A_409 : vector<1x16xf32> to vector<16xf32>
        %swap3A_411 = vector.shape_cast %max3A_406 : vector<16xf32> to vector<1x16xf32>
        tpu.vector_store %arg9[%swap3A_407, %swap3A_408], %swap3A_411 {strides = array<i32>} : memref<80x128xf32, #tpu.memory_space<vmem>>, vector<1x16xf32>,
        %get3A_412 = arith.index_cast %add3A_377 : i32 to index
        %get3A_413 = arith.constant 32 : index
        %get3A_414 = tpu.vector_load %arg7[%get3A_412, %get3A_413] {strides = array<i32>} : memref<80x128xf32, #tpu.memory_space<vmem>>, vector<1x16xf32>,
        %get3A_415 = vector.shape_cast %get3A_414 : vector<1x16xf32> to vector<16xf32>
        %get3A_416 = arith.index_cast %add3A_377 : i32 to index
        %get3A_417 = arith.constant 32 : index
        %get3A_418 = tpu.vector_load %arg9[%get3A_416, %get3A_417] {strides = array<i32>} : memref<80x128xf32, #tpu.memory_space<vmem>>, vector<1x16xf32>,
        %get3A_419 = vector.shape_cast %get3A_418 : vector<1x16xf32> to vector<16xf32>
        %add3A_420 = arith.addf %get3A_415, %get3A_419 : vector<16xf32>
        %max3A_421 = arith.constant 0.000000e+00 : f32
        %max3A_422 = vector.broadcast %max3A_421 : f32 to vector<16xf32>
        %max3A_423 = arith.maximumf %add3A_420, %max3A_422 : vector<16xf32>
        %swap3A_424 = arith.index_cast %add3A_377 : i32 to index
        %swap3A_425 = arith.constant 32 : index
        %swap3A_426 = tpu.vector_load %arg9[%swap3A_424, %swap3A_425] {strides = array<i32>} : memref<80x128xf32, #tpu.memory_space<vmem>>, vector<1x16xf32>,
        %swap3A_427 = vector.shape_cast %swap3A_426 : vector<1x16xf32> to vector<16xf32>
        %swap3A_428 = vector.shape_cast %max3A_423 : vector<16xf32> to vector<1x16xf32>
        tpu.vector_store %arg9[%swap3A_424, %swap3A_425], %swap3A_428 {strides = array<i32>} : memref<80x128xf32, #tpu.memory_space<vmem>>, vector<1x16xf32>,
        %get3A_429 = arith.index_cast %add3A_377 : i32 to index
        %get3A_430 = arith.constant 48 : index
        %get3A_431 = tpu.vector_load %arg7[%get3A_429, %get3A_430] {strides = array<i32>} : memref<80x128xf32, #tpu.memory_space<vmem>>, vector<1x16xf32>,
        %get3A_432 = vector.shape_cast %get3A_431 : vector<1x16xf32> to vector<16xf32>
        %get3A_433 = arith.index_cast %add3A_377 : i32 to index
        %get3A_434 = arith.constant 48 : index
        %get3A_435 = tpu.vector_load %arg9[%get3A_433, %get3A_434] {strides = array<i32>} : memref<80x128xf32, #tpu.memory_space<vmem>>, vector<1x16xf32>,
        %get3A_436 = vector.shape_cast %get3A_435 : vector<1x16xf32> to vector<16xf32>
        %add3A_437 = arith.addf %get3A_432, %get3A_436 : vector<16xf32>
        %max3A_438 = arith.constant 0.000000e+00 : f32
        %max3A_439 = vector.broadcast %max3A_438 : f32 to vector<16xf32>
        %max3A_440 = arith.maximumf %add3A_437, %max3A_439 : vector<16xf32>
        %swap3A_441 = arith.index_cast %add3A_377 : i32 to index
        %swap3A_442 = arith.constant 48 : index
        %swap3A_443 = tpu.vector_load %arg9[%swap3A_441, %swap3A_442] {strides = array<i32>} : memref<80x128xf32, #tpu.memory_space<vmem>>, vector<1x16xf32>,
        %swap3A_444 = vector.shape_cast %swap3A_443 : vector<1x16xf32> to vector<16xf32>
        %swap3A_445 = vector.shape_cast %max3A_440 : vector<16xf32> to vector<1x16xf32>
        tpu.vector_store %arg9[%swap3A_441, %swap3A_442], %swap3A_445 {strides = array<i32>} : memref<80x128xf32, #tpu.memory_space<vmem>>, vector<1x16xf32>,
        %get3A_446 = arith.index_cast %add3A_377 : i32 to index
        %get3A_447 = arith.constant 64 : index
        %get3A_448 = tpu.vector_load %arg7[%get3A_446, %get3A_447] {strides = array<i32>} : memref<80x128xf32, #tpu.memory_space<vmem>>, vector<1x16xf32>,
        %get3A_449 = vector.shape_cast %get3A_448 : vector<1x16xf32> to vector<16xf32>
        %get3A_450 = arith.index_cast %add3A_377 : i32 to index
        %get3A_451 = arith.constant 64 : index
        %get3A_452 = tpu.vector_load %arg9[%get3A_450, %get3A_451] {strides = array<i32>} : memref<80x128xf32, #tpu.memory_space<vmem>>, vector<1x16xf32>,
        %get3A_453 = vector.shape_cast %get3A_452 : vector<1x16xf32> to vector<16xf32>
        %add3A_454 = arith.addf %get3A_449, %get3A_453 : vector<16xf32>
        %max3A_455 = arith.constant 0.000000e+00 : f32
        %max3A_456 = vector.broadcast %max3A_455 : f32 to vector<16xf32>
        %max3A_457 = arith.maximumf %add3A_454, %max3A_456 : vector<16xf32>
        %swap3A_458 = arith.index_cast %add3A_377 : i32 to index
        %swap3A_459 = arith.constant 64 : index
        %swap3A_460 = tpu.vector_load %arg9[%swap3A_458, %swap3A_459] {strides = array<i32>} : memref<80x128xf32, #tpu.memory_space<vmem>>, vector<1x16xf32>,
        %swap3A_461 = vector.shape_cast %swap3A_460 : vector<1x16xf32> to vector<16xf32>
        %swap3A_462 = vector.shape_cast %max3A_457 : vector<16xf32> to vector<1x16xf32>
        tpu.vector_store %arg9[%swap3A_458, %swap3A_459], %swap3A_462 {strides = array<i32>} : memref<80x128xf32, #tpu.memory_space<vmem>>, vector<1x16xf32>,
        %get3A_463 = arith.index_cast %add3A_377 : i32 to index
        %get3A_464 = arith.constant 80 : index
        %get3A_465 = tpu.vector_load %arg7[%get3A_463, %get3A_464] {strides = array<i32>} : memref<80x128xf32, #tpu.memory_space<vmem>>, vector<1x16xf32>,
        %get3A_466 = vector.shape_cast %get3A_465 : vector<1x16xf32> to vector<16xf32>
        %get3A_467 = arith.index_cast %add3A_377 : i32 to index
        %get3A_468 = arith.constant 80 : index
        %get3A_469 = tpu.vector_load %arg9[%get3A_467, %get3A_468] {strides = array<i32>} : memref<80x128xf32, #tpu.memory_space<vmem>>, vector<1x16xf32>,
        %get3A_470 = vector.shape_cast %get3A_469 : vector<1x16xf32> to vector<16xf32>
        %add3A_471 = arith.addf %get3A_466, %get3A_470 : vector<16xf32>
        %max3A_472 = arith.constant 0.000000e+00 : f32
        %max3A_473 = vector.broadcast %max3A_472 : f32 to vector<16xf32>
        %max3A_474 = arith.maximumf %add3A_471, %max3A_473 : vector<16xf32>
        %swap3A_475 = arith.index_cast %add3A_377 : i32 to index
        %swap3A_476 = arith.constant 80 : index
        %swap3A_477 = tpu.vector_load %arg9[%swap3A_475, %swap3A_476] {strides = array<i32>} : memref<80x128xf32, #tpu.memory_space<vmem>>, vector<1x16xf32>,
        %swap3A_478 = vector.shape_cast %swap3A_477 : vector<1x16xf32> to vector<16xf32>
        %swap3A_479 = vector.shape_cast %max3A_474 : vector<16xf32> to vector<1x16xf32>
        tpu.vector_store %arg9[%swap3A_475, %swap3A_476], %swap3A_479 {strides = array<i32>} : memref<80x128xf32, #tpu.memory_space<vmem>>, vector<1x16xf32>,
        %get3A_480 = arith.index_cast %add3A_377 : i32 to index
        %get3A_481 = arith.constant 96 : index
        %get3A_482 = tpu.vector_load %arg7[%get3A_480, %get3A_481] {strides = array<i32>} : memref<80x128xf32, #tpu.memory_space<vmem>>, vector<1x16xf32>,
        %get3A_483 = vector.shape_cast %get3A_482 : vector<1x16xf32> to vector<16xf32>
        %get3A_484 = arith.index_cast %add3A_377 : i32 to index
        %get3A_485 = arith.constant 96 : index
        %get3A_486 = tpu.vector_load %arg9[%get3A_484, %get3A_485] {strides = array<i32>} : memref<80x128xf32, #tpu.memory_space<vmem>>, vector<1x16xf32>,
        %get3A_487 = vector.shape_cast %get3A_486 : vector<1x16xf32> to vector<16xf32>
        %add3A_488 = arith.addf %get3A_483, %get3A_487 : vector<16xf32>
        %max3A_489 = arith.constant 0.000000e+00 : f32
        %max3A_490 = vector.broadcast %max3A_489 : f32 to vector<16xf32>
        %max3A_491 = arith.maximumf %add3A_488, %max3A_490 : vector<16xf32>
        %swap3A_492 = arith.index_cast %add3A_377 : i32 to index
        %swap3A_493 = arith.constant 96 : index
        %swap3A_494 = tpu.vector_load %arg9[%swap3A_492, %swap3A_493] {strides = array<i32>} : memref<80x128xf32, #tpu.memory_space<vmem>>, vector<1x16xf32>,
        %swap3A_495 = vector.shape_cast %swap3A_494 : vector<1x16xf32> to vector<16xf32>
        %swap3A_496 = vector.shape_cast %max3A_491 : vector<16xf32> to vector<1x16xf32>
        tpu.vector_store %arg9[%swap3A_492, %swap3A_493], %swap3A_496 {strides = array<i32>} : memref<80x128xf32, #tpu.memory_space<vmem>>, vector<1x16xf32>,
        %get3A_497 = arith.index_cast %add3A_377 : i32 to index
        %get3A_498 = arith.constant 112 : index
        %get3A_499 = tpu.vector_load %arg7[%get3A_497, %get3A_498] {strides = array<i32>} : memref<80x128xf32, #tpu.memory_space<vmem>>, vector<1x16xf32>,
        %get3A_500 = vector.shape_cast %get3A_499 : vector<1x16xf32> to vector<16xf32>
        %get3A_501 = arith.index_cast %add3A_377 : i32 to index
        %get3A_502 = arith.constant 112 : index
        %get3A_503 = tpu.vector_load %arg9[%get3A_501, %get3A_502] {strides = array<i32>} : memref<80x128xf32, #tpu.memory_space<vmem>>, vector<1x16xf32>,
        %get3A_504 = vector.shape_cast %get3A_503 : vector<1x16xf32> to vector<16xf32>
        %add3A_505 = arith.addf %get3A_500, %get3A_504 : vector<16xf32>
        %max3A_506 = arith.constant 0.000000e+00 : f32
        %max3A_507 = vector.broadcast %max3A_506 : f32 to vector<16xf32>
        %max3A_508 = arith.maximumf %add3A_505, %max3A_507 : vector<16xf32>
        %swap3A_509 = arith.index_cast %add3A_377 : i32 to index
        %swap3A_510 = arith.constant 112 : index
        %swap3A_511 = tpu.vector_load %arg9[%swap3A_509, %swap3A_510] {strides = array<i32>} : memref<80x128xf32, #tpu.memory_space<vmem>>, vector<1x16xf32>,
        %swap3A_512 = vector.shape_cast %swap3A_511 : vector<1x16xf32> to vector<16xf32>
        %swap3A_513 = vector.shape_cast %max3A_508 : vector<16xf32> to vector<1x16xf32>
        tpu.vector_store %arg9[%swap3A_509, %swap3A_510], %swap3A_513 {strides = array<i32>} : memref<80x128xf32, #tpu.memory_space<vmem>>, vector<1x16xf32>,
        %mul3A_514 = arith.constant 4 : i32
        %mul3A_515 = arith.muli %scan3A_233, %mul3A_514 : i32
        %add3A_516 = arith.constant 2 : i32
        %add3A_517 = arith.addi %mul3A_515, %add3A_516 : i32
        %get3A_518 = arith.index_cast %add3A_517 : i32 to index
        %get3A_519 = arith.constant 0 : index
        %get3A_520 = tpu.vector_load %arg7[%get3A_518, %get3A_519] {strides = array<i32>} : memref<80x128xf32, #tpu.memory_space<vmem>>, vector<1x16xf32>,
        %get3A_521 = vector.shape_cast %get3A_520 : vector<1x16xf32> to vector<16xf32>
        %get3A_522 = arith.index_cast %add3A_517 : i32 to index
        %get3A_523 = arith.constant 0 : index
        %get3A_524 = tpu.vector_load %arg9[%get3A_522, %get3A_523] {strides = array<i32>} : memref<80x128xf32, #tpu.memory_space<vmem>>, vector<1x16xf32>,
        %get3A_525 = vector.shape_cast %get3A_524 : vector<1x16xf32> to vector<16xf32>
        %add3A_526 = arith.addf %get3A_521, %get3A_525 : vector<16xf32>
        %max3A_527 = arith.constant 0.000000e+00 : f32
        %max3A_528 = vector.broadcast %max3A_527 : f32 to vector<16xf32>
        %max3A_529 = arith.maximumf %add3A_526, %max3A_528 : vector<16xf32>
        %swap3A_530 = arith.index_cast %add3A_517 : i32 to index
        %swap3A_531 = arith.constant 0 : index
        %swap3A_532 = tpu.vector_load %arg9[%swap3A_530, %swap3A_531] {strides = array<i32>} : memref<80x128xf32, #tpu.memory_space<vmem>>, vector<1x16xf32>,
        %swap3A_533 = vector.shape_cast %swap3A_532 : vector<1x16xf32> to vector<16xf32>
        %swap3A_534 = vector.shape_cast %max3A_529 : vector<16xf32> to vector<1x16xf32>
        tpu.vector_store %arg9[%swap3A_530, %swap3A_531], %swap3A_534 {strides = array<i32>} : memref<80x128xf32, #tpu.memory_space<vmem>>, vector<1x16xf32>,
        %get3A_535 = arith.index_cast %add3A_517 : i32 to index
        %get3A_536 = arith.constant 16 : index
        %get3A_537 = tpu.vector_load %arg7[%get3A_535, %get3A_536] {strides = array<i32>} : memref<80x128xf32, #tpu.memory_space<vmem>>, vector<1x16xf32>,
        %get3A_538 = vector.shape_cast %get3A_537 : vector<1x16xf32> to vector<16xf32>
        %get3A_539 = arith.index_cast %add3A_517 : i32 to index
        %get3A_540 = arith.constant 16 : index
        %get3A_541 = tpu.vector_load %arg9[%get3A_539, %get3A_540] {strides = array<i32>} : memref<80x128xf32, #tpu.memory_space<vmem>>, vector<1x16xf32>,
        %get3A_542 = vector.shape_cast %get3A_541 : vector<1x16xf32> to vector<16xf32>
        %add3A_543 = arith.addf %get3A_538, %get3A_542 : vector<16xf32>
        %max3A_544 = arith.constant 0.000000e+00 : f32
        %max3A_545 = vector.broadcast %max3A_544 : f32 to vector<16xf32>
        %max3A_546 = arith.maximumf %add3A_543, %max3A_545 : vector<16xf32>
        %swap3A_547 = arith.index_cast %add3A_517 : i32 to index
        %swap3A_548 = arith.constant 16 : index
        %swap3A_549 = tpu.vector_load %arg9[%swap3A_547, %swap3A_548] {strides = array<i32>} : memref<80x128xf32, #tpu.memory_space<vmem>>, vector<1x16xf32>,
        %swap3A_550 = vector.shape_cast %swap3A_549 : vector<1x16xf32> to vector<16xf32>
        %swap3A_551 = vector.shape_cast %max3A_546 : vector<16xf32> to vector<1x16xf32>
        tpu.vector_store %arg9[%swap3A_547, %swap3A_548], %swap3A_551 {strides = array<i32>} : memref<80x128xf32, #tpu.memory_space<vmem>>, vector<1x16xf32>,
        %get3A_552 = arith.index_cast %add3A_517 : i32 to index
        %get3A_553 = arith.constant 32 : index
        %get3A_554 = tpu.vector_load %arg7[%get3A_552, %get3A_553] {strides = array<i32>} : memref<80x128xf32, #tpu.memory_space<vmem>>, vector<1x16xf32>,
        %get3A_555 = vector.shape_cast %get3A_554 : vector<1x16xf32> to vector<16xf32>
        %get3A_556 = arith.index_cast %add3A_517 : i32 to index
        %get3A_557 = arith.constant 32 : index
        %get3A_558 = tpu.vector_load %arg9[%get3A_556, %get3A_557] {strides = array<i32>} : memref<80x128xf32, #tpu.memory_space<vmem>>, vector<1x16xf32>,
        %get3A_559 = vector.shape_cast %get3A_558 : vector<1x16xf32> to vector<16xf32>
        %add3A_560 = arith.addf %get3A_555, %get3A_559 : vector<16xf32>
        %max3A_561 = arith.constant 0.000000e+00 : f32
        %max3A_562 = vector.broadcast %max3A_561 : f32 to vector<16xf32>
        %max3A_563 = arith.maximumf %add3A_560, %max3A_562 : vector<16xf32>
        %swap3A_564 = arith.index_cast %add3A_517 : i32 to index
        %swap3A_565 = arith.constant 32 : index
        %swap3A_566 = tpu.vector_load %arg9[%swap3A_564, %swap3A_565] {strides = array<i32>} : memref<80x128xf32, #tpu.memory_space<vmem>>, vector<1x16xf32>,
        %swap3A_567 = vector.shape_cast %swap3A_566 : vector<1x16xf32> to vector<16xf32>
        %swap3A_568 = vector.shape_cast %max3A_563 : vector<16xf32> to vector<1x16xf32>
        tpu.vector_store %arg9[%swap3A_564, %swap3A_565], %swap3A_568 {strides = array<i32>} : memref<80x128xf32, #tpu.memory_space<vmem>>, vector<1x16xf32>,
        %get3A_569 = arith.index_cast %add3A_517 : i32 to index
        %get3A_570 = arith.constant 48 : index
        %get3A_571 = tpu.vector_load %arg7[%get3A_569, %get3A_570] {strides = array<i32>} : memref<80x128xf32, #tpu.memory_space<vmem>>, vector<1x16xf32>,
        %get3A_572 = vector.shape_cast %get3A_571 : vector<1x16xf32> to vector<16xf32>
        %get3A_573 = arith.index_cast %add3A_517 : i32 to index
        %get3A_574 = arith.constant 48 : index
        %get3A_575 = tpu.vector_load %arg9[%get3A_573, %get3A_574] {strides = array<i32>} : memref<80x128xf32, #tpu.memory_space<vmem>>, vector<1x16xf32>,
        %get3A_576 = vector.shape_cast %get3A_575 : vector<1x16xf32> to vector<16xf32>
        %add3A_577 = arith.addf %get3A_572, %get3A_576 : vector<16xf32>
        %max3A_578 = arith.constant 0.000000e+00 : f32
        %max3A_579 = vector.broadcast %max3A_578 : f32 to vector<16xf32>
        %max3A_580 = arith.maximumf %add3A_577, %max3A_579 : vector<16xf32>
        %swap3A_581 = arith.index_cast %add3A_517 : i32 to index
        %swap3A_582 = arith.constant 48 : index
        %swap3A_583 = tpu.vector_load %arg9[%swap3A_581, %swap3A_582] {strides = array<i32>} : memref<80x128xf32, #tpu.memory_space<vmem>>, vector<1x16xf32>,
        %swap3A_584 = vector.shape_cast %swap3A_583 : vector<1x16xf32> to vector<16xf32>
        %swap3A_585 = vector.shape_cast %max3A_580 : vector<16xf32> to vector<1x16xf32>
        tpu.vector_store %arg9[%swap3A_581, %swap3A_582], %swap3A_585 {strides = array<i32>} : memref<80x128xf32, #tpu.memory_space<vmem>>, vector<1x16xf32>,
        %get3A_586 = arith.index_cast %add3A_517 : i32 to index
        %get3A_587 = arith.constant 64 : index
        %get3A_588 = tpu.vector_load %arg7[%get3A_586, %get3A_587] {strides = array<i32>} : memref<80x128xf32, #tpu.memory_space<vmem>>, vector<1x16xf32>,
        %get3A_589 = vector.shape_cast %get3A_588 : vector<1x16xf32> to vector<16xf32>
        %get3A_590 = arith.index_cast %add3A_517 : i32 to index
        %get3A_591 = arith.constant 64 : index
        %get3A_592 = tpu.vector_load %arg9[%get3A_590, %get3A_591] {strides = array<i32>} : memref<80x128xf32, #tpu.memory_space<vmem>>, vector<1x16xf32>,
        %get3A_593 = vector.shape_cast %get3A_592 : vector<1x16xf32> to vector<16xf32>
        %add3A_594 = arith.addf %get3A_589, %get3A_593 : vector<16xf32>
        %max3A_595 = arith.constant 0.000000e+00 : f32
        %max3A_596 = vector.broadcast %max3A_595 : f32 to vector<16xf32>
        %max3A_597 = arith.maximumf %add3A_594, %max3A_596 : vector<16xf32>
        %swap3A_598 = arith.index_cast %add3A_517 : i32 to index
        %swap3A_599 = arith.constant 64 : index
        %swap3A_600 = tpu.vector_load %arg9[%swap3A_598, %swap3A_599] {strides = array<i32>} : memref<80x128xf32, #tpu.memory_space<vmem>>, vector<1x16xf32>,
        %swap3A_601 = vector.shape_cast %swap3A_600 : vector<1x16xf32> to vector<16xf32>
        %swap3A_602 = vector.shape_cast %max3A_597 : vector<16xf32> to vector<1x16xf32>
        tpu.vector_store %arg9[%swap3A_598, %swap3A_599], %swap3A_602 {strides = array<i32>} : memref<80x128xf32, #tpu.memory_space<vmem>>, vector<1x16xf32>,
        %get3A_603 = arith.index_cast %add3A_517 : i32 to index
        %get3A_604 = arith.constant 80 : index
        %get3A_605 = tpu.vector_load %arg7[%get3A_603, %get3A_604] {strides = array<i32>} : memref<80x128xf32, #tpu.memory_space<vmem>>, vector<1x16xf32>,
        %get3A_606 = vector.shape_cast %get3A_605 : vector<1x16xf32> to vector<16xf32>
        %get3A_607 = arith.index_cast %add3A_517 : i32 to index
        %get3A_608 = arith.constant 80 : index
        %get3A_609 = tpu.vector_load %arg9[%get3A_607, %get3A_608] {strides = array<i32>} : memref<80x128xf32, #tpu.memory_space<vmem>>, vector<1x16xf32>,
        %get3A_610 = vector.shape_cast %get3A_609 : vector<1x16xf32> to vector<16xf32>
        %add3A_611 = arith.addf %get3A_606, %get3A_610 : vector<16xf32>
        %max3A_612 = arith.constant 0.000000e+00 : f32
        %max3A_613 = vector.broadcast %max3A_612 : f32 to vector<16xf32>
        %max3A_614 = arith.maximumf %add3A_611, %max3A_613 : vector<16xf32>
        %swap3A_615 = arith.index_cast %add3A_517 : i32 to index
        %swap3A_616 = arith.constant 80 : index
        %swap3A_617 = tpu.vector_load %arg9[%swap3A_615, %swap3A_616] {strides = array<i32>} : memref<80x128xf32, #tpu.memory_space<vmem>>, vector<1x16xf32>,
        %swap3A_618 = vector.shape_cast %swap3A_617 : vector<1x16xf32> to vector<16xf32>
        %swap3A_619 = vector.shape_cast %max3A_614 : vector<16xf32> to vector<1x16xf32>
        tpu.vector_store %arg9[%swap3A_615, %swap3A_616], %swap3A_619 {strides = array<i32>} : memref<80x128xf32, #tpu.memory_space<vmem>>, vector<1x16xf32>,
        %get3A_620 = arith.index_cast %add3A_517 : i32 to index
        %get3A_621 = arith.constant 96 : index
        %get3A_622 = tpu.vector_load %arg7[%get3A_620, %get3A_621] {strides = array<i32>} : memref<80x128xf32, #tpu.memory_space<vmem>>, vector<1x16xf32>,
        %get3A_623 = vector.shape_cast %get3A_622 : vector<1x16xf32> to vector<16xf32>
        %get3A_624 = arith.index_cast %add3A_517 : i32 to index
        %get3A_625 = arith.constant 96 : index
        %get3A_626 = tpu.vector_load %arg9[%get3A_624, %get3A_625] {strides = array<i32>} : memref<80x128xf32, #tpu.memory_space<vmem>>, vector<1x16xf32>,
        %get3A_627 = vector.shape_cast %get3A_626 : vector<1x16xf32> to vector<16xf32>
        %add3A_628 = arith.addf %get3A_623, %get3A_627 : vector<16xf32>
        %max3A_629 = arith.constant 0.000000e+00 : f32
        %max3A_630 = vector.broadcast %max3A_629 : f32 to vector<16xf32>
        %max3A_631 = arith.maximumf %add3A_628, %max3A_630 : vector<16xf32>
        %swap3A_632 = arith.index_cast %add3A_517 : i32 to index
        %swap3A_633 = arith.constant 96 : index
        %swap3A_634 = tpu.vector_load %arg9[%swap3A_632, %swap3A_633] {strides = array<i32>} : memref<80x128xf32, #tpu.memory_space<vmem>>, vector<1x16xf32>,
        %swap3A_635 = vector.shape_cast %swap3A_634 : vector<1x16xf32> to vector<16xf32>
        %swap3A_636 = vector.shape_cast %max3A_631 : vector<16xf32> to vector<1x16xf32>
        tpu.vector_store %arg9[%swap3A_632, %swap3A_633], %swap3A_636 {strides = array<i32>} : memref<80x128xf32, #tpu.memory_space<vmem>>, vector<1x16xf32>,
        %get3A_637 = arith.index_cast %add3A_517 : i32 to index
        %get3A_638 = arith.constant 112 : index
        %get3A_639 = tpu.vector_load %arg7[%get3A_637, %get3A_638] {strides = array<i32>} : memref<80x128xf32, #tpu.memory_space<vmem>>, vector<1x16xf32>,
        %get3A_640 = vector.shape_cast %get3A_639 : vector<1x16xf32> to vector<16xf32>
        %get3A_641 = arith.index_cast %add3A_517 : i32 to index
        %get3A_642 = arith.constant 112 : index
        %get3A_643 = tpu.vector_load %arg9[%get3A_641, %get3A_642] {strides = array<i32>} : memref<80x128xf32, #tpu.memory_space<vmem>>, vector<1x16xf32>,
        %get3A_644 = vector.shape_cast %get3A_643 : vector<1x16xf32> to vector<16xf32>
        %add3A_645 = arith.addf %get3A_640, %get3A_644 : vector<16xf32>
        %max3A_646 = arith.constant 0.000000e+00 : f32
        %max3A_647 = vector.broadcast %max3A_646 : f32 to vector<16xf32>
        %max3A_648 = arith.maximumf %add3A_645, %max3A_647 : vector<16xf32>
        %swap3A_649 = arith.index_cast %add3A_517 : i32 to index
        %swap3A_650 = arith.constant 112 : index
        %swap3A_651 = tpu.vector_load %arg9[%swap3A_649, %swap3A_650] {strides = array<i32>} : memref<80x128xf32, #tpu.memory_space<vmem>>, vector<1x16xf32>,
        %swap3A_652 = vector.shape_cast %swap3A_651 : vector<1x16xf32> to vector<16xf32>
        %swap3A_653 = vector.shape_cast %max3A_648 : vector<16xf32> to vector<1x16xf32>
        tpu.vector_store %arg9[%swap3A_649, %swap3A_650], %swap3A_653 {strides = array<i32>} : memref<80x128xf32, #tpu.memory_space<vmem>>, vector<1x16xf32>,
        %mul3A_654 = arith.constant 4 : i32
        %mul3A_655 = arith.muli %scan3A_233, %mul3A_654 : i32
        %add3A_656 = arith.constant 3 : i32
        %add3A_657 = arith.addi %mul3A_655, %add3A_656 : i32
        %get3A_658 = arith.index_cast %add3A_657 : i32 to index
        %get3A_659 = arith.constant 0 : index
        %get3A_660 = tpu.vector_load %arg7[%get3A_658, %get3A_659] {strides = array<i32>} : memref<80x128xf32, #tpu.memory_space<vmem>>, vector<1x16xf32>,
        %get3A_661 = vector.shape_cast %get3A_660 : vector<1x16xf32> to vector<16xf32>
        %get3A_662 = arith.index_cast %add3A_657 : i32 to index
        %get3A_663 = arith.constant 0 : index
        %get3A_664 = tpu.vector_load %arg9[%get3A_662, %get3A_663] {strides = array<i32>} : memref<80x128xf32, #tpu.memory_space<vmem>>, vector<1x16xf32>,
        %get3A_665 = vector.shape_cast %get3A_664 : vector<1x16xf32> to vector<16xf32>
        %add3A_666 = arith.addf %get3A_661, %get3A_665 : vector<16xf32>
        %max3A_667 = arith.constant 0.000000e+00 : f32
        %max3A_668 = vector.broadcast %max3A_667 : f32 to vector<16xf32>
        %max3A_669 = arith.maximumf %add3A_666, %max3A_668 : vector<16xf32>
        %swap3A_670 = arith.index_cast %add3A_657 : i32 to index
        %swap3A_671 = arith.constant 0 : index
        %swap3A_672 = tpu.vector_load %arg9[%swap3A_670, %swap3A_671] {strides = array<i32>} : memref<80x128xf32, #tpu.memory_space<vmem>>, vector<1x16xf32>,
        %swap3A_673 = vector.shape_cast %swap3A_672 : vector<1x16xf32> to vector<16xf32>
        %swap3A_674 = vector.shape_cast %max3A_669 : vector<16xf32> to vector<1x16xf32>
        tpu.vector_store %arg9[%swap3A_670, %swap3A_671], %swap3A_674 {strides = array<i32>} : memref<80x128xf32, #tpu.memory_space<vmem>>, vector<1x16xf32>,
        %get3A_675 = arith.index_cast %add3A_657 : i32 to index
        %get3A_676 = arith.constant 16 : index
        %get3A_677 = tpu.vector_load %arg7[%get3A_675, %get3A_676] {strides = array<i32>} : memref<80x128xf32, #tpu.memory_space<vmem>>, vector<1x16xf32>,
        %get3A_678 = vector.shape_cast %get3A_677 : vector<1x16xf32> to vector<16xf32>
        %get3A_679 = arith.index_cast %add3A_657 : i32 to index
        %get3A_680 = arith.constant 16 : index
        %get3A_681 = tpu.vector_load %arg9[%get3A_679, %get3A_680] {strides = array<i32>} : memref<80x128xf32, #tpu.memory_space<vmem>>, vector<1x16xf32>,
        %get3A_682 = vector.shape_cast %get3A_681 : vector<1x16xf32> to vector<16xf32>
        %add3A_683 = arith.addf %get3A_678, %get3A_682 : vector<16xf32>
        %max3A_684 = arith.constant 0.000000e+00 : f32
        %max3A_685 = vector.broadcast %max3A_684 : f32 to vector<16xf32>
        %max3A_686 = arith.maximumf %add3A_683, %max3A_685 : vector<16xf32>
        %swap3A_687 = arith.index_cast %add3A_657 : i32 to index
        %swap3A_688 = arith.constant 16 : index
        %swap3A_689 = tpu.vector_load %arg9[%swap3A_687, %swap3A_688] {strides = array<i32>} : memref<80x128xf32, #tpu.memory_space<vmem>>, vector<1x16xf32>,
        %swap3A_690 = vector.shape_cast %swap3A_689 : vector<1x16xf32> to vector<16xf32>
        %swap3A_691 = vector.shape_cast %max3A_686 : vector<16xf32> to vector<1x16xf32>
        tpu.vector_store %arg9[%swap3A_687, %swap3A_688], %swap3A_691 {strides = array<i32>} : memref<80x128xf32, #tpu.memory_space<vmem>>, vector<1x16xf32>,
        %get3A_692 = arith.index_cast %add3A_657 : i32 to index
        %get3A_693 = arith.constant 32 : index
        %get3A_694 = tpu.vector_load %arg7[%get3A_692, %get3A_693] {strides = array<i32>} : memref<80x128xf32, #tpu.memory_space<vmem>>, vector<1x16xf32>,
        %get3A_695 = vector.shape_cast %get3A_694 : vector<1x16xf32> to vector<16xf32>
        %get3A_696 = arith.index_cast %add3A_657 : i32 to index
        %get3A_697 = arith.constant 32 : index
        %get3A_698 = tpu.vector_load %arg9[%get3A_696, %get3A_697] {strides = array<i32>} : memref<80x128xf32, #tpu.memory_space<vmem>>, vector<1x16xf32>,
        %get3A_699 = vector.shape_cast %get3A_698 : vector<1x16xf32> to vector<16xf32>
        %add3A_700 = arith.addf %get3A_695, %get3A_699 : vector<16xf32>
        %max3A_701 = arith.constant 0.000000e+00 : f32
        %max3A_702 = vector.broadcast %max3A_701 : f32 to vector<16xf32>
        %max3A_703 = arith.maximumf %add3A_700, %max3A_702 : vector<16xf32>
        %swap3A_704 = arith.index_cast %add3A_657 : i32 to index
        %swap3A_705 = arith.constant 32 : index
        %swap3A_706 = tpu.vector_load %arg9[%swap3A_704, %swap3A_705] {strides = array<i32>} : memref<80x128xf32, #tpu.memory_space<vmem>>, vector<1x16xf32>,
        %swap3A_707 = vector.shape_cast %swap3A_706 : vector<1x16xf32> to vector<16xf32>
        %swap3A_708 = vector.shape_cast %max3A_703 : vector<16xf32> to vector<1x16xf32>
        tpu.vector_store %arg9[%swap3A_704, %swap3A_705], %swap3A_708 {strides = array<i32>} : memref<80x128xf32, #tpu.memory_space<vmem>>, vector<1x16xf32>,
        %get3A_709 = arith.index_cast %add3A_657 : i32 to index
        %get3A_710 = arith.constant 48 : index
        %get3A_711 = tpu.vector_load %arg7[%get3A_709, %get3A_710] {strides = array<i32>} : memref<80x128xf32, #tpu.memory_space<vmem>>, vector<1x16xf32>,
        %get3A_712 = vector.shape_cast %get3A_711 : vector<1x16xf32> to vector<16xf32>
        %get3A_713 = arith.index_cast %add3A_657 : i32 to index
        %get3A_714 = arith.constant 48 : index
        %get3A_715 = tpu.vector_load %arg9[%get3A_713, %get3A_714] {strides = array<i32>} : memref<80x128xf32, #tpu.memory_space<vmem>>, vector<1x16xf32>,
        %get3A_716 = vector.shape_cast %get3A_715 : vector<1x16xf32> to vector<16xf32>
        %add3A_717 = arith.addf %get3A_712, %get3A_716 : vector<16xf32>
        %max3A_718 = arith.constant 0.000000e+00 : f32
        %max3A_719 = vector.broadcast %max3A_718 : f32 to vector<16xf32>
        %max3A_720 = arith.maximumf %add3A_717, %max3A_719 : vector<16xf32>
        %swap3A_721 = arith.index_cast %add3A_657 : i32 to index
        %swap3A_722 = arith.constant 48 : index
        %swap3A_723 = tpu.vector_load %arg9[%swap3A_721, %swap3A_722] {strides = array<i32>} : memref<80x128xf32, #tpu.memory_space<vmem>>, vector<1x16xf32>,
        %swap3A_724 = vector.shape_cast %swap3A_723 : vector<1x16xf32> to vector<16xf32>
        %swap3A_725 = vector.shape_cast %max3A_720 : vector<16xf32> to vector<1x16xf32>
        tpu.vector_store %arg9[%swap3A_721, %swap3A_722], %swap3A_725 {strides = array<i32>} : memref<80x128xf32, #tpu.memory_space<vmem>>, vector<1x16xf32>,
        %get3A_726 = arith.index_cast %add3A_657 : i32 to index
        %get3A_727 = arith.constant 64 : index
        %get3A_728 = tpu.vector_load %arg7[%get3A_726, %get3A_727] {strides = array<i32>} : memref<80x128xf32, #tpu.memory_space<vmem>>, vector<1x16xf32>,
        %get3A_729 = vector.shape_cast %get3A_728 : vector<1x16xf32> to vector<16xf32>
        %get3A_730 = arith.index_cast %add3A_657 : i32 to index
        %get3A_731 = arith.constant 64 : index
        %get3A_732 = tpu.vector_load %arg9[%get3A_730, %get3A_731] {strides = array<i32>} : memref<80x128xf32, #tpu.memory_space<vmem>>, vector<1x16xf32>,
        %get3A_733 = vector.shape_cast %get3A_732 : vector<1x16xf32> to vector<16xf32>
        %add3A_734 = arith.addf %get3A_729, %get3A_733 : vector<16xf32>
        %max3A_735 = arith.constant 0.000000e+00 : f32
        %max3A_736 = vector.broadcast %max3A_735 : f32 to vector<16xf32>
        %max3A_737 = arith.maximumf %add3A_734, %max3A_736 : vector<16xf32>
        %swap3A_738 = arith.index_cast %add3A_657 : i32 to index
        %swap3A_739 = arith.constant 64 : index
        %swap3A_740 = tpu.vector_load %arg9[%swap3A_738, %swap3A_739] {strides = array<i32>} : memref<80x128xf32, #tpu.memory_space<vmem>>, vector<1x16xf32>,
        %swap3A_741 = vector.shape_cast %swap3A_740 : vector<1x16xf32> to vector<16xf32>
        %swap3A_742 = vector.shape_cast %max3A_737 : vector<16xf32> to vector<1x16xf32>
        tpu.vector_store %arg9[%swap3A_738, %swap3A_739], %swap3A_742 {strides = array<i32>} : memref<80x128xf32, #tpu.memory_space<vmem>>, vector<1x16xf32>,
        %get3A_743 = arith.index_cast %add3A_657 : i32 to index
        %get3A_744 = arith.constant 80 : index
        %get3A_745 = tpu.vector_load %arg7[%get3A_743, %get3A_744] {strides = array<i32>} : memref<80x128xf32, #tpu.memory_space<vmem>>, vector<1x16xf32>,
        %get3A_746 = vector.shape_cast %get3A_745 : vector<1x16xf32> to vector<16xf32>
        %get3A_747 = arith.index_cast %add3A_657 : i32 to index
        %get3A_748 = arith.constant 80 : index
        %get3A_749 = tpu.vector_load %arg9[%get3A_747, %get3A_748] {strides = array<i32>} : memref<80x128xf32, #tpu.memory_space<vmem>>, vector<1x16xf32>,
        %get3A_750 = vector.shape_cast %get3A_749 : vector<1x16xf32> to vector<16xf32>
        %add3A_751 = arith.addf %get3A_746, %get3A_750 : vector<16xf32>
        %max3A_752 = arith.constant 0.000000e+00 : f32
        %max3A_753 = vector.broadcast %max3A_752 : f32 to vector<16xf32>
        %max3A_754 = arith.maximumf %add3A_751, %max3A_753 : vector<16xf32>
        %swap3A_755 = arith.index_cast %add3A_657 : i32 to index
        %swap3A_756 = arith.constant 80 : index
        %swap3A_757 = tpu.vector_load %arg9[%swap3A_755, %swap3A_756] {strides = array<i32>} : memref<80x128xf32, #tpu.memory_space<vmem>>, vector<1x16xf32>,
        %swap3A_758 = vector.shape_cast %swap3A_757 : vector<1x16xf32> to vector<16xf32>
        %swap3A_759 = vector.shape_cast %max3A_754 : vector<16xf32> to vector<1x16xf32>
        tpu.vector_store %arg9[%swap3A_755, %swap3A_756], %swap3A_759 {strides = array<i32>} : memref<80x128xf32, #tpu.memory_space<vmem>>, vector<1x16xf32>,
        %get3A_760 = arith.index_cast %add3A_657 : i32 to index
        %get3A_761 = arith.constant 96 : index
        %get3A_762 = tpu.vector_load %arg7[%get3A_760, %get3A_761] {strides = array<i32>} : memref<80x128xf32, #tpu.memory_space<vmem>>, vector<1x16xf32>,
        %get3A_763 = vector.shape_cast %get3A_762 : vector<1x16xf32> to vector<16xf32>
        %get3A_764 = arith.index_cast %add3A_657 : i32 to index
        %get3A_765 = arith.constant 96 : index
        %get3A_766 = tpu.vector_load %arg9[%get3A_764, %get3A_765] {strides = array<i32>} : memref<80x128xf32, #tpu.memory_space<vmem>>, vector<1x16xf32>,
        %get3A_767 = vector.shape_cast %get3A_766 : vector<1x16xf32> to vector<16xf32>
        %add3A_768 = arith.addf %get3A_763, %get3A_767 : vector<16xf32>
        %max3A_769 = arith.constant 0.000000e+00 : f32
        %max3A_770 = vector.broadcast %max3A_769 : f32 to vector<16xf32>
        %max3A_771 = arith.maximumf %add3A_768, %max3A_770 : vector<16xf32>
        %swap3A_772 = arith.index_cast %add3A_657 : i32 to index
        %swap3A_773 = arith.constant 96 : index
        %swap3A_774 = tpu.vector_load %arg9[%swap3A_772, %swap3A_773] {strides = array<i32>} : memref<80x128xf32, #tpu.memory_space<vmem>>, vector<1x16xf32>,
        %swap3A_775 = vector.shape_cast %swap3A_774 : vector<1x16xf32> to vector<16xf32>
        %swap3A_776 = vector.shape_cast %max3A_771 : vector<16xf32> to vector<1x16xf32>
        tpu.vector_store %arg9[%swap3A_772, %swap3A_773], %swap3A_776 {strides = array<i32>} : memref<80x128xf32, #tpu.memory_space<vmem>>, vector<1x16xf32>,
        %get3A_777 = arith.index_cast %add3A_657 : i32 to index
        %get3A_778 = arith.constant 112 : index
        %get3A_779 = tpu.vector_load %arg7[%get3A_777, %get3A_778] {strides = array<i32>} : memref<80x128xf32, #tpu.memory_space<vmem>>, vector<1x16xf32>,
        %get3A_780 = vector.shape_cast %get3A_779 : vector<1x16xf32> to vector<16xf32>
        %get3A_781 = arith.index_cast %add3A_657 : i32 to index
        %get3A_782 = arith.constant 112 : index
        %get3A_783 = tpu.vector_load %arg9[%get3A_781, %get3A_782] {strides = array<i32>} : memref<80x128xf32, #tpu.memory_space<vmem>>, vector<1x16xf32>,
        %get3A_784 = vector.shape_cast %get3A_783 : vector<1x16xf32> to vector<16xf32>
        %add3A_785 = arith.addf %get3A_780, %get3A_784 : vector<16xf32>
        %max3A_786 = arith.constant 0.000000e+00 : f32
        %max3A_787 = vector.broadcast %max3A_786 : f32 to vector<16xf32>
        %max3A_788 = arith.maximumf %add3A_785, %max3A_787 : vector<16xf32>
        %swap3A_789 = arith.index_cast %add3A_657 : i32 to index
        %swap3A_790 = arith.constant 112 : index
        %swap3A_791 = tpu.vector_load %arg9[%swap3A_789, %swap3A_790] {strides = array<i32>} : memref<80x128xf32, #tpu.memory_space<vmem>>, vector<1x16xf32>,
        %swap3A_792 = vector.shape_cast %swap3A_791 : vector<1x16xf32> to vector<16xf32>
        %swap3A_793 = vector.shape_cast %max3A_788 : vector<16xf32> to vector<1x16xf32>
        tpu.vector_store %arg9[%swap3A_789, %swap3A_790], %swap3A_793 {strides = array<i32>} : memref<80x128xf32, #tpu.memory_space<vmem>>, vector<1x16xf32>,
        %scan3A_794 = arith.constant 0 : i32
        scf.yield %scan3A_794 : i32
      }
      %scan3A_231 = arith.constant 20 : i32
      "tpu.region"() ({
        %run_scoped3A = tpu.sem_alloc : memref<!tpu.dma_semaphore, #tpu.memory_space<semaphore_mem>>
        %dma_start3A_233 = arith.constant 0 : i32
        %dma_start3A_234 = arith.constant 0 : i32
        %dma_start3A_235 = tpu.memref_slice %arg6[%dma_start3A_233, %dma_start3A_234] : memref<10240x128xf32, #tpu.memory_space<vmem_shared>> -> memref<10240x128xf32, #tpu.memory_space<vmem_shared>>
        tpu.enqueue_indirect_dma source(%arg9 : memref<80x128xf32, #tpu.memory_space<vmem>>) target(%dma_start3A_235 : memref<10240x128xf32, #tpu.memory_space<vmem_shared>>) offsets(%arg15 : memref<80xi32, #tpu.memory_space<vmem>>) semaphore(%run_scoped3A : memref<!tpu.dma_semaphore, #tpu.memory_space<semaphore_mem>>) {add = true}
        %dma_wait3A_236 = arith.constant 0 : i32
        %dma_wait3A_237 = arith.constant 0 : i32
        %dma_wait3A_238 = tpu.memref_slice %arg6[%dma_wait3A_236, %dma_wait3A_237] : memref<10240x128xf32, #tpu.memory_space<vmem_shared>> -> memref<10240x128xf32, #tpu.memory_space<vmem_shared>>
        tpu.wait_indirect_dma semaphore(%run_scoped3A : memref<!tpu.dma_semaphore, #tpu.memory_space<semaphore_mem>>) src(%arg9 : memref<80x128xf32, #tpu.memory_space<vmem>>) dst(%dma_wait3A_238 : memref<10240x128xf32, #tpu.memory_space<vmem_shared>>)
        tpu.yield
      }) : () -> ()
      %scan3A_232 = arith.constant 0 : i32
      scf.yield %scan3A_232 : i32
    }
    %scan3A_19 = arith.constant 5 : i32
    %barrier3A_20 = arith.constant 0 : index
    tpu.barrier barrier_id(%barrier3A_20)
    %mul3A = arith.constant 640 : i32
    %mul3A_21 = arith.muli %arg1, %mul3A : i32
    "tpu.region"() ({
      %run_scoped3A = tpu.sem_alloc : memref<!tpu.dma_semaphore, #tpu.memory_space<semaphore_mem>>
      %dma_start3A = arith.constant 0 : i32
      %dma_start3A_22 = tpu.memref_slice %arg5[%arg0, %mul3A_21, %dma_start3A] : memref<2x10240x128xf32, #tpu.memory_space<hbm>> -> memref<1x640x128xf32, #tpu.memory_space<hbm>>
      %dma_start3A_23 = tpu.memref_squeeze %dma_start3A_22 : memref<1x640x128xf32, #tpu.memory_space<hbm>> -> memref<640x128xf32, #tpu.memory_space<hbm>>
      %dma_start3A_24 = arith.constant 0 : i32
      %dma_start3A_25 = tpu.memref_slice %arg6[%mul3A_21, %dma_start3A_24] : memref<10240x128xf32, #tpu.memory_space<vmem_shared>> -> memref<640x128xf32, #tpu.memory_space<vmem_shared>>
      tpu.enqueue_dma source(%dma_start3A_25 : memref<640x128xf32, #tpu.memory_space<vmem_shared>>) target(%dma_start3A_23 : memref<640x128xf32, #tpu.memory_space<hbm>>) target_semaphore(%run_scoped3A : memref<!tpu.dma_semaphore, #tpu.memory_space<semaphore_mem>>)
      %dma_wait3A = arith.constant 0 : i32
      %dma_wait3A_26 = tpu.memref_slice %arg5[%arg0, %mul3A_21, %dma_wait3A] : memref<2x10240x128xf32, #tpu.memory_space<hbm>> -> memref<1x640x128xf32, #tpu.memory_space<hbm>>
      %dma_wait3A_27 = tpu.memref_squeeze %dma_wait3A_26 : memref<1x640x128xf32, #tpu.memory_space<hbm>> -> memref<640x128xf32, #tpu.memory_space<hbm>>
      %dma_wait3A_28 = arith.constant 0 : i32
      %dma_wait3A_29 = tpu.memref_slice %arg6[%mul3A_21, %dma_wait3A_28] : memref<10240x128xf32, #tpu.memory_space<vmem_shared>> -> memref<640x128xf32, #tpu.memory_space<vmem_shared>>
      tpu.wait_dma2 semaphore(%run_scoped3A : memref<!tpu.dma_semaphore, #tpu.memory_space<semaphore_mem>>) src(%dma_wait3A_29 : memref<640x128xf32, #tpu.memory_space<vmem_shared>>) dst(%dma_wait3A_27 : memref<640x128xf32, #tpu.memory_space<hbm>>)
      tpu.yield
    }) : () -> ()
    return
  }
}

module attributes {stable_mosaic.version = 14 : i64} {
  func.func @_mlp_body(%arg0: i32, %arg1: memref<1000x128xf32, #tpu.memory_space<vmem>>, %arg2: memref<1000x128xf32, #tpu.memory_space<vmem>>, %arg3: memref<1x1000x128xf32, #tpu.memory_space<vmem>>, %arg4: memref<1x1000x128xf32, #tpu.memory_space<vmem>>, %arg5: memref<128x256xf32, #tpu.memory_space<vmem>>, %arg6: memref<128x256xf32, #tpu.memory_space<vmem>>, %arg7: memref<1x256xf32, #tpu.memory_space<vmem>>, %arg8: memref<256x256xf32, #tpu.memory_space<vmem>>, %arg9: memref<1x256xf32, #tpu.memory_space<vmem>>, %arg10: memref<1000x256xf32, #tpu.memory_space<vmem>>) attributes {dimension_semantics = [#tpu.dimension_semantics<arbitrary>], iteration_bounds = array<i64: 10>, scalar_prefetch = 0 : i64, scratch_operands = 0 : i64, tpu.core_type = #tpu.core_type<tc>, window_params = [{transform_indices = @transform_0, window_bounds = array<i64: 1000, 128>}, {transform_indices = @transform_1, window_bounds = array<i64: 1000, 128>}, {transform_indices = @transform_2, window_bounds = array<i64: 1, 1000, 128>}, {transform_indices = @transform_3, window_bounds = array<i64: 1, 1000, 128>}, {transform_indices = @transform_4, window_bounds = array<i64: 128, 256>}, {transform_indices = @transform_5, window_bounds = array<i64: 128, 256>}, {pipeline_mode = #tpu.pipeline_mode<synchronous>, transform_indices = @transform_6, window_bounds = array<i64: 1, 256>}, {pipeline_mode = #tpu.pipeline_mode<synchronous>, transform_indices = @transform_7, window_bounds = array<i64: 256, 256>}, {pipeline_mode = #tpu.pipeline_mode<synchronous>, transform_indices = @transform_8, window_bounds = array<i64: 1, 256>}, {transform_indices = @transform_9, window_bounds = array<i64: 1000, 256>}]} {
    %get3A = arith.constant 0 : index
    %get3A_0 = arith.constant 0 : index
    %get3A_1 = vector.load %arg1[%get3A, %get3A_0] : memref<1000x128xf32, #tpu.memory_space<vmem>>, vector<1000x128xf32>
    %get3A_2 = arith.constant 0 : index
    %get3A_3 = arith.constant 0 : index
    %get3A_4 = arith.constant 0 : index
    %get3A_5 = vector.load %arg3[%get3A_2, %get3A_3, %get3A_4] : memref<1x1000x128xf32, #tpu.memory_space<vmem>>, vector<1x1000x128xf32>
    %get3A_6 = vector.shape_cast %get3A_5 : vector<1x1000x128xf32> to vector<1000x128xf32>
    %add3A = arith.addf %get3A_1, %get3A_6 : vector<1000x128xf32>
    %get3A_7 = arith.constant 0 : index
    %get3A_8 = arith.constant 0 : index
    %get3A_9 = vector.load %arg2[%get3A_7, %get3A_8] : memref<1000x128xf32, #tpu.memory_space<vmem>>, vector<1000x128xf32>
    %get3A_10 = arith.constant 0 : index
    %get3A_11 = arith.constant 0 : index
    %get3A_12 = arith.constant 0 : index
    %get3A_13 = vector.load %arg4[%get3A_10, %get3A_11, %get3A_12] : memref<1x1000x128xf32, #tpu.memory_space<vmem>>, vector<1x1000x128xf32>
    %get3A_14 = vector.shape_cast %get3A_13 : vector<1x1000x128xf32> to vector<1000x128xf32>
    %add3A_15 = arith.addf %get3A_9, %get3A_14 : vector<1000x128xf32>
    %get3A_16 = arith.constant 0 : index
    %get3A_17 = arith.constant 0 : index
    %get3A_18 = vector.load %arg5[%get3A_16, %get3A_17] : memref<128x256xf32, #tpu.memory_space<vmem>>, vector<128x256xf32>
    %dot_general3A = arith.constant dense<0.000000e+00> : vector<1000x256xf32>
    %dot_general3A_19 = tpu.matmul %add3A, %get3A_18, %dot_general3A {dimension_numbers = #tpu.dot_dimension_numbers<[1], [0], [0], [1], [0, 0, 1, 1], [], []>, transpose_lhs_hint = false} : vector<1000x128xf32>, vector<128x256xf32>, vector<1000x256xf32> -> vector<1000x256xf32>
    %get3A_20 = arith.constant 0 : index
    %get3A_21 = arith.constant 0 : index
    %get3A_22 = vector.load %arg6[%get3A_20, %get3A_21] : memref<128x256xf32, #tpu.memory_space<vmem>>, vector<128x256xf32>
    %dot_general3A_23 = arith.constant dense<0.000000e+00> : vector<1000x256xf32>
    %dot_general3A_24 = tpu.matmul %add3A_15, %get3A_22, %dot_general3A_23 {dimension_numbers = #tpu.dot_dimension_numbers<[1], [0], [0], [1], [0, 0, 1, 1], [], []>, transpose_lhs_hint = false} : vector<1000x128xf32>, vector<128x256xf32>, vector<1000x256xf32> -> vector<1000x256xf32>
    %add3A_25 = arith.addf %dot_general3A_19, %dot_general3A_24 : vector<1000x256xf32>
    %get3A_26 = arith.constant 0 : index
    %get3A_27 = arith.constant 0 : index
    %get3A_28 = vector.load %arg7[%get3A_26, %get3A_27] : memref<1x256xf32, #tpu.memory_space<vmem>>, vector<1x256xf32>
    %add3A_29 = vector.broadcast %get3A_28 : vector<1x256xf32> to vector<1000x256xf32>
    %add3A_30 = arith.addf %add3A_25, %add3A_29 : vector<1000x256xf32>
    %max3A = arith.constant 0.000000e+00 : f32
    %max3A_31 = vector.broadcast %max3A : f32 to vector<1000x256xf32>
    %max3A_32 = arith.maximumf %add3A_30, %max3A_31 : vector<1000x256xf32>
    %get3A_33 = arith.constant 0 : index
    %get3A_34 = arith.constant 0 : index
    %get3A_35 = vector.load %arg8[%get3A_33, %get3A_34] : memref<256x256xf32, #tpu.memory_space<vmem>>, vector<256x256xf32>
    %dot_general3A_36 = arith.constant dense<0.000000e+00> : vector<1000x256xf32>
    %dot_general3A_37 = tpu.matmul %max3A_32, %get3A_35, %dot_general3A_36 {dimension_numbers = #tpu.dot_dimension_numbers<[1], [0], [0], [1], [0, 0, 1, 1], [], []>, transpose_lhs_hint = false} : vector<1000x256xf32>, vector<256x256xf32>, vector<1000x256xf32> -> vector<1000x256xf32>
    %get3A_38 = arith.constant 0 : index
    %get3A_39 = arith.constant 0 : index
    %get3A_40 = vector.load %arg9[%get3A_38, %get3A_39] : memref<1x256xf32, #tpu.memory_space<vmem>>, vector<1x256xf32>
    %add3A_41 = vector.broadcast %get3A_40 : vector<1x256xf32> to vector<1000x256xf32>
    %add3A_42 = arith.addf %dot_general3A_37, %add3A_41 : vector<1000x256xf32>
    %swap3A = arith.constant 0 : index
    %swap3A_43 = arith.constant 0 : index
    %swap3A_44 = vector.load %arg10[%swap3A, %swap3A_43] : memref<1000x256xf32, #tpu.memory_space<vmem>>, vector<1000x256xf32>
    tpu.vector_store %arg10[%swap3A, %swap3A_43], %add3A_42 {strides = array<i32>} : memref<1000x256xf32, #tpu.memory_space<vmem>>, vector<1000x256xf32>,
    return
  }
  func.func @transform_0(%arg0: i32) -> (i32, i32) {
    %c0_i32 = arith.constant 0 : i32
    %c0_i32_0 = arith.constant 0 : i32
    return %arg0, %c0_i32 : i32, i32
  }
  func.func @transform_1(%arg0: i32) -> (i32, i32) {
    %c1_i32 = arith.constant 1 : i32
    %c0_i32 = arith.constant 0 : i32
    return %arg0, %c1_i32 : i32, i32
  }
  func.func @transform_2(%arg0: i32) -> (i32, i32, i32) {
    %c0_i32 = arith.constant 0 : i32
    %c0_i32_0 = arith.constant 0 : i32
    %c0_i32_1 = arith.constant 0 : i32
    return %c0_i32, %arg0, %c0_i32_0 : i32, i32, i32
  }
  func.func @transform_3(%arg0: i32) -> (i32, i32, i32) {
    %c1_i32 = arith.constant 1 : i32
    %c0_i32 = arith.constant 0 : i32
    %c0_i32_0 = arith.constant 0 : i32
    return %c1_i32, %arg0, %c0_i32 : i32, i32, i32
  }
  func.func @transform_4(%arg0: i32) -> (i32, i32) {
    %c0_i32 = arith.constant 0 : i32
    %c0_i32_0 = arith.constant 0 : i32
    %c0_i32_1 = arith.constant 0 : i32
    return %c0_i32, %c0_i32_0 : i32, i32
  }
  func.func @transform_5(%arg0: i32) -> (i32, i32) {
    %c1_i32 = arith.constant 1 : i32
    %c0_i32 = arith.constant 0 : i32
    %c0_i32_0 = arith.constant 0 : i32
    return %c1_i32, %c0_i32 : i32, i32
  }
  func.func @transform_6(%arg0: i32) -> (i32, i32) {
    %c0_i32 = arith.constant 0 : i32
    %c0_i32_0 = arith.constant 0 : i32
    %c0_i32_1 = arith.constant 0 : i32
    return %c0_i32, %c0_i32_0 : i32, i32
  }
  func.func @transform_7(%arg0: i32) -> (i32, i32) {
    %c0_i32 = arith.constant 0 : i32
    %c0_i32_0 = arith.constant 0 : i32
    %c0_i32_1 = arith.constant 0 : i32
    return %c0_i32, %c0_i32_0 : i32, i32
  }
  func.func @transform_8(%arg0: i32) -> (i32, i32) {
    %c0_i32 = arith.constant 0 : i32
    %c0_i32_0 = arith.constant 0 : i32
    %c0_i32_1 = arith.constant 0 : i32
    return %c0_i32, %c0_i32_0 : i32, i32
  }
  func.func @transform_9(%arg0: i32) -> (i32, i32) {
    %c0_i32 = arith.constant 0 : i32
    %c0_i32_0 = arith.constant 0 : i32
    return %arg0, %c0_i32 : i32, i32
  }
}

</mosaic_0001>

<sc_bundles>
// kernel: kernel.4.cloned.1.call-start
scs
__scs_entry_jumppad:
0x0: {  	(pc) =	sbr.rel $0x88, $3  }
0x1: {  	(tag) =	ssettag $0x0;
	lr =	simm.s32 $0x1  }
0x2: {  	[smem:$0x3F9A] =	sst lr;
	_ =	strace $0xD0000000  }
0x3: {  	_ = 	snop  }
0x4: {  	_ = 	snop  }
0x5: {  	_ = 	snop  }
0x6: {  	_ = 	snop  }
0x7: {  	_ = 	snop  }
__scs_overlays_trampoline_lowered:
0x8: {  	[smem:$0x3FA9] =	sst s0  }
0x9: {  	[smem:$0x3FAA] =	sst s1  }
0xa: {  	[smem:$0x3FAB] =	sst s2  }
0xb: {  	[smem:$0x3FAC] =	sst s3  }
0xc: {  	[smem:$0x3FAD] =	sst s4  }
0xd: {  	[smem:$0x3FAE] =	sst s5  }
0xe: {  	[smem:$0x3FAF] =	sst s6  }
0xf: {  	[smem:$0x3FB0] =	sst s7  }
0x10: {  	[smem:$0x3FB1] =	sst s8  }
0x11: {  	[smem:$0x3FB2] =	sst s9;
	s0 =	simm.s32 @!p0 $0x0  }
0x12: {  	s1 =	sld [smem:$0x3F98];
	s0 =	simm.s32 @p0 $0x1  }
0x13: {  	[smem:$0x3FB3] =	sst s0;
	s0 =	simm.s32 @!p1 $0x0  }
0x14: {  	s2 =	sld [smem:$0x3F97];
	s0 =	simm.s32 @p1 $0x1  }
0x15: {  	[smem:$0x3FB4] =	sst s0;
	s0 =	simm.s32 @!p2 $0x0  }
0x16: {  	s3 =	sld [smem:$0x3FDB];
	s0 =	simm.s32 @p2 $0x1  }
0x17: {  	s4 =	simm.s32 $0x1BF5;
	[smem:$0x3FB6] =	sst s0  }
0x18: {  	s0 =	sld [smem:$0x3F99];
	_ =	swait.ge [sflag:s4], $0x0  }
0x19: {  	s7 =	sld [smem:$0x3F9A]  }
0x1a: {  	s8 =	sadd.s32 $0xFFFFE003, lr  }
0x1b: {  	s9 =	sadd.s32 $0xFFFFFEF7, lr;
	s5 =	simm.s32 $0xFFFFFFFF;
	p2 =	slt.u32 s8, $0xFFFFF086  }
0x1c: {  	p1 =	slt.u32 s9, $0xF7A;
	s5 =	simm.s32 @!p2 $0x0  }
0x1d: {  	s5 =	simm.s32 @p1 $0x1;
	p0 =	seq.s32 s7, s2  }
0x1e: {  	s7 =	smul.u32 @!p0 $0xF7A, s2;
	p2 =	seq.s32 @!p0 s5, $0x0  }
0x1f: {  	s9 =	smul.u32 $0xF7A, s1;
	s8 =	simm.s32 @!p0 $0x1BF5;
	p2 =	por !p2, p0  }
0x20: {  	[sflag:s8] =	ssyncset.s32 @!p0 $0xFFFFF086;
	s6 =	sadd.s32 @!p0 s3, s7;
	s7 =	simm.s32 @!p0 $0x108  }
0x21: {  	s3 =	sadd.s32 s3, s9;
	s6 =	sadd.s32 @!p0 $0x88, s6;
	s7 =	simm.s32 @p2 $0x1082  }
0x22: {  	[simem:s7], [sflag:s8] =	dma.local @!p0 [hbm:s6], $0xF7A  }
0x23: {  	s9 =	sor.u32 $0xD0000000, s2;
	s6 =	simm.s32 $0x108;
	_ =	swait.ge @!p0 [sflag:s8], $0x0  }
0x24: {  	s3 =	sadd.s32 $0x88, s3;
	s6 =	simm.s32 @!p1 $0x1082;
	[sflag:s4] =	ssyncset.s32 $0xFFFFF086  }
0x25: {  	[simem:s6], [sflag:s4] =	dma.local [hbm:s3], $0xF7A  }
0x26: {  	[smem:$0x3F9A] =	sst s1;
	(tag) =	ssettag s2;
	_ =	strace s9  }
0x27: {  	s1 =	sld [smem:$0x3FAA]  }
0x28: {  	s2 =	sld [smem:$0x3FAB]  }
0x29: {  	s4 =	sld [smem:$0x3FAD]  }
0x2a: {  	p0 =	seq.s32 s5, $0x0;
	s5 =	sld [smem:$0x3FAE]  }
0x2b: {  	s6 =	sld [smem:$0x3FAF]  }
0x2c: {  	s7 =	sld [smem:$0x3FB0]  }
0x2d: {  	s3 =	simm.s32 $0x108;
	s8 =	sld [smem:$0x3FB1]  }
0x2e: {  	s3 =	simm.s32 @!p0 $0x1082;
	s9 =	sld [smem:$0x3FB2]  }
0x2f: {  	lr =	sadd.s32 s0, s3;
	s0 =	sld [smem:$0x3FA9]  }
0x30: {  	s3 =	sld [smem:$0x3FAC]  }
0x31: {  	[smem:$0x3FB5] =	sst s10  }
0x32: {  	s10 =	sld [smem:$0x3FB3];
	_ =	sdelay $0x3  }
0x33: {  	p0 =	seq.s32 s10, $0x1;
	s10 =	sld [smem:$0x3FB5];
	_ =	sdelay $0x3  }
0x34: {  	[smem:$0x3FB5] =	sst s10  }
0x35: {  	s10 =	sld [smem:$0x3FB4];
	_ =	sdelay $0x3  }
0x36: {  	p1 =	seq.s32 s10, $0x1;
	s10 =	sld [smem:$0x3FB5];
	_ =	sdelay $0x3  }
0x37: {  	[smem:$0x3FB5] =	sst s10  }
0x38: {  	s10 =	sld [smem:$0x3FB6]  }
0x39: {  	_ = 	snop;
	(pc) =	sbr.ind lr, $3  }
0x3a: {  	_ = 	snop  }
0x3b: {  	_ = 	snop  }
0x3c: {  	p2 =	seq.s32 s10, $0x1;
	s10 =	sld [smem:$0x3FB5]  }
0x3d: {  	_ =	shalt  }
0x3e: {  	_ =	shalt  }
0x3f: {  	_ =	shalt  }
0x40: {  	_ =	shalt  }
0x41: {  	_ =	shalt  }
0x42: {  	_ =	shalt  }
0x43: {  	_ =	shalt  }
0x44: {  	_ =	shalt  }
0x45: {  	_ =	shalt  }
0x46: {  	_ =	shalt  }
0x47: {  	_ =	shalt  }
0x48: {  	_ =	shalt  }
0x49: {  	_ =	shalt  }
0x4a: {  	_ =	shalt  }
0x4b: {  	_ =	shalt  }
0x4c: {  	_ =	shalt  }
0x4d: {  	_ =	shalt  }
0x4e: {  	_ =	shalt  }
0x4f: {  	_ =	shalt  }
0x50: {  	_ =	shalt  }
0x51: {  	_ =	shalt  }
0x52: {  	_ =	shalt  }
0x53: {  	_ =	shalt  }
0x54: {  	_ =	shalt  }
0x55: {  	_ =	shalt  }
0x56: {  	_ =	shalt  }
0x57: {  	_ =	shalt  }
0x58: {  	_ =	shalt  }
0x59: {  	_ =	shalt  }
0x5a: {  	_ =	shalt  }
0x5b: {  	_ =	shalt  }
0x5c: {  	_ =	shalt  }
0x5d: {  	_ =	shalt  }
0x5e: {  	_ =	shalt  }
0x5f: {  	_ =	shalt  }
0x60: {  	_ =	shalt  }
0x61: {  	_ =	shalt  }
0x62: {  	_ =	shalt  }
0x63: {  	_ =	shalt  }
0x64: {  	_ =	shalt  }
0x65: {  	_ =	shalt  }
0x66: {  	_ =	shalt  }
0x67: {  	_ =	shalt  }
0x68: {  	_ =	shalt  }
0x69: {  	_ =	shalt  }
0x6a: {  	_ =	shalt  }
0x6b: {  	_ =	shalt  }
0x6c: {  	_ =	shalt  }
0x6d: {  	_ =	shalt  }
0x6e: {  	_ =	shalt  }
0x6f: {  	_ =	shalt  }
0x70: {  	_ =	shalt  }
0x71: {  	_ =	shalt  }
0x72: {  	_ =	shalt  }
0x73: {  	_ =	shalt  }
0x74: {  	_ =	shalt  }
0x75: {  	_ =	shalt  }
0x76: {  	_ =	shalt  }
0x77: {  	_ =	shalt  }
0x78: {  	_ =	shalt  }
0x79: {  	_ =	shalt  }
0x7a: {  	_ =	shalt  }
0x7b: {  	_ =	shalt  }
0x7c: {  	_ =	shalt  }
0x7d: {  	_ =	shalt  }
0x7e: {  	_ =	shalt  }
0x7f: {  	_ =	shalt  }
0x80: {  	_ =	shalt  }
0x81: {  	_ =	shalt  }
0x82: {  	_ =	shalt  }
0x83: {  	_ =	shalt  }
0x84: {  	_ =	shalt  }
0x85: {  	_ =	shalt  }
0x86: {  	_ =	shalt  }
0x87: {  	_ =	shalt  }
.Lfunc_end0:
.L_simem_size_0:
called_computation_lowered:
.L_overlay_start_0:
0x88: {  	s2 =	sld [smem:$0x3FD9]  }
0x89: {  	s3 =	sld [smem:$0x3FFE];
	_ =	sdelay $0x1  }
0x8a: {  	s1 =	srdreg.scid  }
0x8b: {  	s0 =	sand.u32 $0x1, s1  }
0x8c: {  	s17 =	sshll.u32 s0, $0xA;
	s2 =	sadd.s32 s3, s2  }
0x8d: {  	s2 =	sadd.s32 s2, s17  }
0x8e: {  	[smem:$0x3FC1] =	sst s2  }
0x8f: {  	_ = 	snop  }
0x90: {  	s2 =	sld [smem:$0x3FD0];
	(tm) =	ssettm $0x1  }
0x91: {  	s18 =	sld [smem:$0x3FFB];
	_ =	sdelay $0x3  }
0x92: {  	_ =	strace s18  }
0x93: {  	s3 =	sld [smem:$0x3FFC];
	_ =	sdelay $0x3  }
0x94: {  	_ =	strace s3  }
0x95: {  	s3 =	sld [smem:$0x3FFD];
	_ =	sdelay $0x3  }
0x96: {  	_ =	strace s3  }
0x97: {  	_ =	strace $0x8FFFFFFF  }
0x98: {  	s19 =	sld [smem:$0x3FDB];
	_ =	sdelay $0x1  }
0x99: {  	s4 =	simm.s32 $_scs_section_size  }
0x9a: {  	s5 =	simm.s32 $_size__tile_overlayer_lowered;
	s6 =	simm.s32 $_tile_overlayer_lowered  }
0x9b: {  	s22 =	simm.s32 $0x1BFF;
	s21 =	sshll.u32 s6, $0x1;
	s3 =	sadd.s32 s4, s19  }
0x9c: {  	s7 =	simm.s32 $0x0;
	s20 =	sshll.u32 s5, $0x1;
	s5 =	sadd.s32 s21, s3  }
0x9d: {  	[timem:s7], [sflag:s22] =	dma.local [hbm:s5], s20  }
0x9e: {  	_ =	swait.ge [sflag:s22], s20  }
0x9f: {  	s4 =	ssub.s32 $0x0, s20;
	[sflag:s22] =	ssyncset.done $0x0  }
0xa0: {  	[sflag:s22] =	ssyncadd.s32 s4;
	_ =	sdelay $0x1  }
0xa1: {  	s23 =	simm.s32 $0x1B8B  }
0xa2: {  	_ =	swait.ge [sflag:s23], $0x1  }
0xa3: {  	[sflag:s23] =	ssyncset.done $0x0  }
0xa4: {  	s25 =	simm.s32 $0x1B8E;
	s24 =	sld [smem:$0x3FFE];
	[sflag:s23] =	ssyncadd.s32 $0xFFFFFFFF  }
0xa5: {  	s26 =	simm.s32 $execute0_lowered;
	[smem:$0x3FD2] =	sst s25  }
0xa6: {  	s5 =	sshll.u32 s26, $0x1;
	_ =	strace $0x80000046;
	[dreg:$0x1] =	wrdreg $0xFFFFFFFF  }
0xa7: {  	s28 =	simm.s32 $_size_execute0_lowered;
	s3 =	sadd.s32 s3, s5;
	[dreg:$0x0] =	wrdreg $0x0  }
0xa8: {  	s5 =	sshll.u32 s28, $0x1;
	[dreg:$0x2] =	wrdreg s3  }
0xa9: {  	[dreg:$0x3] =	wrdreg s5  }
0xaa: {  	[dreg:$0x4] =	wrdreg $0xC0  }
0xab: {  	_ =	task [dreg:s7], $0x5FFFF  }
0xac: {  	[dreg:$0x1] =	wrdreg $0xFFFFFFFF  }
0xad: {  	[dreg:$0x0] =	wrdreg $0x60  }
0xae: {  	[dreg:$0x2] =	wrdreg s2  }
0xaf: {  	[dreg:$0x3] =	wrdreg s24  }
0xb0: {  	[dreg:$0x4] =	wrdreg $0x0  }
0xb1: {  	[dreg:$0x5] =	wrdreg $0x9  }
0xb2: {  	_ =	task.clear_ibuf [dreg:s7], $0x6FFFF;
	_ =	strace $0x90000046  }
0xb3: {  	s29 =	simm.s32 $0x9;
	_ =	strace $0x80000048  }
0xb4: {  	_ =	swait.ge [sflag:s29], $0x1  }
0xb5: {  	[sflag:s29] =	ssyncadd.s32 $0xFFFFFFFF  }
0xb6: {  	_ =	strace $0x90000048  }
0xb7: {  	_ =	sfence  }
0xb8: {  	s30 =	sld [smem:$0x0];
	_ =	sdelay $0x2  }
0xb9: {  	s31 =	sshll.u32 s1, $0xD;
	s1 =	sshrl.u32 s1, $0x2  }
0xba: {  	s3 =	sand.u32 $0x4000, s31;
	s1 =	sadd.s32 s1, s30  }
0xbb: {  	s0 =	sor.u32 s3, s0;
	s1 =	sshll.u32 s1, $0x11  }
0xbc: {  	s0 =	sor.u32 s1, s0  }
0xbd: {  	s0 =	sadd.s32 $0x8F2B, s0  }
0xbe: {  	[sflag:s0] =	ssyncadd.remote.s32 $0x1  }
0xbf: {  	_ =	sfence.sel $0xFFFF  }
0xc0: {  	[dreg:$0x0] =	wrdreg $0xFFFFFFFF;
	(pc) =	sbr.abs _section_cstart, $3  }
0xc1: {  	[dreg:$0x1] =	wrdreg $0xFFFFFFFF  }
0xc2: {  	_ =	task.clear_ibuf [dreg:s7], $0x2FFFF;
	_ =	strace $0x9FFFFFFF  }
0xc3: {  	(tm) =	ssettm $0x7FFFFFFF  }
tec
execute0_lowered:
.L_overlay_start_1:
0x0: {  	(tag) =	ssettag $0x1  }
0x1: {  	s1 =	rddreg [dreg:$0x0]  }
0x2: {  	s0 =	rddreg [dreg:$0x1]  }
0x3: {  	s2 =	rddreg [dreg:$0x2]  }
0x4: {  	s3 =	srdreg.scid;
	s13 =	simm.s32 $0x0;
	s4 =	stileid.u32  }
0x5: {  	s28 =	simm.s32 $0x16800;
	s29 =	simm.s32 $0x1E180;
	s30 =	simm.s32 $0x1B800  }
0x6: {  	s31 =	simm.s32 $0x1;
	s11 =	simm.s32 $0x4;
	s12 =	simm.s32 $0x1E280  }
0x7: {  	s9 =	sand.u32 $0x1, s3;
	[smem:$0x7FF] =	sst s13;
	s10 =	smul.u32 $0x50000, s4  }
0x8: {  	s7 =	smul.u32 $0x14000, s4;
	s5 =	sadd.s32 $0xB000, s0;
	s6 =	sadd.s32 $0x1000, s0  }
0x9: {  	s3 =	smul.u32 $0x140000, s9;
	_ =	strace $0x80000047;
	s10 =	sshrl.u32 s10, $0x2  }
0xa: {  	s8 =	ssub.s32 $0x2, s9;
	v0 =	vmov s9;
	s9 =	simm.s32 $0x2;
	s14 =	sadd.s32 s10, s2  }
0xb: {  	s18 =	sshrl.u32 s8, $0x1;
	s20 =	sadd.s32 $0x2800, s14;
	[dreg:$0x6] =	wrdreg s14  }
0xc: {  	s3 =	sadd.s32 s7, s3;
	s21 =	sadd.s32 $0x5000, s14;
	[dreg:$0x8] =	wrdreg s20  }
0xd: {  	s7 =	smul.u32 $0x5000, s4;
	s22 =	sadd.s32 $0x7800, s14;
	[dreg:$0x9] =	wrdreg s21  }
0xe: {  	s3 =	sshrl.u32 s3, $0x3;
	s23 =	sadd.s32 $0xA000, s14;
	[dreg:$0xa] =	wrdreg s22  }
0xf: {  	s24 =	sadd.s32 $0xC800, s14;
	s25 =	sadd.s32 $0xF000, s14;
	[dreg:$0xb] =	wrdreg s23  }
0x10: {  	s26 =	sadd.s32 $0x11800, s14;
	s0 =	sadd.s32 s3, s0;
	[dreg:$0xc] =	wrdreg s24  }
0x11: {  	s3 =	ssub.s32 s8, s18;
	s8 =	smul.u32 $0x5, s4;
	[dreg:$0xd] =	wrdreg s25  }
0x12: {  	[dreg:$0xe] =	wrdreg s26;
	s20 =	simm.s32 $0x5;
	s21 =	simm.s32 $0x1E300  }
0x13: {  	s22 =	simm.s32 $0x50;
	s23 =	simm.s32 $0x1E000;
	s24 =	simm.s32 $0x14000  }
0x14: {  	s25 =	simm.s32 $0x1E100;
	s26 =	simm.s32 $0x1E080;
	s0 =	sadd.s32 $0x4ED000, s0  }
0x15: {  	v2 =	vlaneseq.u32;
	s19 =	smax.u32 s3, $0x1;
	s3 =	simm.s32 $0x1E200;
	[dreg:$0x5] =	wrdreg s0  }
0x16: {  	v1 =	vimm.f32 $0.0e+00;
	v2 =	vmul.u32 $0x2, v2;
	[dreg:$0x7] =	wrdreg s19;
	s19 =	simm.s32 $0x19000;
	s0 =	simm.s32 $0x3  }
.LBB2_1:
0x17: {  	[dreg:$0x4] =	wrdreg s13;
	s10 =	simm.s32 $0x0;
	s13 =	simm.s32 $0x800  }
.LBB2_2:
0x18: {  	p0 =	sne.s32 s13, $0x9800;
	[tilespmem:s10+$0x191F0] =	vst v1  }
0x19: {  	[tilespmem:s10+$0x19000] =	vst v1  }
0x1a: {  	[tilespmem:s10+$0x19010] =	vst v1  }
0x1b: {  	[tilespmem:s10+$0x19020] =	vst v1  }
0x1c: {  	[tilespmem:s10+$0x19030] =	vst v1  }
0x1d: {  	[tilespmem:s10+$0x19040] =	vst v1  }
0x1e: {  	[tilespmem:s10+$0x19050] =	vst v1  }
0x1f: {  	[tilespmem:s10+$0x19060] =	vst v1  }
0x20: {  	[tilespmem:s10+$0x19070] =	vst v1  }
0x21: {  	[tilespmem:s10+$0x19080] =	vst v1  }
0x22: {  	[tilespmem:s10+$0x19090] =	vst v1  }
0x23: {  	[tilespmem:s10+$0x190A0] =	vst v1  }
0x24: {  	[tilespmem:s10+$0x190B0] =	vst v1  }
0x25: {  	[tilespmem:s10+$0x190C0] =	vst v1  }
0x26: {  	[tilespmem:s10+$0x190D0] =	vst v1  }
0x27: {  	[tilespmem:s10+$0x190E0] =	vst v1  }
0x28: {  	[tilespmem:s10+$0x190F0] =	vst v1  }
0x29: {  	[tilespmem:s10+$0x19100] =	vst v1  }
0x2a: {  	[tilespmem:s10+$0x19110] =	vst v1  }
0x2b: {  	[tilespmem:s10+$0x19120] =	vst v1  }
0x2c: {  	[tilespmem:s10+$0x19130] =	vst v1  }
0x2d: {  	[tilespmem:s10+$0x19140] =	vst v1  }
0x2e: {  	[tilespmem:s10+$0x19150] =	vst v1  }
0x2f: {  	[tilespmem:s10+$0x19160] =	vst v1  }
0x30: {  	[tilespmem:s10+$0x19170] =	vst v1  }
0x31: {  	[tilespmem:s10+$0x19180] =	vst v1  }
0x32: {  	[tilespmem:s10+$0x19190] =	vst v1  }
.Ltmp0:
0x33: {  	[tilespmem:s10+$0x191A0] =	vst v1;
	(pc) =	sbr.rel @p0 .LBB2_2-.Ltmp0, $4  }
0x34: {  	[tilespmem:s10+$0x191B0] =	vst v1  }
0x35: {  	[tilespmem:s10+$0x191C0] =	vst v1  }
0x36: {  	[tilespmem:s10+$0x191D0] =	vst v1  }
0x37: {  	[tilespmem:s10+$0x191E0] =	vst v1;
	s10 =	sshra.s32 s13, $0x2;
	s13 =	sadd.s32 $0x800, s13  }
0x38: {  	[tilespmem:s10+$0x191F0] =	vst v1  }
0x39: {  	[tilespmem:s10+$0x19000] =	vst v1  }
0x3a: {  	[tilespmem:s10+$0x19010] =	vst v1  }
0x3b: {  	[tilespmem:s10+$0x19020] =	vst v1  }
0x3c: {  	[tilespmem:s10+$0x19030] =	vst v1  }
0x3d: {  	[tilespmem:s10+$0x19040] =	vst v1  }
0x3e: {  	[tilespmem:s10+$0x19050] =	vst v1  }
0x3f: {  	[tilespmem:s10+$0x19060] =	vst v1  }
0x40: {  	[tilespmem:s10+$0x19070] =	vst v1  }
0x41: {  	[tilespmem:s10+$0x19080] =	vst v1  }
0x42: {  	[tilespmem:s10+$0x19090] =	vst v1  }
0x43: {  	[tilespmem:s10+$0x190A0] =	vst v1  }
0x44: {  	[tilespmem:s10+$0x190B0] =	vst v1  }
0x45: {  	[tilespmem:s10+$0x190C0] =	vst v1  }
0x46: {  	[tilespmem:s10+$0x190D0] =	vst v1  }
0x47: {  	[tilespmem:s10+$0x190E0] =	vst v1  }
0x48: {  	[tilespmem:s10+$0x190F0] =	vst v1  }
0x49: {  	[tilespmem:s10+$0x19100] =	vst v1  }
0x4a: {  	[tilespmem:s10+$0x19110] =	vst v1  }
0x4b: {  	[tilespmem:s10+$0x19120] =	vst v1  }
0x4c: {  	[tilespmem:s10+$0x19130] =	vst v1  }
0x4d: {  	[tilespmem:s10+$0x19140] =	vst v1  }
0x4e: {  	[tilespmem:s10+$0x19150] =	vst v1  }
0x4f: {  	[tilespmem:s10+$0x19160] =	vst v1  }
0x50: {  	[tilespmem:s10+$0x19170] =	vst v1  }
0x51: {  	[tilespmem:s10+$0x19180] =	vst v1  }
0x52: {  	[tilespmem:s10+$0x19190] =	vst v1  }
0x53: {  	[tilespmem:s10+$0x191A0] =	vst v1  }
0x54: {  	[tilespmem:s10+$0x191B0] =	vst v1  }
0x55: {  	[tilespmem:s10+$0x191C0] =	vst v1  }
0x56: {  	[tilespmem:s10+$0x191D0] =	vst v1  }
0x57: {  	[tilespmem:s10+$0x191E0] =	vst v1  }
0x58: {  	[spmem:s14] =	stream.linear.scatter [tilespmem:s19], [sflag:$0x5], $0x2800, $0x38;
	[tilespmem:$0x1F300] =	vst v63  }
0x59: {  	_ =	swait.ge [sflag:s20], $0x2800  }
0x5a: {  	[sflag:s20] =	ssyncset.done $0x0  }
0x5b: {  	s4 =	rddreg [dreg:$0x8];
	[sflag:s20] =	ssyncadd.s32 $0xFFFFD800  }
0x5c: {  	[spmem:s4] =	stream.linear.scatter [tilespmem:s19], [sflag:$0x5], $0x2800, $0x38;
	[tilespmem:$0x1F300] =	vst v63  }
0x5d: {  	_ =	swait.ge [sflag:s20], $0x2800  }
0x5e: {  	[sflag:s20] =	ssyncset.done $0x0  }
0x5f: {  	s13 =	rddreg [dreg:$0x9];
	[sflag:s20] =	ssyncadd.s32 $0xFFFFD800  }
0x60: {  	[spmem:s13] =	stream.linear.scatter [tilespmem:s19], [sflag:$0x5], $0x2800, $0x38;
	[tilespmem:$0x1F300] =	vst v63  }
0x61: {  	_ =	swait.ge [sflag:s20], $0x2800  }
0x62: {  	[sflag:s20] =	ssyncset.done $0x0  }
0x63: {  	s14 =	rddreg [dreg:$0xa];
	[sflag:s20] =	ssyncadd.s32 $0xFFFFD800  }
0x64: {  	[spmem:s14] =	stream.linear.scatter [tilespmem:s19], [sflag:$0x5], $0x2800, $0x38;
	[tilespmem:$0x1F300] =	vst v63  }
0x65: {  	_ =	swait.ge [sflag:s20], $0x2800  }
0x66: {  	[sflag:s20] =	ssyncset.done $0x0  }
0x67: {  	s15 =	rddreg [dreg:$0xb];
	[sflag:s20] =	ssyncadd.s32 $0xFFFFD800  }
0x68: {  	[spmem:s15] =	stream.linear.scatter [tilespmem:s19], [sflag:$0x5], $0x2800, $0x38;
	[tilespmem:$0x1F300] =	vst v63  }
0x69: {  	_ =	swait.ge [sflag:s20], $0x2800  }
0x6a: {  	[sflag:s20] =	ssyncset.done $0x0  }
0x6b: {  	s16 =	rddreg [dreg:$0xc];
	[sflag:s20] =	ssyncadd.s32 $0xFFFFD800  }
0x6c: {  	[spmem:s16] =	stream.linear.scatter [tilespmem:s19], [sflag:$0x5], $0x2800, $0x38;
	[tilespmem:$0x1F300] =	vst v63  }
0x6d: {  	_ =	swait.ge [sflag:s20], $0x2800  }
0x6e: {  	[sflag:s20] =	ssyncset.done $0x0  }
0x6f: {  	s17 =	rddreg [dreg:$0xd];
	[sflag:s20] =	ssyncadd.s32 $0xFFFFD800  }
0x70: {  	[spmem:s17] =	stream.linear.scatter [tilespmem:s19], [sflag:$0x5], $0x2800, $0x38;
	[tilespmem:$0x1F300] =	vst v63  }
0x71: {  	_ =	swait.ge [sflag:s20], $0x2800  }
0x72: {  	[sflag:s20] =	ssyncset.done $0x0  }
0x73: {  	s18 =	rddreg [dreg:$0xe];
	[sflag:s20] =	ssyncadd.s32 $0xFFFFD800  }
0x74: {  	[spmem:s18] =	stream.linear.scatter [tilespmem:s19], [sflag:$0x5], $0x2800, $0x38;
	[tilespmem:$0x1F300] =	vst v63  }
0x75: {  	_ =	swait.ge [sflag:s20], $0x2800  }
0x76: {  	[sflag:s20] =	ssyncset.done $0x0  }
0x77: {  	[sflag:s20] =	ssyncadd.s32 $0xFFFFD800  }
0x78: {  	s13 =	simm.s32 $0x0;
	s14 =	simm.s32 $0x0;
	[bflag:$0x0] =	sbarrier.arrive $0xFFFF  }
.LBB2_4:
0x79: {  	s10 =	sshll.u32 s14, $0xC  }
0x7a: {  	s10 =	sadd.s32 s7, s10  }
0x7b: {  	s10 =	sshrl.u32 s10, $0x3  }
0x7c: {  	s10 =	sadd.s32 s6, s10  }
0x7d: {  	[tilespmem:s21], [sflag:$0x5] =	stream.linear.gather [hbm4b:s10+s13], $0x1000, $0x38;
	[tilespmem:$0x1F300] =	vst v63  }
0x7e: {  	_ =	swait.ge [sflag:s20], $0x1000  }
0x7f: {  	[sflag:s20] =	ssyncset.done $0x0  }
0x80: {  	[sflag:s20] =	ssyncadd.s32 $0xFFFFF000  }
0x81: {  	v3 =	vld [tilespmem:$0x1E300];
	_ =	sdelay $0x1  }
0x82: {  	v4 =	vld [tilespmem:$0x1E310];
	_ =	sdelay $0x1  }
0x83: {  	v6 =	vld [tilespmem:$0x1E320]  }
0x84: {  	v5 =	vld [tilespmem:$0x1E380];
	v3 =	vshll.u32 v3, $0x1  }
0x85: {  	v8 =	vld [tilespmem:$0x1E330];
	v3 =	vor.u32 v0, v3  }
0x86: {  	v7 =	vld [tilespmem:$0x1E390];
	[tilespmem:$0x1E000] =	vst v3;
	v3 =	vshll.u32 v4, $0x1  }
0x87: {  	v53 =	vld [tilespmem:$0x1E340];
	v3 =	vor.u32 v0, v3  }
0x88: {  	v52 =	vld [tilespmem:$0x1E3A0];
	[tilespmem:$0x1E010] =	vst v3;
	v3 =	vshll.u32 v6, $0x1  }
0x89: {  	[tilespmem:$0x1E200] =	vst v5;
	v3 =	vor.u32 v0, v3  }
0x8a: {  	s15 =	sadd.s32 s8, s14;
	v54 =	vld [tilespmem:$0x1E3B0];
	[tilespmem:$0x1E020] =	vst v3;
	v3 =	vshll.u32 v8, $0x1  }
0x8b: {  	s15 =	smul.u32 $0x7D0, s15;
	v55 =	vld [tilespmem:$0x1E3C0];
	[tilespmem:$0x1E210] =	vst v7;
	v3 =	vor.u32 v0, v3  }
0x8c: {  	[tilespmem:$0x1E030] =	vst v3;
	v3 =	vshll.u32 v53, $0x1  }
0x8d: {  	s16 =	sadd.s32 $0x20, s15;
	[tilespmem:$0x1E220] =	vst v52;
	v3 =	vor.u32 v0, v3  }
0x8e: {  	s17 =	sadd.s32 $0x30, s15;
	s10 =	sadd.s32 $0x10, s15;
	v57 =	vmov s16;
	[tilespmem:$0x1E040] =	vst v3;
	v3 =	vmov s15  }
0x8f: {  	s18 =	sadd.s32 $0x40, s15;
	v58 =	vmov s17;
	v56 =	vmov s10;
	[tilespmem:$0x1E230] =	vst v54;
	v3 =	vshll.u32 v3, $0x1  }
0x90: {  	v60 =	vmov s18;
	[tilespmem:$0x1E240] =	vst v55;
	v4 =	vshll.u32 v56, $0x1;
	v3 =	vor.u32 v2, v3  }
0x91: {  	v5 =	vshll.u32 v57, $0x1;
	v4 =	vor.u32 v2, v4;
	[tilespmem:s24], [sflag:$0x1] =	stream.indirect.gather [hbm4b:s1+s22], $0x80, s23, s22, $0xb8;
	v3 =	vor.u32 v0, v3;
	[tilespmem:$0x1F300] =	vst v63  }
0x92: {  	v59 =	vshll.u32 v58, $0x1;
	v4 =	vor.u32 v0, v4;
	[tilespmem:$0x1E100] =	vst v3;
	v3 =	vor.u32 v2, v5  }
0x93: {  	v62 =	vshll.u32 v60, $0x1;
	v61 =	vor.u32 v2, v59;
	[tilespmem:$0x1E110] =	vst v4;
	v3 =	vor.u32 v0, v3  }
0x94: {  	v63 =	vor.u32 v2, v62;
	[tilespmem:$0x1E120] =	vst v3;
	v3 =	vor.u32 v0, v61  }
0x95: {  	[tilespmem:$0x1E130] =	vst v3;
	v3 =	vor.u32 v0, v63  }
0x96: {  	s16 =	simm.s32 $0x0;
	[tilespmem:$0x1E140] =	vst v3  }
0x97: {  	[tilespmem:s19], [sflag:$0x3] =	stream.indirect.gather [hbm4b:s5+s22], $0x80, s25, s22, $0xb8;
	[tilespmem:$0x1F300] =	vst v63  }
.LBB2_5:
0x98: {  	s17 =	smul.u32 $0xA0, s16;
	_ =	sdelay $0x1  }
0x99: {  	s10 =	sadd.s32 $0x50, s17  }
0x9a: {  	s18 =	sshll.u32 s10, $0x1  }
0x9b: {  	s4 =	sand.u32 $0x70, s10;
	s18 =	sand.u32 $0x3F00, s18  }
0x9c: {  	s4 =	sor.u32 s4, s18  }
0x9d: {  	v3 =	vld [tilespmem:s4+$0x1E300];
	_ =	sdelay $0x4  }
0x9e: {  	v3 =	vshll.u32 v3, $0x1  }
0x9f: {  	v3 =	vor.u32 v0, v3  }
0xa0: {  	s4 =	sadd.s32 $0x1E300, s4;
	[tilespmem:$0x1E080] =	vst v3  }
0xa1: {  	v3 =	vld [tilespmem:s4+$0x80];
	_ =	sdelay $0x1  }
0xa2: {  	s4 =	sadd.s32 $0x60, s17  }
0xa3: {  	s18 =	sshll.u32 s4, $0x1  }
0xa4: {  	s4 =	sand.u32 $0x60, s4;
	s18 =	sand.u32 $0x3F00, s18  }
0xa5: {  	s4 =	sor.u32 s4, s18;
	[tilespmem:$0x1E280] =	vst v3  }
0xa6: {  	v3 =	vld [tilespmem:s4+$0x1E300];
	_ =	sdelay $0x4  }
0xa7: {  	v3 =	vshll.u32 v3, $0x1  }
0xa8: {  	v3 =	vor.u32 v0, v3  }
0xa9: {  	s4 =	sadd.s32 $0x1E300, s4;
	[tilespmem:$0x1E090] =	vst v3  }
0xaa: {  	v3 =	vld [tilespmem:s4+$0x80];
	_ =	sdelay $0x1  }
0xab: {  	s4 =	sadd.s32 $0x70, s17  }
0xac: {  	s18 =	sshll.u32 s4, $0x1  }
0xad: {  	s4 =	sand.u32 $0x70, s4;
	s18 =	sand.u32 $0x3F00, s18  }
0xae: {  	s4 =	sor.u32 s4, s18;
	[tilespmem:$0x1E290] =	vst v3  }
0xaf: {  	v3 =	vld [tilespmem:s4+$0x1E300];
	_ =	sdelay $0x4  }
0xb0: {  	v3 =	vshll.u32 v3, $0x1  }
0xb1: {  	v3 =	vor.u32 v0, v3  }
0xb2: {  	s4 =	sadd.s32 $0x1E300, s4;
	[tilespmem:$0x1E0A0] =	vst v3  }
0xb3: {  	v3 =	vld [tilespmem:s4+$0x80];
	_ =	sdelay $0x1  }
0xb4: {  	s4 =	smul.u32 $0x140, s16;
	_ =	sdelay $0x1  }
0xb5: {  	s18 =	sand.u32 $0x60, s17;
	s4 =	sand.u32 $0x1F00, s4  }
0xb6: {  	s4 =	sor.u32 s18, s4;
	[tilespmem:$0x1E2A0] =	vst v3  }
0xb7: {  	v3 =	vld [tilespmem:s4+$0x1E400];
	_ =	sdelay $0x4  }
0xb8: {  	v3 =	vshll.u32 v3, $0x1  }
0xb9: {  	v3 =	vor.u32 v0, v3  }
0xba: {  	[tilespmem:$0x1E0B0] =	vst v3  }
0xbb: {  	v3 =	vld [tilespmem:s4+$0x1E480];
	_ =	sdelay $0x1  }
0xbc: {  	s4 =	sadd.s32 $0x90, s17  }
0xbd: {  	s18 =	sshll.u32 s4, $0x1  }
0xbe: {  	s4 =	sand.u32 $0x70, s4;
	s18 =	sand.u32 $0x3F00, s18  }
0xbf: {  	s4 =	sor.u32 s4, s18;
	[tilespmem:$0x1E2B0] =	vst v3  }
0xc0: {  	v3 =	vld [tilespmem:s4+$0x1E300];
	_ =	sdelay $0x4  }
0xc1: {  	v3 =	vshll.u32 v3, $0x1  }
0xc2: {  	v3 =	vor.u32 v0, v3  }
0xc3: {  	s4 =	sadd.s32 $0x1E300, s4;
	[tilespmem:$0x1E0C0] =	vst v3  }
0xc4: {  	v3 =	vld [tilespmem:s4+$0x80];
	_ =	sdelay $0x2  }
0xc5: {  	s4 =	sadd.s32 s15, s10  }
0xc6: {  	s10 =	sadd.s32 $0x10, s4  }
0xc7: {  	s18 =	sadd.s32 $0x20, s4;
	v4 =	vmov s10;
	[tilespmem:$0x1E2C0] =	vst v3;
	v3 =	vmov s4  }
0xc8: {  	v5 =	vmov s18;
	v4 =	vshll.u32 v4, $0x1;
	v3 =	vshll.u32 v3, $0x1  }
0xc9: {  	s18 =	sadd.s32 $0x30, s4;
	v5 =	vshll.u32 v5, $0x1;
	v4 =	vor.u32 v2, v4;
	s4 =	sadd.s32 $0x40, s4;
	v3 =	vor.u32 v2, v3  }
0xca: {  	v6 =	vmov s18;
	v4 =	vor.u32 v0, v4;
	[tilespmem:s28], [sflag:$0x2] =	stream.indirect.gather [hbm4b:s1+s22], $0x80, s26, s22, $0xb8;
	v3 =	vor.u32 v0, v3;
	[tilespmem:$0x1F300] =	vst v63  }
0xcb: {  	[tilespmem:$0x1E180] =	vst v3;
	v3 =	vor.u32 v2, v5;
	v5 =	vshll.u32 v6, $0x1;
	v6 =	vmov s4  }
0xcc: {  	[tilespmem:$0x1E190] =	vst v4;
	v3 =	vor.u32 v0, v3;
	v4 =	vor.u32 v2, v5;
	v5 =	vshll.u32 v6, $0x1  }
0xcd: {  	[tilespmem:$0x1E1A0] =	vst v3;
	v3 =	vor.u32 v0, v4;
	v4 =	vor.u32 v2, v5  }
0xce: {  	[tilespmem:$0x1E1B0] =	vst v3;
	v3 =	vor.u32 v0, v4  }
0xcf: {  	[tilespmem:$0x1E1C0] =	vst v3  }
0xd0: {  	[tilespmem:s30], [sflag:$0x4] =	stream.indirect.gather [hbm4b:s5+s22], $0x80, s29, s22, $0xb8;
	[tilespmem:$0x1F300] =	vst v63  }
0xd1: {  	_ =	swait.ge [sflag:s31], $0x2800  }
0xd2: {  	[sflag:s31] =	ssyncset.done $0x0  }
0xd3: {  	[sflag:s31] =	ssyncadd.s32 $0xFFFFD800  }
0xd4: {  	_ =	swait.ge [sflag:s0], $0x2800  }
0xd5: {  	[sflag:s0] =	ssyncset.done $0x0  }
0xd6: {  	s18 =	simm.s32 $0x0;
	[sflag:s0] =	ssyncadd.s32 $0xFFFFD800  }
0xd7: {  	v9 =	vld [tilespmem:s18+$0x14000]  }
0xd8: {  	v10 =	vld [tilespmem:s18+$0x14010]  }
0xd9: {  	v11 =	vld [tilespmem:s18+$0x14020]  }
0xda: {  	v12 =	vld [tilespmem:s18+$0x14030]  }
0xdb: {  	v13 =	vld [tilespmem:s18+$0x14040]  }
0xdc: {  	v14 =	vld [tilespmem:s18+$0x14050]  }
0xdd: {  	v15 =	vld [tilespmem:s18+$0x14060]  }
0xde: {  	v16 =	vld [tilespmem:s18+$0x14070]  }
0xdf: {  	v17 =	vld [tilespmem:s18+$0x14080]  }
0xe0: {  	v18 =	vld [tilespmem:s18+$0x14090]  }
0xe1: {  	v19 =	vld [tilespmem:s18+$0x140A0]  }
0xe2: {  	v20 =	vld [tilespmem:s18+$0x140B0]  }
0xe3: {  	v21 =	vld [tilespmem:s18+$0x140C0]  }
0xe4: {  	v22 =	vld [tilespmem:s18+$0x140D0]  }
0xe5: {  	v23 =	vld [tilespmem:s18+$0x140E0]  }
0xe6: {  	v24 =	vld [tilespmem:s18+$0x140F0]  }
0xe7: {  	v25 =	vld [tilespmem:s18+$0x14100]  }
0xe8: {  	v26 =	vld [tilespmem:s18+$0x14110]  }
0xe9: {  	v27 =	vld [tilespmem:s18+$0x14120]  }
0xea: {  	v28 =	vld [tilespmem:s18+$0x14130]  }
0xeb: {  	v29 =	vld [tilespmem:s18+$0x14140]  }
0xec: {  	v35 =	vld [tilespmem:s18+$0x19000]  }
0xed: {  	v30 =	vld [tilespmem:s18+$0x14150]  }
0xee: {  	v36 =	vld [tilespmem:s18+$0x19010]  }
0xef: {  	v37 =	vld [tilespmem:s18+$0x19020]  }
0xf0: {  	v31 =	vld [tilespmem:s18+$0x14160]  }
0xf1: {  	v38 =	vld [tilespmem:s18+$0x19030];
	v9 =	vadd.f32 v35, v9  }
0xf2: {  	v39 =	vld [tilespmem:s18+$0x19040]  }
0xf3: {  	v32 =	vld [tilespmem:s18+$0x14170];
	v10 =	vadd.f32 v36, v10;
	v9 =	vmax.f32 v9, $0.0e+00  }
0xf4: {  	v62 =	vld [tilespmem:s18+$0x19050];
	[tilespmem:s18+$0x19000] =	vst v9;
	v9 =	vadd.f32 v37, v11  }
0xf5: {  	v40 =	vld [tilespmem:s18+$0x19060];
	v10 =	vmax.f32 v10, $0.0e+00  }
0xf6: {  	v33 =	vld [tilespmem:s18+$0x14180];
	[tilespmem:s18+$0x19010] =	vst v10;
	v10 =	vadd.f32 v38, v12;
	v9 =	vmax.f32 v9, $0.0e+00  }
0xf7: {  	v63 =	vld [tilespmem:s18+$0x19070];
	[tilespmem:s18+$0x19020] =	vst v9;
	v9 =	vadd.f32 v39, v13  }
0xf8: {  	v11 =	vld [tilespmem:s18+$0x19080];
	v10 =	vmax.f32 v10, $0.0e+00  }
0xf9: {  	v34 =	vld [tilespmem:s18+$0x14190];
	[tilespmem:s18+$0x19030] =	vst v10;
	v10 =	vadd.f32 v62, v14;
	v9 =	vmax.f32 v9, $0.0e+00  }
0xfa: {  	v12 =	vld [tilespmem:s18+$0x19090];
	[tilespmem:s18+$0x19040] =	vst v9;
	v9 =	vadd.f32 v40, v15  }
0xfb: {  	v13 =	vld [tilespmem:s18+$0x190A0];
	v10 =	vmax.f32 v10, $0.0e+00  }
0xfc: {  	v8 =	vld [tilespmem:s18+$0x141A0];
	[tilespmem:s18+$0x19050] =	vst v10;
	v10 =	vadd.f32 v63, v16;
	v9 =	vmax.f32 v9, $0.0e+00  }
0xfd: {  	v14 =	vld [tilespmem:s18+$0x190B0];
	[tilespmem:s18+$0x19060] =	vst v9;
	v9 =	vadd.f32 v11, v17  }
0xfe: {  	v15 =	vld [tilespmem:s18+$0x190C0];
	v10 =	vmax.f32 v10, $0.0e+00  }
0xff: {  	v7 =	vld [tilespmem:s18+$0x141B0];
	[tilespmem:s18+$0x19070] =	vst v10;
	v10 =	vadd.f32 v12, v18;
	v9 =	vmax.f32 v9, $0.0e+00  }
0x100: {  	v16 =	vld [tilespmem:s18+$0x190D0];
	[tilespmem:s18+$0x19080] =	vst v9;
	v9 =	vadd.f32 v13, v19  }
0x101: {  	v11 =	vld [tilespmem:s18+$0x190E0];
	v10 =	vmax.f32 v10, $0.0e+00  }
0x102: {  	v6 =	vld [tilespmem:s18+$0x141C0];
	[tilespmem:s18+$0x19090] =	vst v10;
	v10 =	vadd.f32 v14, v20;
	v9 =	vmax.f32 v9, $0.0e+00  }
0x103: {  	v12 =	vld [tilespmem:s18+$0x190F0];
	[tilespmem:s18+$0x190A0] =	vst v9;
	v9 =	vadd.f32 v15, v21  }
0x104: {  	v13 =	vld [tilespmem:s18+$0x19100];
	v10 =	vmax.f32 v10, $0.0e+00  }
0x105: {  	v5 =	vld [tilespmem:s18+$0x141D0];
	[tilespmem:s18+$0x190B0] =	vst v10;
	v10 =	vadd.f32 v16, v22;
	v9 =	vmax.f32 v9, $0.0e+00  }
0x106: {  	v14 =	vld [tilespmem:s18+$0x19110];
	[tilespmem:s18+$0x190C0] =	vst v9;
	v9 =	vadd.f32 v11, v23  }
0x107: {  	v15 =	vld [tilespmem:s18+$0x19120];
	v10 =	vmax.f32 v10, $0.0e+00  }
0x108: {  	v4 =	vld [tilespmem:s18+$0x141E0];
	[tilespmem:s18+$0x190D0] =	vst v10;
	v10 =	vadd.f32 v12, v24;
	v9 =	vmax.f32 v9, $0.0e+00  }
0x109: {  	v16 =	vld [tilespmem:s18+$0x19130];
	[tilespmem:s18+$0x190E0] =	vst v9;
	v9 =	vadd.f32 v13, v25  }
0x10a: {  	v11 =	vld [tilespmem:s18+$0x19140];
	v10 =	vmax.f32 v10, $0.0e+00  }
0x10b: {  	v3 =	vld [tilespmem:s18+$0x141F0];
	[tilespmem:s18+$0x190F0] =	vst v10;
	v10 =	vadd.f32 v14, v26;
	v9 =	vmax.f32 v9, $0.0e+00  }
0x10c: {  	v12 =	vld [tilespmem:s18+$0x19150];
	[tilespmem:s18+$0x19100] =	vst v9;
	v9 =	vadd.f32 v15, v27  }
0x10d: {  	v17 =	vld [tilespmem:s18+$0x19160];
	v10 =	vmax.f32 v10, $0.0e+00  }
0x10e: {  	v14 =	vld [tilespmem:s18+$0x19170];
	[tilespmem:s18+$0x19110] =	vst v10;
	v10 =	vadd.f32 v16, v28;
	v9 =	vmax.f32 v9, $0.0e+00  }
0x10f: {  	v15 =	vld [tilespmem:s18+$0x19180];
	[tilespmem:s18+$0x19120] =	vst v9;
	v9 =	vadd.f32 v11, v29  }
0x110: {  	v18 =	vld [tilespmem:s18+$0x19190];
	v10 =	vmax.f32 v10, $0.0e+00  }
0x111: {  	v13 =	vld [tilespmem:s18+$0x191A0];
	[tilespmem:s18+$0x19130] =	vst v10;
	v10 =	vadd.f32 v12, v30;
	v9 =	vmax.f32 v9, $0.0e+00  }
0x112: {  	v12 =	vld [tilespmem:s18+$0x191B0];
	[tilespmem:s18+$0x19140] =	vst v9;
	v9 =	vadd.f32 v17, v31  }
0x113: {  	v14 =	vadd.f32 v14, v32;
	v11 =	vld [tilespmem:s18+$0x191C0];
	v10 =	vmax.f32 v10, $0.0e+00  }
0x114: {  	v15 =	vadd.f32 v15, v33;
	[tilespmem:s18+$0x19150] =	vst v10;
	v10 =	vld [tilespmem:s18+$0x191D0];
	v9 =	vmax.f32 v9, $0.0e+00  }
0x115: {  	s10 =	simm.s32 $0x800;
	v16 =	vmax.f32 v14, $0.0e+00;
	v14 =	vadd.f32 v18, v34;
	[tilespmem:s18+$0x19160] =	vst v9;
	v9 =	vld [tilespmem:s18+$0x191E0]  }
.LBB2_6:
0x116: {  	s4 =	sshra.s32 s10, $0x2;
	p0 =	sne.s32 s10, $0x9800;
	[tilespmem:s18+$0x19170] =	vst v16;
	v15 =	vmax.f32 v15, $0.0e+00;
	v8 =	vadd.f32 v13, v8;
	v13 =	vld [tilespmem:s18+$0x191F0]  }
0x117: {  	v16 =	vld [tilespmem:s4+$0x14000];
	[tilespmem:s18+$0x19180] =	vst v15;
	v14 =	vmax.f32 v14, $0.0e+00;
	v7 =	vadd.f32 v12, v7  }
0x118: {  	v15 =	vld [tilespmem:s4+$0x14010];
	[tilespmem:s18+$0x19190] =	vst v14;
	v8 =	vmax.f32 v8, $0.0e+00;
	v6 =	vadd.f32 v11, v6  }
0x119: {  	v17 =	vld [tilespmem:s4+$0x14020];
	[tilespmem:s18+$0x191A0] =	vst v8;
	v7 =	vmax.f32 v7, $0.0e+00;
	v5 =	vadd.f32 v10, v5  }
0x11a: {  	v18 =	vld [tilespmem:s4+$0x14030];
	[tilespmem:s18+$0x191B0] =	vst v7;
	v6 =	vmax.f32 v6, $0.0e+00;
	v4 =	vadd.f32 v9, v4  }
0x11b: {  	v19 =	vld [tilespmem:s4+$0x14040];
	[tilespmem:s18+$0x191C0] =	vst v6;
	v5 =	vmax.f32 v5, $0.0e+00;
	v3 =	vadd.f32 v13, v3  }
0x11c: {  	v20 =	vld [tilespmem:s4+$0x14050];
	[tilespmem:s18+$0x191D0] =	vst v5;
	v4 =	vmax.f32 v4, $0.0e+00  }
0x11d: {  	v21 =	vld [tilespmem:s4+$0x14060];
	[tilespmem:s18+$0x191E0] =	vst v4;
	v3 =	vmax.f32 v3, $0.0e+00  }
0x11e: {  	v22 =	vld [tilespmem:s4+$0x14070];
	[tilespmem:s18+$0x191F0] =	vst v3;
	s18 =	smov.u32 s4  }
0x11f: {  	v23 =	vld [tilespmem:s18+$0x14080]  }
0x120: {  	v24 =	vld [tilespmem:s18+$0x14090]  }
0x121: {  	v25 =	vld [tilespmem:s18+$0x140A0]  }
0x122: {  	v26 =	vld [tilespmem:s18+$0x140B0]  }
0x123: {  	v27 =	vld [tilespmem:s18+$0x140C0]  }
0x124: {  	v28 =	vld [tilespmem:s18+$0x140D0]  }
0x125: {  	v29 =	vld [tilespmem:s18+$0x140E0]  }
0x126: {  	v30 =	vld [tilespmem:s18+$0x140F0]  }
0x127: {  	v31 =	vld [tilespmem:s18+$0x14100]  }
0x128: {  	v32 =	vld [tilespmem:s18+$0x14110]  }
0x129: {  	v33 =	vld [tilespmem:s18+$0x14120]  }
0x12a: {  	v34 =	vld [tilespmem:s18+$0x14130]  }
0x12b: {  	v14 =	vld [tilespmem:s18+$0x14140]  }
0x12c: {  	v13 =	vld [tilespmem:s18+$0x14150]  }
0x12d: {  	v12 =	vld [tilespmem:s18+$0x14160]  }
0x12e: {  	v11 =	vld [tilespmem:s18+$0x14170]  }
0x12f: {  	v10 =	vld [tilespmem:s18+$0x14180]  }
0x130: {  	v9 =	vld [tilespmem:s18+$0x14190]  }
0x131: {  	v8 =	vld [tilespmem:s18+$0x141A0]  }
0x132: {  	v7 =	vld [tilespmem:s18+$0x141B0]  }
0x133: {  	v6 =	vld [tilespmem:s18+$0x141C0]  }
0x134: {  	v5 =	vld [tilespmem:s18+$0x141D0]  }
0x135: {  	v4 =	vld [tilespmem:s18+$0x141E0]  }
0x136: {  	v3 =	vld [tilespmem:s18+$0x141F0]  }
0x137: {  	v35 =	vld [tilespmem:s18+$0x19000]  }
0x138: {  	v36 =	vld [tilespmem:s18+$0x19010]  }
0x139: {  	v37 =	vld [tilespmem:s18+$0x19020]  }
0x13a: {  	v38 =	vld [tilespmem:s18+$0x19030]  }
0x13b: {  	v39 =	vld [tilespmem:s18+$0x19040]  }
0x13c: {  	v16 =	vadd.f32 v35, v16;
	v35 =	vld [tilespmem:s18+$0x19050]  }
0x13d: {  	v15 =	vadd.f32 v36, v15;
	v36 =	vld [tilespmem:s18+$0x19060]  }
0x13e: {  	v16 =	vmax.f32 v16, $0.0e+00;
	v17 =	vadd.f32 v37, v17;
	v37 =	vld [tilespmem:s18+$0x19070]  }
0x13f: {  	[tilespmem:s18+$0x19000] =	vst v16;
	v15 =	vmax.f32 v15, $0.0e+00;
	v16 =	vadd.f32 v38, v18;
	v18 =	vld [tilespmem:s18+$0x19080]  }
0x140: {  	[tilespmem:s18+$0x19010] =	vst v15;
	v15 =	vmax.f32 v17, $0.0e+00;
	v17 =	vadd.f32 v39, v19;
	v19 =	vld [tilespmem:s18+$0x19090]  }
0x141: {  	[tilespmem:s18+$0x19020] =	vst v15;
	v15 =	vmax.f32 v16, $0.0e+00;
	v16 =	vadd.f32 v35, v20;
	v20 =	vld [tilespmem:s18+$0x190A0]  }
0x142: {  	[tilespmem:s18+$0x19030] =	vst v15;
	v15 =	vmax.f32 v17, $0.0e+00;
	v17 =	vadd.f32 v36, v21;
	v21 =	vld [tilespmem:s18+$0x190B0]  }
0x143: {  	[tilespmem:s18+$0x19040] =	vst v15;
	v15 =	vmax.f32 v16, $0.0e+00;
	v16 =	vadd.f32 v37, v22;
	v22 =	vld [tilespmem:s18+$0x190C0]  }
0x144: {  	[tilespmem:s18+$0x19050] =	vst v15;
	v15 =	vmax.f32 v17, $0.0e+00;
	v17 =	vadd.f32 v18, v23;
	v18 =	vld [tilespmem:s18+$0x190D0]  }
0x145: {  	[tilespmem:s18+$0x19060] =	vst v15;
	v15 =	vmax.f32 v16, $0.0e+00;
	v16 =	vadd.f32 v19, v24;
	v19 =	vld [tilespmem:s18+$0x190E0]  }
0x146: {  	[tilespmem:s18+$0x19070] =	vst v15;
	v15 =	vmax.f32 v17, $0.0e+00;
	v17 =	vadd.f32 v20, v25;
	v20 =	vld [tilespmem:s18+$0x190F0]  }
0x147: {  	[tilespmem:s18+$0x19080] =	vst v15;
	v15 =	vmax.f32 v16, $0.0e+00;
	v16 =	vadd.f32 v21, v26;
	v21 =	vld [tilespmem:s18+$0x19100]  }
0x148: {  	[tilespmem:s18+$0x19090] =	vst v15;
	v15 =	vmax.f32 v17, $0.0e+00;
	v17 =	vadd.f32 v22, v27;
	v22 =	vld [tilespmem:s18+$0x19110]  }
0x149: {  	[tilespmem:s18+$0x190A0] =	vst v15;
	v15 =	vmax.f32 v16, $0.0e+00;
	v16 =	vadd.f32 v18, v28;
	v18 =	vld [tilespmem:s18+$0x19120]  }
0x14a: {  	[tilespmem:s18+$0x190B0] =	vst v15;
	v15 =	vmax.f32 v17, $0.0e+00;
	v17 =	vadd.f32 v19, v29;
	v19 =	vld [tilespmem:s18+$0x19130]  }
0x14b: {  	[tilespmem:s18+$0x190C0] =	vst v15;
	v15 =	vmax.f32 v16, $0.0e+00;
	v16 =	vadd.f32 v20, v30;
	v20 =	vld [tilespmem:s18+$0x19140]  }
0x14c: {  	[tilespmem:s18+$0x190D0] =	vst v15;
	v15 =	vmax.f32 v17, $0.0e+00;
	v17 =	vadd.f32 v21, v31;
	v21 =	vld [tilespmem:s18+$0x19150]  }
0x14d: {  	[tilespmem:s18+$0x190E0] =	vst v15;
	v15 =	vmax.f32 v16, $0.0e+00;
	v16 =	vadd.f32 v22, v32;
	v22 =	vld [tilespmem:s18+$0x19160]  }
0x14e: {  	[tilespmem:s18+$0x190F0] =	vst v15;
	v15 =	vmax.f32 v17, $0.0e+00;
	v17 =	vadd.f32 v18, v33;
	v18 =	vld [tilespmem:s18+$0x19170]  }
0x14f: {  	[tilespmem:s18+$0x19100] =	vst v15;
	v15 =	vmax.f32 v16, $0.0e+00;
	v16 =	vadd.f32 v19, v34;
	v19 =	vld [tilespmem:s18+$0x19180]  }
0x150: {  	[tilespmem:s18+$0x19110] =	vst v15;
	v15 =	vmax.f32 v17, $0.0e+00;
	v14 =	vadd.f32 v20, v14;
	v17 =	vld [tilespmem:s18+$0x19190]  }
.Ltmp1:
0x151: {  	[tilespmem:s18+$0x19120] =	vst v15;
	v15 =	vmax.f32 v16, $0.0e+00;
	v16 =	vadd.f32 v21, v13;
	v13 =	vld [tilespmem:s18+$0x191A0];
	(pc) =	sbr.rel @p0 .LBB2_6-.Ltmp1, $4  }
0x152: {  	[tilespmem:s18+$0x19130] =	vst v15;
	v14 =	vmax.f32 v14, $0.0e+00;
	v15 =	vadd.f32 v22, v12;
	v12 =	vld [tilespmem:s18+$0x191B0]  }
0x153: {  	[tilespmem:s18+$0x19140] =	vst v14;
	v14 =	vmax.f32 v16, $0.0e+00;
	v16 =	vadd.f32 v18, v11;
	v11 =	vld [tilespmem:s18+$0x191C0]  }
0x154: {  	[tilespmem:s18+$0x19150] =	vst v14;
	v14 =	vmax.f32 v15, $0.0e+00;
	v15 =	vadd.f32 v19, v10;
	v10 =	vld [tilespmem:s18+$0x191D0]  }
0x155: {  	s10 =	sadd.s32 $0x800, s10;
	[tilespmem:s18+$0x19160] =	vst v14;
	v16 =	vmax.f32 v16, $0.0e+00;
	v14 =	vadd.f32 v17, v9;
	v9 =	vld [tilespmem:s18+$0x191E0]  }
0x156: {  	[tilespmem:s18+$0x19170] =	vst v16;
	v15 =	vmax.f32 v15, $0.0e+00;
	v8 =	vadd.f32 v13, v8;
	v13 =	vld [tilespmem:s18+$0x191F0]  }
0x157: {  	[tilespmem:s18+$0x19180] =	vst v15;
	v14 =	vmax.f32 v14, $0.0e+00;
	v7 =	vadd.f32 v12, v7  }
0x158: {  	[tilespmem:s18+$0x19190] =	vst v14;
	v8 =	vmax.f32 v8, $0.0e+00;
	v6 =	vadd.f32 v11, v6  }
0x159: {  	[tilespmem:s18+$0x191A0] =	vst v8;
	v7 =	vmax.f32 v7, $0.0e+00;
	v5 =	vadd.f32 v10, v5  }
0x15a: {  	[tilespmem:s18+$0x191B0] =	vst v7;
	v6 =	vmax.f32 v6, $0.0e+00;
	v4 =	vadd.f32 v9, v4  }
0x15b: {  	[tilespmem:s18+$0x191C0] =	vst v6;
	v5 =	vmax.f32 v5, $0.0e+00;
	v3 =	vadd.f32 v13, v3  }
0x15c: {  	[tilespmem:s18+$0x191D0] =	vst v5;
	v4 =	vmax.f32 v4, $0.0e+00  }
0x15d: {  	[tilespmem:s18+$0x191E0] =	vst v4;
	v3 =	vmax.f32 v3, $0.0e+00  }
0x15e: {  	s10 =	sadd.s32 $0xA0, s17;
	[tilespmem:s18+$0x191F0] =	vst v3  }
0x15f: {  	[spmem:s2] =	stream.indirect.scatter.add.f32 [tilespmem:s19], [sflag:$0x5], $0x80, s3, s22, $0xb8;
	[tilespmem:$0x1F300] =	vst v63  }
0x160: {  	s4 =	sshll.u32 s10, $0x1;
	_ =	swait.ge [sflag:s20], $0x2800  }
0x161: {  	s4 =	sand.u32 $0x3F00, s4;
	s18 =	sand.u32 $0x60, s10;
	[sflag:s20] =	ssyncset.done $0x0  }
0x162: {  	s4 =	sor.u32 s18, s4;
	[sflag:s20] =	ssyncadd.s32 $0xFFFFD800  }
0x163: {  	v3 =	vld [tilespmem:s4+$0x1E300];
	_ =	sdelay $0x4  }
0x164: {  	v3 =	vshll.u32 v3, $0x1  }
0x165: {  	v3 =	vor.u32 v0, v3  }
0x166: {  	s4 =	sadd.s32 $0x1E300, s4;
	[tilespmem:$0x1E000] =	vst v3  }
0x167: {  	v3 =	vld [tilespmem:s4+$0x80];
	_ =	sdelay $0x1  }
0x168: {  	s4 =	sadd.s32 $0xB0, s17  }
0x169: {  	s18 =	sshll.u32 s4, $0x1  }
0x16a: {  	s4 =	sand.u32 $0x70, s4;
	s18 =	sand.u32 $0x3F00, s18  }
0x16b: {  	s4 =	sor.u32 s4, s18;
	[tilespmem:$0x1E200] =	vst v3  }
0x16c: {  	v3 =	vld [tilespmem:s4+$0x1E300];
	_ =	sdelay $0x4  }
0x16d: {  	v3 =	vshll.u32 v3, $0x1  }
0x16e: {  	v3 =	vor.u32 v0, v3  }
0x16f: {  	s4 =	sadd.s32 $0x1E300, s4;
	[tilespmem:$0x1E010] =	vst v3  }
0x170: {  	v3 =	vld [tilespmem:s4+$0x80];
	_ =	sdelay $0x1  }
0x171: {  	s4 =	sadd.s32 $0xC0, s17  }
0x172: {  	s18 =	sshll.u32 s4, $0x1  }
0x173: {  	s4 =	sand.u32 $0x60, s4;
	s18 =	sand.u32 $0x3F00, s18  }
0x174: {  	s4 =	sor.u32 s4, s18;
	[tilespmem:$0x1E210] =	vst v3  }
0x175: {  	v3 =	vld [tilespmem:s4+$0x1E300];
	_ =	sdelay $0x4  }
0x176: {  	v3 =	vshll.u32 v3, $0x1  }
0x177: {  	v3 =	vor.u32 v0, v3  }
0x178: {  	s4 =	sadd.s32 $0x1E300, s4;
	[tilespmem:$0x1E020] =	vst v3  }
0x179: {  	v3 =	vld [tilespmem:s4+$0x80];
	_ =	sdelay $0x1  }
0x17a: {  	s4 =	sadd.s32 $0xD0, s17  }
0x17b: {  	s18 =	sshll.u32 s4, $0x1  }
0x17c: {  	s4 =	sand.u32 $0x70, s4;
	s18 =	sand.u32 $0x3F00, s18  }
0x17d: {  	s4 =	sor.u32 s4, s18;
	[tilespmem:$0x1E220] =	vst v3  }
0x17e: {  	v3 =	vld [tilespmem:s4+$0x1E300];
	_ =	sdelay $0x4  }
0x17f: {  	v3 =	vshll.u32 v3, $0x1  }
0x180: {  	v3 =	vor.u32 v0, v3  }
0x181: {  	s4 =	sadd.s32 $0x1E300, s4;
	[tilespmem:$0x1E030] =	vst v3  }
0x182: {  	v3 =	vld [tilespmem:s4+$0x80];
	_ =	sdelay $0x1  }
0x183: {  	s18 =	sadd.s32 $0xE0, s17  }
0x184: {  	s17 =	sshll.u32 s18, $0x1  }
0x185: {  	s17 =	sand.u32 $0x3F00, s17;
	s4 =	sand.u32 $0x60, s18  }
0x186: {  	s4 =	sor.u32 s4, s17;
	[tilespmem:$0x1E230] =	vst v3  }
0x187: {  	v3 =	vld [tilespmem:s4+$0x1E300];
	_ =	sdelay $0x4  }
0x188: {  	v3 =	vshll.u32 v3, $0x1  }
0x189: {  	v3 =	vor.u32 v0, v3  }
0x18a: {  	s4 =	sadd.s32 $0x1E300, s4;
	[tilespmem:$0x1E040] =	vst v3  }
0x18b: {  	v3 =	vld [tilespmem:s4+$0x80];
	_ =	sdelay $0x2  }
0x18c: {  	s4 =	sadd.s32 s15, s10  }
0x18d: {  	s10 =	sadd.s32 $0x10, s4  }
0x18e: {  	s17 =	sadd.s32 $0x20, s4;
	v4 =	vmov s10;
	[tilespmem:$0x1E240] =	vst v3;
	v3 =	vmov s4  }
0x18f: {  	s18 =	sadd.s32 $0x30, s4;
	v5 =	vmov s17;
	v4 =	vshll.u32 v4, $0x1;
	v3 =	vshll.u32 v3, $0x1  }
0x190: {  	v6 =	vmov s18;
	v4 =	vor.u32 v2, v4;
	s4 =	sadd.s32 $0x40, s4;
	v3 =	vor.u32 v2, v3  }
0x191: {  	v5 =	vshll.u32 v5, $0x1;
	v4 =	vor.u32 v0, v4;
	[tilespmem:s24], [sflag:$0x1] =	stream.indirect.gather [hbm4b:s1+s22], $0x80, s23, s22, $0xb8;
	v3 =	vor.u32 v0, v3;
	[tilespmem:$0x1F300] =	vst v63  }
0x192: {  	[tilespmem:$0x1E100] =	vst v3;
	v3 =	vor.u32 v2, v5;
	v5 =	vshll.u32 v6, $0x1;
	v6 =	vmov s4  }
0x193: {  	[tilespmem:$0x1E110] =	vst v4;
	v3 =	vor.u32 v0, v3;
	v4 =	vor.u32 v2, v5;
	v5 =	vshll.u32 v6, $0x1  }
0x194: {  	[tilespmem:$0x1E120] =	vst v3;
	v3 =	vor.u32 v0, v4;
	v4 =	vor.u32 v2, v5  }
0x195: {  	[tilespmem:$0x1E130] =	vst v3;
	v3 =	vor.u32 v0, v4  }
0x196: {  	[tilespmem:$0x1E140] =	vst v3  }
0x197: {  	[tilespmem:s19], [sflag:$0x3] =	stream.indirect.gather [hbm4b:s5+s22], $0x80, s25, s22, $0xb8;
	[tilespmem:$0x1F300] =	vst v63  }
0x198: {  	_ =	swait.ge [sflag:s9], $0x2800  }
0x199: {  	[sflag:s9] =	ssyncset.done $0x0  }
0x19a: {  	[sflag:s9] =	ssyncadd.s32 $0xFFFFD800  }
0x19b: {  	_ =	swait.ge [sflag:s11], $0x2800  }
0x19c: {  	[sflag:s11] =	ssyncset.done $0x0  }
0x19d: {  	s17 =	simm.s32 $0x0;
	[sflag:s11] =	ssyncadd.s32 $0xFFFFD800  }
0x19e: {  	v9 =	vld [tilespmem:s17+$0x16800]  }
0x19f: {  	v10 =	vld [tilespmem:s17+$0x16810]  }
0x1a0: {  	v11 =	vld [tilespmem:s17+$0x16820]  }
0x1a1: {  	v12 =	vld [tilespmem:s17+$0x16830]  }
0x1a2: {  	v13 =	vld [tilespmem:s17+$0x16840]  }
0x1a3: {  	v14 =	vld [tilespmem:s17+$0x16850]  }
0x1a4: {  	v15 =	vld [tilespmem:s17+$0x16860]  }
0x1a5: {  	v16 =	vld [tilespmem:s17+$0x16870]  }
0x1a6: {  	v17 =	vld [tilespmem:s17+$0x16880]  }
0x1a7: {  	v18 =	vld [tilespmem:s17+$0x16890]  }
0x1a8: {  	v19 =	vld [tilespmem:s17+$0x168A0]  }
0x1a9: {  	v20 =	vld [tilespmem:s17+$0x168B0]  }
0x1aa: {  	v21 =	vld [tilespmem:s17+$0x168C0]  }
0x1ab: {  	v22 =	vld [tilespmem:s17+$0x168D0]  }
0x1ac: {  	v23 =	vld [tilespmem:s17+$0x168E0]  }
0x1ad: {  	v24 =	vld [tilespmem:s17+$0x168F0]  }
0x1ae: {  	v25 =	vld [tilespmem:s17+$0x16900]  }
0x1af: {  	v26 =	vld [tilespmem:s17+$0x16910]  }
0x1b0: {  	v27 =	vld [tilespmem:s17+$0x16920]  }
0x1b1: {  	v28 =	vld [tilespmem:s17+$0x16930]  }
0x1b2: {  	v29 =	vld [tilespmem:s17+$0x16940]  }
0x1b3: {  	v35 =	vld [tilespmem:s17+$0x1B800]  }
0x1b4: {  	v30 =	vld [tilespmem:s17+$0x16950]  }
0x1b5: {  	v36 =	vld [tilespmem:s17+$0x1B810]  }
0x1b6: {  	v37 =	vld [tilespmem:s17+$0x1B820]  }
0x1b7: {  	v31 =	vld [tilespmem:s17+$0x16960]  }
0x1b8: {  	v38 =	vld [tilespmem:s17+$0x1B830];
	v9 =	vadd.f32 v35, v9  }
0x1b9: {  	v39 =	vld [tilespmem:s17+$0x1B840]  }
0x1ba: {  	v32 =	vld [tilespmem:s17+$0x16970];
	v10 =	vadd.f32 v36, v10;
	v9 =	vmax.f32 v9, $0.0e+00  }
0x1bb: {  	v62 =	vld [tilespmem:s17+$0x1B850];
	[tilespmem:s17+$0x1B800] =	vst v9;
	v9 =	vadd.f32 v37, v11  }
0x1bc: {  	v40 =	vld [tilespmem:s17+$0x1B860];
	v10 =	vmax.f32 v10, $0.0e+00  }
0x1bd: {  	v33 =	vld [tilespmem:s17+$0x16980];
	[tilespmem:s17+$0x1B810] =	vst v10;
	v10 =	vadd.f32 v38, v12;
	v9 =	vmax.f32 v9, $0.0e+00  }
0x1be: {  	v63 =	vld [tilespmem:s17+$0x1B870];
	[tilespmem:s17+$0x1B820] =	vst v9;
	v9 =	vadd.f32 v39, v13  }
0x1bf: {  	v11 =	vld [tilespmem:s17+$0x1B880];
	v10 =	vmax.f32 v10, $0.0e+00  }
0x1c0: {  	v34 =	vld [tilespmem:s17+$0x16990];
	[tilespmem:s17+$0x1B830] =	vst v10;
	v10 =	vadd.f32 v62, v14;
	v9 =	vmax.f32 v9, $0.0e+00  }
0x1c1: {  	v12 =	vld [tilespmem:s17+$0x1B890];
	[tilespmem:s17+$0x1B840] =	vst v9;
	v9 =	vadd.f32 v40, v15  }
0x1c2: {  	v13 =	vld [tilespmem:s17+$0x1B8A0];
	v10 =	vmax.f32 v10, $0.0e+00  }
0x1c3: {  	v8 =	vld [tilespmem:s17+$0x169A0];
	[tilespmem:s17+$0x1B850] =	vst v10;
	v10 =	vadd.f32 v63, v16;
	v9 =	vmax.f32 v9, $0.0e+00  }
0x1c4: {  	v14 =	vld [tilespmem:s17+$0x1B8B0];
	[tilespmem:s17+$0x1B860] =	vst v9;
	v9 =	vadd.f32 v11, v17  }
0x1c5: {  	v15 =	vld [tilespmem:s17+$0x1B8C0];
	v10 =	vmax.f32 v10, $0.0e+00  }
0x1c6: {  	v7 =	vld [tilespmem:s17+$0x169B0];
	[tilespmem:s17+$0x1B870] =	vst v10;
	v10 =	vadd.f32 v12, v18;
	v9 =	vmax.f32 v9, $0.0e+00  }
0x1c7: {  	v16 =	vld [tilespmem:s17+$0x1B8D0];
	[tilespmem:s17+$0x1B880] =	vst v9;
	v9 =	vadd.f32 v13, v19  }
0x1c8: {  	v11 =	vld [tilespmem:s17+$0x1B8E0];
	v10 =	vmax.f32 v10, $0.0e+00  }
0x1c9: {  	v6 =	vld [tilespmem:s17+$0x169C0];
	[tilespmem:s17+$0x1B890] =	vst v10;
	v10 =	vadd.f32 v14, v20;
	v9 =	vmax.f32 v9, $0.0e+00  }
0x1ca: {  	v12 =	vld [tilespmem:s17+$0x1B8F0];
	[tilespmem:s17+$0x1B8A0] =	vst v9;
	v9 =	vadd.f32 v15, v21  }
0x1cb: {  	v13 =	vld [tilespmem:s17+$0x1B900];
	v10 =	vmax.f32 v10, $0.0e+00  }
0x1cc: {  	v5 =	vld [tilespmem:s17+$0x169D0];
	[tilespmem:s17+$0x1B8B0] =	vst v10;
	v10 =	vadd.f32 v16, v22;
	v9 =	vmax.f32 v9, $0.0e+00  }
0x1cd: {  	v14 =	vld [tilespmem:s17+$0x1B910];
	[tilespmem:s17+$0x1B8C0] =	vst v9;
	v9 =	vadd.f32 v11, v23  }
0x1ce: {  	v15 =	vld [tilespmem:s17+$0x1B920];
	v10 =	vmax.f32 v10, $0.0e+00  }
0x1cf: {  	v4 =	vld [tilespmem:s17+$0x169E0];
	[tilespmem:s17+$0x1B8D0] =	vst v10;
	v10 =	vadd.f32 v12, v24;
	v9 =	vmax.f32 v9, $0.0e+00  }
0x1d0: {  	v16 =	vld [tilespmem:s17+$0x1B930];
	[tilespmem:s17+$0x1B8E0] =	vst v9;
	v9 =	vadd.f32 v13, v25  }
0x1d1: {  	v11 =	vld [tilespmem:s17+$0x1B940];
	v10 =	vmax.f32 v10, $0.0e+00  }
0x1d2: {  	v3 =	vld [tilespmem:s17+$0x169F0];
	[tilespmem:s17+$0x1B8F0] =	vst v10;
	v10 =	vadd.f32 v14, v26;
	v9 =	vmax.f32 v9, $0.0e+00  }
0x1d3: {  	v12 =	vld [tilespmem:s17+$0x1B950];
	[tilespmem:s17+$0x1B900] =	vst v9;
	v9 =	vadd.f32 v15, v27  }
0x1d4: {  	v17 =	vld [tilespmem:s17+$0x1B960];
	v10 =	vmax.f32 v10, $0.0e+00  }
0x1d5: {  	v14 =	vld [tilespmem:s17+$0x1B970];
	[tilespmem:s17+$0x1B910] =	vst v10;
	v10 =	vadd.f32 v16, v28;
	v9 =	vmax.f32 v9, $0.0e+00  }
0x1d6: {  	v15 =	vld [tilespmem:s17+$0x1B980];
	[tilespmem:s17+$0x1B920] =	vst v9;
	v9 =	vadd.f32 v11, v29  }
0x1d7: {  	v18 =	vld [tilespmem:s17+$0x1B990];
	v10 =	vmax.f32 v10, $0.0e+00  }
0x1d8: {  	v13 =	vld [tilespmem:s17+$0x1B9A0];
	[tilespmem:s17+$0x1B930] =	vst v10;
	v10 =	vadd.f32 v12, v30;
	v9 =	vmax.f32 v9, $0.0e+00  }
0x1d9: {  	v12 =	vld [tilespmem:s17+$0x1B9B0];
	[tilespmem:s17+$0x1B940] =	vst v9;
	v9 =	vadd.f32 v17, v31  }
0x1da: {  	v14 =	vadd.f32 v14, v32;
	v11 =	vld [tilespmem:s17+$0x1B9C0];
	v10 =	vmax.f32 v10, $0.0e+00  }
0x1db: {  	v15 =	vadd.f32 v15, v33;
	[tilespmem:s17+$0x1B950] =	vst v10;
	v10 =	vld [tilespmem:s17+$0x1B9D0];
	v9 =	vmax.f32 v9, $0.0e+00  }
0x1dc: {  	s10 =	simm.s32 $0x800;
	v16 =	vmax.f32 v14, $0.0e+00;
	v14 =	vadd.f32 v18, v34;
	[tilespmem:s17+$0x1B960] =	vst v9;
	v9 =	vld [tilespmem:s17+$0x1B9E0]  }
.LBB2_8:
0x1dd: {  	s4 =	sshra.s32 s10, $0x2;
	p0 =	sne.s32 s10, $0x9800;
	[tilespmem:s17+$0x1B970] =	vst v16;
	v15 =	vmax.f32 v15, $0.0e+00;
	v8 =	vadd.f32 v13, v8;
	v13 =	vld [tilespmem:s17+$0x1B9F0]  }
0x1de: {  	v16 =	vld [tilespmem:s4+$0x16800];
	[tilespmem:s17+$0x1B980] =	vst v15;
	v14 =	vmax.f32 v14, $0.0e+00;
	v7 =	vadd.f32 v12, v7  }
0x1df: {  	v15 =	vld [tilespmem:s4+$0x16810];
	[tilespmem:s17+$0x1B990] =	vst v14;
	v8 =	vmax.f32 v8, $0.0e+00;
	v6 =	vadd.f32 v11, v6  }
0x1e0: {  	v17 =	vld [tilespmem:s4+$0x16820];
	[tilespmem:s17+$0x1B9A0] =	vst v8;
	v7 =	vmax.f32 v7, $0.0e+00;
	v5 =	vadd.f32 v10, v5  }
0x1e1: {  	v18 =	vld [tilespmem:s4+$0x16830];
	[tilespmem:s17+$0x1B9B0] =	vst v7;
	v6 =	vmax.f32 v6, $0.0e+00;
	v4 =	vadd.f32 v9, v4  }
0x1e2: {  	v19 =	vld [tilespmem:s4+$0x16840];
	[tilespmem:s17+$0x1B9C0] =	vst v6;
	v5 =	vmax.f32 v5, $0.0e+00;
	v3 =	vadd.f32 v13, v3  }
0x1e3: {  	v20 =	vld [tilespmem:s4+$0x16850];
	[tilespmem:s17+$0x1B9D0] =	vst v5;
	v4 =	vmax.f32 v4, $0.0e+00  }
0x1e4: {  	v21 =	vld [tilespmem:s4+$0x16860];
	[tilespmem:s17+$0x1B9E0] =	vst v4;
	v3 =	vmax.f32 v3, $0.0e+00  }
0x1e5: {  	v22 =	vld [tilespmem:s4+$0x16870];
	[tilespmem:s17+$0x1B9F0] =	vst v3;
	s17 =	smov.u32 s4  }
0x1e6: {  	v23 =	vld [tilespmem:s17+$0x16880]  }
0x1e7: {  	v24 =	vld [tilespmem:s17+$0x16890]  }
0x1e8: {  	v25 =	vld [tilespmem:s17+$0x168A0]  }
0x1e9: {  	v26 =	vld [tilespmem:s17+$0x168B0]  }
0x1ea: {  	v27 =	vld [tilespmem:s17+$0x168C0]  }
0x1eb: {  	v28 =	vld [tilespmem:s17+$0x168D0]  }
0x1ec: {  	v29 =	vld [tilespmem:s17+$0x168E0]  }
0x1ed: {  	v30 =	vld [tilespmem:s17+$0x168F0]  }
0x1ee: {  	v31 =	vld [tilespmem:s17+$0x16900]  }
0x1ef: {  	v32 =	vld [tilespmem:s17+$0x16910]  }
0x1f0: {  	v33 =	vld [tilespmem:s17+$0x16920]  }
0x1f1: {  	v34 =	vld [tilespmem:s17+$0x16930]  }
0x1f2: {  	v14 =	vld [tilespmem:s17+$0x16940]  }
0x1f3: {  	v13 =	vld [tilespmem:s17+$0x16950]  }
0x1f4: {  	v12 =	vld [tilespmem:s17+$0x16960]  }
0x1f5: {  	v11 =	vld [tilespmem:s17+$0x16970]  }
0x1f6: {  	v10 =	vld [tilespmem:s17+$0x16980]  }
0x1f7: {  	v9 =	vld [tilespmem:s17+$0x16990]  }
0x1f8: {  	v8 =	vld [tilespmem:s17+$0x169A0]  }
0x1f9: {  	v7 =	vld [tilespmem:s17+$0x169B0]  }
0x1fa: {  	v6 =	vld [tilespmem:s17+$0x169C0]  }
0x1fb: {  	v5 =	vld [tilespmem:s17+$0x169D0]  }
0x1fc: {  	v4 =	vld [tilespmem:s17+$0x169E0]  }
0x1fd: {  	v3 =	vld [tilespmem:s17+$0x169F0]  }
0x1fe: {  	v35 =	vld [tilespmem:s17+$0x1B800]  }
0x1ff: {  	v36 =	vld [tilespmem:s17+$0x1B810]  }
0x200: {  	v37 =	vld [tilespmem:s17+$0x1B820]  }
0x201: {  	v38 =	vld [tilespmem:s17+$0x1B830]  }
0x202: {  	v39 =	vld [tilespmem:s17+$0x1B840]  }
0x203: {  	v16 =	vadd.f32 v35, v16;
	v35 =	vld [tilespmem:s17+$0x1B850]  }
0x204: {  	v15 =	vadd.f32 v36, v15;
	v36 =	vld [tilespmem:s17+$0x1B860]  }
0x205: {  	v16 =	vmax.f32 v16, $0.0e+00;
	v17 =	vadd.f32 v37, v17;
	v37 =	vld [tilespmem:s17+$0x1B870]  }
0x206: {  	[tilespmem:s17+$0x1B800] =	vst v16;
	v15 =	vmax.f32 v15, $0.0e+00;
	v16 =	vadd.f32 v38, v18;
	v18 =	vld [tilespmem:s17+$0x1B880]  }
0x207: {  	[tilespmem:s17+$0x1B810] =	vst v15;
	v15 =	vmax.f32 v17, $0.0e+00;
	v17 =	vadd.f32 v39, v19;
	v19 =	vld [tilespmem:s17+$0x1B890]  }
0x208: {  	[tilespmem:s17+$0x1B820] =	vst v15;
	v15 =	vmax.f32 v16, $0.0e+00;
	v16 =	vadd.f32 v35, v20;
	v20 =	vld [tilespmem:s17+$0x1B8A0]  }
0x209: {  	[tilespmem:s17+$0x1B830] =	vst v15;
	v15 =	vmax.f32 v17, $0.0e+00;
	v17 =	vadd.f32 v36, v21;
	v21 =	vld [tilespmem:s17+$0x1B8B0]  }
0x20a: {  	[tilespmem:s17+$0x1B840] =	vst v15;
	v15 =	vmax.f32 v16, $0.0e+00;
	v16 =	vadd.f32 v37, v22;
	v22 =	vld [tilespmem:s17+$0x1B8C0]  }
0x20b: {  	[tilespmem:s17+$0x1B850] =	vst v15;
	v15 =	vmax.f32 v17, $0.0e+00;
	v17 =	vadd.f32 v18, v23;
	v18 =	vld [tilespmem:s17+$0x1B8D0]  }
0x20c: {  	[tilespmem:s17+$0x1B860] =	vst v15;
	v15 =	vmax.f32 v16, $0.0e+00;
	v16 =	vadd.f32 v19, v24;
	v19 =	vld [tilespmem:s17+$0x1B8E0]  }
0x20d: {  	[tilespmem:s17+$0x1B870] =	vst v15;
	v15 =	vmax.f32 v17, $0.0e+00;
	v17 =	vadd.f32 v20, v25;
	v20 =	vld [tilespmem:s17+$0x1B8F0]  }
0x20e: {  	[tilespmem:s17+$0x1B880] =	vst v15;
	v15 =	vmax.f32 v16, $0.0e+00;
	v16 =	vadd.f32 v21, v26;
	v21 =	vld [tilespmem:s17+$0x1B900]  }
0x20f: {  	[tilespmem:s17+$0x1B890] =	vst v15;
	v15 =	vmax.f32 v17, $0.0e+00;
	v17 =	vadd.f32 v22, v27;
	v22 =	vld [tilespmem:s17+$0x1B910]  }
0x210: {  	[tilespmem:s17+$0x1B8A0] =	vst v15;
	v15 =	vmax.f32 v16, $0.0e+00;
	v16 =	vadd.f32 v18, v28;
	v18 =	vld [tilespmem:s17+$0x1B920]  }
0x211: {  	[tilespmem:s17+$0x1B8B0] =	vst v15;
	v15 =	vmax.f32 v17, $0.0e+00;
	v17 =	vadd.f32 v19, v29;
	v19 =	vld [tilespmem:s17+$0x1B930]  }
0x212: {  	[tilespmem:s17+$0x1B8C0] =	vst v15;
	v15 =	vmax.f32 v16, $0.0e+00;
	v16 =	vadd.f32 v20, v30;
	v20 =	vld [tilespmem:s17+$0x1B940]  }
0x213: {  	[tilespmem:s17+$0x1B8D0] =	vst v15;
	v15 =	vmax.f32 v17, $0.0e+00;
	v17 =	vadd.f32 v21, v31;
	v21 =	vld [tilespmem:s17+$0x1B950]  }
0x214: {  	[tilespmem:s17+$0x1B8E0] =	vst v15;
	v15 =	vmax.f32 v16, $0.0e+00;
	v16 =	vadd.f32 v22, v32;
	v22 =	vld [tilespmem:s17+$0x1B960]  }
0x215: {  	[tilespmem:s17+$0x1B8F0] =	vst v15;
	v15 =	vmax.f32 v17, $0.0e+00;
	v17 =	vadd.f32 v18, v33;
	v18 =	vld [tilespmem:s17+$0x1B970]  }
0x216: {  	[tilespmem:s17+$0x1B900] =	vst v15;
	v15 =	vmax.f32 v16, $0.0e+00;
	v16 =	vadd.f32 v19, v34;
	v19 =	vld [tilespmem:s17+$0x1B980]  }
0x217: {  	[tilespmem:s17+$0x1B910] =	vst v15;
	v15 =	vmax.f32 v17, $0.0e+00;
	v14 =	vadd.f32 v20, v14;
	v17 =	vld [tilespmem:s17+$0x1B990]  }
.Ltmp2:
0x218: {  	[tilespmem:s17+$0x1B920] =	vst v15;
	v15 =	vmax.f32 v16, $0.0e+00;
	v16 =	vadd.f32 v21, v13;
	v13 =	vld [tilespmem:s17+$0x1B9A0];
	(pc) =	sbr.rel @p0 .LBB2_8-.Ltmp2, $4  }
0x219: {  	[tilespmem:s17+$0x1B930] =	vst v15;
	v14 =	vmax.f32 v14, $0.0e+00;
	v15 =	vadd.f32 v22, v12;
	v12 =	vld [tilespmem:s17+$0x1B9B0]  }
0x21a: {  	[tilespmem:s17+$0x1B940] =	vst v14;
	v14 =	vmax.f32 v16, $0.0e+00;
	v16 =	vadd.f32 v18, v11;
	v11 =	vld [tilespmem:s17+$0x1B9C0]  }
0x21b: {  	[tilespmem:s17+$0x1B950] =	vst v14;
	v14 =	vmax.f32 v15, $0.0e+00;
	v15 =	vadd.f32 v19, v10;
	v10 =	vld [tilespmem:s17+$0x1B9D0]  }
0x21c: {  	s10 =	sadd.s32 $0x800, s10;
	[tilespmem:s17+$0x1B960] =	vst v14;
	v16 =	vmax.f32 v16, $0.0e+00;
	v14 =	vadd.f32 v17, v9;
	v9 =	vld [tilespmem:s17+$0x1B9E0]  }
0x21d: {  	[tilespmem:s17+$0x1B970] =	vst v16;
	v15 =	vmax.f32 v15, $0.0e+00;
	v8 =	vadd.f32 v13, v8;
	v63 =	vld [tilespmem:s17+$0x1B9F0]  }
0x21e: {  	[tilespmem:s17+$0x1B980] =	vst v15;
	v14 =	vmax.f32 v14, $0.0e+00;
	v7 =	vadd.f32 v12, v7  }
0x21f: {  	[tilespmem:s17+$0x1B990] =	vst v14;
	v8 =	vmax.f32 v8, $0.0e+00;
	v6 =	vadd.f32 v11, v6  }
0x220: {  	[tilespmem:s17+$0x1B9A0] =	vst v8;
	v7 =	vmax.f32 v7, $0.0e+00;
	v5 =	vadd.f32 v10, v5  }
0x221: {  	[tilespmem:s17+$0x1B9B0] =	vst v7;
	v6 =	vmax.f32 v6, $0.0e+00;
	v4 =	vadd.f32 v9, v4  }
0x222: {  	[tilespmem:s17+$0x1B9C0] =	vst v6;
	v5 =	vmax.f32 v5, $0.0e+00;
	v3 =	vadd.f32 v63, v3  }
0x223: {  	s16 =	sadd.s32 $0x1, s16;
	[tilespmem:s17+$0x1B9D0] =	vst v5;
	v4 =	vmax.f32 v4, $0.0e+00  }
0x224: {  	p0 =	sne.s32 s16, $0xC;
	[tilespmem:s17+$0x1B9E0] =	vst v4;
	v3 =	vmax.f32 v3, $0.0e+00  }
.Ltmp3:
0x225: {  	[tilespmem:s17+$0x1B9F0] =	vst v3;
	(pc) =	sbr.rel @p0 .LBB2_5-.Ltmp3, $4  }
0x226: {  	[spmem:s2] =	stream.indirect.scatter.add.f32 [tilespmem:s30], [sflag:$0x5], $0x80, s12, s22, $0xb8;
	[tilespmem:$0x1F300] =	vst v63  }
0x227: {  	_ =	swait.ge [sflag:s20], $0x2800  }
0x228: {  	[sflag:s20] =	ssyncset.done $0x0  }
0x229: {  	[sflag:s20] =	ssyncadd.s32 $0xFFFFD800  }
0x22a: {  	_ =	swait.ge [sflag:s31], $0x2800  }
0x22b: {  	[sflag:s31] =	ssyncset.done $0x0  }
0x22c: {  	[sflag:s31] =	ssyncadd.s32 $0xFFFFD800  }
0x22d: {  	_ =	swait.ge [sflag:s0], $0x2800  }
0x22e: {  	[sflag:s0] =	ssyncset.done $0x0  }
0x22f: {  	s15 =	simm.s32 $0x0;
	[sflag:s0] =	ssyncadd.s32 $0xFFFFD800  }
0x230: {  	v9 =	vld [tilespmem:s15+$0x14000]  }
0x231: {  	v10 =	vld [tilespmem:s15+$0x14010]  }
0x232: {  	v11 =	vld [tilespmem:s15+$0x14020]  }
0x233: {  	v12 =	vld [tilespmem:s15+$0x14030]  }
0x234: {  	v13 =	vld [tilespmem:s15+$0x14040]  }
0x235: {  	v14 =	vld [tilespmem:s15+$0x14050]  }
0x236: {  	v15 =	vld [tilespmem:s15+$0x14060]  }
0x237: {  	v16 =	vld [tilespmem:s15+$0x14070]  }
0x238: {  	v17 =	vld [tilespmem:s15+$0x14080]  }
0x239: {  	v18 =	vld [tilespmem:s15+$0x14090]  }
0x23a: {  	v19 =	vld [tilespmem:s15+$0x140A0]  }
0x23b: {  	v20 =	vld [tilespmem:s15+$0x140B0]  }
0x23c: {  	v21 =	vld [tilespmem:s15+$0x140C0]  }
0x23d: {  	v22 =	vld [tilespmem:s15+$0x140D0]  }
0x23e: {  	v23 =	vld [tilespmem:s15+$0x140E0]  }
0x23f: {  	v24 =	vld [tilespmem:s15+$0x140F0]  }
0x240: {  	v25 =	vld [tilespmem:s15+$0x14100]  }
0x241: {  	v26 =	vld [tilespmem:s15+$0x14110]  }
0x242: {  	v27 =	vld [tilespmem:s15+$0x14120]  }
0x243: {  	v28 =	vld [tilespmem:s15+$0x14130]  }
0x244: {  	v29 =	vld [tilespmem:s15+$0x14140]  }
0x245: {  	v35 =	vld [tilespmem:s15+$0x19000]  }
0x246: {  	v30 =	vld [tilespmem:s15+$0x14150]  }
0x247: {  	v36 =	vld [tilespmem:s15+$0x19010]  }
0x248: {  	v37 =	vld [tilespmem:s15+$0x19020]  }
0x249: {  	v31 =	vld [tilespmem:s15+$0x14160]  }
0x24a: {  	v38 =	vld [tilespmem:s15+$0x19030];
	v9 =	vadd.f32 v35, v9  }
0x24b: {  	v39 =	vld [tilespmem:s15+$0x19040]  }
0x24c: {  	v32 =	vld [tilespmem:s15+$0x14170];
	v10 =	vadd.f32 v36, v10;
	v9 =	vmax.f32 v9, $0.0e+00  }
0x24d: {  	v62 =	vld [tilespmem:s15+$0x19050];
	[tilespmem:s15+$0x19000] =	vst v9;
	v9 =	vadd.f32 v37, v11  }
0x24e: {  	v40 =	vld [tilespmem:s15+$0x19060];
	v10 =	vmax.f32 v10, $0.0e+00  }
0x24f: {  	v33 =	vld [tilespmem:s15+$0x14180];
	[tilespmem:s15+$0x19010] =	vst v10;
	v10 =	vadd.f32 v38, v12;
	v9 =	vmax.f32 v9, $0.0e+00  }
0x250: {  	v63 =	vld [tilespmem:s15+$0x19070];
	[tilespmem:s15+$0x19020] =	vst v9;
	v9 =	vadd.f32 v39, v13  }
0x251: {  	v11 =	vld [tilespmem:s15+$0x19080];
	v10 =	vmax.f32 v10, $0.0e+00  }
0x252: {  	v34 =	vld [tilespmem:s15+$0x14190];
	[tilespmem:s15+$0x19030] =	vst v10;
	v10 =	vadd.f32 v62, v14;
	v9 =	vmax.f32 v9, $0.0e+00  }
0x253: {  	v12 =	vld [tilespmem:s15+$0x19090];
	[tilespmem:s15+$0x19040] =	vst v9;
	v9 =	vadd.f32 v40, v15  }
0x254: {  	v13 =	vld [tilespmem:s15+$0x190A0];
	v10 =	vmax.f32 v10, $0.0e+00  }
0x255: {  	v8 =	vld [tilespmem:s15+$0x141A0];
	[tilespmem:s15+$0x19050] =	vst v10;
	v10 =	vadd.f32 v63, v16;
	v9 =	vmax.f32 v9, $0.0e+00  }
0x256: {  	v14 =	vld [tilespmem:s15+$0x190B0];
	[tilespmem:s15+$0x19060] =	vst v9;
	v9 =	vadd.f32 v11, v17  }
0x257: {  	v15 =	vld [tilespmem:s15+$0x190C0];
	v10 =	vmax.f32 v10, $0.0e+00  }
0x258: {  	v7 =	vld [tilespmem:s15+$0x141B0];
	[tilespmem:s15+$0x19070] =	vst v10;
	v10 =	vadd.f32 v12, v18;
	v9 =	vmax.f32 v9, $0.0e+00  }
0x259: {  	v16 =	vld [tilespmem:s15+$0x190D0];
	[tilespmem:s15+$0x19080] =	vst v9;
	v9 =	vadd.f32 v13, v19  }
0x25a: {  	v11 =	vld [tilespmem:s15+$0x190E0];
	v10 =	vmax.f32 v10, $0.0e+00  }
0x25b: {  	v6 =	vld [tilespmem:s15+$0x141C0];
	[tilespmem:s15+$0x19090] =	vst v10;
	v10 =	vadd.f32 v14, v20;
	v9 =	vmax.f32 v9, $0.0e+00  }
0x25c: {  	v12 =	vld [tilespmem:s15+$0x190F0];
	[tilespmem:s15+$0x190A0] =	vst v9;
	v9 =	vadd.f32 v15, v21  }
0x25d: {  	v13 =	vld [tilespmem:s15+$0x19100];
	v10 =	vmax.f32 v10, $0.0e+00  }
0x25e: {  	v5 =	vld [tilespmem:s15+$0x141D0];
	[tilespmem:s15+$0x190B0] =	vst v10;
	v10 =	vadd.f32 v16, v22;
	v9 =	vmax.f32 v9, $0.0e+00  }
0x25f: {  	v14 =	vld [tilespmem:s15+$0x19110];
	[tilespmem:s15+$0x190C0] =	vst v9;
	v9 =	vadd.f32 v11, v23  }
0x260: {  	v15 =	vld [tilespmem:s15+$0x19120];
	v10 =	vmax.f32 v10, $0.0e+00  }
0x261: {  	v4 =	vld [tilespmem:s15+$0x141E0];
	[tilespmem:s15+$0x190D0] =	vst v10;
	v10 =	vadd.f32 v12, v24;
	v9 =	vmax.f32 v9, $0.0e+00  }
0x262: {  	v16 =	vld [tilespmem:s15+$0x19130];
	[tilespmem:s15+$0x190E0] =	vst v9;
	v9 =	vadd.f32 v13, v25  }
0x263: {  	v11 =	vld [tilespmem:s15+$0x19140];
	v10 =	vmax.f32 v10, $0.0e+00  }
0x264: {  	v3 =	vld [tilespmem:s15+$0x141F0];
	[tilespmem:s15+$0x190F0] =	vst v10;
	v10 =	vadd.f32 v14, v26;
	v9 =	vmax.f32 v9, $0.0e+00  }
0x265: {  	v12 =	vld [tilespmem:s15+$0x19150];
	[tilespmem:s15+$0x19100] =	vst v9;
	v9 =	vadd.f32 v15, v27  }
0x266: {  	v17 =	vld [tilespmem:s15+$0x19160];
	v10 =	vmax.f32 v10, $0.0e+00  }
0x267: {  	v14 =	vld [tilespmem:s15+$0x19170];
	[tilespmem:s15+$0x19110] =	vst v10;
	v10 =	vadd.f32 v16, v28;
	v9 =	vmax.f32 v9, $0.0e+00  }
0x268: {  	v15 =	vld [tilespmem:s15+$0x19180];
	[tilespmem:s15+$0x19120] =	vst v9;
	v9 =	vadd.f32 v11, v29  }
0x269: {  	v18 =	vld [tilespmem:s15+$0x19190];
	v10 =	vmax.f32 v10, $0.0e+00  }
0x26a: {  	v13 =	vld [tilespmem:s15+$0x191A0];
	[tilespmem:s15+$0x19130] =	vst v10;
	v10 =	vadd.f32 v12, v30;
	v9 =	vmax.f32 v9, $0.0e+00  }
0x26b: {  	v12 =	vld [tilespmem:s15+$0x191B0];
	[tilespmem:s15+$0x19140] =	vst v9;
	v9 =	vadd.f32 v17, v31  }
0x26c: {  	v14 =	vadd.f32 v14, v32;
	v11 =	vld [tilespmem:s15+$0x191C0];
	v10 =	vmax.f32 v10, $0.0e+00  }
0x26d: {  	v15 =	vadd.f32 v15, v33;
	[tilespmem:s15+$0x19150] =	vst v10;
	v10 =	vld [tilespmem:s15+$0x191D0];
	v9 =	vmax.f32 v9, $0.0e+00  }
0x26e: {  	s10 =	simm.s32 $0x800;
	v16 =	vmax.f32 v14, $0.0e+00;
	v14 =	vadd.f32 v18, v34;
	[tilespmem:s15+$0x19160] =	vst v9;
	v9 =	vld [tilespmem:s15+$0x191E0]  }
.LBB2_11:
0x26f: {  	s4 =	sshra.s32 s10, $0x2;
	p0 =	sne.s32 s10, $0x9800;
	[tilespmem:s15+$0x19170] =	vst v16;
	v15 =	vmax.f32 v15, $0.0e+00;
	v8 =	vadd.f32 v13, v8;
	v13 =	vld [tilespmem:s15+$0x191F0]  }
0x270: {  	v16 =	vld [tilespmem:s4+$0x14000];
	[tilespmem:s15+$0x19180] =	vst v15;
	v14 =	vmax.f32 v14, $0.0e+00;
	v7 =	vadd.f32 v12, v7  }
0x271: {  	v15 =	vld [tilespmem:s4+$0x14010];
	[tilespmem:s15+$0x19190] =	vst v14;
	v8 =	vmax.f32 v8, $0.0e+00;
	v6 =	vadd.f32 v11, v6  }
0x272: {  	v17 =	vld [tilespmem:s4+$0x14020];
	[tilespmem:s15+$0x191A0] =	vst v8;
	v7 =	vmax.f32 v7, $0.0e+00;
	v5 =	vadd.f32 v10, v5  }
0x273: {  	v18 =	vld [tilespmem:s4+$0x14030];
	[tilespmem:s15+$0x191B0] =	vst v7;
	v6 =	vmax.f32 v6, $0.0e+00;
	v4 =	vadd.f32 v9, v4  }
0x274: {  	v19 =	vld [tilespmem:s4+$0x14040];
	[tilespmem:s15+$0x191C0] =	vst v6;
	v5 =	vmax.f32 v5, $0.0e+00;
	v3 =	vadd.f32 v13, v3  }
0x275: {  	v20 =	vld [tilespmem:s4+$0x14050];
	[tilespmem:s15+$0x191D0] =	vst v5;
	v4 =	vmax.f32 v4, $0.0e+00  }
0x276: {  	v21 =	vld [tilespmem:s4+$0x14060];
	[tilespmem:s15+$0x191E0] =	vst v4;
	v3 =	vmax.f32 v3, $0.0e+00  }
0x277: {  	v22 =	vld [tilespmem:s4+$0x14070];
	[tilespmem:s15+$0x191F0] =	vst v3;
	s15 =	smov.u32 s4  }
0x278: {  	v23 =	vld [tilespmem:s15+$0x14080]  }
0x279: {  	v24 =	vld [tilespmem:s15+$0x14090]  }
0x27a: {  	v25 =	vld [tilespmem:s15+$0x140A0]  }
0x27b: {  	v26 =	vld [tilespmem:s15+$0x140B0]  }
0x27c: {  	v27 =	vld [tilespmem:s15+$0x140C0]  }
0x27d: {  	v28 =	vld [tilespmem:s15+$0x140D0]  }
0x27e: {  	v29 =	vld [tilespmem:s15+$0x140E0]  }
0x27f: {  	v30 =	vld [tilespmem:s15+$0x140F0]  }
0x280: {  	v31 =	vld [tilespmem:s15+$0x14100]  }
0x281: {  	v32 =	vld [tilespmem:s15+$0x14110]  }
0x282: {  	v33 =	vld [tilespmem:s15+$0x14120]  }
0x283: {  	v34 =	vld [tilespmem:s15+$0x14130]  }
0x284: {  	v14 =	vld [tilespmem:s15+$0x14140]  }
0x285: {  	v13 =	vld [tilespmem:s15+$0x14150]  }
0x286: {  	v12 =	vld [tilespmem:s15+$0x14160]  }
0x287: {  	v11 =	vld [tilespmem:s15+$0x14170]  }
0x288: {  	v10 =	vld [tilespmem:s15+$0x14180]  }
0x289: {  	v9 =	vld [tilespmem:s15+$0x14190]  }
0x28a: {  	v8 =	vld [tilespmem:s15+$0x141A0]  }
0x28b: {  	v7 =	vld [tilespmem:s15+$0x141B0]  }
0x28c: {  	v6 =	vld [tilespmem:s15+$0x141C0]  }
0x28d: {  	v5 =	vld [tilespmem:s15+$0x141D0]  }
0x28e: {  	v4 =	vld [tilespmem:s15+$0x141E0]  }
0x28f: {  	v3 =	vld [tilespmem:s15+$0x141F0]  }
0x290: {  	v35 =	vld [tilespmem:s15+$0x19000]  }
0x291: {  	v36 =	vld [tilespmem:s15+$0x19010]  }
0x292: {  	v37 =	vld [tilespmem:s15+$0x19020]  }
0x293: {  	v38 =	vld [tilespmem:s15+$0x19030]  }
0x294: {  	v39 =	vld [tilespmem:s15+$0x19040]  }
0x295: {  	v16 =	vadd.f32 v35, v16;
	v35 =	vld [tilespmem:s15+$0x19050]  }
0x296: {  	v15 =	vadd.f32 v36, v15;
	v36 =	vld [tilespmem:s15+$0x19060]  }
0x297: {  	v16 =	vmax.f32 v16, $0.0e+00;
	v17 =	vadd.f32 v37, v17;
	v37 =	vld [tilespmem:s15+$0x19070]  }
0x298: {  	[tilespmem:s15+$0x19000] =	vst v16;
	v15 =	vmax.f32 v15, $0.0e+00;
	v16 =	vadd.f32 v38, v18;
	v18 =	vld [tilespmem:s15+$0x19080]  }
0x299: {  	[tilespmem:s15+$0x19010] =	vst v15;
	v15 =	vmax.f32 v17, $0.0e+00;
	v17 =	vadd.f32 v39, v19;
	v19 =	vld [tilespmem:s15+$0x19090]  }
0x29a: {  	[tilespmem:s15+$0x19020] =	vst v15;
	v15 =	vmax.f32 v16, $0.0e+00;
	v16 =	vadd.f32 v35, v20;
	v20 =	vld [tilespmem:s15+$0x190A0]  }
0x29b: {  	[tilespmem:s15+$0x19030] =	vst v15;
	v15 =	vmax.f32 v17, $0.0e+00;
	v17 =	vadd.f32 v36, v21;
	v21 =	vld [tilespmem:s15+$0x190B0]  }
0x29c: {  	[tilespmem:s15+$0x19040] =	vst v15;
	v15 =	vmax.f32 v16, $0.0e+00;
	v16 =	vadd.f32 v37, v22;
	v22 =	vld [tilespmem:s15+$0x190C0]  }
0x29d: {  	[tilespmem:s15+$0x19050] =	vst v15;
	v15 =	vmax.f32 v17, $0.0e+00;
	v17 =	vadd.f32 v18, v23;
	v18 =	vld [tilespmem:s15+$0x190D0]  }
0x29e: {  	[tilespmem:s15+$0x19060] =	vst v15;
	v15 =	vmax.f32 v16, $0.0e+00;
	v16 =	vadd.f32 v19, v24;
	v19 =	vld [tilespmem:s15+$0x190E0]  }
0x29f: {  	[tilespmem:s15+$0x19070] =	vst v15;
	v15 =	vmax.f32 v17, $0.0e+00;
	v17 =	vadd.f32 v20, v25;
	v20 =	vld [tilespmem:s15+$0x190F0]  }
0x2a0: {  	[tilespmem:s15+$0x19080] =	vst v15;
	v15 =	vmax.f32 v16, $0.0e+00;
	v16 =	vadd.f32 v21, v26;
	v21 =	vld [tilespmem:s15+$0x19100]  }
0x2a1: {  	[tilespmem:s15+$0x19090] =	vst v15;
	v15 =	vmax.f32 v17, $0.0e+00;
	v17 =	vadd.f32 v22, v27;
	v22 =	vld [tilespmem:s15+$0x19110]  }
0x2a2: {  	[tilespmem:s15+$0x190A0] =	vst v15;
	v15 =	vmax.f32 v16, $0.0e+00;
	v16 =	vadd.f32 v18, v28;
	v18 =	vld [tilespmem:s15+$0x19120]  }
0x2a3: {  	[tilespmem:s15+$0x190B0] =	vst v15;
	v15 =	vmax.f32 v17, $0.0e+00;
	v17 =	vadd.f32 v19, v29;
	v19 =	vld [tilespmem:s15+$0x19130]  }
0x2a4: {  	[tilespmem:s15+$0x190C0] =	vst v15;
	v15 =	vmax.f32 v16, $0.0e+00;
	v16 =	vadd.f32 v20, v30;
	v20 =	vld [tilespmem:s15+$0x19140]  }
0x2a5: {  	[tilespmem:s15+$0x190D0] =	vst v15;
	v15 =	vmax.f32 v17, $0.0e+00;
	v17 =	vadd.f32 v21, v31;
	v21 =	vld [tilespmem:s15+$0x19150]  }
0x2a6: {  	[tilespmem:s15+$0x190E0] =	vst v15;
	v15 =	vmax.f32 v16, $0.0e+00;
	v16 =	vadd.f32 v22, v32;
	v22 =	vld [tilespmem:s15+$0x19160]  }
0x2a7: {  	[tilespmem:s15+$0x190F0] =	vst v15;
	v15 =	vmax.f32 v17, $0.0e+00;
	v17 =	vadd.f32 v18, v33;
	v18 =	vld [tilespmem:s15+$0x19170]  }
0x2a8: {  	[tilespmem:s15+$0x19100] =	vst v15;
	v15 =	vmax.f32 v16, $0.0e+00;
	v16 =	vadd.f32 v19, v34;
	v19 =	vld [tilespmem:s15+$0x19180]  }
0x2a9: {  	[tilespmem:s15+$0x19110] =	vst v15;
	v15 =	vmax.f32 v17, $0.0e+00;
	v14 =	vadd.f32 v20, v14;
	v17 =	vld [tilespmem:s15+$0x19190]  }
.Ltmp4:
0x2aa: {  	[tilespmem:s15+$0x19120] =	vst v15;
	v15 =	vmax.f32 v16, $0.0e+00;
	v16 =	vadd.f32 v21, v13;
	v13 =	vld [tilespmem:s15+$0x191A0];
	(pc) =	sbr.rel @p0 .LBB2_11-.Ltmp4, $4  }
0x2ab: {  	[tilespmem:s15+$0x19130] =	vst v15;
	v14 =	vmax.f32 v14, $0.0e+00;
	v15 =	vadd.f32 v22, v12;
	v12 =	vld [tilespmem:s15+$0x191B0]  }
0x2ac: {  	[tilespmem:s15+$0x19140] =	vst v14;
	v14 =	vmax.f32 v16, $0.0e+00;
	v16 =	vadd.f32 v18, v11;
	v11 =	vld [tilespmem:s15+$0x191C0]  }
0x2ad: {  	[tilespmem:s15+$0x19150] =	vst v14;
	v14 =	vmax.f32 v15, $0.0e+00;
	v15 =	vadd.f32 v19, v10;
	v10 =	vld [tilespmem:s15+$0x191D0]  }
0x2ae: {  	s10 =	sadd.s32 $0x800, s10;
	[tilespmem:s15+$0x19160] =	vst v14;
	v16 =	vmax.f32 v16, $0.0e+00;
	v14 =	vadd.f32 v17, v9;
	v9 =	vld [tilespmem:s15+$0x191E0]  }
0x2af: {  	[tilespmem:s15+$0x19170] =	vst v16;
	v15 =	vmax.f32 v15, $0.0e+00;
	v8 =	vadd.f32 v13, v8;
	v63 =	vld [tilespmem:s15+$0x191F0]  }
0x2b0: {  	[tilespmem:s15+$0x19180] =	vst v15;
	v14 =	vmax.f32 v14, $0.0e+00;
	v7 =	vadd.f32 v12, v7  }
0x2b1: {  	[tilespmem:s15+$0x19190] =	vst v14;
	v8 =	vmax.f32 v8, $0.0e+00;
	v6 =	vadd.f32 v11, v6  }
0x2b2: {  	[tilespmem:s15+$0x191A0] =	vst v8;
	v7 =	vmax.f32 v7, $0.0e+00;
	v5 =	vadd.f32 v10, v5  }
0x2b3: {  	[tilespmem:s15+$0x191B0] =	vst v7;
	v6 =	vmax.f32 v6, $0.0e+00;
	v4 =	vadd.f32 v9, v4  }
0x2b4: {  	[tilespmem:s15+$0x191C0] =	vst v6;
	v5 =	vmax.f32 v5, $0.0e+00;
	v3 =	vadd.f32 v63, v3  }
0x2b5: {  	s14 =	sadd.s32 $0x1, s14;
	[tilespmem:s15+$0x191D0] =	vst v5;
	v4 =	vmax.f32 v4, $0.0e+00  }
0x2b6: {  	p0 =	sne.s32 s14, $0x5;
	[tilespmem:s15+$0x191E0] =	vst v4;
	v3 =	vmax.f32 v3, $0.0e+00  }
.Ltmp5:
0x2b7: {  	[tilespmem:s15+$0x191F0] =	vst v3;
	(pc) =	sbr.rel @p0 .LBB2_4-.Ltmp5, $4  }
0x2b8: {  	[spmem:s2] =	stream.indirect.scatter.add.f32 [tilespmem:s19], [sflag:$0x5], $0x80, s3, s22, $0xb8;
	[tilespmem:$0x1F300] =	vst v63  }
0x2b9: {  	_ =	swait.ge [sflag:s20], $0x2800  }
0x2ba: {  	[sflag:s20] =	ssyncset.done $0x0  }
0x2bb: {  	[sflag:s20] =	ssyncadd.s32 $0xFFFFD800  }
0x2bc: {  	s4 =	stileid.u32;
	[bflag:$0x0] =	sbarrier.arrive $0xFFFF  }
0x2bd: {  	s4 =	sshll.u32 s4, $0x6;
	s14 =	rddreg [dreg:$0x6]  }
0x2be: {  	s13 =	rddreg [dreg:$0x5];
	s4 =	sor.u32 $0x1C05, s4;
	s10 =	sshrl.u32 s14, $0x3  }
0x2bf: {  	[hbm:s13], [sflag:s4] =	dma.local [spmem:s10], $0x2800  }
0x2c0: {  	_ =	swait.ge [sflag:s20], $0x2800  }
0x2c1: {  	s17 =	rddreg [dreg:$0x4]  }
0x2c2: {  	s18 =	rddreg [dreg:$0x7];
	s13 =	sadd.s32 $0x1, s17  }
0x2c3: {  	p0 =	sne.s32 s13, s18  }
.Ltmp6:
0x2c4: {  	_ = 	snop;
	(pc) =	sbr.rel @p0 .LBB2_1-.Ltmp6, $3  }
0x2c5: {  	_ =	sdelay $0x1  }
0x2c6: {  	[sflag:s20] =	ssyncset.done $0x0  }
0x2c7: {  	[sflag:s20] =	ssyncadd.s32 $0xFFFFD800  }
0x2c8: {  	_ =	sfence.sel $0x180000  }
0x2c9: {  	[bflag:$0x0] =	sbarrier.arrive $0xFFFF  }
0x2ca: {  	_ =	strace $0x90000047  }
0x2cb: {  	s0 =	stileid.u32;
	[bflag:$0x2] =	sbarrier.arrive $0xFFFF  }
0x2cc: {  	p0 =	sne.s32 s0, $0x0;
	s0 =	rddreg [dreg:$0x3]  }
0x2cd: {  	s0 =	sadd.s32 @!p0 $0x100000, s0  }
0x2ce: {  	[sflag:s0] =	ssyncadd.tile.s32 @!p0 $0x1;
	_ =	shalt  }
.Lfunc_end2:
_tile_overlayer_lowered:
.L_overlay_start_2:
0x2cf: {  	(tag) =	ssettag $0x2  }
0x2d0: {  	s0 =	rddreg [dreg:$0x0];
	s2 =	stileid.u32  }
0x2d1: {  	s1 =	rddreg [dreg:$0x1];
	p0 =	sne.s32 s2, $0x0  }
0x2d2: {  	s3 =	rddreg [dreg:$0x2];
	[bflag:$0x3] =	sbarrier.arrive $0xFFFF;
	s2 =	simm.s32 @!p0 $0x1C05  }
0x2d3: {  	[timem:s3], [sflag:s2] =	dma.local @!p0 [hbm:s0], s1  }
0x2d4: {  	s0 =	simm.s32 @!p0 $0x5  }
0x2d5: {  	_ =	swait.ge @!p0 [sflag:s0], s1  }
0x2d6: {  	s1 =	ssub.s32 @!p0 $0x0, s1;
	[sflag:s0] =	ssyncset.done @!p0 $0x0  }
0x2d7: {  	[sflag:s0] =	ssyncadd.s32 @!p0 s1  }
0x2d8: {  	[bflag:$0x3] =	sbarrier.arrive $0xFFFF  }
0x2d9: {  	_ =	shalt  }

</sc_bundles>
